<compile_context>
chip_gen: v7x
topology: tpu7x:2x2x1
jax: 0.10.2.dev20260603
libtpu: 0.0.44.dev20260713+nightly
codegen_flags: <defaults>
</compile_context>

<pallas_src>
import functools

import jax
import jax.numpy as jnp
from jax import lax
from jax.experimental import pallas as pl
from jax.experimental.pallas import tpu as pltpu
from jax.experimental.pallas import tpu_sc as plsc

NC = 2
NS = 16
NW = NC * NS
LANES = 16
KCH = 4096
NBUF = 3
UNROLL = 16


@jax.jit
def _run(sess_i, subj_i, task_i, sess_t, subj_t, task_t, sess_b, subj_b, task_b):
    B = sess_i.shape[0]
    V, D = sess_t.shape[1], sess_t.shape[0]
    n_chunks = B // KCH
    mesh = plsc.VectorSubcoreMesh(core_axis_name="c", subcore_axis_name="s")

    @functools.partial(
        pl.kernel,
        mesh=mesh,
        out_type=jax.ShapeDtypeStruct((3 * D, B), jnp.float32),
        scratch_types=[
            pltpu.VMEM((V,), jnp.float32),
            pltpu.VMEM((B,), jnp.int32),
            pltpu.VMEM((3 * D,), jnp.float32),
            pltpu.VMEM((NBUF * KCH,), jnp.float32),
            pltpu.SemaphoreType.DMA,
            pltpu.SemaphoreType.DMA,
            pltpu.SemaphoreType.DMA,
            pltpu.SemaphoreType.DMA,
            pltpu.SemaphoreType.DMA,
        ],
        compiler_params=pltpu.CompilerParams(
            use_tc_tiling_on_sc=True, needs_layout_passes=False,
            disable_bounds_checks=True, disable_semaphore_checks=True),
    )
    def k(i0_hbm, i1_hbm, i2_hbm, t0_hbm, t1_hbm, t2_hbm,
          b0_hbm, b1_hbm, b2_hbm, out_hbm,
          row_v, idx_v, ball_v, och_v,
          rsem, isem, osem0, osem1, osem2):
        wid = lax.axis_index("s") * NC + lax.axis_index("c")
        tabs = (t0_hbm, t1_hbm, t2_hbm)
        idxs = (i0_hbm, i1_hbm, i2_hbm)
        osems = (osem0, osem1, osem2)
        rows = [(t, 2 * wid + jj) for t in range(3) for jj in range(2)]

        bh = [pltpu.async_copy(b0_hbm, ball_v.at[pl.ds(0, D)], isem),
              pltpu.async_copy(b1_hbm, ball_v.at[pl.ds(D, D)], isem),
              pltpu.async_copy(b2_hbm, ball_v.at[pl.ds(2 * D, D)], isem),
              pltpu.async_copy(idxs[0], idx_v, isem)]
        rh = pltpu.async_copy(tabs[0].at[rows[0][1]], row_v, rsem)

        oh = {}
        ih = None
        for r, (t, d) in enumerate(rows):
            if r == 0:
                for h in bh:
                    h.wait()
            rh.wait()
            if ih is not None and rows[r - 1][0] != t:
                ih.wait()
            bvec = plsc.load_gather(
                ball_v, [jnp.full((LANES,), t * D, jnp.int32) + d])
            orow = t * D + d

            for c in range(n_chunks):
                s = c % NBUF
                if oh.get(s) is not None:
                    oh.pop(s).wait()

                @plsc.parallel_loop(0, KCH // LANES, unroll=UNROLL)
                def _(g):
                    iv = idx_v[pl.ds(c * KCH + g * LANES, LANES)]
                    vals = plsc.load_gather(row_v, [iv])
                    och_v[pl.ds(s * KCH + g * LANES, LANES)] = vals + bvec

                oh[s] = pltpu.async_copy(
                    och_v.at[pl.ds(s * KCH, KCH)],
                    out_hbm.at[orow, pl.ds(c * KCH, KCH)], osems[s])
            if r + 1 < len(rows):
                rh = pltpu.async_copy(
                    tabs[rows[r + 1][0]].at[rows[r + 1][1]], row_v, rsem)
                if rows[r + 1][0] != t:
                    ih = pltpu.async_copy(idxs[rows[r + 1][0]], idx_v, isem)
        for s in list(oh):
            oh.pop(s).wait()

    oT = k(sess_i, subj_i, task_i, sess_t, subj_t, task_t,
           sess_b, subj_b, task_b)
    return oT.reshape(3, D, B).transpose(2, 0, 1)


def kernel(session_idx, subject_idx, task_idx, session_table, session_bias,
           subject_table, subject_bias, task_table, task_bias):
    return _run(session_idx.astype(jnp.int32), subject_idx.astype(jnp.int32),
                task_idx.astype(jnp.int32), session_table.T, subject_table.T,
                task_table.T, session_bias, subject_bias, task_bias)

# --- scband reference (transcript-rebuilt; emitter-appended) ---
"""Pipeline reference for scband-context-embedder-19963007992318 (READ-ONLY COPY).

The authoritative reference and input builder live on the scoring server;
editing this copy changes nothing except your own understanding.
"""

import jax, jax.numpy as jnp
import numpy as np

VOCAB = 100000
DIM = 64
BATCH = 16384

def setup_inputs(seed: int = 0) -> dict:
    key = jax.random.key(seed)
    ks = jax.random.split(key, 9)
    session_idx = jax.random.randint(ks[0], (BATCH,), 0, VOCAB, dtype=jnp.int32).astype(jnp.int64)
    subject_idx = jax.random.randint(ks[1], (BATCH,), 0, VOCAB, dtype=jnp.int32).astype(jnp.int64)
    task_idx = jax.random.randint(ks[2], (BATCH,), 0, VOCAB, dtype=jnp.int32).astype(jnp.int64)
    session_table = jax.random.normal(ks[3], (VOCAB, DIM), dtype=jnp.float32)
    subject_table = jax.random.normal(ks[4], (VOCAB, DIM), dtype=jnp.float32)
    task_table = jax.random.normal(ks[5], (VOCAB, DIM), dtype=jnp.float32)
    inv_sqrt_d = 1.0 / np.sqrt(DIM)
    session_bias = jax.random.normal(ks[6], (DIM,), dtype=jnp.float32) * inv_sqrt_d
    subject_bias = jax.random.normal(ks[7], (DIM,), dtype=jnp.float32) * inv_sqrt_d
    task_bias = jax.random.normal(ks[8], (DIM,), dtype=jnp.float32) * inv_sqrt_d
    return {
        "session_idx": session_idx,
        "subject_idx": subject_idx,
        "task_idx": task_idx,
        "session_table": session_table,
        "session_bias": session_bias,
        "subject_table": subject_table,
        "subject_bias": subject_bias,
        "task_table": task_table,
        "task_bias": task_bias,
    }

def reference(session_idx, subject_idx, task_idx,
              session_table, session_bias,
              subject_table, subject_bias,
              task_table, task_bias):
    # InfiniteVocabEmbedding at inference == plain embedding lookup (gather)
    sess = jnp.take(session_table, session_idx, axis=0) + session_bias
    subj = jnp.take(subject_table, subject_idx, axis=0) + subject_bias
    task = jnp.take(task_table, task_idx, axis=0) + task_bias
    ctx_emb = jnp.stack([sess, subj, task], axis=1)  # [B, 3, dim]
    return ctx_emb

if __name__ == "__main__":
    import jax
    _d = setup_inputs()
    print(jax.jit(kernel)(*tuple(_d.values())))

</pallas_src>

<mosaic_0001>
#map = affine_map<(d0, d1) -> (0)>
#map1 = affine_map<(d0, d1) -> (0, 0)>
module attributes {stable_mosaic.version = 14 : i64} {
  func.func @k(%arg0: i32, %arg1: i32, %arg2: memref<16384xi32, #tpu.memory_space<hbm>>, %arg3: memref<16384xi32, #tpu.memory_space<hbm>>, %arg4: memref<16384xi32, #tpu.memory_space<hbm>>, %arg5: memref<64x100000xf32, #tpu.memory_space<hbm>>, %arg6: memref<64x100000xf32, #tpu.memory_space<hbm>>, %arg7: memref<64x100000xf32, #tpu.memory_space<hbm>>, %arg8: memref<64xf32, #tpu.memory_space<hbm>>, %arg9: memref<64xf32, #tpu.memory_space<hbm>>, %arg10: memref<64xf32, #tpu.memory_space<hbm>>, %arg11: memref<192x16384xf32, #tpu.memory_space<hbm>>, %arg12: memref<100000xf32, #tpu.memory_space<vmem>>, %arg13: memref<16384xi32, #tpu.memory_space<vmem>>, %arg14: memref<192xf32, #tpu.memory_space<vmem>>, %arg15: memref<12288xf32, #tpu.memory_space<vmem>>, %arg16: memref<!tpu.dma_semaphore, #tpu.memory_space<semaphore_mem>>, %arg17: memref<!tpu.dma_semaphore, #tpu.memory_space<semaphore_mem>>, %arg18: memref<!tpu.dma_semaphore, #tpu.memory_space<semaphore_mem>>, %arg19: memref<!tpu.dma_semaphore, #tpu.memory_space<semaphore_mem>>, %arg20: memref<!tpu.dma_semaphore, #tpu.memory_space<semaphore_mem>>) attributes {dimension_semantics = [#tpu.dimension_semantics<core_parallel>, #tpu.dimension_semantics<subcore_parallel>], iteration_bounds = array<i64: 2, 16>, scalar_prefetch = 0 : i64, scratch_operands = 9 : i64, tpu.core_type = #tpu.core_type<sc_vector_subcore>, window_params = [{transform_indices = #map}, {transform_indices = #map}, {transform_indices = #map}, {transform_indices = #map1}, {transform_indices = #map1}, {transform_indices = #map1}, {transform_indices = #map}, {transform_indices = #map}, {transform_indices = #map}, {transform_indices = #map1}]} {
    %mul3A = arith.constant 2 : i32
    %mul3A_0 = arith.muli %arg1, %mul3A : i32
    %add3A = arith.addi %mul3A_0, %arg0 : i32
    %mul3A_1 = arith.constant 2 : i32
    %mul3A_2 = arith.muli %mul3A_1, %add3A : i32
    %add3A_3 = arith.constant 0 : i32
    %add3A_4 = arith.addi %mul3A_2, %add3A_3 : i32
    %mul3A_5 = arith.constant 2 : i32
    %mul3A_6 = arith.muli %mul3A_5, %add3A : i32
    %add3A_7 = arith.constant 1 : i32
    %add3A_8 = arith.addi %mul3A_6, %add3A_7 : i32
    %mul3A_9 = arith.constant 2 : i32
    %mul3A_10 = arith.muli %mul3A_9, %add3A : i32
    %add3A_11 = arith.constant 0 : i32
    %add3A_12 = arith.addi %mul3A_10, %add3A_11 : i32
    %mul3A_13 = arith.constant 2 : i32
    %mul3A_14 = arith.muli %mul3A_13, %add3A : i32
    %add3A_15 = arith.constant 1 : i32
    %add3A_16 = arith.addi %mul3A_14, %add3A_15 : i32
    %mul3A_17 = arith.constant 2 : i32
    %mul3A_18 = arith.muli %mul3A_17, %add3A : i32
    %add3A_19 = arith.constant 0 : i32
    %add3A_20 = arith.addi %mul3A_18, %add3A_19 : i32
    %mul3A_21 = arith.constant 2 : i32
    %mul3A_22 = arith.muli %mul3A_21, %add3A : i32
    %add3A_23 = arith.constant 1 : i32
    %add3A_24 = arith.addi %mul3A_22, %add3A_23 : i32
    %dma_start3A = arith.constant 0 : i32
    %dma_start3A_25 = tpu.memref_slice %arg14[%dma_start3A] : memref<192xf32, #tpu.memory_space<vmem>> -> memref<64xf32, #tpu.memory_space<vmem>>
    %dma_start3A_26 = arith.constant 0 : i32
    %dma_start3A_27 = tpu.memref_slice %arg14[%dma_start3A_26] : memref<192xf32, #tpu.memory_space<vmem>> -> memref<64xf32, #tpu.memory_space<vmem>>
    tpu.enqueue_dma source(%arg8 : memref<64xf32, #tpu.memory_space<hbm>>) target(%dma_start3A_27 : memref<64xf32, #tpu.memory_space<vmem>>) target_semaphore(%arg17 : memref<!tpu.dma_semaphore, #tpu.memory_space<semaphore_mem>>)
    %dma_start3A_28 = arith.constant 64 : i32
    %dma_start3A_29 = tpu.memref_slice %arg14[%dma_start3A_28] : memref<192xf32, #tpu.memory_space<vmem>> -> memref<64xf32, #tpu.memory_space<vmem>>
    %dma_start3A_30 = arith.constant 64 : i32
    %dma_start3A_31 = tpu.memref_slice %arg14[%dma_start3A_30] : memref<192xf32, #tpu.memory_space<vmem>> -> memref<64xf32, #tpu.memory_space<vmem>>
    tpu.enqueue_dma source(%arg9 : memref<64xf32, #tpu.memory_space<hbm>>) target(%dma_start3A_31 : memref<64xf32, #tpu.memory_space<vmem>>) target_semaphore(%arg17 : memref<!tpu.dma_semaphore, #tpu.memory_space<semaphore_mem>>)
    %dma_start3A_32 = arith.constant 128 : i32
    %dma_start3A_33 = tpu.memref_slice %arg14[%dma_start3A_32] : memref<192xf32, #tpu.memory_space<vmem>> -> memref<64xf32, #tpu.memory_space<vmem>>
    %dma_start3A_34 = arith.constant 128 : i32
    %dma_start3A_35 = tpu.memref_slice %arg14[%dma_start3A_34] : memref<192xf32, #tpu.memory_space<vmem>> -> memref<64xf32, #tpu.memory_space<vmem>>
    tpu.enqueue_dma source(%arg10 : memref<64xf32, #tpu.memory_space<hbm>>) target(%dma_start3A_35 : memref<64xf32, #tpu.memory_space<vmem>>) target_semaphore(%arg17 : memref<!tpu.dma_semaphore, #tpu.memory_space<semaphore_mem>>)
    tpu.enqueue_dma source(%arg2 : memref<16384xi32, #tpu.memory_space<hbm>>) target(%arg13 : memref<16384xi32, #tpu.memory_space<vmem>>) target_semaphore(%arg17 : memref<!tpu.dma_semaphore, #tpu.memory_space<semaphore_mem>>)
    %dma_start3A_36 = arith.constant 0 : i32
    %dma_start3A_37 = tpu.memref_slice %arg5[%add3A_4, %dma_start3A_36] : memref<64x100000xf32, #tpu.memory_space<hbm>> -> memref<1x100000xf32, #tpu.memory_space<hbm>>
    %dma_start3A_38 = tpu.memref_squeeze %dma_start3A_37 : memref<1x100000xf32, #tpu.memory_space<hbm>> -> memref<100000xf32, #tpu.memory_space<hbm>>
    %dma_start3A_39 = arith.constant 0 : i32
    %dma_start3A_40 = tpu.memref_slice %arg5[%add3A_4, %dma_start3A_39] : memref<64x100000xf32, #tpu.memory_space<hbm>> -> memref<1x100000xf32, #tpu.memory_space<hbm>>
    %dma_start3A_41 = tpu.memref_squeeze %dma_start3A_40 : memref<1x100000xf32, #tpu.memory_space<hbm>> -> memref<100000xf32, #tpu.memory_space<hbm>>
    tpu.enqueue_dma source(%dma_start3A_41 : memref<100000xf32, #tpu.memory_space<hbm>>) target(%arg12 : memref<100000xf32, #tpu.memory_space<vmem>>) target_semaphore(%arg16 : memref<!tpu.dma_semaphore, #tpu.memory_space<semaphore_mem>>)
    %dma_wait3A = arith.constant 0 : i32
    %dma_wait3A_42 = tpu.memref_slice %arg14[%dma_wait3A] : memref<192xf32, #tpu.memory_space<vmem>> -> memref<64xf32, #tpu.memory_space<vmem>>
    %dma_wait3A_43 = arith.constant 0 : i32
    %dma_wait3A_44 = tpu.memref_slice %arg14[%dma_wait3A_43] : memref<192xf32, #tpu.memory_space<vmem>> -> memref<64xf32, #tpu.memory_space<vmem>>
    tpu.wait_dma2 semaphore(%arg17 : memref<!tpu.dma_semaphore, #tpu.memory_space<semaphore_mem>>) src(%arg8 : memref<64xf32, #tpu.memory_space<hbm>>) dst(%dma_wait3A_44 : memref<64xf32, #tpu.memory_space<vmem>>)
    %dma_wait3A_45 = arith.constant 64 : i32
    %dma_wait3A_46 = tpu.memref_slice %arg14[%dma_wait3A_45] : memref<192xf32, #tpu.memory_space<vmem>> -> memref<64xf32, #tpu.memory_space<vmem>>
    %dma_wait3A_47 = arith.constant 64 : i32
    %dma_wait3A_48 = tpu.memref_slice %arg14[%dma_wait3A_47] : memref<192xf32, #tpu.memory_space<vmem>> -> memref<64xf32, #tpu.memory_space<vmem>>
    tpu.wait_dma2 semaphore(%arg17 : memref<!tpu.dma_semaphore, #tpu.memory_space<semaphore_mem>>) src(%arg9 : memref<64xf32, #tpu.memory_space<hbm>>) dst(%dma_wait3A_48 : memref<64xf32, #tpu.memory_space<vmem>>)
    %dma_wait3A_49 = arith.constant 128 : i32
    %dma_wait3A_50 = tpu.memref_slice %arg14[%dma_wait3A_49] : memref<192xf32, #tpu.memory_space<vmem>> -> memref<64xf32, #tpu.memory_space<vmem>>
    %dma_wait3A_51 = arith.constant 128 : i32
    %dma_wait3A_52 = tpu.memref_slice %arg14[%dma_wait3A_51] : memref<192xf32, #tpu.memory_space<vmem>> -> memref<64xf32, #tpu.memory_space<vmem>>
    tpu.wait_dma2 semaphore(%arg17 : memref<!tpu.dma_semaphore, #tpu.memory_space<semaphore_mem>>) src(%arg10 : memref<64xf32, #tpu.memory_space<hbm>>) dst(%dma_wait3A_52 : memref<64xf32, #tpu.memory_space<vmem>>)
    tpu.wait_dma2 semaphore(%arg17 : memref<!tpu.dma_semaphore, #tpu.memory_space<semaphore_mem>>) src(%arg2 : memref<16384xi32, #tpu.memory_space<hbm>>) dst(%arg13 : memref<16384xi32, #tpu.memory_space<vmem>>)
    %dma_wait3A_53 = arith.constant 0 : i32
    %dma_wait3A_54 = tpu.memref_slice %arg5[%add3A_4, %dma_wait3A_53] : memref<64x100000xf32, #tpu.memory_space<hbm>> -> memref<1x100000xf32, #tpu.memory_space<hbm>>
    %dma_wait3A_55 = tpu.memref_squeeze %dma_wait3A_54 : memref<1x100000xf32, #tpu.memory_space<hbm>> -> memref<100000xf32, #tpu.memory_space<hbm>>
    %dma_wait3A_56 = arith.constant 0 : i32
    %dma_wait3A_57 = tpu.memref_slice %arg5[%add3A_4, %dma_wait3A_56] : memref<64x100000xf32, #tpu.memory_space<hbm>> -> memref<1x100000xf32, #tpu.memory_space<hbm>>
    %dma_wait3A_58 = tpu.memref_squeeze %dma_wait3A_57 : memref<1x100000xf32, #tpu.memory_space<hbm>> -> memref<100000xf32, #tpu.memory_space<hbm>>
    tpu.wait_dma2 semaphore(%arg16 : memref<!tpu.dma_semaphore, #tpu.memory_space<semaphore_mem>>) src(%dma_wait3A_58 : memref<100000xf32, #tpu.memory_space<hbm>>) dst(%arg12 : memref<100000xf32, #tpu.memory_space<vmem>>)
    %broadcast_in_dim3A = arith.constant 0 : i32
    %broadcast_in_dim3A_59 = vector.broadcast %broadcast_in_dim3A : i32 to vector<16xi32>
    %add3A_60 = vector.broadcast %add3A_4 : i32 to vector<16xi32>
    %add3A_61 = arith.addi %broadcast_in_dim3A_59, %add3A_60 : vector<16xi32>
    %gather3A = tpu.vector_load_idx %arg14[%add3A_61] : memref<192xf32, #tpu.memory_space<vmem>>[vector<16xi32>], vector<16xf32>,
    %add3A_62 = arith.constant 0 : i32
    %add3A_63 = arith.addi %add3A_62, %add3A_4 : i32
    %parallel_loop3A = arith.constant 0 : i32
    %parallel_loop3A_64 = arith.constant 256 : i32
    %parallel_loop3A_65 = arith.constant 1 : i32
    scf.for %parallel_loop3A_710 = %parallel_loop3A to %parallel_loop3A_64 step %parallel_loop3A_65  : i32 {
      %parallel_loop3A_711 = arith.constant 16 : i32
      %parallel_loop3A_712 = arith.muli %parallel_loop3A_710, %parallel_loop3A_711 : i32
      %parallel_loop3A_713 = arith.constant 0 : i32
      %parallel_loop3A_714 = arith.addi %parallel_loop3A_713, %parallel_loop3A_712 : i32
      %parallel_loop3A_715 = arith.index_cast %parallel_loop3A_714 : i32 to index
      %parallel_loop3A_716 = tpu.vector_load %arg13[%parallel_loop3A_715] {strides = array<i32>} : memref<16384xi32, #tpu.memory_space<vmem>>, vector<16xi32>,
      %parallel_loop3A_717 = tpu.vector_load_idx %arg12[%parallel_loop3A_716] : memref<100000xf32, #tpu.memory_space<vmem>>[vector<16xi32>], vector<16xf32>,
      %parallel_loop3A_718 = arith.addf %parallel_loop3A_717, %gather3A : vector<16xf32>
      %parallel_loop3A_719 = arith.constant 16 : i32
      %parallel_loop3A_720 = arith.muli %parallel_loop3A_710, %parallel_loop3A_719 : i32
      %parallel_loop3A_721 = arith.constant 0 : i32
      %parallel_loop3A_722 = arith.addi %parallel_loop3A_721, %parallel_loop3A_720 : i32
      %parallel_loop3A_723 = arith.index_cast %parallel_loop3A_722 : i32 to index
      %parallel_loop3A_724 = tpu.vector_load %arg15[%parallel_loop3A_723] {strides = array<i32>} : memref<12288xf32, #tpu.memory_space<vmem>>, vector<16xf32>,
      tpu.vector_store %arg15[%parallel_loop3A_723], %parallel_loop3A_718 {strides = array<i32>} : memref<12288xf32, #tpu.memory_space<vmem>>, vector<16xf32>,
    } {sc.loop_unroll_factor = 16 : i64, sc.parallel_access}
    %dma_start3A_66 = arith.constant 0 : i32
    %dma_start3A_67 = tpu.memref_slice %arg15[%dma_start3A_66] : memref<12288xf32, #tpu.memory_space<vmem>> -> memref<4096xf32, #tpu.memory_space<vmem>>
    %dma_start3A_68 = arith.constant 0 : i32
    %dma_start3A_69 = tpu.memref_slice %arg11[%add3A_63, %dma_start3A_68] : memref<192x16384xf32, #tpu.memory_space<hbm>> -> memref<1x4096xf32, #tpu.memory_space<hbm>>
    %dma_start3A_70 = tpu.memref_squeeze %dma_start3A_69 : memref<1x4096xf32, #tpu.memory_space<hbm>> -> memref<4096xf32, #tpu.memory_space<hbm>>
    %dma_start3A_71 = arith.constant 0 : i32
    %dma_start3A_72 = tpu.memref_slice %arg11[%add3A_63, %dma_start3A_71] : memref<192x16384xf32, #tpu.memory_space<hbm>> -> memref<1x4096xf32, #tpu.memory_space<hbm>>
    %dma_start3A_73 = tpu.memref_squeeze %dma_start3A_72 : memref<1x4096xf32, #tpu.memory_space<hbm>> -> memref<4096xf32, #tpu.memory_space<hbm>>
    %dma_start3A_74 = arith.constant 0 : i32
    %dma_start3A_75 = tpu.memref_slice %arg15[%dma_start3A_74] : memref<12288xf32, #tpu.memory_space<vmem>> -> memref<4096xf32, #tpu.memory_space<vmem>>
    tpu.enqueue_dma source(%dma_start3A_75 : memref<4096xf32, #tpu.memory_space<vmem>>) target(%dma_start3A_73 : memref<4096xf32, #tpu.memory_space<hbm>>) target_semaphore(%arg18 : memref<!tpu.dma_semaphore, #tpu.memory_space<semaphore_mem>>)
    %parallel_loop3A_76 = arith.constant 0 : i32
    %parallel_loop3A_77 = arith.constant 256 : i32
    %parallel_loop3A_78 = arith.constant 1 : i32
    scf.for %parallel_loop3A_710 = %parallel_loop3A_76 to %parallel_loop3A_77 step %parallel_loop3A_78  : i32 {
      %parallel_loop3A_711 = arith.constant 16 : i32
      %parallel_loop3A_712 = arith.muli %parallel_loop3A_710, %parallel_loop3A_711 : i32
      %parallel_loop3A_713 = arith.constant 4096 : i32
      %parallel_loop3A_714 = arith.addi %parallel_loop3A_713, %parallel_loop3A_712 : i32
      %parallel_loop3A_715 = arith.index_cast %parallel_loop3A_714 : i32 to index
      %parallel_loop3A_716 = tpu.vector_load %arg13[%parallel_loop3A_715] {strides = array<i32>} : memref<16384xi32, #tpu.memory_space<vmem>>, vector<16xi32>,
      %parallel_loop3A_717 = tpu.vector_load_idx %arg12[%parallel_loop3A_716] : memref<100000xf32, #tpu.memory_space<vmem>>[vector<16xi32>], vector<16xf32>,
      %parallel_loop3A_718 = arith.addf %parallel_loop3A_717, %gather3A : vector<16xf32>
      %parallel_loop3A_719 = arith.constant 16 : i32
      %parallel_loop3A_720 = arith.muli %parallel_loop3A_710, %parallel_loop3A_719 : i32
      %parallel_loop3A_721 = arith.constant 4096 : i32
      %parallel_loop3A_722 = arith.addi %parallel_loop3A_721, %parallel_loop3A_720 : i32
      %parallel_loop3A_723 = arith.index_cast %parallel_loop3A_722 : i32 to index
      %parallel_loop3A_724 = tpu.vector_load %arg15[%parallel_loop3A_723] {strides = array<i32>} : memref<12288xf32, #tpu.memory_space<vmem>>, vector<16xf32>,
      tpu.vector_store %arg15[%parallel_loop3A_723], %parallel_loop3A_718 {strides = array<i32>} : memref<12288xf32, #tpu.memory_space<vmem>>, vector<16xf32>,
    } {sc.loop_unroll_factor = 16 : i64, sc.parallel_access}
    %dma_start3A_79 = arith.constant 4096 : i32
    %dma_start3A_80 = tpu.memref_slice %arg15[%dma_start3A_79] : memref<12288xf32, #tpu.memory_space<vmem>> -> memref<4096xf32, #tpu.memory_space<vmem>>
    %dma_start3A_81 = arith.constant 4096 : i32
    %dma_start3A_82 = tpu.memref_slice %arg11[%add3A_63, %dma_start3A_81] : memref<192x16384xf32, #tpu.memory_space<hbm>> -> memref<1x4096xf32, #tpu.memory_space<hbm>>
    %dma_start3A_83 = tpu.memref_squeeze %dma_start3A_82 : memref<1x4096xf32, #tpu.memory_space<hbm>> -> memref<4096xf32, #tpu.memory_space<hbm>>
    %dma_start3A_84 = arith.constant 4096 : i32
    %dma_start3A_85 = tpu.memref_slice %arg11[%add3A_63, %dma_start3A_84] : memref<192x16384xf32, #tpu.memory_space<hbm>> -> memref<1x4096xf32, #tpu.memory_space<hbm>>
    %dma_start3A_86 = tpu.memref_squeeze %dma_start3A_85 : memref<1x4096xf32, #tpu.memory_space<hbm>> -> memref<4096xf32, #tpu.memory_space<hbm>>
    %dma_start3A_87 = arith.constant 4096 : i32
    %dma_start3A_88 = tpu.memref_slice %arg15[%dma_start3A_87] : memref<12288xf32, #tpu.memory_space<vmem>> -> memref<4096xf32, #tpu.memory_space<vmem>>
    tpu.enqueue_dma source(%dma_start3A_88 : memref<4096xf32, #tpu.memory_space<vmem>>) target(%dma_start3A_86 : memref<4096xf32, #tpu.memory_space<hbm>>) target_semaphore(%arg19 : memref<!tpu.dma_semaphore, #tpu.memory_space<semaphore_mem>>)
    %parallel_loop3A_89 = arith.constant 0 : i32
    %parallel_loop3A_90 = arith.constant 256 : i32
    %parallel_loop3A_91 = arith.constant 1 : i32
    scf.for %parallel_loop3A_710 = %parallel_loop3A_89 to %parallel_loop3A_90 step %parallel_loop3A_91  : i32 {
      %parallel_loop3A_711 = arith.constant 16 : i32
      %parallel_loop3A_712 = arith.muli %parallel_loop3A_710, %parallel_loop3A_711 : i32
      %parallel_loop3A_713 = arith.constant 8192 : i32
      %parallel_loop3A_714 = arith.addi %parallel_loop3A_713, %parallel_loop3A_712 : i32
      %parallel_loop3A_715 = arith.index_cast %parallel_loop3A_714 : i32 to index
      %parallel_loop3A_716 = tpu.vector_load %arg13[%parallel_loop3A_715] {strides = array<i32>} : memref<16384xi32, #tpu.memory_space<vmem>>, vector<16xi32>,
      %parallel_loop3A_717 = tpu.vector_load_idx %arg12[%parallel_loop3A_716] : memref<100000xf32, #tpu.memory_space<vmem>>[vector<16xi32>], vector<16xf32>,
      %parallel_loop3A_718 = arith.addf %parallel_loop3A_717, %gather3A : vector<16xf32>
      %parallel_loop3A_719 = arith.constant 16 : i32
      %parallel_loop3A_720 = arith.muli %parallel_loop3A_710, %parallel_loop3A_719 : i32
      %parallel_loop3A_721 = arith.constant 8192 : i32
      %parallel_loop3A_722 = arith.addi %parallel_loop3A_721, %parallel_loop3A_720 : i32
      %parallel_loop3A_723 = arith.index_cast %parallel_loop3A_722 : i32 to index
      %parallel_loop3A_724 = tpu.vector_load %arg15[%parallel_loop3A_723] {strides = array<i32>} : memref<12288xf32, #tpu.memory_space<vmem>>, vector<16xf32>,
      tpu.vector_store %arg15[%parallel_loop3A_723], %parallel_loop3A_718 {strides = array<i32>} : memref<12288xf32, #tpu.memory_space<vmem>>, vector<16xf32>,
    } {sc.loop_unroll_factor = 16 : i64, sc.parallel_access}
    %dma_start3A_92 = arith.constant 8192 : i32
    %dma_start3A_93 = tpu.memref_slice %arg15[%dma_start3A_92] : memref<12288xf32, #tpu.memory_space<vmem>> -> memref<4096xf32, #tpu.memory_space<vmem>>
    %dma_start3A_94 = arith.constant 8192 : i32
    %dma_start3A_95 = tpu.memref_slice %arg11[%add3A_63, %dma_start3A_94] : memref<192x16384xf32, #tpu.memory_space<hbm>> -> memref<1x4096xf32, #tpu.memory_space<hbm>>
    %dma_start3A_96 = tpu.memref_squeeze %dma_start3A_95 : memref<1x4096xf32, #tpu.memory_space<hbm>> -> memref<4096xf32, #tpu.memory_space<hbm>>
    %dma_start3A_97 = arith.constant 8192 : i32
    %dma_start3A_98 = tpu.memref_slice %arg11[%add3A_63, %dma_start3A_97] : memref<192x16384xf32, #tpu.memory_space<hbm>> -> memref<1x4096xf32, #tpu.memory_space<hbm>>
    %dma_start3A_99 = tpu.memref_squeeze %dma_start3A_98 : memref<1x4096xf32, #tpu.memory_space<hbm>> -> memref<4096xf32, #tpu.memory_space<hbm>>
    %dma_start3A_100 = arith.constant 8192 : i32
    %dma_start3A_101 = tpu.memref_slice %arg15[%dma_start3A_100] : memref<12288xf32, #tpu.memory_space<vmem>> -> memref<4096xf32, #tpu.memory_space<vmem>>
    tpu.enqueue_dma source(%dma_start3A_101 : memref<4096xf32, #tpu.memory_space<vmem>>) target(%dma_start3A_99 : memref<4096xf32, #tpu.memory_space<hbm>>) target_semaphore(%arg20 : memref<!tpu.dma_semaphore, #tpu.memory_space<semaphore_mem>>)
    %dma_wait3A_102 = arith.constant 0 : i32
    %dma_wait3A_103 = tpu.memref_slice %arg15[%dma_wait3A_102] : memref<12288xf32, #tpu.memory_space<vmem>> -> memref<4096xf32, #tpu.memory_space<vmem>>
    %dma_wait3A_104 = arith.constant 0 : i32
    %dma_wait3A_105 = tpu.memref_slice %arg11[%add3A_63, %dma_wait3A_104] : memref<192x16384xf32, #tpu.memory_space<hbm>> -> memref<1x4096xf32, #tpu.memory_space<hbm>>
    %dma_wait3A_106 = tpu.memref_squeeze %dma_wait3A_105 : memref<1x4096xf32, #tpu.memory_space<hbm>> -> memref<4096xf32, #tpu.memory_space<hbm>>
    %dma_wait3A_107 = arith.constant 0 : i32
    %dma_wait3A_108 = tpu.memref_slice %arg11[%add3A_63, %dma_wait3A_107] : memref<192x16384xf32, #tpu.memory_space<hbm>> -> memref<1x4096xf32, #tpu.memory_space<hbm>>
    %dma_wait3A_109 = tpu.memref_squeeze %dma_wait3A_108 : memref<1x4096xf32, #tpu.memory_space<hbm>> -> memref<4096xf32, #tpu.memory_space<hbm>>
    %dma_wait3A_110 = arith.constant 0 : i32
    %dma_wait3A_111 = tpu.memref_slice %arg15[%dma_wait3A_110] : memref<12288xf32, #tpu.memory_space<vmem>> -> memref<4096xf32, #tpu.memory_space<vmem>>
    tpu.wait_dma2 semaphore(%arg18 : memref<!tpu.dma_semaphore, #tpu.memory_space<semaphore_mem>>) src(%dma_wait3A_111 : memref<4096xf32, #tpu.memory_space<vmem>>) dst(%dma_wait3A_109 : memref<4096xf32, #tpu.memory_space<hbm>>)
    %parallel_loop3A_112 = arith.constant 0 : i32
    %parallel_loop3A_113 = arith.constant 256 : i32
    %parallel_loop3A_114 = arith.constant 1 : i32
    scf.for %parallel_loop3A_710 = %parallel_loop3A_112 to %parallel_loop3A_113 step %parallel_loop3A_114  : i32 {
      %parallel_loop3A_711 = arith.constant 16 : i32
      %parallel_loop3A_712 = arith.muli %parallel_loop3A_710, %parallel_loop3A_711 : i32
      %parallel_loop3A_713 = arith.constant 12288 : i32
      %parallel_loop3A_714 = arith.addi %parallel_loop3A_713, %parallel_loop3A_712 : i32
      %parallel_loop3A_715 = arith.index_cast %parallel_loop3A_714 : i32 to index
      %parallel_loop3A_716 = tpu.vector_load %arg13[%parallel_loop3A_715] {strides = array<i32>} : memref<16384xi32, #tpu.memory_space<vmem>>, vector<16xi32>,
      %parallel_loop3A_717 = tpu.vector_load_idx %arg12[%parallel_loop3A_716] : memref<100000xf32, #tpu.memory_space<vmem>>[vector<16xi32>], vector<16xf32>,
      %parallel_loop3A_718 = arith.addf %parallel_loop3A_717, %gather3A : vector<16xf32>
      %parallel_loop3A_719 = arith.constant 16 : i32
      %parallel_loop3A_720 = arith.muli %parallel_loop3A_710, %parallel_loop3A_719 : i32
      %parallel_loop3A_721 = arith.constant 0 : i32
      %parallel_loop3A_722 = arith.addi %parallel_loop3A_721, %parallel_loop3A_720 : i32
      %parallel_loop3A_723 = arith.index_cast %parallel_loop3A_722 : i32 to index
      %parallel_loop3A_724 = tpu.vector_load %arg15[%parallel_loop3A_723] {strides = array<i32>} : memref<12288xf32, #tpu.memory_space<vmem>>, vector<16xf32>,
      tpu.vector_store %arg15[%parallel_loop3A_723], %parallel_loop3A_718 {strides = array<i32>} : memref<12288xf32, #tpu.memory_space<vmem>>, vector<16xf32>,
    } {sc.loop_unroll_factor = 16 : i64, sc.parallel_access}
    %dma_start3A_115 = arith.constant 0 : i32
    %dma_start3A_116 = tpu.memref_slice %arg15[%dma_start3A_115] : memref<12288xf32, #tpu.memory_space<vmem>> -> memref<4096xf32, #tpu.memory_space<vmem>>
    %dma_start3A_117 = arith.constant 12288 : i32
    %dma_start3A_118 = tpu.memref_slice %arg11[%add3A_63, %dma_start3A_117] : memref<192x16384xf32, #tpu.memory_space<hbm>> -> memref<1x4096xf32, #tpu.memory_space<hbm>>
    %dma_start3A_119 = tpu.memref_squeeze %dma_start3A_118 : memref<1x4096xf32, #tpu.memory_space<hbm>> -> memref<4096xf32, #tpu.memory_space<hbm>>
    %dma_start3A_120 = arith.constant 12288 : i32
    %dma_start3A_121 = tpu.memref_slice %arg11[%add3A_63, %dma_start3A_120] : memref<192x16384xf32, #tpu.memory_space<hbm>> -> memref<1x4096xf32, #tpu.memory_space<hbm>>
    %dma_start3A_122 = tpu.memref_squeeze %dma_start3A_121 : memref<1x4096xf32, #tpu.memory_space<hbm>> -> memref<4096xf32, #tpu.memory_space<hbm>>
    %dma_start3A_123 = arith.constant 0 : i32
    %dma_start3A_124 = tpu.memref_slice %arg15[%dma_start3A_123] : memref<12288xf32, #tpu.memory_space<vmem>> -> memref<4096xf32, #tpu.memory_space<vmem>>
    tpu.enqueue_dma source(%dma_start3A_124 : memref<4096xf32, #tpu.memory_space<vmem>>) target(%dma_start3A_122 : memref<4096xf32, #tpu.memory_space<hbm>>) target_semaphore(%arg18 : memref<!tpu.dma_semaphore, #tpu.memory_space<semaphore_mem>>)
    %dma_start3A_125 = arith.constant 0 : i32
    %dma_start3A_126 = tpu.memref_slice %arg5[%add3A_8, %dma_start3A_125] : memref<64x100000xf32, #tpu.memory_space<hbm>> -> memref<1x100000xf32, #tpu.memory_space<hbm>>
    %dma_start3A_127 = tpu.memref_squeeze %dma_start3A_126 : memref<1x100000xf32, #tpu.memory_space<hbm>> -> memref<100000xf32, #tpu.memory_space<hbm>>
    %dma_start3A_128 = arith.constant 0 : i32
    %dma_start3A_129 = tpu.memref_slice %arg5[%add3A_8, %dma_start3A_128] : memref<64x100000xf32, #tpu.memory_space<hbm>> -> memref<1x100000xf32, #tpu.memory_space<hbm>>
    %dma_start3A_130 = tpu.memref_squeeze %dma_start3A_129 : memref<1x100000xf32, #tpu.memory_space<hbm>> -> memref<100000xf32, #tpu.memory_space<hbm>>
    tpu.enqueue_dma source(%dma_start3A_130 : memref<100000xf32, #tpu.memory_space<hbm>>) target(%arg12 : memref<100000xf32, #tpu.memory_space<vmem>>) target_semaphore(%arg16 : memref<!tpu.dma_semaphore, #tpu.memory_space<semaphore_mem>>)
    %dma_wait3A_131 = arith.constant 0 : i32
    %dma_wait3A_132 = tpu.memref_slice %arg5[%add3A_8, %dma_wait3A_131] : memref<64x100000xf32, #tpu.memory_space<hbm>> -> memref<1x100000xf32, #tpu.memory_space<hbm>>
    %dma_wait3A_133 = tpu.memref_squeeze %dma_wait3A_132 : memref<1x100000xf32, #tpu.memory_space<hbm>> -> memref<100000xf32, #tpu.memory_space<hbm>>
    %dma_wait3A_134 = arith.constant 0 : i32
    %dma_wait3A_135 = tpu.memref_slice %arg5[%add3A_8, %dma_wait3A_134] : memref<64x100000xf32, #tpu.memory_space<hbm>> -> memref<1x100000xf32, #tpu.memory_space<hbm>>
    %dma_wait3A_136 = tpu.memref_squeeze %dma_wait3A_135 : memref<1x100000xf32, #tpu.memory_space<hbm>> -> memref<100000xf32, #tpu.memory_space<hbm>>
    tpu.wait_dma2 semaphore(%arg16 : memref<!tpu.dma_semaphore, #tpu.memory_space<semaphore_mem>>) src(%dma_wait3A_136 : memref<100000xf32, #tpu.memory_space<hbm>>) dst(%arg12 : memref<100000xf32, #tpu.memory_space<vmem>>)
    %broadcast_in_dim3A_137 = arith.constant 0 : i32
    %broadcast_in_dim3A_138 = vector.broadcast %broadcast_in_dim3A_137 : i32 to vector<16xi32>
    %add3A_139 = vector.broadcast %add3A_8 : i32 to vector<16xi32>
    %add3A_140 = arith.addi %broadcast_in_dim3A_138, %add3A_139 : vector<16xi32>
    %gather3A_141 = tpu.vector_load_idx %arg14[%add3A_140] : memref<192xf32, #tpu.memory_space<vmem>>[vector<16xi32>], vector<16xf32>,
    %add3A_142 = arith.constant 0 : i32
    %add3A_143 = arith.addi %add3A_142, %add3A_8 : i32
    %dma_wait3A_144 = arith.constant 0 : i32
    %dma_wait3A_145 = tpu.memref_slice %arg15[%dma_wait3A_144] : memref<12288xf32, #tpu.memory_space<vmem>> -> memref<4096xf32, #tpu.memory_space<vmem>>
    %dma_wait3A_146 = arith.constant 12288 : i32
    %dma_wait3A_147 = tpu.memref_slice %arg11[%add3A_63, %dma_wait3A_146] : memref<192x16384xf32, #tpu.memory_space<hbm>> -> memref<1x4096xf32, #tpu.memory_space<hbm>>
    %dma_wait3A_148 = tpu.memref_squeeze %dma_wait3A_147 : memref<1x4096xf32, #tpu.memory_space<hbm>> -> memref<4096xf32, #tpu.memory_space<hbm>>
    %dma_wait3A_149 = arith.constant 12288 : i32
    %dma_wait3A_150 = tpu.memref_slice %arg11[%add3A_63, %dma_wait3A_149] : memref<192x16384xf32, #tpu.memory_space<hbm>> -> memref<1x4096xf32, #tpu.memory_space<hbm>>
    %dma_wait3A_151 = tpu.memref_squeeze %dma_wait3A_150 : memref<1x4096xf32, #tpu.memory_space<hbm>> -> memref<4096xf32, #tpu.memory_space<hbm>>
    %dma_wait3A_152 = arith.constant 0 : i32
    %dma_wait3A_153 = tpu.memref_slice %arg15[%dma_wait3A_152] : memref<12288xf32, #tpu.memory_space<vmem>> -> memref<4096xf32, #tpu.memory_space<vmem>>
    tpu.wait_dma2 semaphore(%arg18 : memref<!tpu.dma_semaphore, #tpu.memory_space<semaphore_mem>>) src(%dma_wait3A_153 : memref<4096xf32, #tpu.memory_space<vmem>>) dst(%dma_wait3A_151 : memref<4096xf32, #tpu.memory_space<hbm>>)
    %parallel_loop3A_154 = arith.constant 0 : i32
    %parallel_loop3A_155 = arith.constant 256 : i32
    %parallel_loop3A_156 = arith.constant 1 : i32
    scf.for %parallel_loop3A_710 = %parallel_loop3A_154 to %parallel_loop3A_155 step %parallel_loop3A_156  : i32 {
      %parallel_loop3A_711 = arith.constant 16 : i32
      %parallel_loop3A_712 = arith.muli %parallel_loop3A_710, %parallel_loop3A_711 : i32
      %parallel_loop3A_713 = arith.constant 0 : i32
      %parallel_loop3A_714 = arith.addi %parallel_loop3A_713, %parallel_loop3A_712 : i32
      %parallel_loop3A_715 = arith.index_cast %parallel_loop3A_714 : i32 to index
      %parallel_loop3A_716 = tpu.vector_load %arg13[%parallel_loop3A_715] {strides = array<i32>} : memref<16384xi32, #tpu.memory_space<vmem>>, vector<16xi32>,
      %parallel_loop3A_717 = tpu.vector_load_idx %arg12[%parallel_loop3A_716] : memref<100000xf32, #tpu.memory_space<vmem>>[vector<16xi32>], vector<16xf32>,
      %parallel_loop3A_718 = arith.addf %parallel_loop3A_717, %gather3A_141 : vector<16xf32>
      %parallel_loop3A_719 = arith.constant 16 : i32
      %parallel_loop3A_720 = arith.muli %parallel_loop3A_710, %parallel_loop3A_719 : i32
      %parallel_loop3A_721 = arith.constant 0 : i32
      %parallel_loop3A_722 = arith.addi %parallel_loop3A_721, %parallel_loop3A_720 : i32
      %parallel_loop3A_723 = arith.index_cast %parallel_loop3A_722 : i32 to index
      %parallel_loop3A_724 = tpu.vector_load %arg15[%parallel_loop3A_723] {strides = array<i32>} : memref<12288xf32, #tpu.memory_space<vmem>>, vector<16xf32>,
      tpu.vector_store %arg15[%parallel_loop3A_723], %parallel_loop3A_718 {strides = array<i32>} : memref<12288xf32, #tpu.memory_space<vmem>>, vector<16xf32>,
    } {sc.loop_unroll_factor = 16 : i64, sc.parallel_access}
    %dma_start3A_157 = arith.constant 0 : i32
    %dma_start3A_158 = tpu.memref_slice %arg15[%dma_start3A_157] : memref<12288xf32, #tpu.memory_space<vmem>> -> memref<4096xf32, #tpu.memory_space<vmem>>
    %dma_start3A_159 = arith.constant 0 : i32
    %dma_start3A_160 = tpu.memref_slice %arg11[%add3A_143, %dma_start3A_159] : memref<192x16384xf32, #tpu.memory_space<hbm>> -> memref<1x4096xf32, #tpu.memory_space<hbm>>
    %dma_start3A_161 = tpu.memref_squeeze %dma_start3A_160 : memref<1x4096xf32, #tpu.memory_space<hbm>> -> memref<4096xf32, #tpu.memory_space<hbm>>
    %dma_start3A_162 = arith.constant 0 : i32
    %dma_start3A_163 = tpu.memref_slice %arg11[%add3A_143, %dma_start3A_162] : memref<192x16384xf32, #tpu.memory_space<hbm>> -> memref<1x4096xf32, #tpu.memory_space<hbm>>
    %dma_start3A_164 = tpu.memref_squeeze %dma_start3A_163 : memref<1x4096xf32, #tpu.memory_space<hbm>> -> memref<4096xf32, #tpu.memory_space<hbm>>
    %dma_start3A_165 = arith.constant 0 : i32
    %dma_start3A_166 = tpu.memref_slice %arg15[%dma_start3A_165] : memref<12288xf32, #tpu.memory_space<vmem>> -> memref<4096xf32, #tpu.memory_space<vmem>>
    tpu.enqueue_dma source(%dma_start3A_166 : memref<4096xf32, #tpu.memory_space<vmem>>) target(%dma_start3A_164 : memref<4096xf32, #tpu.memory_space<hbm>>) target_semaphore(%arg18 : memref<!tpu.dma_semaphore, #tpu.memory_space<semaphore_mem>>)
    %dma_wait3A_167 = arith.constant 4096 : i32
    %dma_wait3A_168 = tpu.memref_slice %arg15[%dma_wait3A_167] : memref<12288xf32, #tpu.memory_space<vmem>> -> memref<4096xf32, #tpu.memory_space<vmem>>
    %dma_wait3A_169 = arith.constant 4096 : i32
    %dma_wait3A_170 = tpu.memref_slice %arg11[%add3A_63, %dma_wait3A_169] : memref<192x16384xf32, #tpu.memory_space<hbm>> -> memref<1x4096xf32, #tpu.memory_space<hbm>>
    %dma_wait3A_171 = tpu.memref_squeeze %dma_wait3A_170 : memref<1x4096xf32, #tpu.memory_space<hbm>> -> memref<4096xf32, #tpu.memory_space<hbm>>
    %dma_wait3A_172 = arith.constant 4096 : i32
    %dma_wait3A_173 = tpu.memref_slice %arg11[%add3A_63, %dma_wait3A_172] : memref<192x16384xf32, #tpu.memory_space<hbm>> -> memref<1x4096xf32, #tpu.memory_space<hbm>>
    %dma_wait3A_174 = tpu.memref_squeeze %dma_wait3A_173 : memref<1x4096xf32, #tpu.memory_space<hbm>> -> memref<4096xf32, #tpu.memory_space<hbm>>
    %dma_wait3A_175 = arith.constant 4096 : i32
    %dma_wait3A_176 = tpu.memref_slice %arg15[%dma_wait3A_175] : memref<12288xf32, #tpu.memory_space<vmem>> -> memref<4096xf32, #tpu.memory_space<vmem>>
    tpu.wait_dma2 semaphore(%arg19 : memref<!tpu.dma_semaphore, #tpu.memory_space<semaphore_mem>>) src(%dma_wait3A_176 : memref<4096xf32, #tpu.memory_space<vmem>>) dst(%dma_wait3A_174 : memref<4096xf32, #tpu.memory_space<hbm>>)
    %parallel_loop3A_177 = arith.constant 0 : i32
    %parallel_loop3A_178 = arith.constant 256 : i32
    %parallel_loop3A_179 = arith.constant 1 : i32
    scf.for %parallel_loop3A_710 = %parallel_loop3A_177 to %parallel_loop3A_178 step %parallel_loop3A_179  : i32 {
      %parallel_loop3A_711 = arith.constant 16 : i32
      %parallel_loop3A_712 = arith.muli %parallel_loop3A_710, %parallel_loop3A_711 : i32
      %parallel_loop3A_713 = arith.constant 4096 : i32
      %parallel_loop3A_714 = arith.addi %parallel_loop3A_713, %parallel_loop3A_712 : i32
      %parallel_loop3A_715 = arith.index_cast %parallel_loop3A_714 : i32 to index
      %parallel_loop3A_716 = tpu.vector_load %arg13[%parallel_loop3A_715] {strides = array<i32>} : memref<16384xi32, #tpu.memory_space<vmem>>, vector<16xi32>,
      %parallel_loop3A_717 = tpu.vector_load_idx %arg12[%parallel_loop3A_716] : memref<100000xf32, #tpu.memory_space<vmem>>[vector<16xi32>], vector<16xf32>,
      %parallel_loop3A_718 = arith.addf %parallel_loop3A_717, %gather3A_141 : vector<16xf32>
      %parallel_loop3A_719 = arith.constant 16 : i32
      %parallel_loop3A_720 = arith.muli %parallel_loop3A_710, %parallel_loop3A_719 : i32
      %parallel_loop3A_721 = arith.constant 4096 : i32
      %parallel_loop3A_722 = arith.addi %parallel_loop3A_721, %parallel_loop3A_720 : i32
      %parallel_loop3A_723 = arith.index_cast %parallel_loop3A_722 : i32 to index
      %parallel_loop3A_724 = tpu.vector_load %arg15[%parallel_loop3A_723] {strides = array<i32>} : memref<12288xf32, #tpu.memory_space<vmem>>, vector<16xf32>,
      tpu.vector_store %arg15[%parallel_loop3A_723], %parallel_loop3A_718 {strides = array<i32>} : memref<12288xf32, #tpu.memory_space<vmem>>, vector<16xf32>,
    } {sc.loop_unroll_factor = 16 : i64, sc.parallel_access}
    %dma_start3A_180 = arith.constant 4096 : i32
    %dma_start3A_181 = tpu.memref_slice %arg15[%dma_start3A_180] : memref<12288xf32, #tpu.memory_space<vmem>> -> memref<4096xf32, #tpu.memory_space<vmem>>
    %dma_start3A_182 = arith.constant 4096 : i32
    %dma_start3A_183 = tpu.memref_slice %arg11[%add3A_143, %dma_start3A_182] : memref<192x16384xf32, #tpu.memory_space<hbm>> -> memref<1x4096xf32, #tpu.memory_space<hbm>>
    %dma_start3A_184 = tpu.memref_squeeze %dma_start3A_183 : memref<1x4096xf32, #tpu.memory_space<hbm>> -> memref<4096xf32, #tpu.memory_space<hbm>>
    %dma_start3A_185 = arith.constant 4096 : i32
    %dma_start3A_186 = tpu.memref_slice %arg11[%add3A_143, %dma_start3A_185] : memref<192x16384xf32, #tpu.memory_space<hbm>> -> memref<1x4096xf32, #tpu.memory_space<hbm>>
    %dma_start3A_187 = tpu.memref_squeeze %dma_start3A_186 : memref<1x4096xf32, #tpu.memory_space<hbm>> -> memref<4096xf32, #tpu.memory_space<hbm>>
    %dma_start3A_188 = arith.constant 4096 : i32
    %dma_start3A_189 = tpu.memref_slice %arg15[%dma_start3A_188] : memref<12288xf32, #tpu.memory_space<vmem>> -> memref<4096xf32, #tpu.memory_space<vmem>>
    tpu.enqueue_dma source(%dma_start3A_189 : memref<4096xf32, #tpu.memory_space<vmem>>) target(%dma_start3A_187 : memref<4096xf32, #tpu.memory_space<hbm>>) target_semaphore(%arg19 : memref<!tpu.dma_semaphore, #tpu.memory_space<semaphore_mem>>)
    %dma_wait3A_190 = arith.constant 8192 : i32
    %dma_wait3A_191 = tpu.memref_slice %arg15[%dma_wait3A_190] : memref<12288xf32, #tpu.memory_space<vmem>> -> memref<4096xf32, #tpu.memory_space<vmem>>
    %dma_wait3A_192 = arith.constant 8192 : i32
    %dma_wait3A_193 = tpu.memref_slice %arg11[%add3A_63, %dma_wait3A_192] : memref<192x16384xf32, #tpu.memory_space<hbm>> -> memref<1x4096xf32, #tpu.memory_space<hbm>>
    %dma_wait3A_194 = tpu.memref_squeeze %dma_wait3A_193 : memref<1x4096xf32, #tpu.memory_space<hbm>> -> memref<4096xf32, #tpu.memory_space<hbm>>
    %dma_wait3A_195 = arith.constant 8192 : i32
    %dma_wait3A_196 = tpu.memref_slice %arg11[%add3A_63, %dma_wait3A_195] : memref<192x16384xf32, #tpu.memory_space<hbm>> -> memref<1x4096xf32, #tpu.memory_space<hbm>>
    %dma_wait3A_197 = tpu.memref_squeeze %dma_wait3A_196 : memref<1x4096xf32, #tpu.memory_space<hbm>> -> memref<4096xf32, #tpu.memory_space<hbm>>
    %dma_wait3A_198 = arith.constant 8192 : i32
    %dma_wait3A_199 = tpu.memref_slice %arg15[%dma_wait3A_198] : memref<12288xf32, #tpu.memory_space<vmem>> -> memref<4096xf32, #tpu.memory_space<vmem>>
    tpu.wait_dma2 semaphore(%arg20 : memref<!tpu.dma_semaphore, #tpu.memory_space<semaphore_mem>>) src(%dma_wait3A_199 : memref<4096xf32, #tpu.memory_space<vmem>>) dst(%dma_wait3A_197 : memref<4096xf32, #tpu.memory_space<hbm>>)
    %parallel_loop3A_200 = arith.constant 0 : i32
    %parallel_loop3A_201 = arith.constant 256 : i32
    %parallel_loop3A_202 = arith.constant 1 : i32
    scf.for %parallel_loop3A_710 = %parallel_loop3A_200 to %parallel_loop3A_201 step %parallel_loop3A_202  : i32 {
      %parallel_loop3A_711 = arith.constant 16 : i32
      %parallel_loop3A_712 = arith.muli %parallel_loop3A_710, %parallel_loop3A_711 : i32
      %parallel_loop3A_713 = arith.constant 8192 : i32
      %parallel_loop3A_714 = arith.addi %parallel_loop3A_713, %parallel_loop3A_712 : i32
      %parallel_loop3A_715 = arith.index_cast %parallel_loop3A_714 : i32 to index
      %parallel_loop3A_716 = tpu.vector_load %arg13[%parallel_loop3A_715] {strides = array<i32>} : memref<16384xi32, #tpu.memory_space<vmem>>, vector<16xi32>,
      %parallel_loop3A_717 = tpu.vector_load_idx %arg12[%parallel_loop3A_716] : memref<100000xf32, #tpu.memory_space<vmem>>[vector<16xi32>], vector<16xf32>,
      %parallel_loop3A_718 = arith.addf %parallel_loop3A_717, %gather3A_141 : vector<16xf32>
      %parallel_loop3A_719 = arith.constant 16 : i32
      %parallel_loop3A_720 = arith.muli %parallel_loop3A_710, %parallel_loop3A_719 : i32
      %parallel_loop3A_721 = arith.constant 8192 : i32
      %parallel_loop3A_722 = arith.addi %parallel_loop3A_721, %parallel_loop3A_720 : i32
      %parallel_loop3A_723 = arith.index_cast %parallel_loop3A_722 : i32 to index
      %parallel_loop3A_724 = tpu.vector_load %arg15[%parallel_loop3A_723] {strides = array<i32>} : memref<12288xf32, #tpu.memory_space<vmem>>, vector<16xf32>,
      tpu.vector_store %arg15[%parallel_loop3A_723], %parallel_loop3A_718 {strides = array<i32>} : memref<12288xf32, #tpu.memory_space<vmem>>, vector<16xf32>,
    } {sc.loop_unroll_factor = 16 : i64, sc.parallel_access}
    %dma_start3A_203 = arith.constant 8192 : i32
    %dma_start3A_204 = tpu.memref_slice %arg15[%dma_start3A_203] : memref<12288xf32, #tpu.memory_space<vmem>> -> memref<4096xf32, #tpu.memory_space<vmem>>
    %dma_start3A_205 = arith.constant 8192 : i32
    %dma_start3A_206 = tpu.memref_slice %arg11[%add3A_143, %dma_start3A_205] : memref<192x16384xf32, #tpu.memory_space<hbm>> -> memref<1x4096xf32, #tpu.memory_space<hbm>>
    %dma_start3A_207 = tpu.memref_squeeze %dma_start3A_206 : memref<1x4096xf32, #tpu.memory_space<hbm>> -> memref<4096xf32, #tpu.memory_space<hbm>>
    %dma_start3A_208 = arith.constant 8192 : i32
    %dma_start3A_209 = tpu.memref_slice %arg11[%add3A_143, %dma_start3A_208] : memref<192x16384xf32, #tpu.memory_space<hbm>> -> memref<1x4096xf32, #tpu.memory_space<hbm>>
    %dma_start3A_210 = tpu.memref_squeeze %dma_start3A_209 : memref<1x4096xf32, #tpu.memory_space<hbm>> -> memref<4096xf32, #tpu.memory_space<hbm>>
    %dma_start3A_211 = arith.constant 8192 : i32
    %dma_start3A_212 = tpu.memref_slice %arg15[%dma_start3A_211] : memref<12288xf32, #tpu.memory_space<vmem>> -> memref<4096xf32, #tpu.memory_space<vmem>>
    tpu.enqueue_dma source(%dma_start3A_212 : memref<4096xf32, #tpu.memory_space<vmem>>) target(%dma_start3A_210 : memref<4096xf32, #tpu.memory_space<hbm>>) target_semaphore(%arg20 : memref<!tpu.dma_semaphore, #tpu.memory_space<semaphore_mem>>)
    %dma_wait3A_213 = arith.constant 0 : i32
    %dma_wait3A_214 = tpu.memref_slice %arg15[%dma_wait3A_213] : memref<12288xf32, #tpu.memory_space<vmem>> -> memref<4096xf32, #tpu.memory_space<vmem>>
    %dma_wait3A_215 = arith.constant 0 : i32
    %dma_wait3A_216 = tpu.memref_slice %arg11[%add3A_143, %dma_wait3A_215] : memref<192x16384xf32, #tpu.memory_space<hbm>> -> memref<1x4096xf32, #tpu.memory_space<hbm>>
    %dma_wait3A_217 = tpu.memref_squeeze %dma_wait3A_216 : memref<1x4096xf32, #tpu.memory_space<hbm>> -> memref<4096xf32, #tpu.memory_space<hbm>>
    %dma_wait3A_218 = arith.constant 0 : i32
    %dma_wait3A_219 = tpu.memref_slice %arg11[%add3A_143, %dma_wait3A_218] : memref<192x16384xf32, #tpu.memory_space<hbm>> -> memref<1x4096xf32, #tpu.memory_space<hbm>>
    %dma_wait3A_220 = tpu.memref_squeeze %dma_wait3A_219 : memref<1x4096xf32, #tpu.memory_space<hbm>> -> memref<4096xf32, #tpu.memory_space<hbm>>
    %dma_wait3A_221 = arith.constant 0 : i32
    %dma_wait3A_222 = tpu.memref_slice %arg15[%dma_wait3A_221] : memref<12288xf32, #tpu.memory_space<vmem>> -> memref<4096xf32, #tpu.memory_space<vmem>>
    tpu.wait_dma2 semaphore(%arg18 : memref<!tpu.dma_semaphore, #tpu.memory_space<semaphore_mem>>) src(%dma_wait3A_222 : memref<4096xf32, #tpu.memory_space<vmem>>) dst(%dma_wait3A_220 : memref<4096xf32, #tpu.memory_space<hbm>>)
    %parallel_loop3A_223 = arith.constant 0 : i32
    %parallel_loop3A_224 = arith.constant 256 : i32
    %parallel_loop3A_225 = arith.constant 1 : i32
    scf.for %parallel_loop3A_710 = %parallel_loop3A_223 to %parallel_loop3A_224 step %parallel_loop3A_225  : i32 {
      %parallel_loop3A_711 = arith.constant 16 : i32
      %parallel_loop3A_712 = arith.muli %parallel_loop3A_710, %parallel_loop3A_711 : i32
      %parallel_loop3A_713 = arith.constant 12288 : i32
      %parallel_loop3A_714 = arith.addi %parallel_loop3A_713, %parallel_loop3A_712 : i32
      %parallel_loop3A_715 = arith.index_cast %parallel_loop3A_714 : i32 to index
      %parallel_loop3A_716 = tpu.vector_load %arg13[%parallel_loop3A_715] {strides = array<i32>} : memref<16384xi32, #tpu.memory_space<vmem>>, vector<16xi32>,
      %parallel_loop3A_717 = tpu.vector_load_idx %arg12[%parallel_loop3A_716] : memref<100000xf32, #tpu.memory_space<vmem>>[vector<16xi32>], vector<16xf32>,
      %parallel_loop3A_718 = arith.addf %parallel_loop3A_717, %gather3A_141 : vector<16xf32>
      %parallel_loop3A_719 = arith.constant 16 : i32
      %parallel_loop3A_720 = arith.muli %parallel_loop3A_710, %parallel_loop3A_719 : i32
      %parallel_loop3A_721 = arith.constant 0 : i32
      %parallel_loop3A_722 = arith.addi %parallel_loop3A_721, %parallel_loop3A_720 : i32
      %parallel_loop3A_723 = arith.index_cast %parallel_loop3A_722 : i32 to index
      %parallel_loop3A_724 = tpu.vector_load %arg15[%parallel_loop3A_723] {strides = array<i32>} : memref<12288xf32, #tpu.memory_space<vmem>>, vector<16xf32>,
      tpu.vector_store %arg15[%parallel_loop3A_723], %parallel_loop3A_718 {strides = array<i32>} : memref<12288xf32, #tpu.memory_space<vmem>>, vector<16xf32>,
    } {sc.loop_unroll_factor = 16 : i64, sc.parallel_access}
    %dma_start3A_226 = arith.constant 0 : i32
    %dma_start3A_227 = tpu.memref_slice %arg15[%dma_start3A_226] : memref<12288xf32, #tpu.memory_space<vmem>> -> memref<4096xf32, #tpu.memory_space<vmem>>
    %dma_start3A_228 = arith.constant 12288 : i32
    %dma_start3A_229 = tpu.memref_slice %arg11[%add3A_143, %dma_start3A_228] : memref<192x16384xf32, #tpu.memory_space<hbm>> -> memref<1x4096xf32, #tpu.memory_space<hbm>>
    %dma_start3A_230 = tpu.memref_squeeze %dma_start3A_229 : memref<1x4096xf32, #tpu.memory_space<hbm>> -> memref<4096xf32, #tpu.memory_space<hbm>>
    %dma_start3A_231 = arith.constant 12288 : i32
    %dma_start3A_232 = tpu.memref_slice %arg11[%add3A_143, %dma_start3A_231] : memref<192x16384xf32, #tpu.memory_space<hbm>> -> memref<1x4096xf32, #tpu.memory_space<hbm>>
    %dma_start3A_233 = tpu.memref_squeeze %dma_start3A_232 : memref<1x4096xf32, #tpu.memory_space<hbm>> -> memref<4096xf32, #tpu.memory_space<hbm>>
    %dma_start3A_234 = arith.constant 0 : i32
    %dma_start3A_235 = tpu.memref_slice %arg15[%dma_start3A_234] : memref<12288xf32, #tpu.memory_space<vmem>> -> memref<4096xf32, #tpu.memory_space<vmem>>
    tpu.enqueue_dma source(%dma_start3A_235 : memref<4096xf32, #tpu.memory_space<vmem>>) target(%dma_start3A_233 : memref<4096xf32, #tpu.memory_space<hbm>>) target_semaphore(%arg18 : memref<!tpu.dma_semaphore, #tpu.memory_space<semaphore_mem>>)
    %dma_start3A_236 = arith.constant 0 : i32
    %dma_start3A_237 = tpu.memref_slice %arg6[%add3A_12, %dma_start3A_236] : memref<64x100000xf32, #tpu.memory_space<hbm>> -> memref<1x100000xf32, #tpu.memory_space<hbm>>
    %dma_start3A_238 = tpu.memref_squeeze %dma_start3A_237 : memref<1x100000xf32, #tpu.memory_space<hbm>> -> memref<100000xf32, #tpu.memory_space<hbm>>
    %dma_start3A_239 = arith.constant 0 : i32
    %dma_start3A_240 = tpu.memref_slice %arg6[%add3A_12, %dma_start3A_239] : memref<64x100000xf32, #tpu.memory_space<hbm>> -> memref<1x100000xf32, #tpu.memory_space<hbm>>
    %dma_start3A_241 = tpu.memref_squeeze %dma_start3A_240 : memref<1x100000xf32, #tpu.memory_space<hbm>> -> memref<100000xf32, #tpu.memory_space<hbm>>
    tpu.enqueue_dma source(%dma_start3A_241 : memref<100000xf32, #tpu.memory_space<hbm>>) target(%arg12 : memref<100000xf32, #tpu.memory_space<vmem>>) target_semaphore(%arg16 : memref<!tpu.dma_semaphore, #tpu.memory_space<semaphore_mem>>)
    tpu.enqueue_dma source(%arg3 : memref<16384xi32, #tpu.memory_space<hbm>>) target(%arg13 : memref<16384xi32, #tpu.memory_space<vmem>>) target_semaphore(%arg17 : memref<!tpu.dma_semaphore, #tpu.memory_space<semaphore_mem>>)
    %dma_wait3A_242 = arith.constant 0 : i32
    %dma_wait3A_243 = tpu.memref_slice %arg6[%add3A_12, %dma_wait3A_242] : memref<64x100000xf32, #tpu.memory_space<hbm>> -> memref<1x100000xf32, #tpu.memory_space<hbm>>
    %dma_wait3A_244 = tpu.memref_squeeze %dma_wait3A_243 : memref<1x100000xf32, #tpu.memory_space<hbm>> -> memref<100000xf32, #tpu.memory_space<hbm>>
    %dma_wait3A_245 = arith.constant 0 : i32
    %dma_wait3A_246 = tpu.memref_slice %arg6[%add3A_12, %dma_wait3A_245] : memref<64x100000xf32, #tpu.memory_space<hbm>> -> memref<1x100000xf32, #tpu.memory_space<hbm>>
    %dma_wait3A_247 = tpu.memref_squeeze %dma_wait3A_246 : memref<1x100000xf32, #tpu.memory_space<hbm>> -> memref<100000xf32, #tpu.memory_space<hbm>>
    tpu.wait_dma2 semaphore(%arg16 : memref<!tpu.dma_semaphore, #tpu.memory_space<semaphore_mem>>) src(%dma_wait3A_247 : memref<100000xf32, #tpu.memory_space<hbm>>) dst(%arg12 : memref<100000xf32, #tpu.memory_space<vmem>>)
    tpu.wait_dma2 semaphore(%arg17 : memref<!tpu.dma_semaphore, #tpu.memory_space<semaphore_mem>>) src(%arg3 : memref<16384xi32, #tpu.memory_space<hbm>>) dst(%arg13 : memref<16384xi32, #tpu.memory_space<vmem>>)
    %broadcast_in_dim3A_248 = arith.constant 64 : i32
    %broadcast_in_dim3A_249 = vector.broadcast %broadcast_in_dim3A_248 : i32 to vector<16xi32>
    %add3A_250 = vector.broadcast %add3A_12 : i32 to vector<16xi32>
    %add3A_251 = arith.addi %broadcast_in_dim3A_249, %add3A_250 : vector<16xi32>
    %gather3A_252 = tpu.vector_load_idx %arg14[%add3A_251] : memref<192xf32, #tpu.memory_space<vmem>>[vector<16xi32>], vector<16xf32>,
    %add3A_253 = arith.constant 64 : i32
    %add3A_254 = arith.addi %add3A_253, %add3A_12 : i32
    %dma_wait3A_255 = arith.constant 0 : i32
    %dma_wait3A_256 = tpu.memref_slice %arg15[%dma_wait3A_255] : memref<12288xf32, #tpu.memory_space<vmem>> -> memref<4096xf32, #tpu.memory_space<vmem>>
    %dma_wait3A_257 = arith.constant 12288 : i32
    %dma_wait3A_258 = tpu.memref_slice %arg11[%add3A_143, %dma_wait3A_257] : memref<192x16384xf32, #tpu.memory_space<hbm>> -> memref<1x4096xf32, #tpu.memory_space<hbm>>
    %dma_wait3A_259 = tpu.memref_squeeze %dma_wait3A_258 : memref<1x4096xf32, #tpu.memory_space<hbm>> -> memref<4096xf32, #tpu.memory_space<hbm>>
    %dma_wait3A_260 = arith.constant 12288 : i32
    %dma_wait3A_261 = tpu.memref_slice %arg11[%add3A_143, %dma_wait3A_260] : memref<192x16384xf32, #tpu.memory_space<hbm>> -> memref<1x4096xf32, #tpu.memory_space<hbm>>
    %dma_wait3A_262 = tpu.memref_squeeze %dma_wait3A_261 : memref<1x4096xf32, #tpu.memory_space<hbm>> -> memref<4096xf32, #tpu.memory_space<hbm>>
    %dma_wait3A_263 = arith.constant 0 : i32
    %dma_wait3A_264 = tpu.memref_slice %arg15[%dma_wait3A_263] : memref<12288xf32, #tpu.memory_space<vmem>> -> memref<4096xf32, #tpu.memory_space<vmem>>
    tpu.wait_dma2 semaphore(%arg18 : memref<!tpu.dma_semaphore, #tpu.memory_space<semaphore_mem>>) src(%dma_wait3A_264 : memref<4096xf32, #tpu.memory_space<vmem>>) dst(%dma_wait3A_262 : memref<4096xf32, #tpu.memory_space<hbm>>)
    %parallel_loop3A_265 = arith.constant 0 : i32
    %parallel_loop3A_266 = arith.constant 256 : i32
    %parallel_loop3A_267 = arith.constant 1 : i32
    scf.for %parallel_loop3A_710 = %parallel_loop3A_265 to %parallel_loop3A_266 step %parallel_loop3A_267  : i32 {
      %parallel_loop3A_711 = arith.constant 16 : i32
      %parallel_loop3A_712 = arith.muli %parallel_loop3A_710, %parallel_loop3A_711 : i32
      %parallel_loop3A_713 = arith.constant 0 : i32
      %parallel_loop3A_714 = arith.addi %parallel_loop3A_713, %parallel_loop3A_712 : i32
      %parallel_loop3A_715 = arith.index_cast %parallel_loop3A_714 : i32 to index
      %parallel_loop3A_716 = tpu.vector_load %arg13[%parallel_loop3A_715] {strides = array<i32>} : memref<16384xi32, #tpu.memory_space<vmem>>, vector<16xi32>,
      %parallel_loop3A_717 = tpu.vector_load_idx %arg12[%parallel_loop3A_716] : memref<100000xf32, #tpu.memory_space<vmem>>[vector<16xi32>], vector<16xf32>,
      %parallel_loop3A_718 = arith.addf %parallel_loop3A_717, %gather3A_252 : vector<16xf32>
      %parallel_loop3A_719 = arith.constant 16 : i32
      %parallel_loop3A_720 = arith.muli %parallel_loop3A_710, %parallel_loop3A_719 : i32
      %parallel_loop3A_721 = arith.constant 0 : i32
      %parallel_loop3A_722 = arith.addi %parallel_loop3A_721, %parallel_loop3A_720 : i32
      %parallel_loop3A_723 = arith.index_cast %parallel_loop3A_722 : i32 to index
      %parallel_loop3A_724 = tpu.vector_load %arg15[%parallel_loop3A_723] {strides = array<i32>} : memref<12288xf32, #tpu.memory_space<vmem>>, vector<16xf32>,
      tpu.vector_store %arg15[%parallel_loop3A_723], %parallel_loop3A_718 {strides = array<i32>} : memref<12288xf32, #tpu.memory_space<vmem>>, vector<16xf32>,
    } {sc.loop_unroll_factor = 16 : i64, sc.parallel_access}
    %dma_start3A_268 = arith.constant 0 : i32
    %dma_start3A_269 = tpu.memref_slice %arg15[%dma_start3A_268] : memref<12288xf32, #tpu.memory_space<vmem>> -> memref<4096xf32, #tpu.memory_space<vmem>>
    %dma_start3A_270 = arith.constant 0 : i32
    %dma_start3A_271 = tpu.memref_slice %arg11[%add3A_254, %dma_start3A_270] : memref<192x16384xf32, #tpu.memory_space<hbm>> -> memref<1x4096xf32, #tpu.memory_space<hbm>>
    %dma_start3A_272 = tpu.memref_squeeze %dma_start3A_271 : memref<1x4096xf32, #tpu.memory_space<hbm>> -> memref<4096xf32, #tpu.memory_space<hbm>>
    %dma_start3A_273 = arith.constant 0 : i32
    %dma_start3A_274 = tpu.memref_slice %arg11[%add3A_254, %dma_start3A_273] : memref<192x16384xf32, #tpu.memory_space<hbm>> -> memref<1x4096xf32, #tpu.memory_space<hbm>>
    %dma_start3A_275 = tpu.memref_squeeze %dma_start3A_274 : memref<1x4096xf32, #tpu.memory_space<hbm>> -> memref<4096xf32, #tpu.memory_space<hbm>>
    %dma_start3A_276 = arith.constant 0 : i32
    %dma_start3A_277 = tpu.memref_slice %arg15[%dma_start3A_276] : memref<12288xf32, #tpu.memory_space<vmem>> -> memref<4096xf32, #tpu.memory_space<vmem>>
    tpu.enqueue_dma source(%dma_start3A_277 : memref<4096xf32, #tpu.memory_space<vmem>>) target(%dma_start3A_275 : memref<4096xf32, #tpu.memory_space<hbm>>) target_semaphore(%arg18 : memref<!tpu.dma_semaphore, #tpu.memory_space<semaphore_mem>>)
    %dma_wait3A_278 = arith.constant 4096 : i32
    %dma_wait3A_279 = tpu.memref_slice %arg15[%dma_wait3A_278] : memref<12288xf32, #tpu.memory_space<vmem>> -> memref<4096xf32, #tpu.memory_space<vmem>>
    %dma_wait3A_280 = arith.constant 4096 : i32
    %dma_wait3A_281 = tpu.memref_slice %arg11[%add3A_143, %dma_wait3A_280] : memref<192x16384xf32, #tpu.memory_space<hbm>> -> memref<1x4096xf32, #tpu.memory_space<hbm>>
    %dma_wait3A_282 = tpu.memref_squeeze %dma_wait3A_281 : memref<1x4096xf32, #tpu.memory_space<hbm>> -> memref<4096xf32, #tpu.memory_space<hbm>>
    %dma_wait3A_283 = arith.constant 4096 : i32
    %dma_wait3A_284 = tpu.memref_slice %arg11[%add3A_143, %dma_wait3A_283] : memref<192x16384xf32, #tpu.memory_space<hbm>> -> memref<1x4096xf32, #tpu.memory_space<hbm>>
    %dma_wait3A_285 = tpu.memref_squeeze %dma_wait3A_284 : memref<1x4096xf32, #tpu.memory_space<hbm>> -> memref<4096xf32, #tpu.memory_space<hbm>>
    %dma_wait3A_286 = arith.constant 4096 : i32
    %dma_wait3A_287 = tpu.memref_slice %arg15[%dma_wait3A_286] : memref<12288xf32, #tpu.memory_space<vmem>> -> memref<4096xf32, #tpu.memory_space<vmem>>
    tpu.wait_dma2 semaphore(%arg19 : memref<!tpu.dma_semaphore, #tpu.memory_space<semaphore_mem>>) src(%dma_wait3A_287 : memref<4096xf32, #tpu.memory_space<vmem>>) dst(%dma_wait3A_285 : memref<4096xf32, #tpu.memory_space<hbm>>)
    %parallel_loop3A_288 = arith.constant 0 : i32
    %parallel_loop3A_289 = arith.constant 256 : i32
    %parallel_loop3A_290 = arith.constant 1 : i32
    scf.for %parallel_loop3A_710 = %parallel_loop3A_288 to %parallel_loop3A_289 step %parallel_loop3A_290  : i32 {
      %parallel_loop3A_711 = arith.constant 16 : i32
      %parallel_loop3A_712 = arith.muli %parallel_loop3A_710, %parallel_loop3A_711 : i32
      %parallel_loop3A_713 = arith.constant 4096 : i32
      %parallel_loop3A_714 = arith.addi %parallel_loop3A_713, %parallel_loop3A_712 : i32
      %parallel_loop3A_715 = arith.index_cast %parallel_loop3A_714 : i32 to index
      %parallel_loop3A_716 = tpu.vector_load %arg13[%parallel_loop3A_715] {strides = array<i32>} : memref<16384xi32, #tpu.memory_space<vmem>>, vector<16xi32>,
      %parallel_loop3A_717 = tpu.vector_load_idx %arg12[%parallel_loop3A_716] : memref<100000xf32, #tpu.memory_space<vmem>>[vector<16xi32>], vector<16xf32>,
      %parallel_loop3A_718 = arith.addf %parallel_loop3A_717, %gather3A_252 : vector<16xf32>
      %parallel_loop3A_719 = arith.constant 16 : i32
      %parallel_loop3A_720 = arith.muli %parallel_loop3A_710, %parallel_loop3A_719 : i32
      %parallel_loop3A_721 = arith.constant 4096 : i32
      %parallel_loop3A_722 = arith.addi %parallel_loop3A_721, %parallel_loop3A_720 : i32
      %parallel_loop3A_723 = arith.index_cast %parallel_loop3A_722 : i32 to index
      %parallel_loop3A_724 = tpu.vector_load %arg15[%parallel_loop3A_723] {strides = array<i32>} : memref<12288xf32, #tpu.memory_space<vmem>>, vector<16xf32>,
      tpu.vector_store %arg15[%parallel_loop3A_723], %parallel_loop3A_718 {strides = array<i32>} : memref<12288xf32, #tpu.memory_space<vmem>>, vector<16xf32>,
    } {sc.loop_unroll_factor = 16 : i64, sc.parallel_access}
    %dma_start3A_291 = arith.constant 4096 : i32
    %dma_start3A_292 = tpu.memref_slice %arg15[%dma_start3A_291] : memref<12288xf32, #tpu.memory_space<vmem>> -> memref<4096xf32, #tpu.memory_space<vmem>>
    %dma_start3A_293 = arith.constant 4096 : i32
    %dma_start3A_294 = tpu.memref_slice %arg11[%add3A_254, %dma_start3A_293] : memref<192x16384xf32, #tpu.memory_space<hbm>> -> memref<1x4096xf32, #tpu.memory_space<hbm>>
    %dma_start3A_295 = tpu.memref_squeeze %dma_start3A_294 : memref<1x4096xf32, #tpu.memory_space<hbm>> -> memref<4096xf32, #tpu.memory_space<hbm>>
    %dma_start3A_296 = arith.constant 4096 : i32
    %dma_start3A_297 = tpu.memref_slice %arg11[%add3A_254, %dma_start3A_296] : memref<192x16384xf32, #tpu.memory_space<hbm>> -> memref<1x4096xf32, #tpu.memory_space<hbm>>
    %dma_start3A_298 = tpu.memref_squeeze %dma_start3A_297 : memref<1x4096xf32, #tpu.memory_space<hbm>> -> memref<4096xf32, #tpu.memory_space<hbm>>
    %dma_start3A_299 = arith.constant 4096 : i32
    %dma_start3A_300 = tpu.memref_slice %arg15[%dma_start3A_299] : memref<12288xf32, #tpu.memory_space<vmem>> -> memref<4096xf32, #tpu.memory_space<vmem>>
    tpu.enqueue_dma source(%dma_start3A_300 : memref<4096xf32, #tpu.memory_space<vmem>>) target(%dma_start3A_298 : memref<4096xf32, #tpu.memory_space<hbm>>) target_semaphore(%arg19 : memref<!tpu.dma_semaphore, #tpu.memory_space<semaphore_mem>>)
    %dma_wait3A_301 = arith.constant 8192 : i32
    %dma_wait3A_302 = tpu.memref_slice %arg15[%dma_wait3A_301] : memref<12288xf32, #tpu.memory_space<vmem>> -> memref<4096xf32, #tpu.memory_space<vmem>>
    %dma_wait3A_303 = arith.constant 8192 : i32
    %dma_wait3A_304 = tpu.memref_slice %arg11[%add3A_143, %dma_wait3A_303] : memref<192x16384xf32, #tpu.memory_space<hbm>> -> memref<1x4096xf32, #tpu.memory_space<hbm>>
    %dma_wait3A_305 = tpu.memref_squeeze %dma_wait3A_304 : memref<1x4096xf32, #tpu.memory_space<hbm>> -> memref<4096xf32, #tpu.memory_space<hbm>>
    %dma_wait3A_306 = arith.constant 8192 : i32
    %dma_wait3A_307 = tpu.memref_slice %arg11[%add3A_143, %dma_wait3A_306] : memref<192x16384xf32, #tpu.memory_space<hbm>> -> memref<1x4096xf32, #tpu.memory_space<hbm>>
    %dma_wait3A_308 = tpu.memref_squeeze %dma_wait3A_307 : memref<1x4096xf32, #tpu.memory_space<hbm>> -> memref<4096xf32, #tpu.memory_space<hbm>>
    %dma_wait3A_309 = arith.constant 8192 : i32
    %dma_wait3A_310 = tpu.memref_slice %arg15[%dma_wait3A_309] : memref<12288xf32, #tpu.memory_space<vmem>> -> memref<4096xf32, #tpu.memory_space<vmem>>
    tpu.wait_dma2 semaphore(%arg20 : memref<!tpu.dma_semaphore, #tpu.memory_space<semaphore_mem>>) src(%dma_wait3A_310 : memref<4096xf32, #tpu.memory_space<vmem>>) dst(%dma_wait3A_308 : memref<4096xf32, #tpu.memory_space<hbm>>)
    %parallel_loop3A_311 = arith.constant 0 : i32
    %parallel_loop3A_312 = arith.constant 256 : i32
    %parallel_loop3A_313 = arith.constant 1 : i32
    scf.for %parallel_loop3A_710 = %parallel_loop3A_311 to %parallel_loop3A_312 step %parallel_loop3A_313  : i32 {
      %parallel_loop3A_711 = arith.constant 16 : i32
      %parallel_loop3A_712 = arith.muli %parallel_loop3A_710, %parallel_loop3A_711 : i32
      %parallel_loop3A_713 = arith.constant 8192 : i32
      %parallel_loop3A_714 = arith.addi %parallel_loop3A_713, %parallel_loop3A_712 : i32
      %parallel_loop3A_715 = arith.index_cast %parallel_loop3A_714 : i32 to index
      %parallel_loop3A_716 = tpu.vector_load %arg13[%parallel_loop3A_715] {strides = array<i32>} : memref<16384xi32, #tpu.memory_space<vmem>>, vector<16xi32>,
      %parallel_loop3A_717 = tpu.vector_load_idx %arg12[%parallel_loop3A_716] : memref<100000xf32, #tpu.memory_space<vmem>>[vector<16xi32>], vector<16xf32>,
      %parallel_loop3A_718 = arith.addf %parallel_loop3A_717, %gather3A_252 : vector<16xf32>
      %parallel_loop3A_719 = arith.constant 16 : i32
      %parallel_loop3A_720 = arith.muli %parallel_loop3A_710, %parallel_loop3A_719 : i32
      %parallel_loop3A_721 = arith.constant 8192 : i32
      %parallel_loop3A_722 = arith.addi %parallel_loop3A_721, %parallel_loop3A_720 : i32
      %parallel_loop3A_723 = arith.index_cast %parallel_loop3A_722 : i32 to index
      %parallel_loop3A_724 = tpu.vector_load %arg15[%parallel_loop3A_723] {strides = array<i32>} : memref<12288xf32, #tpu.memory_space<vmem>>, vector<16xf32>,
      tpu.vector_store %arg15[%parallel_loop3A_723], %parallel_loop3A_718 {strides = array<i32>} : memref<12288xf32, #tpu.memory_space<vmem>>, vector<16xf32>,
    } {sc.loop_unroll_factor = 16 : i64, sc.parallel_access}
    %dma_start3A_314 = arith.constant 8192 : i32
    %dma_start3A_315 = tpu.memref_slice %arg15[%dma_start3A_314] : memref<12288xf32, #tpu.memory_space<vmem>> -> memref<4096xf32, #tpu.memory_space<vmem>>
    %dma_start3A_316 = arith.constant 8192 : i32
    %dma_start3A_317 = tpu.memref_slice %arg11[%add3A_254, %dma_start3A_316] : memref<192x16384xf32, #tpu.memory_space<hbm>> -> memref<1x4096xf32, #tpu.memory_space<hbm>>
    %dma_start3A_318 = tpu.memref_squeeze %dma_start3A_317 : memref<1x4096xf32, #tpu.memory_space<hbm>> -> memref<4096xf32, #tpu.memory_space<hbm>>
    %dma_start3A_319 = arith.constant 8192 : i32
    %dma_start3A_320 = tpu.memref_slice %arg11[%add3A_254, %dma_start3A_319] : memref<192x16384xf32, #tpu.memory_space<hbm>> -> memref<1x4096xf32, #tpu.memory_space<hbm>>
    %dma_start3A_321 = tpu.memref_squeeze %dma_start3A_320 : memref<1x4096xf32, #tpu.memory_space<hbm>> -> memref<4096xf32, #tpu.memory_space<hbm>>
    %dma_start3A_322 = arith.constant 8192 : i32
    %dma_start3A_323 = tpu.memref_slice %arg15[%dma_start3A_322] : memref<12288xf32, #tpu.memory_space<vmem>> -> memref<4096xf32, #tpu.memory_space<vmem>>
    tpu.enqueue_dma source(%dma_start3A_323 : memref<4096xf32, #tpu.memory_space<vmem>>) target(%dma_start3A_321 : memref<4096xf32, #tpu.memory_space<hbm>>) target_semaphore(%arg20 : memref<!tpu.dma_semaphore, #tpu.memory_space<semaphore_mem>>)
    %dma_wait3A_324 = arith.constant 0 : i32
    %dma_wait3A_325 = tpu.memref_slice %arg15[%dma_wait3A_324] : memref<12288xf32, #tpu.memory_space<vmem>> -> memref<4096xf32, #tpu.memory_space<vmem>>
    %dma_wait3A_326 = arith.constant 0 : i32
    %dma_wait3A_327 = tpu.memref_slice %arg11[%add3A_254, %dma_wait3A_326] : memref<192x16384xf32, #tpu.memory_space<hbm>> -> memref<1x4096xf32, #tpu.memory_space<hbm>>
    %dma_wait3A_328 = tpu.memref_squeeze %dma_wait3A_327 : memref<1x4096xf32, #tpu.memory_space<hbm>> -> memref<4096xf32, #tpu.memory_space<hbm>>
    %dma_wait3A_329 = arith.constant 0 : i32
    %dma_wait3A_330 = tpu.memref_slice %arg11[%add3A_254, %dma_wait3A_329] : memref<192x16384xf32, #tpu.memory_space<hbm>> -> memref<1x4096xf32, #tpu.memory_space<hbm>>
    %dma_wait3A_331 = tpu.memref_squeeze %dma_wait3A_330 : memref<1x4096xf32, #tpu.memory_space<hbm>> -> memref<4096xf32, #tpu.memory_space<hbm>>
    %dma_wait3A_332 = arith.constant 0 : i32
    %dma_wait3A_333 = tpu.memref_slice %arg15[%dma_wait3A_332] : memref<12288xf32, #tpu.memory_space<vmem>> -> memref<4096xf32, #tpu.memory_space<vmem>>
    tpu.wait_dma2 semaphore(%arg18 : memref<!tpu.dma_semaphore, #tpu.memory_space<semaphore_mem>>) src(%dma_wait3A_333 : memref<4096xf32, #tpu.memory_space<vmem>>) dst(%dma_wait3A_331 : memref<4096xf32, #tpu.memory_space<hbm>>)
    %parallel_loop3A_334 = arith.constant 0 : i32
    %parallel_loop3A_335 = arith.constant 256 : i32
    %parallel_loop3A_336 = arith.constant 1 : i32
    scf.for %parallel_loop3A_710 = %parallel_loop3A_334 to %parallel_loop3A_335 step %parallel_loop3A_336  : i32 {
      %parallel_loop3A_711 = arith.constant 16 : i32
      %parallel_loop3A_712 = arith.muli %parallel_loop3A_710, %parallel_loop3A_711 : i32
      %parallel_loop3A_713 = arith.constant 12288 : i32
      %parallel_loop3A_714 = arith.addi %parallel_loop3A_713, %parallel_loop3A_712 : i32
      %parallel_loop3A_715 = arith.index_cast %parallel_loop3A_714 : i32 to index
      %parallel_loop3A_716 = tpu.vector_load %arg13[%parallel_loop3A_715] {strides = array<i32>} : memref<16384xi32, #tpu.memory_space<vmem>>, vector<16xi32>,
      %parallel_loop3A_717 = tpu.vector_load_idx %arg12[%parallel_loop3A_716] : memref<100000xf32, #tpu.memory_space<vmem>>[vector<16xi32>], vector<16xf32>,
      %parallel_loop3A_718 = arith.addf %parallel_loop3A_717, %gather3A_252 : vector<16xf32>
      %parallel_loop3A_719 = arith.constant 16 : i32
      %parallel_loop3A_720 = arith.muli %parallel_loop3A_710, %parallel_loop3A_719 : i32
      %parallel_loop3A_721 = arith.constant 0 : i32
      %parallel_loop3A_722 = arith.addi %parallel_loop3A_721, %parallel_loop3A_720 : i32
      %parallel_loop3A_723 = arith.index_cast %parallel_loop3A_722 : i32 to index
      %parallel_loop3A_724 = tpu.vector_load %arg15[%parallel_loop3A_723] {strides = array<i32>} : memref<12288xf32, #tpu.memory_space<vmem>>, vector<16xf32>,
      tpu.vector_store %arg15[%parallel_loop3A_723], %parallel_loop3A_718 {strides = array<i32>} : memref<12288xf32, #tpu.memory_space<vmem>>, vector<16xf32>,
    } {sc.loop_unroll_factor = 16 : i64, sc.parallel_access}
    %dma_start3A_337 = arith.constant 0 : i32
    %dma_start3A_338 = tpu.memref_slice %arg15[%dma_start3A_337] : memref<12288xf32, #tpu.memory_space<vmem>> -> memref<4096xf32, #tpu.memory_space<vmem>>
    %dma_start3A_339 = arith.constant 12288 : i32
    %dma_start3A_340 = tpu.memref_slice %arg11[%add3A_254, %dma_start3A_339] : memref<192x16384xf32, #tpu.memory_space<hbm>> -> memref<1x4096xf32, #tpu.memory_space<hbm>>
    %dma_start3A_341 = tpu.memref_squeeze %dma_start3A_340 : memref<1x4096xf32, #tpu.memory_space<hbm>> -> memref<4096xf32, #tpu.memory_space<hbm>>
    %dma_start3A_342 = arith.constant 12288 : i32
    %dma_start3A_343 = tpu.memref_slice %arg11[%add3A_254, %dma_start3A_342] : memref<192x16384xf32, #tpu.memory_space<hbm>> -> memref<1x4096xf32, #tpu.memory_space<hbm>>
    %dma_start3A_344 = tpu.memref_squeeze %dma_start3A_343 : memref<1x4096xf32, #tpu.memory_space<hbm>> -> memref<4096xf32, #tpu.memory_space<hbm>>
    %dma_start3A_345 = arith.constant 0 : i32
    %dma_start3A_346 = tpu.memref_slice %arg15[%dma_start3A_345] : memref<12288xf32, #tpu.memory_space<vmem>> -> memref<4096xf32, #tpu.memory_space<vmem>>
    tpu.enqueue_dma source(%dma_start3A_346 : memref<4096xf32, #tpu.memory_space<vmem>>) target(%dma_start3A_344 : memref<4096xf32, #tpu.memory_space<hbm>>) target_semaphore(%arg18 : memref<!tpu.dma_semaphore, #tpu.memory_space<semaphore_mem>>)
    %dma_start3A_347 = arith.constant 0 : i32
    %dma_start3A_348 = tpu.memref_slice %arg6[%add3A_16, %dma_start3A_347] : memref<64x100000xf32, #tpu.memory_space<hbm>> -> memref<1x100000xf32, #tpu.memory_space<hbm>>
    %dma_start3A_349 = tpu.memref_squeeze %dma_start3A_348 : memref<1x100000xf32, #tpu.memory_space<hbm>> -> memref<100000xf32, #tpu.memory_space<hbm>>
    %dma_start3A_350 = arith.constant 0 : i32
    %dma_start3A_351 = tpu.memref_slice %arg6[%add3A_16, %dma_start3A_350] : memref<64x100000xf32, #tpu.memory_space<hbm>> -> memref<1x100000xf32, #tpu.memory_space<hbm>>
    %dma_start3A_352 = tpu.memref_squeeze %dma_start3A_351 : memref<1x100000xf32, #tpu.memory_space<hbm>> -> memref<100000xf32, #tpu.memory_space<hbm>>
    tpu.enqueue_dma source(%dma_start3A_352 : memref<100000xf32, #tpu.memory_space<hbm>>) target(%arg12 : memref<100000xf32, #tpu.memory_space<vmem>>) target_semaphore(%arg16 : memref<!tpu.dma_semaphore, #tpu.memory_space<semaphore_mem>>)
    %dma_wait3A_353 = arith.constant 0 : i32
    %dma_wait3A_354 = tpu.memref_slice %arg6[%add3A_16, %dma_wait3A_353] : memref<64x100000xf32, #tpu.memory_space<hbm>> -> memref<1x100000xf32, #tpu.memory_space<hbm>>
    %dma_wait3A_355 = tpu.memref_squeeze %dma_wait3A_354 : memref<1x100000xf32, #tpu.memory_space<hbm>> -> memref<100000xf32, #tpu.memory_space<hbm>>
    %dma_wait3A_356 = arith.constant 0 : i32
    %dma_wait3A_357 = tpu.memref_slice %arg6[%add3A_16, %dma_wait3A_356] : memref<64x100000xf32, #tpu.memory_space<hbm>> -> memref<1x100000xf32, #tpu.memory_space<hbm>>
    %dma_wait3A_358 = tpu.memref_squeeze %dma_wait3A_357 : memref<1x100000xf32, #tpu.memory_space<hbm>> -> memref<100000xf32, #tpu.memory_space<hbm>>
    tpu.wait_dma2 semaphore(%arg16 : memref<!tpu.dma_semaphore, #tpu.memory_space<semaphore_mem>>) src(%dma_wait3A_358 : memref<100000xf32, #tpu.memory_space<hbm>>) dst(%arg12 : memref<100000xf32, #tpu.memory_space<vmem>>)
    %broadcast_in_dim3A_359 = arith.constant 64 : i32
    %broadcast_in_dim3A_360 = vector.broadcast %broadcast_in_dim3A_359 : i32 to vector<16xi32>
    %add3A_361 = vector.broadcast %add3A_16 : i32 to vector<16xi32>
    %add3A_362 = arith.addi %broadcast_in_dim3A_360, %add3A_361 : vector<16xi32>
    %gather3A_363 = tpu.vector_load_idx %arg14[%add3A_362] : memref<192xf32, #tpu.memory_space<vmem>>[vector<16xi32>], vector<16xf32>,
    %add3A_364 = arith.constant 64 : i32
    %add3A_365 = arith.addi %add3A_364, %add3A_16 : i32
    %dma_wait3A_366 = arith.constant 0 : i32
    %dma_wait3A_367 = tpu.memref_slice %arg15[%dma_wait3A_366] : memref<12288xf32, #tpu.memory_space<vmem>> -> memref<4096xf32, #tpu.memory_space<vmem>>
    %dma_wait3A_368 = arith.constant 12288 : i32
    %dma_wait3A_369 = tpu.memref_slice %arg11[%add3A_254, %dma_wait3A_368] : memref<192x16384xf32, #tpu.memory_space<hbm>> -> memref<1x4096xf32, #tpu.memory_space<hbm>>
    %dma_wait3A_370 = tpu.memref_squeeze %dma_wait3A_369 : memref<1x4096xf32, #tpu.memory_space<hbm>> -> memref<4096xf32, #tpu.memory_space<hbm>>
    %dma_wait3A_371 = arith.constant 12288 : i32
    %dma_wait3A_372 = tpu.memref_slice %arg11[%add3A_254, %dma_wait3A_371] : memref<192x16384xf32, #tpu.memory_space<hbm>> -> memref<1x4096xf32, #tpu.memory_space<hbm>>
    %dma_wait3A_373 = tpu.memref_squeeze %dma_wait3A_372 : memref<1x4096xf32, #tpu.memory_space<hbm>> -> memref<4096xf32, #tpu.memory_space<hbm>>
    %dma_wait3A_374 = arith.constant 0 : i32
    %dma_wait3A_375 = tpu.memref_slice %arg15[%dma_wait3A_374] : memref<12288xf32, #tpu.memory_space<vmem>> -> memref<4096xf32, #tpu.memory_space<vmem>>
    tpu.wait_dma2 semaphore(%arg18 : memref<!tpu.dma_semaphore, #tpu.memory_space<semaphore_mem>>) src(%dma_wait3A_375 : memref<4096xf32, #tpu.memory_space<vmem>>) dst(%dma_wait3A_373 : memref<4096xf32, #tpu.memory_space<hbm>>)
    %parallel_loop3A_376 = arith.constant 0 : i32
    %parallel_loop3A_377 = arith.constant 256 : i32
    %parallel_loop3A_378 = arith.constant 1 : i32
    scf.for %parallel_loop3A_710 = %parallel_loop3A_376 to %parallel_loop3A_377 step %parallel_loop3A_378  : i32 {
      %parallel_loop3A_711 = arith.constant 16 : i32
      %parallel_loop3A_712 = arith.muli %parallel_loop3A_710, %parallel_loop3A_711 : i32
      %parallel_loop3A_713 = arith.constant 0 : i32
      %parallel_loop3A_714 = arith.addi %parallel_loop3A_713, %parallel_loop3A_712 : i32
      %parallel_loop3A_715 = arith.index_cast %parallel_loop3A_714 : i32 to index
      %parallel_loop3A_716 = tpu.vector_load %arg13[%parallel_loop3A_715] {strides = array<i32>} : memref<16384xi32, #tpu.memory_space<vmem>>, vector<16xi32>,
      %parallel_loop3A_717 = tpu.vector_load_idx %arg12[%parallel_loop3A_716] : memref<100000xf32, #tpu.memory_space<vmem>>[vector<16xi32>], vector<16xf32>,
      %parallel_loop3A_718 = arith.addf %parallel_loop3A_717, %gather3A_363 : vector<16xf32>
      %parallel_loop3A_719 = arith.constant 16 : i32
      %parallel_loop3A_720 = arith.muli %parallel_loop3A_710, %parallel_loop3A_719 : i32
      %parallel_loop3A_721 = arith.constant 0 : i32
      %parallel_loop3A_722 = arith.addi %parallel_loop3A_721, %parallel_loop3A_720 : i32
      %parallel_loop3A_723 = arith.index_cast %parallel_loop3A_722 : i32 to index
      %parallel_loop3A_724 = tpu.vector_load %arg15[%parallel_loop3A_723] {strides = array<i32>} : memref<12288xf32, #tpu.memory_space<vmem>>, vector<16xf32>,
      tpu.vector_store %arg15[%parallel_loop3A_723], %parallel_loop3A_718 {strides = array<i32>} : memref<12288xf32, #tpu.memory_space<vmem>>, vector<16xf32>,
    } {sc.loop_unroll_factor = 16 : i64, sc.parallel_access}
    %dma_start3A_379 = arith.constant 0 : i32
    %dma_start3A_380 = tpu.memref_slice %arg15[%dma_start3A_379] : memref<12288xf32, #tpu.memory_space<vmem>> -> memref<4096xf32, #tpu.memory_space<vmem>>
    %dma_start3A_381 = arith.constant 0 : i32
    %dma_start3A_382 = tpu.memref_slice %arg11[%add3A_365, %dma_start3A_381] : memref<192x16384xf32, #tpu.memory_space<hbm>> -> memref<1x4096xf32, #tpu.memory_space<hbm>>
    %dma_start3A_383 = tpu.memref_squeeze %dma_start3A_382 : memref<1x4096xf32, #tpu.memory_space<hbm>> -> memref<4096xf32, #tpu.memory_space<hbm>>
    %dma_start3A_384 = arith.constant 0 : i32
    %dma_start3A_385 = tpu.memref_slice %arg11[%add3A_365, %dma_start3A_384] : memref<192x16384xf32, #tpu.memory_space<hbm>> -> memref<1x4096xf32, #tpu.memory_space<hbm>>
    %dma_start3A_386 = tpu.memref_squeeze %dma_start3A_385 : memref<1x4096xf32, #tpu.memory_space<hbm>> -> memref<4096xf32, #tpu.memory_space<hbm>>
    %dma_start3A_387 = arith.constant 0 : i32
    %dma_start3A_388 = tpu.memref_slice %arg15[%dma_start3A_387] : memref<12288xf32, #tpu.memory_space<vmem>> -> memref<4096xf32, #tpu.memory_space<vmem>>
    tpu.enqueue_dma source(%dma_start3A_388 : memref<4096xf32, #tpu.memory_space<vmem>>) target(%dma_start3A_386 : memref<4096xf32, #tpu.memory_space<hbm>>) target_semaphore(%arg18 : memref<!tpu.dma_semaphore, #tpu.memory_space<semaphore_mem>>)
    %dma_wait3A_389 = arith.constant 4096 : i32
    %dma_wait3A_390 = tpu.memref_slice %arg15[%dma_wait3A_389] : memref<12288xf32, #tpu.memory_space<vmem>> -> memref<4096xf32, #tpu.memory_space<vmem>>
    %dma_wait3A_391 = arith.constant 4096 : i32
    %dma_wait3A_392 = tpu.memref_slice %arg11[%add3A_254, %dma_wait3A_391] : memref<192x16384xf32, #tpu.memory_space<hbm>> -> memref<1x4096xf32, #tpu.memory_space<hbm>>
    %dma_wait3A_393 = tpu.memref_squeeze %dma_wait3A_392 : memref<1x4096xf32, #tpu.memory_space<hbm>> -> memref<4096xf32, #tpu.memory_space<hbm>>
    %dma_wait3A_394 = arith.constant 4096 : i32
    %dma_wait3A_395 = tpu.memref_slice %arg11[%add3A_254, %dma_wait3A_394] : memref<192x16384xf32, #tpu.memory_space<hbm>> -> memref<1x4096xf32, #tpu.memory_space<hbm>>
    %dma_wait3A_396 = tpu.memref_squeeze %dma_wait3A_395 : memref<1x4096xf32, #tpu.memory_space<hbm>> -> memref<4096xf32, #tpu.memory_space<hbm>>
    %dma_wait3A_397 = arith.constant 4096 : i32
    %dma_wait3A_398 = tpu.memref_slice %arg15[%dma_wait3A_397] : memref<12288xf32, #tpu.memory_space<vmem>> -> memref<4096xf32, #tpu.memory_space<vmem>>
    tpu.wait_dma2 semaphore(%arg19 : memref<!tpu.dma_semaphore, #tpu.memory_space<semaphore_mem>>) src(%dma_wait3A_398 : memref<4096xf32, #tpu.memory_space<vmem>>) dst(%dma_wait3A_396 : memref<4096xf32, #tpu.memory_space<hbm>>)
    %parallel_loop3A_399 = arith.constant 0 : i32
    %parallel_loop3A_400 = arith.constant 256 : i32
    %parallel_loop3A_401 = arith.constant 1 : i32
    scf.for %parallel_loop3A_710 = %parallel_loop3A_399 to %parallel_loop3A_400 step %parallel_loop3A_401  : i32 {
      %parallel_loop3A_711 = arith.constant 16 : i32
      %parallel_loop3A_712 = arith.muli %parallel_loop3A_710, %parallel_loop3A_711 : i32
      %parallel_loop3A_713 = arith.constant 4096 : i32
      %parallel_loop3A_714 = arith.addi %parallel_loop3A_713, %parallel_loop3A_712 : i32
      %parallel_loop3A_715 = arith.index_cast %parallel_loop3A_714 : i32 to index
      %parallel_loop3A_716 = tpu.vector_load %arg13[%parallel_loop3A_715] {strides = array<i32>} : memref<16384xi32, #tpu.memory_space<vmem>>, vector<16xi32>,
      %parallel_loop3A_717 = tpu.vector_load_idx %arg12[%parallel_loop3A_716] : memref<100000xf32, #tpu.memory_space<vmem>>[vector<16xi32>], vector<16xf32>,
      %parallel_loop3A_718 = arith.addf %parallel_loop3A_717, %gather3A_363 : vector<16xf32>
      %parallel_loop3A_719 = arith.constant 16 : i32
      %parallel_loop3A_720 = arith.muli %parallel_loop3A_710, %parallel_loop3A_719 : i32
      %parallel_loop3A_721 = arith.constant 4096 : i32
      %parallel_loop3A_722 = arith.addi %parallel_loop3A_721, %parallel_loop3A_720 : i32
      %parallel_loop3A_723 = arith.index_cast %parallel_loop3A_722 : i32 to index
      %parallel_loop3A_724 = tpu.vector_load %arg15[%parallel_loop3A_723] {strides = array<i32>} : memref<12288xf32, #tpu.memory_space<vmem>>, vector<16xf32>,
      tpu.vector_store %arg15[%parallel_loop3A_723], %parallel_loop3A_718 {strides = array<i32>} : memref<12288xf32, #tpu.memory_space<vmem>>, vector<16xf32>,
    } {sc.loop_unroll_factor = 16 : i64, sc.parallel_access}
    %dma_start3A_402 = arith.constant 4096 : i32
    %dma_start3A_403 = tpu.memref_slice %arg15[%dma_start3A_402] : memref<12288xf32, #tpu.memory_space<vmem>> -> memref<4096xf32, #tpu.memory_space<vmem>>
    %dma_start3A_404 = arith.constant 4096 : i32
    %dma_start3A_405 = tpu.memref_slice %arg11[%add3A_365, %dma_start3A_404] : memref<192x16384xf32, #tpu.memory_space<hbm>> -> memref<1x4096xf32, #tpu.memory_space<hbm>>
    %dma_start3A_406 = tpu.memref_squeeze %dma_start3A_405 : memref<1x4096xf32, #tpu.memory_space<hbm>> -> memref<4096xf32, #tpu.memory_space<hbm>>
    %dma_start3A_407 = arith.constant 4096 : i32
    %dma_start3A_408 = tpu.memref_slice %arg11[%add3A_365, %dma_start3A_407] : memref<192x16384xf32, #tpu.memory_space<hbm>> -> memref<1x4096xf32, #tpu.memory_space<hbm>>
    %dma_start3A_409 = tpu.memref_squeeze %dma_start3A_408 : memref<1x4096xf32, #tpu.memory_space<hbm>> -> memref<4096xf32, #tpu.memory_space<hbm>>
    %dma_start3A_410 = arith.constant 4096 : i32
    %dma_start3A_411 = tpu.memref_slice %arg15[%dma_start3A_410] : memref<12288xf32, #tpu.memory_space<vmem>> -> memref<4096xf32, #tpu.memory_space<vmem>>
    tpu.enqueue_dma source(%dma_start3A_411 : memref<4096xf32, #tpu.memory_space<vmem>>) target(%dma_start3A_409 : memref<4096xf32, #tpu.memory_space<hbm>>) target_semaphore(%arg19 : memref<!tpu.dma_semaphore, #tpu.memory_space<semaphore_mem>>)
    %dma_wait3A_412 = arith.constant 8192 : i32
    %dma_wait3A_413 = tpu.memref_slice %arg15[%dma_wait3A_412] : memref<12288xf32, #tpu.memory_space<vmem>> -> memref<4096xf32, #tpu.memory_space<vmem>>
    %dma_wait3A_414 = arith.constant 8192 : i32
    %dma_wait3A_415 = tpu.memref_slice %arg11[%add3A_254, %dma_wait3A_414] : memref<192x16384xf32, #tpu.memory_space<hbm>> -> memref<1x4096xf32, #tpu.memory_space<hbm>>
    %dma_wait3A_416 = tpu.memref_squeeze %dma_wait3A_415 : memref<1x4096xf32, #tpu.memory_space<hbm>> -> memref<4096xf32, #tpu.memory_space<hbm>>
    %dma_wait3A_417 = arith.constant 8192 : i32
    %dma_wait3A_418 = tpu.memref_slice %arg11[%add3A_254, %dma_wait3A_417] : memref<192x16384xf32, #tpu.memory_space<hbm>> -> memref<1x4096xf32, #tpu.memory_space<hbm>>
    %dma_wait3A_419 = tpu.memref_squeeze %dma_wait3A_418 : memref<1x4096xf32, #tpu.memory_space<hbm>> -> memref<4096xf32, #tpu.memory_space<hbm>>
    %dma_wait3A_420 = arith.constant 8192 : i32
    %dma_wait3A_421 = tpu.memref_slice %arg15[%dma_wait3A_420] : memref<12288xf32, #tpu.memory_space<vmem>> -> memref<4096xf32, #tpu.memory_space<vmem>>
    tpu.wait_dma2 semaphore(%arg20 : memref<!tpu.dma_semaphore, #tpu.memory_space<semaphore_mem>>) src(%dma_wait3A_421 : memref<4096xf32, #tpu.memory_space<vmem>>) dst(%dma_wait3A_419 : memref<4096xf32, #tpu.memory_space<hbm>>)
    %parallel_loop3A_422 = arith.constant 0 : i32
    %parallel_loop3A_423 = arith.constant 256 : i32
    %parallel_loop3A_424 = arith.constant 1 : i32
    scf.for %parallel_loop3A_710 = %parallel_loop3A_422 to %parallel_loop3A_423 step %parallel_loop3A_424  : i32 {
      %parallel_loop3A_711 = arith.constant 16 : i32
      %parallel_loop3A_712 = arith.muli %parallel_loop3A_710, %parallel_loop3A_711 : i32
      %parallel_loop3A_713 = arith.constant 8192 : i32
      %parallel_loop3A_714 = arith.addi %parallel_loop3A_713, %parallel_loop3A_712 : i32
      %parallel_loop3A_715 = arith.index_cast %parallel_loop3A_714 : i32 to index
      %parallel_loop3A_716 = tpu.vector_load %arg13[%parallel_loop3A_715] {strides = array<i32>} : memref<16384xi32, #tpu.memory_space<vmem>>, vector<16xi32>,
      %parallel_loop3A_717 = tpu.vector_load_idx %arg12[%parallel_loop3A_716] : memref<100000xf32, #tpu.memory_space<vmem>>[vector<16xi32>], vector<16xf32>,
      %parallel_loop3A_718 = arith.addf %parallel_loop3A_717, %gather3A_363 : vector<16xf32>
      %parallel_loop3A_719 = arith.constant 16 : i32
      %parallel_loop3A_720 = arith.muli %parallel_loop3A_710, %parallel_loop3A_719 : i32
      %parallel_loop3A_721 = arith.constant 8192 : i32
      %parallel_loop3A_722 = arith.addi %parallel_loop3A_721, %parallel_loop3A_720 : i32
      %parallel_loop3A_723 = arith.index_cast %parallel_loop3A_722 : i32 to index
      %parallel_loop3A_724 = tpu.vector_load %arg15[%parallel_loop3A_723] {strides = array<i32>} : memref<12288xf32, #tpu.memory_space<vmem>>, vector<16xf32>,
      tpu.vector_store %arg15[%parallel_loop3A_723], %parallel_loop3A_718 {strides = array<i32>} : memref<12288xf32, #tpu.memory_space<vmem>>, vector<16xf32>,
    } {sc.loop_unroll_factor = 16 : i64, sc.parallel_access}
    %dma_start3A_425 = arith.constant 8192 : i32
    %dma_start3A_426 = tpu.memref_slice %arg15[%dma_start3A_425] : memref<12288xf32, #tpu.memory_space<vmem>> -> memref<4096xf32, #tpu.memory_space<vmem>>
    %dma_start3A_427 = arith.constant 8192 : i32
    %dma_start3A_428 = tpu.memref_slice %arg11[%add3A_365, %dma_start3A_427] : memref<192x16384xf32, #tpu.memory_space<hbm>> -> memref<1x4096xf32, #tpu.memory_space<hbm>>
    %dma_start3A_429 = tpu.memref_squeeze %dma_start3A_428 : memref<1x4096xf32, #tpu.memory_space<hbm>> -> memref<4096xf32, #tpu.memory_space<hbm>>
    %dma_start3A_430 = arith.constant 8192 : i32
    %dma_start3A_431 = tpu.memref_slice %arg11[%add3A_365, %dma_start3A_430] : memref<192x16384xf32, #tpu.memory_space<hbm>> -> memref<1x4096xf32, #tpu.memory_space<hbm>>
    %dma_start3A_432 = tpu.memref_squeeze %dma_start3A_431 : memref<1x4096xf32, #tpu.memory_space<hbm>> -> memref<4096xf32, #tpu.memory_space<hbm>>
    %dma_start3A_433 = arith.constant 8192 : i32
    %dma_start3A_434 = tpu.memref_slice %arg15[%dma_start3A_433] : memref<12288xf32, #tpu.memory_space<vmem>> -> memref<4096xf32, #tpu.memory_space<vmem>>
    tpu.enqueue_dma source(%dma_start3A_434 : memref<4096xf32, #tpu.memory_space<vmem>>) target(%dma_start3A_432 : memref<4096xf32, #tpu.memory_space<hbm>>) target_semaphore(%arg20 : memref<!tpu.dma_semaphore, #tpu.memory_space<semaphore_mem>>)
    %dma_wait3A_435 = arith.constant 0 : i32
    %dma_wait3A_436 = tpu.memref_slice %arg15[%dma_wait3A_435] : memref<12288xf32, #tpu.memory_space<vmem>> -> memref<4096xf32, #tpu.memory_space<vmem>>
    %dma_wait3A_437 = arith.constant 0 : i32
    %dma_wait3A_438 = tpu.memref_slice %arg11[%add3A_365, %dma_wait3A_437] : memref<192x16384xf32, #tpu.memory_space<hbm>> -> memref<1x4096xf32, #tpu.memory_space<hbm>>
    %dma_wait3A_439 = tpu.memref_squeeze %dma_wait3A_438 : memref<1x4096xf32, #tpu.memory_space<hbm>> -> memref<4096xf32, #tpu.memory_space<hbm>>
    %dma_wait3A_440 = arith.constant 0 : i32
    %dma_wait3A_441 = tpu.memref_slice %arg11[%add3A_365, %dma_wait3A_440] : memref<192x16384xf32, #tpu.memory_space<hbm>> -> memref<1x4096xf32, #tpu.memory_space<hbm>>
    %dma_wait3A_442 = tpu.memref_squeeze %dma_wait3A_441 : memref<1x4096xf32, #tpu.memory_space<hbm>> -> memref<4096xf32, #tpu.memory_space<hbm>>
    %dma_wait3A_443 = arith.constant 0 : i32
    %dma_wait3A_444 = tpu.memref_slice %arg15[%dma_wait3A_443] : memref<12288xf32, #tpu.memory_space<vmem>> -> memref<4096xf32, #tpu.memory_space<vmem>>
    tpu.wait_dma2 semaphore(%arg18 : memref<!tpu.dma_semaphore, #tpu.memory_space<semaphore_mem>>) src(%dma_wait3A_444 : memref<4096xf32, #tpu.memory_space<vmem>>) dst(%dma_wait3A_442 : memref<4096xf32, #tpu.memory_space<hbm>>)
    %parallel_loop3A_445 = arith.constant 0 : i32
    %parallel_loop3A_446 = arith.constant 256 : i32
    %parallel_loop3A_447 = arith.constant 1 : i32
    scf.for %parallel_loop3A_710 = %parallel_loop3A_445 to %parallel_loop3A_446 step %parallel_loop3A_447  : i32 {
      %parallel_loop3A_711 = arith.constant 16 : i32
      %parallel_loop3A_712 = arith.muli %parallel_loop3A_710, %parallel_loop3A_711 : i32
      %parallel_loop3A_713 = arith.constant 12288 : i32
      %parallel_loop3A_714 = arith.addi %parallel_loop3A_713, %parallel_loop3A_712 : i32
      %parallel_loop3A_715 = arith.index_cast %parallel_loop3A_714 : i32 to index
      %parallel_loop3A_716 = tpu.vector_load %arg13[%parallel_loop3A_715] {strides = array<i32>} : memref<16384xi32, #tpu.memory_space<vmem>>, vector<16xi32>,
      %parallel_loop3A_717 = tpu.vector_load_idx %arg12[%parallel_loop3A_716] : memref<100000xf32, #tpu.memory_space<vmem>>[vector<16xi32>], vector<16xf32>,
      %parallel_loop3A_718 = arith.addf %parallel_loop3A_717, %gather3A_363 : vector<16xf32>
      %parallel_loop3A_719 = arith.constant 16 : i32
      %parallel_loop3A_720 = arith.muli %parallel_loop3A_710, %parallel_loop3A_719 : i32
      %parallel_loop3A_721 = arith.constant 0 : i32
      %parallel_loop3A_722 = arith.addi %parallel_loop3A_721, %parallel_loop3A_720 : i32
      %parallel_loop3A_723 = arith.index_cast %parallel_loop3A_722 : i32 to index
      %parallel_loop3A_724 = tpu.vector_load %arg15[%parallel_loop3A_723] {strides = array<i32>} : memref<12288xf32, #tpu.memory_space<vmem>>, vector<16xf32>,
      tpu.vector_store %arg15[%parallel_loop3A_723], %parallel_loop3A_718 {strides = array<i32>} : memref<12288xf32, #tpu.memory_space<vmem>>, vector<16xf32>,
    } {sc.loop_unroll_factor = 16 : i64, sc.parallel_access}
    %dma_start3A_448 = arith.constant 0 : i32
    %dma_start3A_449 = tpu.memref_slice %arg15[%dma_start3A_448] : memref<12288xf32, #tpu.memory_space<vmem>> -> memref<4096xf32, #tpu.memory_space<vmem>>
    %dma_start3A_450 = arith.constant 12288 : i32
    %dma_start3A_451 = tpu.memref_slice %arg11[%add3A_365, %dma_start3A_450] : memref<192x16384xf32, #tpu.memory_space<hbm>> -> memref<1x4096xf32, #tpu.memory_space<hbm>>
    %dma_start3A_452 = tpu.memref_squeeze %dma_start3A_451 : memref<1x4096xf32, #tpu.memory_space<hbm>> -> memref<4096xf32, #tpu.memory_space<hbm>>
    %dma_start3A_453 = arith.constant 12288 : i32
    %dma_start3A_454 = tpu.memref_slice %arg11[%add3A_365, %dma_start3A_453] : memref<192x16384xf32, #tpu.memory_space<hbm>> -> memref<1x4096xf32, #tpu.memory_space<hbm>>
    %dma_start3A_455 = tpu.memref_squeeze %dma_start3A_454 : memref<1x4096xf32, #tpu.memory_space<hbm>> -> memref<4096xf32, #tpu.memory_space<hbm>>
    %dma_start3A_456 = arith.constant 0 : i32
    %dma_start3A_457 = tpu.memref_slice %arg15[%dma_start3A_456] : memref<12288xf32, #tpu.memory_space<vmem>> -> memref<4096xf32, #tpu.memory_space<vmem>>
    tpu.enqueue_dma source(%dma_start3A_457 : memref<4096xf32, #tpu.memory_space<vmem>>) target(%dma_start3A_455 : memref<4096xf32, #tpu.memory_space<hbm>>) target_semaphore(%arg18 : memref<!tpu.dma_semaphore, #tpu.memory_space<semaphore_mem>>)
    %dma_start3A_458 = arith.constant 0 : i32
    %dma_start3A_459 = tpu.memref_slice %arg7[%add3A_20, %dma_start3A_458] : memref<64x100000xf32, #tpu.memory_space<hbm>> -> memref<1x100000xf32, #tpu.memory_space<hbm>>
    %dma_start3A_460 = tpu.memref_squeeze %dma_start3A_459 : memref<1x100000xf32, #tpu.memory_space<hbm>> -> memref<100000xf32, #tpu.memory_space<hbm>>
    %dma_start3A_461 = arith.constant 0 : i32
    %dma_start3A_462 = tpu.memref_slice %arg7[%add3A_20, %dma_start3A_461] : memref<64x100000xf32, #tpu.memory_space<hbm>> -> memref<1x100000xf32, #tpu.memory_space<hbm>>
    %dma_start3A_463 = tpu.memref_squeeze %dma_start3A_462 : memref<1x100000xf32, #tpu.memory_space<hbm>> -> memref<100000xf32, #tpu.memory_space<hbm>>
    tpu.enqueue_dma source(%dma_start3A_463 : memref<100000xf32, #tpu.memory_space<hbm>>) target(%arg12 : memref<100000xf32, #tpu.memory_space<vmem>>) target_semaphore(%arg16 : memref<!tpu.dma_semaphore, #tpu.memory_space<semaphore_mem>>)
    tpu.enqueue_dma source(%arg4 : memref<16384xi32, #tpu.memory_space<hbm>>) target(%arg13 : memref<16384xi32, #tpu.memory_space<vmem>>) target_semaphore(%arg17 : memref<!tpu.dma_semaphore, #tpu.memory_space<semaphore_mem>>)
    %dma_wait3A_464 = arith.constant 0 : i32
    %dma_wait3A_465 = tpu.memref_slice %arg7[%add3A_20, %dma_wait3A_464] : memref<64x100000xf32, #tpu.memory_space<hbm>> -> memref<1x100000xf32, #tpu.memory_space<hbm>>
    %dma_wait3A_466 = tpu.memref_squeeze %dma_wait3A_465 : memref<1x100000xf32, #tpu.memory_space<hbm>> -> memref<100000xf32, #tpu.memory_space<hbm>>
    %dma_wait3A_467 = arith.constant 0 : i32
    %dma_wait3A_468 = tpu.memref_slice %arg7[%add3A_20, %dma_wait3A_467] : memref<64x100000xf32, #tpu.memory_space<hbm>> -> memref<1x100000xf32, #tpu.memory_space<hbm>>
    %dma_wait3A_469 = tpu.memref_squeeze %dma_wait3A_468 : memref<1x100000xf32, #tpu.memory_space<hbm>> -> memref<100000xf32, #tpu.memory_space<hbm>>
    tpu.wait_dma2 semaphore(%arg16 : memref<!tpu.dma_semaphore, #tpu.memory_space<semaphore_mem>>) src(%dma_wait3A_469 : memref<100000xf32, #tpu.memory_space<hbm>>) dst(%arg12 : memref<100000xf32, #tpu.memory_space<vmem>>)
    tpu.wait_dma2 semaphore(%arg17 : memref<!tpu.dma_semaphore, #tpu.memory_space<semaphore_mem>>) src(%arg4 : memref<16384xi32, #tpu.memory_space<hbm>>) dst(%arg13 : memref<16384xi32, #tpu.memory_space<vmem>>)
    %broadcast_in_dim3A_470 = arith.constant 128 : i32
    %broadcast_in_dim3A_471 = vector.broadcast %broadcast_in_dim3A_470 : i32 to vector<16xi32>
    %add3A_472 = vector.broadcast %add3A_20 : i32 to vector<16xi32>
    %add3A_473 = arith.addi %broadcast_in_dim3A_471, %add3A_472 : vector<16xi32>
    %gather3A_474 = tpu.vector_load_idx %arg14[%add3A_473] : memref<192xf32, #tpu.memory_space<vmem>>[vector<16xi32>], vector<16xf32>,
    %add3A_475 = arith.constant 128 : i32
    %add3A_476 = arith.addi %add3A_475, %add3A_20 : i32
    %dma_wait3A_477 = arith.constant 0 : i32
    %dma_wait3A_478 = tpu.memref_slice %arg15[%dma_wait3A_477] : memref<12288xf32, #tpu.memory_space<vmem>> -> memref<4096xf32, #tpu.memory_space<vmem>>
    %dma_wait3A_479 = arith.constant 12288 : i32
    %dma_wait3A_480 = tpu.memref_slice %arg11[%add3A_365, %dma_wait3A_479] : memref<192x16384xf32, #tpu.memory_space<hbm>> -> memref<1x4096xf32, #tpu.memory_space<hbm>>
    %dma_wait3A_481 = tpu.memref_squeeze %dma_wait3A_480 : memref<1x4096xf32, #tpu.memory_space<hbm>> -> memref<4096xf32, #tpu.memory_space<hbm>>
    %dma_wait3A_482 = arith.constant 12288 : i32
    %dma_wait3A_483 = tpu.memref_slice %arg11[%add3A_365, %dma_wait3A_482] : memref<192x16384xf32, #tpu.memory_space<hbm>> -> memref<1x4096xf32, #tpu.memory_space<hbm>>
    %dma_wait3A_484 = tpu.memref_squeeze %dma_wait3A_483 : memref<1x4096xf32, #tpu.memory_space<hbm>> -> memref<4096xf32, #tpu.memory_space<hbm>>
    %dma_wait3A_485 = arith.constant 0 : i32
    %dma_wait3A_486 = tpu.memref_slice %arg15[%dma_wait3A_485] : memref<12288xf32, #tpu.memory_space<vmem>> -> memref<4096xf32, #tpu.memory_space<vmem>>
    tpu.wait_dma2 semaphore(%arg18 : memref<!tpu.dma_semaphore, #tpu.memory_space<semaphore_mem>>) src(%dma_wait3A_486 : memref<4096xf32, #tpu.memory_space<vmem>>) dst(%dma_wait3A_484 : memref<4096xf32, #tpu.memory_space<hbm>>)
    %parallel_loop3A_487 = arith.constant 0 : i32
    %parallel_loop3A_488 = arith.constant 256 : i32
    %parallel_loop3A_489 = arith.constant 1 : i32
    scf.for %parallel_loop3A_710 = %parallel_loop3A_487 to %parallel_loop3A_488 step %parallel_loop3A_489  : i32 {
      %parallel_loop3A_711 = arith.constant 16 : i32
      %parallel_loop3A_712 = arith.muli %parallel_loop3A_710, %parallel_loop3A_711 : i32
      %parallel_loop3A_713 = arith.constant 0 : i32
      %parallel_loop3A_714 = arith.addi %parallel_loop3A_713, %parallel_loop3A_712 : i32
      %parallel_loop3A_715 = arith.index_cast %parallel_loop3A_714 : i32 to index
      %parallel_loop3A_716 = tpu.vector_load %arg13[%parallel_loop3A_715] {strides = array<i32>} : memref<16384xi32, #tpu.memory_space<vmem>>, vector<16xi32>,
      %parallel_loop3A_717 = tpu.vector_load_idx %arg12[%parallel_loop3A_716] : memref<100000xf32, #tpu.memory_space<vmem>>[vector<16xi32>], vector<16xf32>,
      %parallel_loop3A_718 = arith.addf %parallel_loop3A_717, %gather3A_474 : vector<16xf32>
      %parallel_loop3A_719 = arith.constant 16 : i32
      %parallel_loop3A_720 = arith.muli %parallel_loop3A_710, %parallel_loop3A_719 : i32
      %parallel_loop3A_721 = arith.constant 0 : i32
      %parallel_loop3A_722 = arith.addi %parallel_loop3A_721, %parallel_loop3A_720 : i32
      %parallel_loop3A_723 = arith.index_cast %parallel_loop3A_722 : i32 to index
      %parallel_loop3A_724 = tpu.vector_load %arg15[%parallel_loop3A_723] {strides = array<i32>} : memref<12288xf32, #tpu.memory_space<vmem>>, vector<16xf32>,
      tpu.vector_store %arg15[%parallel_loop3A_723], %parallel_loop3A_718 {strides = array<i32>} : memref<12288xf32, #tpu.memory_space<vmem>>, vector<16xf32>,
    } {sc.loop_unroll_factor = 16 : i64, sc.parallel_access}
    %dma_start3A_490 = arith.constant 0 : i32
    %dma_start3A_491 = tpu.memref_slice %arg15[%dma_start3A_490] : memref<12288xf32, #tpu.memory_space<vmem>> -> memref<4096xf32, #tpu.memory_space<vmem>>
    %dma_start3A_492 = arith.constant 0 : i32
    %dma_start3A_493 = tpu.memref_slice %arg11[%add3A_476, %dma_start3A_492] : memref<192x16384xf32, #tpu.memory_space<hbm>> -> memref<1x4096xf32, #tpu.memory_space<hbm>>
    %dma_start3A_494 = tpu.memref_squeeze %dma_start3A_493 : memref<1x4096xf32, #tpu.memory_space<hbm>> -> memref<4096xf32, #tpu.memory_space<hbm>>
    %dma_start3A_495 = arith.constant 0 : i32
    %dma_start3A_496 = tpu.memref_slice %arg11[%add3A_476, %dma_start3A_495] : memref<192x16384xf32, #tpu.memory_space<hbm>> -> memref<1x4096xf32, #tpu.memory_space<hbm>>
    %dma_start3A_497 = tpu.memref_squeeze %dma_start3A_496 : memref<1x4096xf32, #tpu.memory_space<hbm>> -> memref<4096xf32, #tpu.memory_space<hbm>>
    %dma_start3A_498 = arith.constant 0 : i32
    %dma_start3A_499 = tpu.memref_slice %arg15[%dma_start3A_498] : memref<12288xf32, #tpu.memory_space<vmem>> -> memref<4096xf32, #tpu.memory_space<vmem>>
    tpu.enqueue_dma source(%dma_start3A_499 : memref<4096xf32, #tpu.memory_space<vmem>>) target(%dma_start3A_497 : memref<4096xf32, #tpu.memory_space<hbm>>) target_semaphore(%arg18 : memref<!tpu.dma_semaphore, #tpu.memory_space<semaphore_mem>>)
    %dma_wait3A_500 = arith.constant 4096 : i32
    %dma_wait3A_501 = tpu.memref_slice %arg15[%dma_wait3A_500] : memref<12288xf32, #tpu.memory_space<vmem>> -> memref<4096xf32, #tpu.memory_space<vmem>>
    %dma_wait3A_502 = arith.constant 4096 : i32
    %dma_wait3A_503 = tpu.memref_slice %arg11[%add3A_365, %dma_wait3A_502] : memref<192x16384xf32, #tpu.memory_space<hbm>> -> memref<1x4096xf32, #tpu.memory_space<hbm>>
    %dma_wait3A_504 = tpu.memref_squeeze %dma_wait3A_503 : memref<1x4096xf32, #tpu.memory_space<hbm>> -> memref<4096xf32, #tpu.memory_space<hbm>>
    %dma_wait3A_505 = arith.constant 4096 : i32
    %dma_wait3A_506 = tpu.memref_slice %arg11[%add3A_365, %dma_wait3A_505] : memref<192x16384xf32, #tpu.memory_space<hbm>> -> memref<1x4096xf32, #tpu.memory_space<hbm>>
    %dma_wait3A_507 = tpu.memref_squeeze %dma_wait3A_506 : memref<1x4096xf32, #tpu.memory_space<hbm>> -> memref<4096xf32, #tpu.memory_space<hbm>>
    %dma_wait3A_508 = arith.constant 4096 : i32
    %dma_wait3A_509 = tpu.memref_slice %arg15[%dma_wait3A_508] : memref<12288xf32, #tpu.memory_space<vmem>> -> memref<4096xf32, #tpu.memory_space<vmem>>
    tpu.wait_dma2 semaphore(%arg19 : memref<!tpu.dma_semaphore, #tpu.memory_space<semaphore_mem>>) src(%dma_wait3A_509 : memref<4096xf32, #tpu.memory_space<vmem>>) dst(%dma_wait3A_507 : memref<4096xf32, #tpu.memory_space<hbm>>)
    %parallel_loop3A_510 = arith.constant 0 : i32
    %parallel_loop3A_511 = arith.constant 256 : i32
    %parallel_loop3A_512 = arith.constant 1 : i32
    scf.for %parallel_loop3A_710 = %parallel_loop3A_510 to %parallel_loop3A_511 step %parallel_loop3A_512  : i32 {
      %parallel_loop3A_711 = arith.constant 16 : i32
      %parallel_loop3A_712 = arith.muli %parallel_loop3A_710, %parallel_loop3A_711 : i32
      %parallel_loop3A_713 = arith.constant 4096 : i32
      %parallel_loop3A_714 = arith.addi %parallel_loop3A_713, %parallel_loop3A_712 : i32
      %parallel_loop3A_715 = arith.index_cast %parallel_loop3A_714 : i32 to index
      %parallel_loop3A_716 = tpu.vector_load %arg13[%parallel_loop3A_715] {strides = array<i32>} : memref<16384xi32, #tpu.memory_space<vmem>>, vector<16xi32>,
      %parallel_loop3A_717 = tpu.vector_load_idx %arg12[%parallel_loop3A_716] : memref<100000xf32, #tpu.memory_space<vmem>>[vector<16xi32>], vector<16xf32>,
      %parallel_loop3A_718 = arith.addf %parallel_loop3A_717, %gather3A_474 : vector<16xf32>
      %parallel_loop3A_719 = arith.constant 16 : i32
      %parallel_loop3A_720 = arith.muli %parallel_loop3A_710, %parallel_loop3A_719 : i32
      %parallel_loop3A_721 = arith.constant 4096 : i32
      %parallel_loop3A_722 = arith.addi %parallel_loop3A_721, %parallel_loop3A_720 : i32
      %parallel_loop3A_723 = arith.index_cast %parallel_loop3A_722 : i32 to index
      %parallel_loop3A_724 = tpu.vector_load %arg15[%parallel_loop3A_723] {strides = array<i32>} : memref<12288xf32, #tpu.memory_space<vmem>>, vector<16xf32>,
      tpu.vector_store %arg15[%parallel_loop3A_723], %parallel_loop3A_718 {strides = array<i32>} : memref<12288xf32, #tpu.memory_space<vmem>>, vector<16xf32>,
    } {sc.loop_unroll_factor = 16 : i64, sc.parallel_access}
    %dma_start3A_513 = arith.constant 4096 : i32
    %dma_start3A_514 = tpu.memref_slice %arg15[%dma_start3A_513] : memref<12288xf32, #tpu.memory_space<vmem>> -> memref<4096xf32, #tpu.memory_space<vmem>>
    %dma_start3A_515 = arith.constant 4096 : i32
    %dma_start3A_516 = tpu.memref_slice %arg11[%add3A_476, %dma_start3A_515] : memref<192x16384xf32, #tpu.memory_space<hbm>> -> memref<1x4096xf32, #tpu.memory_space<hbm>>
    %dma_start3A_517 = tpu.memref_squeeze %dma_start3A_516 : memref<1x4096xf32, #tpu.memory_space<hbm>> -> memref<4096xf32, #tpu.memory_space<hbm>>
    %dma_start3A_518 = arith.constant 4096 : i32
    %dma_start3A_519 = tpu.memref_slice %arg11[%add3A_476, %dma_start3A_518] : memref<192x16384xf32, #tpu.memory_space<hbm>> -> memref<1x4096xf32, #tpu.memory_space<hbm>>
    %dma_start3A_520 = tpu.memref_squeeze %dma_start3A_519 : memref<1x4096xf32, #tpu.memory_space<hbm>> -> memref<4096xf32, #tpu.memory_space<hbm>>
    %dma_start3A_521 = arith.constant 4096 : i32
    %dma_start3A_522 = tpu.memref_slice %arg15[%dma_start3A_521] : memref<12288xf32, #tpu.memory_space<vmem>> -> memref<4096xf32, #tpu.memory_space<vmem>>
    tpu.enqueue_dma source(%dma_start3A_522 : memref<4096xf32, #tpu.memory_space<vmem>>) target(%dma_start3A_520 : memref<4096xf32, #tpu.memory_space<hbm>>) target_semaphore(%arg19 : memref<!tpu.dma_semaphore, #tpu.memory_space<semaphore_mem>>)
    %dma_wait3A_523 = arith.constant 8192 : i32
    %dma_wait3A_524 = tpu.memref_slice %arg15[%dma_wait3A_523] : memref<12288xf32, #tpu.memory_space<vmem>> -> memref<4096xf32, #tpu.memory_space<vmem>>
    %dma_wait3A_525 = arith.constant 8192 : i32
    %dma_wait3A_526 = tpu.memref_slice %arg11[%add3A_365, %dma_wait3A_525] : memref<192x16384xf32, #tpu.memory_space<hbm>> -> memref<1x4096xf32, #tpu.memory_space<hbm>>
    %dma_wait3A_527 = tpu.memref_squeeze %dma_wait3A_526 : memref<1x4096xf32, #tpu.memory_space<hbm>> -> memref<4096xf32, #tpu.memory_space<hbm>>
    %dma_wait3A_528 = arith.constant 8192 : i32
    %dma_wait3A_529 = tpu.memref_slice %arg11[%add3A_365, %dma_wait3A_528] : memref<192x16384xf32, #tpu.memory_space<hbm>> -> memref<1x4096xf32, #tpu.memory_space<hbm>>
    %dma_wait3A_530 = tpu.memref_squeeze %dma_wait3A_529 : memref<1x4096xf32, #tpu.memory_space<hbm>> -> memref<4096xf32, #tpu.memory_space<hbm>>
    %dma_wait3A_531 = arith.constant 8192 : i32
    %dma_wait3A_532 = tpu.memref_slice %arg15[%dma_wait3A_531] : memref<12288xf32, #tpu.memory_space<vmem>> -> memref<4096xf32, #tpu.memory_space<vmem>>
    tpu.wait_dma2 semaphore(%arg20 : memref<!tpu.dma_semaphore, #tpu.memory_space<semaphore_mem>>) src(%dma_wait3A_532 : memref<4096xf32, #tpu.memory_space<vmem>>) dst(%dma_wait3A_530 : memref<4096xf32, #tpu.memory_space<hbm>>)
    %parallel_loop3A_533 = arith.constant 0 : i32
    %parallel_loop3A_534 = arith.constant 256 : i32
    %parallel_loop3A_535 = arith.constant 1 : i32
    scf.for %parallel_loop3A_710 = %parallel_loop3A_533 to %parallel_loop3A_534 step %parallel_loop3A_535  : i32 {
      %parallel_loop3A_711 = arith.constant 16 : i32
      %parallel_loop3A_712 = arith.muli %parallel_loop3A_710, %parallel_loop3A_711 : i32
      %parallel_loop3A_713 = arith.constant 8192 : i32
      %parallel_loop3A_714 = arith.addi %parallel_loop3A_713, %parallel_loop3A_712 : i32
      %parallel_loop3A_715 = arith.index_cast %parallel_loop3A_714 : i32 to index
      %parallel_loop3A_716 = tpu.vector_load %arg13[%parallel_loop3A_715] {strides = array<i32>} : memref<16384xi32, #tpu.memory_space<vmem>>, vector<16xi32>,
      %parallel_loop3A_717 = tpu.vector_load_idx %arg12[%parallel_loop3A_716] : memref<100000xf32, #tpu.memory_space<vmem>>[vector<16xi32>], vector<16xf32>,
      %parallel_loop3A_718 = arith.addf %parallel_loop3A_717, %gather3A_474 : vector<16xf32>
      %parallel_loop3A_719 = arith.constant 16 : i32
      %parallel_loop3A_720 = arith.muli %parallel_loop3A_710, %parallel_loop3A_719 : i32
      %parallel_loop3A_721 = arith.constant 8192 : i32
      %parallel_loop3A_722 = arith.addi %parallel_loop3A_721, %parallel_loop3A_720 : i32
      %parallel_loop3A_723 = arith.index_cast %parallel_loop3A_722 : i32 to index
      %parallel_loop3A_724 = tpu.vector_load %arg15[%parallel_loop3A_723] {strides = array<i32>} : memref<12288xf32, #tpu.memory_space<vmem>>, vector<16xf32>,
      tpu.vector_store %arg15[%parallel_loop3A_723], %parallel_loop3A_718 {strides = array<i32>} : memref<12288xf32, #tpu.memory_space<vmem>>, vector<16xf32>,
    } {sc.loop_unroll_factor = 16 : i64, sc.parallel_access}
    %dma_start3A_536 = arith.constant 8192 : i32
    %dma_start3A_537 = tpu.memref_slice %arg15[%dma_start3A_536] : memref<12288xf32, #tpu.memory_space<vmem>> -> memref<4096xf32, #tpu.memory_space<vmem>>
    %dma_start3A_538 = arith.constant 8192 : i32
    %dma_start3A_539 = tpu.memref_slice %arg11[%add3A_476, %dma_start3A_538] : memref<192x16384xf32, #tpu.memory_space<hbm>> -> memref<1x4096xf32, #tpu.memory_space<hbm>>
    %dma_start3A_540 = tpu.memref_squeeze %dma_start3A_539 : memref<1x4096xf32, #tpu.memory_space<hbm>> -> memref<4096xf32, #tpu.memory_space<hbm>>
    %dma_start3A_541 = arith.constant 8192 : i32
    %dma_start3A_542 = tpu.memref_slice %arg11[%add3A_476, %dma_start3A_541] : memref<192x16384xf32, #tpu.memory_space<hbm>> -> memref<1x4096xf32, #tpu.memory_space<hbm>>
    %dma_start3A_543 = tpu.memref_squeeze %dma_start3A_542 : memref<1x4096xf32, #tpu.memory_space<hbm>> -> memref<4096xf32, #tpu.memory_space<hbm>>
    %dma_start3A_544 = arith.constant 8192 : i32
    %dma_start3A_545 = tpu.memref_slice %arg15[%dma_start3A_544] : memref<12288xf32, #tpu.memory_space<vmem>> -> memref<4096xf32, #tpu.memory_space<vmem>>
    tpu.enqueue_dma source(%dma_start3A_545 : memref<4096xf32, #tpu.memory_space<vmem>>) target(%dma_start3A_543 : memref<4096xf32, #tpu.memory_space<hbm>>) target_semaphore(%arg20 : memref<!tpu.dma_semaphore, #tpu.memory_space<semaphore_mem>>)
    %dma_wait3A_546 = arith.constant 0 : i32
    %dma_wait3A_547 = tpu.memref_slice %arg15[%dma_wait3A_546] : memref<12288xf32, #tpu.memory_space<vmem>> -> memref<4096xf32, #tpu.memory_space<vmem>>
    %dma_wait3A_548 = arith.constant 0 : i32
    %dma_wait3A_549 = tpu.memref_slice %arg11[%add3A_476, %dma_wait3A_548] : memref<192x16384xf32, #tpu.memory_space<hbm>> -> memref<1x4096xf32, #tpu.memory_space<hbm>>
    %dma_wait3A_550 = tpu.memref_squeeze %dma_wait3A_549 : memref<1x4096xf32, #tpu.memory_space<hbm>> -> memref<4096xf32, #tpu.memory_space<hbm>>
    %dma_wait3A_551 = arith.constant 0 : i32
    %dma_wait3A_552 = tpu.memref_slice %arg11[%add3A_476, %dma_wait3A_551] : memref<192x16384xf32, #tpu.memory_space<hbm>> -> memref<1x4096xf32, #tpu.memory_space<hbm>>
    %dma_wait3A_553 = tpu.memref_squeeze %dma_wait3A_552 : memref<1x4096xf32, #tpu.memory_space<hbm>> -> memref<4096xf32, #tpu.memory_space<hbm>>
    %dma_wait3A_554 = arith.constant 0 : i32
    %dma_wait3A_555 = tpu.memref_slice %arg15[%dma_wait3A_554] : memref<12288xf32, #tpu.memory_space<vmem>> -> memref<4096xf32, #tpu.memory_space<vmem>>
    tpu.wait_dma2 semaphore(%arg18 : memref<!tpu.dma_semaphore, #tpu.memory_space<semaphore_mem>>) src(%dma_wait3A_555 : memref<4096xf32, #tpu.memory_space<vmem>>) dst(%dma_wait3A_553 : memref<4096xf32, #tpu.memory_space<hbm>>)
    %parallel_loop3A_556 = arith.constant 0 : i32
    %parallel_loop3A_557 = arith.constant 256 : i32
    %parallel_loop3A_558 = arith.constant 1 : i32
    scf.for %parallel_loop3A_710 = %parallel_loop3A_556 to %parallel_loop3A_557 step %parallel_loop3A_558  : i32 {
      %parallel_loop3A_711 = arith.constant 16 : i32
      %parallel_loop3A_712 = arith.muli %parallel_loop3A_710, %parallel_loop3A_711 : i32
      %parallel_loop3A_713 = arith.constant 12288 : i32
      %parallel_loop3A_714 = arith.addi %parallel_loop3A_713, %parallel_loop3A_712 : i32
      %parallel_loop3A_715 = arith.index_cast %parallel_loop3A_714 : i32 to index
      %parallel_loop3A_716 = tpu.vector_load %arg13[%parallel_loop3A_715] {strides = array<i32>} : memref<16384xi32, #tpu.memory_space<vmem>>, vector<16xi32>,
      %parallel_loop3A_717 = tpu.vector_load_idx %arg12[%parallel_loop3A_716] : memref<100000xf32, #tpu.memory_space<vmem>>[vector<16xi32>], vector<16xf32>,
      %parallel_loop3A_718 = arith.addf %parallel_loop3A_717, %gather3A_474 : vector<16xf32>
      %parallel_loop3A_719 = arith.constant 16 : i32
      %parallel_loop3A_720 = arith.muli %parallel_loop3A_710, %parallel_loop3A_719 : i32
      %parallel_loop3A_721 = arith.constant 0 : i32
      %parallel_loop3A_722 = arith.addi %parallel_loop3A_721, %parallel_loop3A_720 : i32
      %parallel_loop3A_723 = arith.index_cast %parallel_loop3A_722 : i32 to index
      %parallel_loop3A_724 = tpu.vector_load %arg15[%parallel_loop3A_723] {strides = array<i32>} : memref<12288xf32, #tpu.memory_space<vmem>>, vector<16xf32>,
      tpu.vector_store %arg15[%parallel_loop3A_723], %parallel_loop3A_718 {strides = array<i32>} : memref<12288xf32, #tpu.memory_space<vmem>>, vector<16xf32>,
    } {sc.loop_unroll_factor = 16 : i64, sc.parallel_access}
    %dma_start3A_559 = arith.constant 0 : i32
    %dma_start3A_560 = tpu.memref_slice %arg15[%dma_start3A_559] : memref<12288xf32, #tpu.memory_space<vmem>> -> memref<4096xf32, #tpu.memory_space<vmem>>
    %dma_start3A_561 = arith.constant 12288 : i32
    %dma_start3A_562 = tpu.memref_slice %arg11[%add3A_476, %dma_start3A_561] : memref<192x16384xf32, #tpu.memory_space<hbm>> -> memref<1x4096xf32, #tpu.memory_space<hbm>>
    %dma_start3A_563 = tpu.memref_squeeze %dma_start3A_562 : memref<1x4096xf32, #tpu.memory_space<hbm>> -> memref<4096xf32, #tpu.memory_space<hbm>>
    %dma_start3A_564 = arith.constant 12288 : i32
    %dma_start3A_565 = tpu.memref_slice %arg11[%add3A_476, %dma_start3A_564] : memref<192x16384xf32, #tpu.memory_space<hbm>> -> memref<1x4096xf32, #tpu.memory_space<hbm>>
    %dma_start3A_566 = tpu.memref_squeeze %dma_start3A_565 : memref<1x4096xf32, #tpu.memory_space<hbm>> -> memref<4096xf32, #tpu.memory_space<hbm>>
    %dma_start3A_567 = arith.constant 0 : i32
    %dma_start3A_568 = tpu.memref_slice %arg15[%dma_start3A_567] : memref<12288xf32, #tpu.memory_space<vmem>> -> memref<4096xf32, #tpu.memory_space<vmem>>
    tpu.enqueue_dma source(%dma_start3A_568 : memref<4096xf32, #tpu.memory_space<vmem>>) target(%dma_start3A_566 : memref<4096xf32, #tpu.memory_space<hbm>>) target_semaphore(%arg18 : memref<!tpu.dma_semaphore, #tpu.memory_space<semaphore_mem>>)
    %dma_start3A_569 = arith.constant 0 : i32
    %dma_start3A_570 = tpu.memref_slice %arg7[%add3A_24, %dma_start3A_569] : memref<64x100000xf32, #tpu.memory_space<hbm>> -> memref<1x100000xf32, #tpu.memory_space<hbm>>
    %dma_start3A_571 = tpu.memref_squeeze %dma_start3A_570 : memref<1x100000xf32, #tpu.memory_space<hbm>> -> memref<100000xf32, #tpu.memory_space<hbm>>
    %dma_start3A_572 = arith.constant 0 : i32
    %dma_start3A_573 = tpu.memref_slice %arg7[%add3A_24, %dma_start3A_572] : memref<64x100000xf32, #tpu.memory_space<hbm>> -> memref<1x100000xf32, #tpu.memory_space<hbm>>
    %dma_start3A_574 = tpu.memref_squeeze %dma_start3A_573 : memref<1x100000xf32, #tpu.memory_space<hbm>> -> memref<100000xf32, #tpu.memory_space<hbm>>
    tpu.enqueue_dma source(%dma_start3A_574 : memref<100000xf32, #tpu.memory_space<hbm>>) target(%arg12 : memref<100000xf32, #tpu.memory_space<vmem>>) target_semaphore(%arg16 : memref<!tpu.dma_semaphore, #tpu.memory_space<semaphore_mem>>)
    %dma_wait3A_575 = arith.constant 0 : i32
    %dma_wait3A_576 = tpu.memref_slice %arg7[%add3A_24, %dma_wait3A_575] : memref<64x100000xf32, #tpu.memory_space<hbm>> -> memref<1x100000xf32, #tpu.memory_space<hbm>>
    %dma_wait3A_577 = tpu.memref_squeeze %dma_wait3A_576 : memref<1x100000xf32, #tpu.memory_space<hbm>> -> memref<100000xf32, #tpu.memory_space<hbm>>
    %dma_wait3A_578 = arith.constant 0 : i32
    %dma_wait3A_579 = tpu.memref_slice %arg7[%add3A_24, %dma_wait3A_578] : memref<64x100000xf32, #tpu.memory_space<hbm>> -> memref<1x100000xf32, #tpu.memory_space<hbm>>
    %dma_wait3A_580 = tpu.memref_squeeze %dma_wait3A_579 : memref<1x100000xf32, #tpu.memory_space<hbm>> -> memref<100000xf32, #tpu.memory_space<hbm>>
    tpu.wait_dma2 semaphore(%arg16 : memref<!tpu.dma_semaphore, #tpu.memory_space<semaphore_mem>>) src(%dma_wait3A_580 : memref<100000xf32, #tpu.memory_space<hbm>>) dst(%arg12 : memref<100000xf32, #tpu.memory_space<vmem>>)
    %broadcast_in_dim3A_581 = arith.constant 128 : i32
    %broadcast_in_dim3A_582 = vector.broadcast %broadcast_in_dim3A_581 : i32 to vector<16xi32>
    %add3A_583 = vector.broadcast %add3A_24 : i32 to vector<16xi32>
    %add3A_584 = arith.addi %broadcast_in_dim3A_582, %add3A_583 : vector<16xi32>
    %gather3A_585 = tpu.vector_load_idx %arg14[%add3A_584] : memref<192xf32, #tpu.memory_space<vmem>>[vector<16xi32>], vector<16xf32>,
    %add3A_586 = arith.constant 128 : i32
    %add3A_587 = arith.addi %add3A_586, %add3A_24 : i32
    %dma_wait3A_588 = arith.constant 0 : i32
    %dma_wait3A_589 = tpu.memref_slice %arg15[%dma_wait3A_588] : memref<12288xf32, #tpu.memory_space<vmem>> -> memref<4096xf32, #tpu.memory_space<vmem>>
    %dma_wait3A_590 = arith.constant 12288 : i32
    %dma_wait3A_591 = tpu.memref_slice %arg11[%add3A_476, %dma_wait3A_590] : memref<192x16384xf32, #tpu.memory_space<hbm>> -> memref<1x4096xf32, #tpu.memory_space<hbm>>
    %dma_wait3A_592 = tpu.memref_squeeze %dma_wait3A_591 : memref<1x4096xf32, #tpu.memory_space<hbm>> -> memref<4096xf32, #tpu.memory_space<hbm>>
    %dma_wait3A_593 = arith.constant 12288 : i32
    %dma_wait3A_594 = tpu.memref_slice %arg11[%add3A_476, %dma_wait3A_593] : memref<192x16384xf32, #tpu.memory_space<hbm>> -> memref<1x4096xf32, #tpu.memory_space<hbm>>
    %dma_wait3A_595 = tpu.memref_squeeze %dma_wait3A_594 : memref<1x4096xf32, #tpu.memory_space<hbm>> -> memref<4096xf32, #tpu.memory_space<hbm>>
    %dma_wait3A_596 = arith.constant 0 : i32
    %dma_wait3A_597 = tpu.memref_slice %arg15[%dma_wait3A_596] : memref<12288xf32, #tpu.memory_space<vmem>> -> memref<4096xf32, #tpu.memory_space<vmem>>
    tpu.wait_dma2 semaphore(%arg18 : memref<!tpu.dma_semaphore, #tpu.memory_space<semaphore_mem>>) src(%dma_wait3A_597 : memref<4096xf32, #tpu.memory_space<vmem>>) dst(%dma_wait3A_595 : memref<4096xf32, #tpu.memory_space<hbm>>)
    %parallel_loop3A_598 = arith.constant 0 : i32
    %parallel_loop3A_599 = arith.constant 256 : i32
    %parallel_loop3A_600 = arith.constant 1 : i32
    scf.for %parallel_loop3A_710 = %parallel_loop3A_598 to %parallel_loop3A_599 step %parallel_loop3A_600  : i32 {
      %parallel_loop3A_711 = arith.constant 16 : i32
      %parallel_loop3A_712 = arith.muli %parallel_loop3A_710, %parallel_loop3A_711 : i32
      %parallel_loop3A_713 = arith.constant 0 : i32
      %parallel_loop3A_714 = arith.addi %parallel_loop3A_713, %parallel_loop3A_712 : i32
      %parallel_loop3A_715 = arith.index_cast %parallel_loop3A_714 : i32 to index
      %parallel_loop3A_716 = tpu.vector_load %arg13[%parallel_loop3A_715] {strides = array<i32>} : memref<16384xi32, #tpu.memory_space<vmem>>, vector<16xi32>,
      %parallel_loop3A_717 = tpu.vector_load_idx %arg12[%parallel_loop3A_716] : memref<100000xf32, #tpu.memory_space<vmem>>[vector<16xi32>], vector<16xf32>,
      %parallel_loop3A_718 = arith.addf %parallel_loop3A_717, %gather3A_585 : vector<16xf32>
      %parallel_loop3A_719 = arith.constant 16 : i32
      %parallel_loop3A_720 = arith.muli %parallel_loop3A_710, %parallel_loop3A_719 : i32
      %parallel_loop3A_721 = arith.constant 0 : i32
      %parallel_loop3A_722 = arith.addi %parallel_loop3A_721, %parallel_loop3A_720 : i32
      %parallel_loop3A_723 = arith.index_cast %parallel_loop3A_722 : i32 to index
      %parallel_loop3A_724 = tpu.vector_load %arg15[%parallel_loop3A_723] {strides = array<i32>} : memref<12288xf32, #tpu.memory_space<vmem>>, vector<16xf32>,
      tpu.vector_store %arg15[%parallel_loop3A_723], %parallel_loop3A_718 {strides = array<i32>} : memref<12288xf32, #tpu.memory_space<vmem>>, vector<16xf32>,
    } {sc.loop_unroll_factor = 16 : i64, sc.parallel_access}
    %dma_start3A_601 = arith.constant 0 : i32
    %dma_start3A_602 = tpu.memref_slice %arg15[%dma_start3A_601] : memref<12288xf32, #tpu.memory_space<vmem>> -> memref<4096xf32, #tpu.memory_space<vmem>>
    %dma_start3A_603 = arith.constant 0 : i32
    %dma_start3A_604 = tpu.memref_slice %arg11[%add3A_587, %dma_start3A_603] : memref<192x16384xf32, #tpu.memory_space<hbm>> -> memref<1x4096xf32, #tpu.memory_space<hbm>>
    %dma_start3A_605 = tpu.memref_squeeze %dma_start3A_604 : memref<1x4096xf32, #tpu.memory_space<hbm>> -> memref<4096xf32, #tpu.memory_space<hbm>>
    %dma_start3A_606 = arith.constant 0 : i32
    %dma_start3A_607 = tpu.memref_slice %arg11[%add3A_587, %dma_start3A_606] : memref<192x16384xf32, #tpu.memory_space<hbm>> -> memref<1x4096xf32, #tpu.memory_space<hbm>>
    %dma_start3A_608 = tpu.memref_squeeze %dma_start3A_607 : memref<1x4096xf32, #tpu.memory_space<hbm>> -> memref<4096xf32, #tpu.memory_space<hbm>>
    %dma_start3A_609 = arith.constant 0 : i32
    %dma_start3A_610 = tpu.memref_slice %arg15[%dma_start3A_609] : memref<12288xf32, #tpu.memory_space<vmem>> -> memref<4096xf32, #tpu.memory_space<vmem>>
    tpu.enqueue_dma source(%dma_start3A_610 : memref<4096xf32, #tpu.memory_space<vmem>>) target(%dma_start3A_608 : memref<4096xf32, #tpu.memory_space<hbm>>) target_semaphore(%arg18 : memref<!tpu.dma_semaphore, #tpu.memory_space<semaphore_mem>>)
    %dma_wait3A_611 = arith.constant 4096 : i32
    %dma_wait3A_612 = tpu.memref_slice %arg15[%dma_wait3A_611] : memref<12288xf32, #tpu.memory_space<vmem>> -> memref<4096xf32, #tpu.memory_space<vmem>>
    %dma_wait3A_613 = arith.constant 4096 : i32
    %dma_wait3A_614 = tpu.memref_slice %arg11[%add3A_476, %dma_wait3A_613] : memref<192x16384xf32, #tpu.memory_space<hbm>> -> memref<1x4096xf32, #tpu.memory_space<hbm>>
    %dma_wait3A_615 = tpu.memref_squeeze %dma_wait3A_614 : memref<1x4096xf32, #tpu.memory_space<hbm>> -> memref<4096xf32, #tpu.memory_space<hbm>>
    %dma_wait3A_616 = arith.constant 4096 : i32
    %dma_wait3A_617 = tpu.memref_slice %arg11[%add3A_476, %dma_wait3A_616] : memref<192x16384xf32, #tpu.memory_space<hbm>> -> memref<1x4096xf32, #tpu.memory_space<hbm>>
    %dma_wait3A_618 = tpu.memref_squeeze %dma_wait3A_617 : memref<1x4096xf32, #tpu.memory_space<hbm>> -> memref<4096xf32, #tpu.memory_space<hbm>>
    %dma_wait3A_619 = arith.constant 4096 : i32
    %dma_wait3A_620 = tpu.memref_slice %arg15[%dma_wait3A_619] : memref<12288xf32, #tpu.memory_space<vmem>> -> memref<4096xf32, #tpu.memory_space<vmem>>
    tpu.wait_dma2 semaphore(%arg19 : memref<!tpu.dma_semaphore, #tpu.memory_space<semaphore_mem>>) src(%dma_wait3A_620 : memref<4096xf32, #tpu.memory_space<vmem>>) dst(%dma_wait3A_618 : memref<4096xf32, #tpu.memory_space<hbm>>)
    %parallel_loop3A_621 = arith.constant 0 : i32
    %parallel_loop3A_622 = arith.constant 256 : i32
    %parallel_loop3A_623 = arith.constant 1 : i32
    scf.for %parallel_loop3A_710 = %parallel_loop3A_621 to %parallel_loop3A_622 step %parallel_loop3A_623  : i32 {
      %parallel_loop3A_711 = arith.constant 16 : i32
      %parallel_loop3A_712 = arith.muli %parallel_loop3A_710, %parallel_loop3A_711 : i32
      %parallel_loop3A_713 = arith.constant 4096 : i32
      %parallel_loop3A_714 = arith.addi %parallel_loop3A_713, %parallel_loop3A_712 : i32
      %parallel_loop3A_715 = arith.index_cast %parallel_loop3A_714 : i32 to index
      %parallel_loop3A_716 = tpu.vector_load %arg13[%parallel_loop3A_715] {strides = array<i32>} : memref<16384xi32, #tpu.memory_space<vmem>>, vector<16xi32>,
      %parallel_loop3A_717 = tpu.vector_load_idx %arg12[%parallel_loop3A_716] : memref<100000xf32, #tpu.memory_space<vmem>>[vector<16xi32>], vector<16xf32>,
      %parallel_loop3A_718 = arith.addf %parallel_loop3A_717, %gather3A_585 : vector<16xf32>
      %parallel_loop3A_719 = arith.constant 16 : i32
      %parallel_loop3A_720 = arith.muli %parallel_loop3A_710, %parallel_loop3A_719 : i32
      %parallel_loop3A_721 = arith.constant 4096 : i32
      %parallel_loop3A_722 = arith.addi %parallel_loop3A_721, %parallel_loop3A_720 : i32
      %parallel_loop3A_723 = arith.index_cast %parallel_loop3A_722 : i32 to index
      %parallel_loop3A_724 = tpu.vector_load %arg15[%parallel_loop3A_723] {strides = array<i32>} : memref<12288xf32, #tpu.memory_space<vmem>>, vector<16xf32>,
      tpu.vector_store %arg15[%parallel_loop3A_723], %parallel_loop3A_718 {strides = array<i32>} : memref<12288xf32, #tpu.memory_space<vmem>>, vector<16xf32>,
    } {sc.loop_unroll_factor = 16 : i64, sc.parallel_access}
    %dma_start3A_624 = arith.constant 4096 : i32
    %dma_start3A_625 = tpu.memref_slice %arg15[%dma_start3A_624] : memref<12288xf32, #tpu.memory_space<vmem>> -> memref<4096xf32, #tpu.memory_space<vmem>>
    %dma_start3A_626 = arith.constant 4096 : i32
    %dma_start3A_627 = tpu.memref_slice %arg11[%add3A_587, %dma_start3A_626] : memref<192x16384xf32, #tpu.memory_space<hbm>> -> memref<1x4096xf32, #tpu.memory_space<hbm>>
    %dma_start3A_628 = tpu.memref_squeeze %dma_start3A_627 : memref<1x4096xf32, #tpu.memory_space<hbm>> -> memref<4096xf32, #tpu.memory_space<hbm>>
    %dma_start3A_629 = arith.constant 4096 : i32
    %dma_start3A_630 = tpu.memref_slice %arg11[%add3A_587, %dma_start3A_629] : memref<192x16384xf32, #tpu.memory_space<hbm>> -> memref<1x4096xf32, #tpu.memory_space<hbm>>
    %dma_start3A_631 = tpu.memref_squeeze %dma_start3A_630 : memref<1x4096xf32, #tpu.memory_space<hbm>> -> memref<4096xf32, #tpu.memory_space<hbm>>
    %dma_start3A_632 = arith.constant 4096 : i32
    %dma_start3A_633 = tpu.memref_slice %arg15[%dma_start3A_632] : memref<12288xf32, #tpu.memory_space<vmem>> -> memref<4096xf32, #tpu.memory_space<vmem>>
    tpu.enqueue_dma source(%dma_start3A_633 : memref<4096xf32, #tpu.memory_space<vmem>>) target(%dma_start3A_631 : memref<4096xf32, #tpu.memory_space<hbm>>) target_semaphore(%arg19 : memref<!tpu.dma_semaphore, #tpu.memory_space<semaphore_mem>>)
    %dma_wait3A_634 = arith.constant 8192 : i32
    %dma_wait3A_635 = tpu.memref_slice %arg15[%dma_wait3A_634] : memref<12288xf32, #tpu.memory_space<vmem>> -> memref<4096xf32, #tpu.memory_space<vmem>>
    %dma_wait3A_636 = arith.constant 8192 : i32
    %dma_wait3A_637 = tpu.memref_slice %arg11[%add3A_476, %dma_wait3A_636] : memref<192x16384xf32, #tpu.memory_space<hbm>> -> memref<1x4096xf32, #tpu.memory_space<hbm>>
    %dma_wait3A_638 = tpu.memref_squeeze %dma_wait3A_637 : memref<1x4096xf32, #tpu.memory_space<hbm>> -> memref<4096xf32, #tpu.memory_space<hbm>>
    %dma_wait3A_639 = arith.constant 8192 : i32
    %dma_wait3A_640 = tpu.memref_slice %arg11[%add3A_476, %dma_wait3A_639] : memref<192x16384xf32, #tpu.memory_space<hbm>> -> memref<1x4096xf32, #tpu.memory_space<hbm>>
    %dma_wait3A_641 = tpu.memref_squeeze %dma_wait3A_640 : memref<1x4096xf32, #tpu.memory_space<hbm>> -> memref<4096xf32, #tpu.memory_space<hbm>>
    %dma_wait3A_642 = arith.constant 8192 : i32
    %dma_wait3A_643 = tpu.memref_slice %arg15[%dma_wait3A_642] : memref<12288xf32, #tpu.memory_space<vmem>> -> memref<4096xf32, #tpu.memory_space<vmem>>
    tpu.wait_dma2 semaphore(%arg20 : memref<!tpu.dma_semaphore, #tpu.memory_space<semaphore_mem>>) src(%dma_wait3A_643 : memref<4096xf32, #tpu.memory_space<vmem>>) dst(%dma_wait3A_641 : memref<4096xf32, #tpu.memory_space<hbm>>)
    %parallel_loop3A_644 = arith.constant 0 : i32
    %parallel_loop3A_645 = arith.constant 256 : i32
    %parallel_loop3A_646 = arith.constant 1 : i32
    scf.for %parallel_loop3A_710 = %parallel_loop3A_644 to %parallel_loop3A_645 step %parallel_loop3A_646  : i32 {
      %parallel_loop3A_711 = arith.constant 16 : i32
      %parallel_loop3A_712 = arith.muli %parallel_loop3A_710, %parallel_loop3A_711 : i32
      %parallel_loop3A_713 = arith.constant 8192 : i32
      %parallel_loop3A_714 = arith.addi %parallel_loop3A_713, %parallel_loop3A_712 : i32
      %parallel_loop3A_715 = arith.index_cast %parallel_loop3A_714 : i32 to index
      %parallel_loop3A_716 = tpu.vector_load %arg13[%parallel_loop3A_715] {strides = array<i32>} : memref<16384xi32, #tpu.memory_space<vmem>>, vector<16xi32>,
      %parallel_loop3A_717 = tpu.vector_load_idx %arg12[%parallel_loop3A_716] : memref<100000xf32, #tpu.memory_space<vmem>>[vector<16xi32>], vector<16xf32>,
      %parallel_loop3A_718 = arith.addf %parallel_loop3A_717, %gather3A_585 : vector<16xf32>
      %parallel_loop3A_719 = arith.constant 16 : i32
      %parallel_loop3A_720 = arith.muli %parallel_loop3A_710, %parallel_loop3A_719 : i32
      %parallel_loop3A_721 = arith.constant 8192 : i32
      %parallel_loop3A_722 = arith.addi %parallel_loop3A_721, %parallel_loop3A_720 : i32
      %parallel_loop3A_723 = arith.index_cast %parallel_loop3A_722 : i32 to index
      %parallel_loop3A_724 = tpu.vector_load %arg15[%parallel_loop3A_723] {strides = array<i32>} : memref<12288xf32, #tpu.memory_space<vmem>>, vector<16xf32>,
      tpu.vector_store %arg15[%parallel_loop3A_723], %parallel_loop3A_718 {strides = array<i32>} : memref<12288xf32, #tpu.memory_space<vmem>>, vector<16xf32>,
    } {sc.loop_unroll_factor = 16 : i64, sc.parallel_access}
    %dma_start3A_647 = arith.constant 8192 : i32
    %dma_start3A_648 = tpu.memref_slice %arg15[%dma_start3A_647] : memref<12288xf32, #tpu.memory_space<vmem>> -> memref<4096xf32, #tpu.memory_space<vmem>>
    %dma_start3A_649 = arith.constant 8192 : i32
    %dma_start3A_650 = tpu.memref_slice %arg11[%add3A_587, %dma_start3A_649] : memref<192x16384xf32, #tpu.memory_space<hbm>> -> memref<1x4096xf32, #tpu.memory_space<hbm>>
    %dma_start3A_651 = tpu.memref_squeeze %dma_start3A_650 : memref<1x4096xf32, #tpu.memory_space<hbm>> -> memref<4096xf32, #tpu.memory_space<hbm>>
    %dma_start3A_652 = arith.constant 8192 : i32
    %dma_start3A_653 = tpu.memref_slice %arg11[%add3A_587, %dma_start3A_652] : memref<192x16384xf32, #tpu.memory_space<hbm>> -> memref<1x4096xf32, #tpu.memory_space<hbm>>
    %dma_start3A_654 = tpu.memref_squeeze %dma_start3A_653 : memref<1x4096xf32, #tpu.memory_space<hbm>> -> memref<4096xf32, #tpu.memory_space<hbm>>
    %dma_start3A_655 = arith.constant 8192 : i32
    %dma_start3A_656 = tpu.memref_slice %arg15[%dma_start3A_655] : memref<12288xf32, #tpu.memory_space<vmem>> -> memref<4096xf32, #tpu.memory_space<vmem>>
    tpu.enqueue_dma source(%dma_start3A_656 : memref<4096xf32, #tpu.memory_space<vmem>>) target(%dma_start3A_654 : memref<4096xf32, #tpu.memory_space<hbm>>) target_semaphore(%arg20 : memref<!tpu.dma_semaphore, #tpu.memory_space<semaphore_mem>>)
    %dma_wait3A_657 = arith.constant 0 : i32
    %dma_wait3A_658 = tpu.memref_slice %arg15[%dma_wait3A_657] : memref<12288xf32, #tpu.memory_space<vmem>> -> memref<4096xf32, #tpu.memory_space<vmem>>
    %dma_wait3A_659 = arith.constant 0 : i32
    %dma_wait3A_660 = tpu.memref_slice %arg11[%add3A_587, %dma_wait3A_659] : memref<192x16384xf32, #tpu.memory_space<hbm>> -> memref<1x4096xf32, #tpu.memory_space<hbm>>
    %dma_wait3A_661 = tpu.memref_squeeze %dma_wait3A_660 : memref<1x4096xf32, #tpu.memory_space<hbm>> -> memref<4096xf32, #tpu.memory_space<hbm>>
    %dma_wait3A_662 = arith.constant 0 : i32
    %dma_wait3A_663 = tpu.memref_slice %arg11[%add3A_587, %dma_wait3A_662] : memref<192x16384xf32, #tpu.memory_space<hbm>> -> memref<1x4096xf32, #tpu.memory_space<hbm>>
    %dma_wait3A_664 = tpu.memref_squeeze %dma_wait3A_663 : memref<1x4096xf32, #tpu.memory_space<hbm>> -> memref<4096xf32, #tpu.memory_space<hbm>>
    %dma_wait3A_665 = arith.constant 0 : i32
    %dma_wait3A_666 = tpu.memref_slice %arg15[%dma_wait3A_665] : memref<12288xf32, #tpu.memory_space<vmem>> -> memref<4096xf32, #tpu.memory_space<vmem>>
    tpu.wait_dma2 semaphore(%arg18 : memref<!tpu.dma_semaphore, #tpu.memory_space<semaphore_mem>>) src(%dma_wait3A_666 : memref<4096xf32, #tpu.memory_space<vmem>>) dst(%dma_wait3A_664 : memref<4096xf32, #tpu.memory_space<hbm>>)
    %parallel_loop3A_667 = arith.constant 0 : i32
    %parallel_loop3A_668 = arith.constant 256 : i32
    %parallel_loop3A_669 = arith.constant 1 : i32
    scf.for %parallel_loop3A_710 = %parallel_loop3A_667 to %parallel_loop3A_668 step %parallel_loop3A_669  : i32 {
      %parallel_loop3A_711 = arith.constant 16 : i32
      %parallel_loop3A_712 = arith.muli %parallel_loop3A_710, %parallel_loop3A_711 : i32
      %parallel_loop3A_713 = arith.constant 12288 : i32
      %parallel_loop3A_714 = arith.addi %parallel_loop3A_713, %parallel_loop3A_712 : i32
      %parallel_loop3A_715 = arith.index_cast %parallel_loop3A_714 : i32 to index
      %parallel_loop3A_716 = tpu.vector_load %arg13[%parallel_loop3A_715] {strides = array<i32>} : memref<16384xi32, #tpu.memory_space<vmem>>, vector<16xi32>,
      %parallel_loop3A_717 = tpu.vector_load_idx %arg12[%parallel_loop3A_716] : memref<100000xf32, #tpu.memory_space<vmem>>[vector<16xi32>], vector<16xf32>,
      %parallel_loop3A_718 = arith.addf %parallel_loop3A_717, %gather3A_585 : vector<16xf32>
      %parallel_loop3A_719 = arith.constant 16 : i32
      %parallel_loop3A_720 = arith.muli %parallel_loop3A_710, %parallel_loop3A_719 : i32
      %parallel_loop3A_721 = arith.constant 0 : i32
      %parallel_loop3A_722 = arith.addi %parallel_loop3A_721, %parallel_loop3A_720 : i32
      %parallel_loop3A_723 = arith.index_cast %parallel_loop3A_722 : i32 to index
      %parallel_loop3A_724 = tpu.vector_load %arg15[%parallel_loop3A_723] {strides = array<i32>} : memref<12288xf32, #tpu.memory_space<vmem>>, vector<16xf32>,
      tpu.vector_store %arg15[%parallel_loop3A_723], %parallel_loop3A_718 {strides = array<i32>} : memref<12288xf32, #tpu.memory_space<vmem>>, vector<16xf32>,
    } {sc.loop_unroll_factor = 16 : i64, sc.parallel_access}
    %dma_start3A_670 = arith.constant 0 : i32
    %dma_start3A_671 = tpu.memref_slice %arg15[%dma_start3A_670] : memref<12288xf32, #tpu.memory_space<vmem>> -> memref<4096xf32, #tpu.memory_space<vmem>>
    %dma_start3A_672 = arith.constant 12288 : i32
    %dma_start3A_673 = tpu.memref_slice %arg11[%add3A_587, %dma_start3A_672] : memref<192x16384xf32, #tpu.memory_space<hbm>> -> memref<1x4096xf32, #tpu.memory_space<hbm>>
    %dma_start3A_674 = tpu.memref_squeeze %dma_start3A_673 : memref<1x4096xf32, #tpu.memory_space<hbm>> -> memref<4096xf32, #tpu.memory_space<hbm>>
    %dma_start3A_675 = arith.constant 12288 : i32
    %dma_start3A_676 = tpu.memref_slice %arg11[%add3A_587, %dma_start3A_675] : memref<192x16384xf32, #tpu.memory_space<hbm>> -> memref<1x4096xf32, #tpu.memory_space<hbm>>
    %dma_start3A_677 = tpu.memref_squeeze %dma_start3A_676 : memref<1x4096xf32, #tpu.memory_space<hbm>> -> memref<4096xf32, #tpu.memory_space<hbm>>
    %dma_start3A_678 = arith.constant 0 : i32
    %dma_start3A_679 = tpu.memref_slice %arg15[%dma_start3A_678] : memref<12288xf32, #tpu.memory_space<vmem>> -> memref<4096xf32, #tpu.memory_space<vmem>>
    tpu.enqueue_dma source(%dma_start3A_679 : memref<4096xf32, #tpu.memory_space<vmem>>) target(%dma_start3A_677 : memref<4096xf32, #tpu.memory_space<hbm>>) target_semaphore(%arg18 : memref<!tpu.dma_semaphore, #tpu.memory_space<semaphore_mem>>)
    %dma_wait3A_680 = arith.constant 4096 : i32
    %dma_wait3A_681 = tpu.memref_slice %arg15[%dma_wait3A_680] : memref<12288xf32, #tpu.memory_space<vmem>> -> memref<4096xf32, #tpu.memory_space<vmem>>
    %dma_wait3A_682 = arith.constant 4096 : i32
    %dma_wait3A_683 = tpu.memref_slice %arg11[%add3A_587, %dma_wait3A_682] : memref<192x16384xf32, #tpu.memory_space<hbm>> -> memref<1x4096xf32, #tpu.memory_space<hbm>>
    %dma_wait3A_684 = tpu.memref_squeeze %dma_wait3A_683 : memref<1x4096xf32, #tpu.memory_space<hbm>> -> memref<4096xf32, #tpu.memory_space<hbm>>
    %dma_wait3A_685 = arith.constant 4096 : i32
    %dma_wait3A_686 = tpu.memref_slice %arg11[%add3A_587, %dma_wait3A_685] : memref<192x16384xf32, #tpu.memory_space<hbm>> -> memref<1x4096xf32, #tpu.memory_space<hbm>>
    %dma_wait3A_687 = tpu.memref_squeeze %dma_wait3A_686 : memref<1x4096xf32, #tpu.memory_space<hbm>> -> memref<4096xf32, #tpu.memory_space<hbm>>
    %dma_wait3A_688 = arith.constant 4096 : i32
    %dma_wait3A_689 = tpu.memref_slice %arg15[%dma_wait3A_688] : memref<12288xf32, #tpu.memory_space<vmem>> -> memref<4096xf32, #tpu.memory_space<vmem>>
    tpu.wait_dma2 semaphore(%arg19 : memref<!tpu.dma_semaphore, #tpu.memory_space<semaphore_mem>>) src(%dma_wait3A_689 : memref<4096xf32, #tpu.memory_space<vmem>>) dst(%dma_wait3A_687 : memref<4096xf32, #tpu.memory_space<hbm>>)
    %dma_wait3A_690 = arith.constant 8192 : i32
    %dma_wait3A_691 = tpu.memref_slice %arg15[%dma_wait3A_690] : memref<12288xf32, #tpu.memory_space<vmem>> -> memref<4096xf32, #tpu.memory_space<vmem>>
    %dma_wait3A_692 = arith.constant 8192 : i32
    %dma_wait3A_693 = tpu.memref_slice %arg11[%add3A_587, %dma_wait3A_692] : memref<192x16384xf32, #tpu.memory_space<hbm>> -> memref<1x4096xf32, #tpu.memory_space<hbm>>
    %dma_wait3A_694 = tpu.memref_squeeze %dma_wait3A_693 : memref<1x4096xf32, #tpu.memory_space<hbm>> -> memref<4096xf32, #tpu.memory_space<hbm>>
    %dma_wait3A_695 = arith.constant 8192 : i32
    %dma_wait3A_696 = tpu.memref_slice %arg11[%add3A_587, %dma_wait3A_695] : memref<192x16384xf32, #tpu.memory_space<hbm>> -> memref<1x4096xf32, #tpu.memory_space<hbm>>
    %dma_wait3A_697 = tpu.memref_squeeze %dma_wait3A_696 : memref<1x4096xf32, #tpu.memory_space<hbm>> -> memref<4096xf32, #tpu.memory_space<hbm>>
    %dma_wait3A_698 = arith.constant 8192 : i32
    %dma_wait3A_699 = tpu.memref_slice %arg15[%dma_wait3A_698] : memref<12288xf32, #tpu.memory_space<vmem>> -> memref<4096xf32, #tpu.memory_space<vmem>>
    tpu.wait_dma2 semaphore(%arg20 : memref<!tpu.dma_semaphore, #tpu.memory_space<semaphore_mem>>) src(%dma_wait3A_699 : memref<4096xf32, #tpu.memory_space<vmem>>) dst(%dma_wait3A_697 : memref<4096xf32, #tpu.memory_space<hbm>>)
    %dma_wait3A_700 = arith.constant 0 : i32
    %dma_wait3A_701 = tpu.memref_slice %arg15[%dma_wait3A_700] : memref<12288xf32, #tpu.memory_space<vmem>> -> memref<4096xf32, #tpu.memory_space<vmem>>
    %dma_wait3A_702 = arith.constant 12288 : i32
    %dma_wait3A_703 = tpu.memref_slice %arg11[%add3A_587, %dma_wait3A_702] : memref<192x16384xf32, #tpu.memory_space<hbm>> -> memref<1x4096xf32, #tpu.memory_space<hbm>>
    %dma_wait3A_704 = tpu.memref_squeeze %dma_wait3A_703 : memref<1x4096xf32, #tpu.memory_space<hbm>> -> memref<4096xf32, #tpu.memory_space<hbm>>
    %dma_wait3A_705 = arith.constant 12288 : i32
    %dma_wait3A_706 = tpu.memref_slice %arg11[%add3A_587, %dma_wait3A_705] : memref<192x16384xf32, #tpu.memory_space<hbm>> -> memref<1x4096xf32, #tpu.memory_space<hbm>>
    %dma_wait3A_707 = tpu.memref_squeeze %dma_wait3A_706 : memref<1x4096xf32, #tpu.memory_space<hbm>> -> memref<4096xf32, #tpu.memory_space<hbm>>
    %dma_wait3A_708 = arith.constant 0 : i32
    %dma_wait3A_709 = tpu.memref_slice %arg15[%dma_wait3A_708] : memref<12288xf32, #tpu.memory_space<vmem>> -> memref<4096xf32, #tpu.memory_space<vmem>>
    tpu.wait_dma2 semaphore(%arg18 : memref<!tpu.dma_semaphore, #tpu.memory_space<semaphore_mem>>) src(%dma_wait3A_709 : memref<4096xf32, #tpu.memory_space<vmem>>) dst(%dma_wait3A_707 : memref<4096xf32, #tpu.memory_space<hbm>>)
    return
  }
}

</mosaic_0001>

<sc_bundles>
// kernel: _run.3.cloned.1.call-start
scs
__scs_entry_jumppad:
0x0: {  	(pc) =	sbr.rel $0x88, $3  }
0x1: {  	(tag) =	ssettag $0x0;
	lr =	simm.s32 $0x1  }
0x2: {  	[smem:$0x3F98] =	sst lr;
	_ =	strace $0xD0000000  }
0x3: {  	_ = 	snop  }
0x4: {  	_ = 	snop  }
0x5: {  	_ = 	snop  }
0x6: {  	_ = 	snop  }
0x7: {  	_ = 	snop  }
__scs_overlays_trampoline_lowered:
0x8: {  	[smem:$0x3FA7] =	sst s0  }
0x9: {  	[smem:$0x3FA8] =	sst s1  }
0xa: {  	[smem:$0x3FA9] =	sst s2  }
0xb: {  	[smem:$0x3FAA] =	sst s3  }
0xc: {  	[smem:$0x3FAB] =	sst s4  }
0xd: {  	[smem:$0x3FAC] =	sst s5  }
0xe: {  	[smem:$0x3FAD] =	sst s6  }
0xf: {  	[smem:$0x3FAE] =	sst s7  }
0x10: {  	[smem:$0x3FAF] =	sst s8  }
0x11: {  	[smem:$0x3FB0] =	sst s9;
	s0 =	simm.s32 @!p0 $0x0  }
0x12: {  	s1 =	sld [smem:$0x3F96];
	s0 =	simm.s32 @p0 $0x1  }
0x13: {  	[smem:$0x3FB1] =	sst s0;
	s0 =	simm.s32 @!p1 $0x0  }
0x14: {  	s2 =	sld [smem:$0x3F95];
	s0 =	simm.s32 @p1 $0x1  }
0x15: {  	[smem:$0x3FB2] =	sst s0;
	s0 =	simm.s32 @!p2 $0x0  }
0x16: {  	s3 =	sld [smem:$0x3FDB];
	s0 =	simm.s32 @p2 $0x1  }
0x17: {  	s4 =	simm.s32 $0x1BF5;
	[smem:$0x3FB4] =	sst s0  }
0x18: {  	s0 =	sld [smem:$0x3F97];
	_ =	swait.ge [sflag:s4], $0x0  }
0x19: {  	s7 =	sld [smem:$0x3F98]  }
0x1a: {  	s8 =	sadd.s32 $0xFFFFE003, lr  }
0x1b: {  	s9 =	sadd.s32 $0xFFFFFEF7, lr;
	s5 =	simm.s32 $0xFFFFFFFF;
	p2 =	slt.u32 s8, $0xFFFFF086  }
0x1c: {  	p1 =	slt.u32 s9, $0xF7A;
	s5 =	simm.s32 @!p2 $0x0  }
0x1d: {  	s5 =	simm.s32 @p1 $0x1;
	p0 =	seq.s32 s7, s2  }
0x1e: {  	s7 =	smul.u32 @!p0 $0xF7A, s2;
	p2 =	seq.s32 @!p0 s5, $0x0  }
0x1f: {  	s9 =	smul.u32 $0xF7A, s1;
	s8 =	simm.s32 @!p0 $0x1BF5;
	p2 =	por !p2, p0  }
0x20: {  	[sflag:s8] =	ssyncset.s32 @!p0 $0xFFFFF086;
	s6 =	sadd.s32 @!p0 s3, s7;
	s7 =	simm.s32 @!p0 $0x108  }
0x21: {  	s3 =	sadd.s32 s3, s9;
	s6 =	sadd.s32 @!p0 $0x88, s6;
	s7 =	simm.s32 @p2 $0x1082  }
0x22: {  	[simem:s7], [sflag:s8] =	dma.local @!p0 [hbm:s6], $0xF7A  }
0x23: {  	s9 =	sor.u32 $0xD0000000, s2;
	s6 =	simm.s32 $0x108;
	_ =	swait.ge @!p0 [sflag:s8], $0x0  }
0x24: {  	s3 =	sadd.s32 $0x88, s3;
	s6 =	simm.s32 @!p1 $0x1082;
	[sflag:s4] =	ssyncset.s32 $0xFFFFF086  }
0x25: {  	[simem:s6], [sflag:s4] =	dma.local [hbm:s3], $0xF7A  }
0x26: {  	[smem:$0x3F98] =	sst s1;
	(tag) =	ssettag s2;
	_ =	strace s9  }
0x27: {  	s1 =	sld [smem:$0x3FA8]  }
0x28: {  	s2 =	sld [smem:$0x3FA9]  }
0x29: {  	s4 =	sld [smem:$0x3FAB]  }
0x2a: {  	p0 =	seq.s32 s5, $0x0;
	s5 =	sld [smem:$0x3FAC]  }
0x2b: {  	s6 =	sld [smem:$0x3FAD]  }
0x2c: {  	s7 =	sld [smem:$0x3FAE]  }
0x2d: {  	s3 =	simm.s32 $0x108;
	s8 =	sld [smem:$0x3FAF]  }
0x2e: {  	s3 =	simm.s32 @!p0 $0x1082;
	s9 =	sld [smem:$0x3FB0]  }
0x2f: {  	lr =	sadd.s32 s0, s3;
	s0 =	sld [smem:$0x3FA7]  }
0x30: {  	s3 =	sld [smem:$0x3FAA]  }
0x31: {  	[smem:$0x3FB3] =	sst s10  }
0x32: {  	s10 =	sld [smem:$0x3FB1];
	_ =	sdelay $0x3  }
0x33: {  	p0 =	seq.s32 s10, $0x1;
	s10 =	sld [smem:$0x3FB3];
	_ =	sdelay $0x3  }
0x34: {  	[smem:$0x3FB3] =	sst s10  }
0x35: {  	s10 =	sld [smem:$0x3FB2];
	_ =	sdelay $0x3  }
0x36: {  	p1 =	seq.s32 s10, $0x1;
	s10 =	sld [smem:$0x3FB3];
	_ =	sdelay $0x3  }
0x37: {  	[smem:$0x3FB3] =	sst s10  }
0x38: {  	s10 =	sld [smem:$0x3FB4]  }
0x39: {  	_ = 	snop;
	(pc) =	sbr.ind lr, $3  }
0x3a: {  	_ = 	snop  }
0x3b: {  	_ = 	snop  }
0x3c: {  	p2 =	seq.s32 s10, $0x1;
	s10 =	sld [smem:$0x3FB3]  }
0x3d: {  	_ =	shalt  }
0x3e: {  	_ =	shalt  }
0x3f: {  	_ =	shalt  }
0x40: {  	_ =	shalt  }
0x41: {  	_ =	shalt  }
0x42: {  	_ =	shalt  }
0x43: {  	_ =	shalt  }
0x44: {  	_ =	shalt  }
0x45: {  	_ =	shalt  }
0x46: {  	_ =	shalt  }
0x47: {  	_ =	shalt  }
0x48: {  	_ =	shalt  }
0x49: {  	_ =	shalt  }
0x4a: {  	_ =	shalt  }
0x4b: {  	_ =	shalt  }
0x4c: {  	_ =	shalt  }
0x4d: {  	_ =	shalt  }
0x4e: {  	_ =	shalt  }
0x4f: {  	_ =	shalt  }
0x50: {  	_ =	shalt  }
0x51: {  	_ =	shalt  }
0x52: {  	_ =	shalt  }
0x53: {  	_ =	shalt  }
0x54: {  	_ =	shalt  }
0x55: {  	_ =	shalt  }
0x56: {  	_ =	shalt  }
0x57: {  	_ =	shalt  }
0x58: {  	_ =	shalt  }
0x59: {  	_ =	shalt  }
0x5a: {  	_ =	shalt  }
0x5b: {  	_ =	shalt  }
0x5c: {  	_ =	shalt  }
0x5d: {  	_ =	shalt  }
0x5e: {  	_ =	shalt  }
0x5f: {  	_ =	shalt  }
0x60: {  	_ =	shalt  }
0x61: {  	_ =	shalt  }
0x62: {  	_ =	shalt  }
0x63: {  	_ =	shalt  }
0x64: {  	_ =	shalt  }
0x65: {  	_ =	shalt  }
0x66: {  	_ =	shalt  }
0x67: {  	_ =	shalt  }
0x68: {  	_ =	shalt  }
0x69: {  	_ =	shalt  }
0x6a: {  	_ =	shalt  }
0x6b: {  	_ =	shalt  }
0x6c: {  	_ =	shalt  }
0x6d: {  	_ =	shalt  }
0x6e: {  	_ =	shalt  }
0x6f: {  	_ =	shalt  }
0x70: {  	_ =	shalt  }
0x71: {  	_ =	shalt  }
0x72: {  	_ =	shalt  }
0x73: {  	_ =	shalt  }
0x74: {  	_ =	shalt  }
0x75: {  	_ =	shalt  }
0x76: {  	_ =	shalt  }
0x77: {  	_ =	shalt  }
0x78: {  	_ =	shalt  }
0x79: {  	_ =	shalt  }
0x7a: {  	_ =	shalt  }
0x7b: {  	_ =	shalt  }
0x7c: {  	_ =	shalt  }
0x7d: {  	_ =	shalt  }
0x7e: {  	_ =	shalt  }
0x7f: {  	_ =	shalt  }
0x80: {  	_ =	shalt  }
0x81: {  	_ =	shalt  }
0x82: {  	_ =	shalt  }
0x83: {  	_ =	shalt  }
0x84: {  	_ =	shalt  }
0x85: {  	_ =	shalt  }
0x86: {  	_ =	shalt  }
0x87: {  	_ =	shalt  }
.Lfunc_end0:
.L_simem_size_0:
called_computation_lowered:
.L_overlay_start_0:
0x88: {  	s2 =	sld [smem:$0x3FD9]  }
0x89: {  	s3 =	sld [smem:$0x3FFE];
	_ =	sdelay $0x1  }
0x8a: {  	s1 =	srdreg.scid  }
0x8b: {  	s0 =	sand.u32 $0x1, s1  }
0x8c: {  	s18 =	sshll.u32 s0, $0xA;
	s2 =	sadd.s32 s3, s2  }
0x8d: {  	s2 =	sadd.s32 s2, s18  }
0x8e: {  	[smem:$0x3FBF] =	sst s2  }
0x8f: {  	_ = 	snop  }
0x90: {  	s2 =	sld [smem:$0x3FC9]  }
0x91: {  	s19 =	sld [smem:$0x3FC8]  }
0x92: {  	s4 =	sld [smem:$0x3FC7]  }
0x93: {  	s5 =	sld [smem:$0x3FC6]  }
0x94: {  	s6 =	sld [smem:$0x3FC5]  }
0x95: {  	s7 =	sld [smem:$0x3FC4]  }
0x96: {  	s8 =	sld [smem:$0x3FC3]  }
0x97: {  	s9 =	sld [smem:$0x3FC2]  }
0x98: {  	s10 =	sld [smem:$0x3FC1]  }
0x99: {  	s11 =	sld [smem:$0x3FD0];
	(tm) =	ssettm $0x1  }
0x9a: {  	s12 =	sld [smem:$0x3FFB];
	_ =	sdelay $0x3  }
0x9b: {  	_ =	strace s12  }
0x9c: {  	s12 =	sld [smem:$0x3FFC];
	_ =	sdelay $0x3  }
0x9d: {  	_ =	strace s12  }
0x9e: {  	s12 =	sld [smem:$0x3FFD];
	_ =	sdelay $0x3  }
0x9f: {  	_ =	strace s12  }
0xa0: {  	_ =	strace $0x8FFFFFFF  }
0xa1: {  	s20 =	sld [smem:$0x3FDB];
	_ =	sdelay $0x1  }
0xa2: {  	s13 =	simm.s32 $_scs_section_size  }
0xa3: {  	s14 =	simm.s32 $_size__tile_overlayer_lowered;
	s15 =	simm.s32 $_tile_overlayer_lowered  }
0xa4: {  	s23 =	simm.s32 $0x1BFF;
	s22 =	sshll.u32 s15, $0x1;
	s12 =	sadd.s32 s13, s20  }
0xa5: {  	s16 =	simm.s32 $0x0;
	s21 =	sshll.u32 s14, $0x1;
	s14 =	sadd.s32 s22, s12  }
0xa6: {  	[timem:s16], [sflag:s23] =	dma.local [hbm:s14], s21  }
0xa7: {  	_ =	swait.ge [sflag:s23], s21  }
0xa8: {  	s13 =	ssub.s32 $0x0, s21;
	[sflag:s23] =	ssyncset.done $0x0  }
0xa9: {  	[sflag:s23] =	ssyncadd.s32 s13;
	_ =	sdelay $0x1  }
0xaa: {  	s24 =	simm.s32 $0x1B8B  }
0xab: {  	_ =	swait.ge [sflag:s24], $0x1  }
0xac: {  	[sflag:s24] =	ssyncset.done $0x0  }
0xad: {  	s25 =	simm.s32 $0x1B8E;
	[sflag:s24] =	ssyncadd.s32 $0xFFFFFFFF  }
0xae: {  	s26 =	simm.s32 $execute0_lowered;
	[smem:$0x3FD2] =	sst s25  }
0xaf: {  	s13 =	sshll.u32 s26, $0x1;
	_ =	strace $0x80000046;
	[dreg:$0x1] =	wrdreg $0xFFFFFFFF  }
0xb0: {  	s28 =	simm.s32 $_size_execute0_lowered;
	s12 =	sadd.s32 s12, s13;
	[dreg:$0x0] =	wrdreg $0x0  }
0xb1: {  	s13 =	sshll.u32 s28, $0x1;
	[dreg:$0x2] =	wrdreg s12  }
0xb2: {  	[dreg:$0x3] =	wrdreg s13  }
0xb3: {  	[dreg:$0x4] =	wrdreg $0xC0  }
0xb4: {  	_ =	task [dreg:s16], $0x5FFFF  }
0xb5: {  	[dreg:$0x1] =	wrdreg $0xFFFFFFFF  }
0xb6: {  	[dreg:$0x0] =	wrdreg $0x60  }
0xb7: {  	[dreg:$0x2] =	wrdreg s2  }
0xb8: {  	[dreg:$0x3] =	wrdreg s19  }
0xb9: {  	[dreg:$0x4] =	wrdreg s4  }
0xba: {  	[dreg:$0x5] =	wrdreg s5  }
0xbb: {  	[dreg:$0x6] =	wrdreg s6  }
0xbc: {  	[dreg:$0x7] =	wrdreg s7  }
0xbd: {  	[dreg:$0x8] =	wrdreg s8  }
0xbe: {  	[dreg:$0x9] =	wrdreg s9  }
0xbf: {  	[dreg:$0xa] =	wrdreg s10  }
0xc0: {  	[dreg:$0xb] =	wrdreg s11  }
0xc1: {  	[dreg:$0xc] =	wrdreg $0x9  }
0xc2: {  	_ =	task.clear_ibuf [dreg:s16], $0xDFFFF;
	_ =	strace $0x90000046  }
0xc3: {  	s29 =	simm.s32 $0x9;
	_ =	strace $0x80000048  }
0xc4: {  	_ =	swait.ge [sflag:s29], $0x1  }
0xc5: {  	[sflag:s29] =	ssyncadd.s32 $0xFFFFFFFF  }
0xc6: {  	_ =	strace $0x90000048  }
0xc7: {  	_ =	sfence  }
0xc8: {  	s30 =	sld [smem:$0x0];
	_ =	sdelay $0x2  }
0xc9: {  	s31 =	sshll.u32 s1, $0xD;
	s1 =	sshrl.u32 s1, $0x2  }
0xca: {  	s3 =	sand.u32 $0x4000, s31;
	s1 =	sadd.s32 s1, s30  }
0xcb: {  	s0 =	sor.u32 s3, s0;
	s1 =	sshll.u32 s1, $0x11  }
0xcc: {  	s0 =	sor.u32 s1, s0  }
0xcd: {  	s0 =	sadd.s32 $0x8F2B, s0  }
0xce: {  	[sflag:s0] =	ssyncadd.remote.s32 $0x1  }
0xcf: {  	_ =	sfence.sel $0xFFFF  }
0xd0: {  	[dreg:$0x0] =	wrdreg $0xFFFFFFFF;
	(pc) =	sbr.abs _section_cstart, $3  }
0xd1: {  	[dreg:$0x1] =	wrdreg $0xFFFFFFFF  }
0xd2: {  	_ =	task.clear_ibuf [dreg:s16], $0x2FFFF;
	_ =	strace $0x9FFFFFFF  }
0xd3: {  	(tm) =	ssettm $0x7FFFFFFF  }
tec
execute0_lowered:
.L_overlay_start_1:
0x0: {  	(tag) =	ssettag $0x1  }
0x1: {  	s3 =	rddreg [dreg:$0x3]  }
0x2: {  	s4 =	rddreg [dreg:$0x4]  }
0x3: {  	s5 =	rddreg [dreg:$0x5];
	s1 =	srdreg.scid  }
0x4: {  	s0 =	rddreg [dreg:$0x9];
	s13 =	stileid.u32  }
0x5: {  	s2 =	sand.u32 $0x1, s1;
	s1 =	simm.s32 $0x0;
	s6 =	sshll.u32 s13, $0x2  }
0x6: {  	s18 =	sshrl.u32 s13, $0x1;
	s13 =	sshll.u32 s13, $0x10;
	s7 =	sshll.u32 s2, $0x1  }
0x7: {  	s2 =	ssub.s32 $0x2, s2;
	s11 =	smul.u32 $0xC3800, s18;
	[smem:$0x7FF] =	sst s1  }
0x8: {  	s7 =	sor.u32 s7, s6;
	s8 =	sshrl.u32 s2, $0x1;
	s6 =	sshll.u32 s18, $0x11  }
0x9: {  	s9 =	sshll.u32 s7, $0x7;
	s2 =	ssub.s32 s2, s8;
	s10 =	sor.u32 $0x1, s7  }
0xa: {  	s24 =	sor.u32 $0x41, s7;
	s19 =	sand.u32 $0x300, s9;
	s9 =	sor.u32 s13, s9  }
0xb: {  	s16 =	sshll.u32 s10, $0x7;
	s25 =	sshll.u32 s24, $0xB;
	s8 =	sshll.u32 s24, $0x4  }
0xc: {  	s2 =	smax.u32 s2, $0x1;
	v1 =	vmov s10;
	s10 =	simm.s32 $0x1D800;
	s12 =	sor.u32 s11, s19  }
0xd: {  	s14 =	sor.u32 s6, s19;
	s16 =	sand.u32 $0x380, s16;
	s23 =	sor.u32 s13, s19  }
0xe: {  	s12 =	sshrl.u32 s12, $0x3;
	s14 =	sshrl.u32 s14, $0x3;
	s11 =	sor.u32 s11, s16  }
0xf: {  	s6 =	sor.u32 s6, s16;
	s16 =	sadd.s32 $0x3000, s0;
	s15 =	sadd.s32 s3, s12  }
0x10: {  	s20 =	sadd.s32 s0, s14;
	s11 =	sshrl.u32 s11, $0x3;
	[dreg:$0xb] =	wrdreg s15  }
0x11: {  	s6 =	sshrl.u32 s6, $0x3;
	s22 =	sadd.s32 s4, s12;
	[dreg:$0xc] =	wrdreg s20  }
0x12: {  	s26 =	sadd.s32 s5, s12;
	s12 =	sor.u32 $0x81, s7;
	[dreg:$0x12] =	wrdreg s22  }
0x13: {  	v0 =	vmov s7;
	s7 =	simm.s32 $0x2;
	s3 =	sadd.s32 s3, s11;
	[dreg:$0x14] =	wrdreg s26  }
0x14: {  	s15 =	sadd.s32 $0x1000, s0;
	s21 =	sadd.s32 s0, s6;
	[dreg:$0x10] =	wrdreg s3  }
0x15: {  	s4 =	sadd.s32 s4, s11;
	s5 =	sadd.s32 s5, s11;
	[dreg:$0x11] =	wrdreg s21  }
0x16: {  	s13 =	sshll.u32 s12, $0xB;
	s11 =	simm.s32 $0x1E800;
	[dreg:$0x13] =	wrdreg s4  }
0x17: {  	s17 =	sadd.s32 s14, s15;
	s4 =	sor.u32 s8, s25;
	[dreg:$0x15] =	wrdreg s5  }
0x18: {  	s8 =	sshll.u32 s12, $0x4;
	s3 =	sshrl.u32 s23, $0x3;
	s12 =	simm.s32 $0x3  }
0x19: {  	[dreg:$0xd] =	wrdreg s17;
	s17 =	sadd.s32 $0x2000, s0;
	s5 =	sor.u32 s8, s13  }
0x1a: {  	s22 =	sor.u32 $0x22000, s3;
	s23 =	sor.u32 $0x23000, s3;
	s4 =	sand.u32 $0x3C070, s4  }
0x1b: {  	s25 =	sor.u32 $0x42000, s3;
	s3 =	sor.u32 $0x43000, s3;
	s13 =	simm.s32 $0x4  }
0x1c: {  	s18 =	sadd.s32 s14, s17;
	s14 =	sadd.s32 s14, s16;
	s19 =	sadd.s32 s6, s17  }
0x1d: {  	s24 =	sadd.s32 s0, s4;
	s21 =	sadd.s32 s4, s15;
	s25 =	sadd.s32 s0, s25  }
0x1e: {  	s28 =	sadd.s32 s0, s3;
	s26 =	sand.u32 $0x5C070, s5;
	[dreg:$0xe] =	wrdreg s18  }
0x1f: {  	s3 =	simm.s32 $0x1C700;
	s5 =	simm.s32 $0x80;
	[dreg:$0xf] =	wrdreg s14  }
0x20: {  	s14 =	sadd.s32 s6, s15;
	s18 =	sand.u32 $0xE0300, s9;
	[dreg:$0x17] =	wrdreg s19  }
0x21: {  	s6 =	sadd.s32 s6, s16;
	[dreg:$0x1b] =	wrdreg s24;
	s31 =	sadd.s32 s0, s26  }
0x22: {  	s29 =	sadd.s32 s26, s15;
	s19 =	sadd.s32 s26, s16;
	s9 =	simm.s32 $0x1C800  }
0x23: {  	s15 =	simm.s32 $0x0;
	[dreg:$0x16] =	wrdreg s14;
	s8 =	sshrl.u32 s18, $0x3  }
0x24: {  	[dreg:$0x18] =	wrdreg s6;
	s6 =	simm.s32 $0x400;
	s14 =	simm.s32 $0x5  }
0x25: {  	s20 =	sadd.s32 s8, s0;
	s8 =	sadd.s32 s0, s22;
	s22 =	sadd.s32 s4, s17  }
0x26: {  	s17 =	sadd.s32 s26, s17;
	[dreg:$0x19] =	wrdreg s8;
	s8 =	sadd.s32 s0, s23  }
0x27: {  	s23 =	sadd.s32 s4, s16;
	s24 =	sadd.s32 $0x20000, s20;
	s26 =	sadd.s32 $0x21000, s20  }
0x28: {  	v2 =	vor.u32 $0x40, v0;
	s30 =	sadd.s32 $0x40000, s20;
	s0 =	sadd.s32 $0x41000, s20;
	[dreg:$0x1a] =	wrdreg s8  }
0x29: {  	v4 =	vor.u32 $0x80, v0;
	v3 =	vor.u32 $0x40, v1;
	v5 =	vor.u32 $0x80, v1;
	s4 =	simm.s32 $0x18700;
	s8 =	simm.s32 $0x1;
	_ =	strace $0x80000047  }
.LBB2_1:
0x2a: {  	s16 =	rddreg [dreg:$0x6]  }
0x2b: {  	[tilespmem:s3], [sflag:$0x2] =	stream.linear.gather [hbm4b:s16+s1], $0x40, $0x38;
	[tilespmem:$0x1F800] =	vst v63  }
0x2c: {  	s20 =	rddreg [dreg:$0x7];
	s18 =	simm.s32 $0x1C740  }
0x2d: {  	[tilespmem:s18], [sflag:$0x2] =	stream.linear.gather [hbm4b:s20+s1], $0x40, $0x38;
	[tilespmem:$0x1F800] =	vst v63  }
0x2e: {  	s18 =	rddreg [dreg:$0x8];
	s20 =	simm.s32 $0x1C780  }
0x2f: {  	[tilespmem:s20], [sflag:$0x2] =	stream.linear.gather [hbm4b:s18+s1], $0x40, $0x38;
	[tilespmem:$0x1F800] =	vst v63  }
0x30: {  	s20 =	rddreg [dreg:$0x0]  }
0x31: {  	[tilespmem:s4], [sflag:$0x2] =	stream.linear.gather [hbm4b:s20+s1], $0x4000, $0x38;
	[tilespmem:$0x1F800] =	vst v63  }
0x32: {  	s18 =	rddreg [dreg:$0xb]  }
0x33: {  	[tilespmem:s1], [sflag:$0x1] =	stream.strided.gather [hbm4b:s18+s5], $0x18700, s6, s5, $0x38;
	[tilespmem:$0x1F800] =	vst v63  }
0x34: {  	_ =	swait.ge [sflag:s7], $0x40  }
0x35: {  	[sflag:s7] =	ssyncset.done $0x0  }
0x36: {  	[sflag:s7] =	ssyncadd.s32 $0xFFFFFFC0  }
0x37: {  	_ =	swait.ge [sflag:s7], $0x40  }
0x38: {  	[sflag:s7] =	ssyncset.done $0x0  }
0x39: {  	[sflag:s7] =	ssyncadd.s32 $0xFFFFFFC0  }
0x3a: {  	_ =	swait.ge [sflag:s7], $0x40  }
0x3b: {  	[sflag:s7] =	ssyncset.done $0x0  }
0x3c: {  	[sflag:s7] =	ssyncadd.s32 $0xFFFFFFC0  }
0x3d: {  	_ =	swait.ge [sflag:s7], $0x4000  }
0x3e: {  	[sflag:s7] =	ssyncset.done $0x0  }
0x3f: {  	[sflag:s7] =	ssyncadd.s32 $0xFFFFC000  }
0x40: {  	_ =	swait.ge [sflag:s8], $0x18700  }
0x41: {  	[sflag:s8] =	ssyncset.done $0x0  }
0x42: {  	[sflag:s8] =	ssyncadd.s32 $0xFFFE7900  }
0x43: {  	s20 =	simm.s32 $0x18780;
	v6 =	vld.idx.msk [tilespmem:v0+s3+$0x0], $0xffff  }
0x44: {  	v7 =	vld [tilespmem:s20+$0x70]  }
0x45: {  	v8 =	vld [tilespmem:s20+$0xFFFFFF90]  }
0x46: {  	v9 =	vld [tilespmem:s20+$0xFFFFFFA0]  }
0x47: {  	v10 =	vld [tilespmem:s20+$0xFFFFFFB0]  }
0x48: {  	v11 =	vld [tilespmem:s20+$0xFFFFFFC0]  }
0x49: {  	v12 =	vld [tilespmem:s20+$0xFFFFFFD0]  }
0x4a: {  	v13 =	vld [tilespmem:s20+$0xFFFFFFE0]  }
0x4b: {  	v14 =	vld [tilespmem:s20+$0xFFFFFFF0]  }
0x4c: {  	v15 =	vld [tilespmem:s20+$0x0]  }
0x4d: {  	v16 =	vld [tilespmem:s20+$0x10]  }
0x4e: {  	v17 =	vld [tilespmem:s20+$0x20]  }
0x4f: {  	v18 =	vld [tilespmem:s20+$0x30]  }
0x50: {  	v19 =	vld [tilespmem:s20+$0x40]  }
0x51: {  	v20 =	vld [tilespmem:s20+$0x50]  }
0x52: {  	v21 =	vld [tilespmem:s20+$0x60]  }
0x53: {  	v22 =	vld [tilespmem:s20+$0xFFFFFF80]  }
0x54: {  	v7 =	vld.idx.msk [tilespmem:v7+s1+$0x0], $0xffff  }
0x55: {  	v8 =	vld.idx.msk [tilespmem:v8+s1+$0x0], $0xffff  }
0x56: {  	v9 =	vld.idx.msk [tilespmem:v9+s1+$0x0], $0xffff  }
0x57: {  	v10 =	vld.idx.msk [tilespmem:v10+s1+$0x0], $0xffff  }
0x58: {  	v11 =	vld.idx.msk [tilespmem:v11+s1+$0x0], $0xffff  }
0x59: {  	v12 =	vld.idx.msk [tilespmem:v12+s1+$0x0], $0xffff  }
0x5a: {  	v13 =	vld.idx.msk [tilespmem:v13+s1+$0x0], $0xffff;
	v7 =	vadd.f32 v7, v6  }
0x5b: {  	s16 =	simm.s32 $0x1C880;
	v14 =	vld.idx.msk [tilespmem:v14+s1+$0x0], $0xffff;
	v8 =	vadd.f32 v8, v6  }
0x5c: {  	v22 =	vld.idx.msk [tilespmem:v22+s1+$0x0], $0xffff;
	[tilespmem:s16+$0x70] =	vst v7;
	v7 =	vadd.f32 v9, v6  }
0x5d: {  	v15 =	vld.idx.msk [tilespmem:v15+s1+$0x0], $0xffff;
	[tilespmem:s16+$0xFFFFFF90] =	vst v8;
	v8 =	vadd.f32 v10, v6  }
0x5e: {  	v9 =	vadd.f32 v11, v6;
	[tilespmem:s16+$0xFFFFFFA0] =	vst v7;
	v7 =	vld.idx.msk [tilespmem:v16+s1+$0x0], $0xffff  }
0x5f: {  	v10 =	vadd.f32 v12, v6;
	[tilespmem:s16+$0xFFFFFFB0] =	vst v8;
	v8 =	vld.idx.msk [tilespmem:v17+s1+$0x0], $0xffff  }
0x60: {  	v11 =	vadd.f32 v13, v6;
	[tilespmem:s16+$0xFFFFFFC0] =	vst v9;
	v9 =	vld.idx.msk [tilespmem:v18+s1+$0x0], $0xffff  }
0x61: {  	v12 =	vadd.f32 v14, v6;
	[tilespmem:s16+$0xFFFFFFD0] =	vst v10;
	v10 =	vld.idx.msk [tilespmem:v19+s1+$0x0], $0xffff  }
0x62: {  	v13 =	vadd.f32 v22, v6;
	[tilespmem:s16+$0xFFFFFFE0] =	vst v11;
	v11 =	vld.idx.msk [tilespmem:v20+s1+$0x0], $0xffff  }
0x63: {  	s18 =	simm.s32 $0x0;
	s20 =	simm.s32 $0x18880;
	v14 =	vadd.f32 v15, v6;
	[tilespmem:s16+$0xFFFFFFF0] =	vst v12;
	v12 =	vld.idx.msk [tilespmem:v21+s1+$0x0], $0xffff  }
.LBB2_2:
0x64: {  	v15 =	vld [tilespmem:s20+$0x70];
	s18 =	sadd.s32 $0x10, s18;
	[tilespmem:s16+$0xFFFFFF80] =	vst v13;
	v7 =	vadd.f32 v7, v6  }
0x65: {  	v8 =	vadd.f32 v8, v6;
	v13 =	vld [tilespmem:s20+$0xFFFFFF90];
	p0 =	slt.u32 s18, $0xF0;
	[tilespmem:s16+$0x0] =	vst v14  }
0x66: {  	v14 =	vld [tilespmem:s20+$0xFFFFFFA0];
	[tilespmem:s16+$0x10] =	vst v7;
	v7 =	vadd.f32 v9, v6  }
0x67: {  	v9 =	vld [tilespmem:s20+$0xFFFFFFB0];
	[tilespmem:s16+$0x20] =	vst v8;
	v8 =	vadd.f32 v10, v6  }
0x68: {  	v10 =	vld [tilespmem:s20+$0xFFFFFFC0];
	[tilespmem:s16+$0x30] =	vst v7;
	v7 =	vadd.f32 v11, v6  }
0x69: {  	v11 =	vld [tilespmem:s20+$0xFFFFFFD0];
	[tilespmem:s16+$0x40] =	vst v8;
	v8 =	vadd.f32 v12, v6  }
0x6a: {  	v12 =	vld [tilespmem:s20+$0xFFFFFFE0];
	[tilespmem:s16+$0x50] =	vst v7  }
0x6b: {  	v7 =	vld [tilespmem:s20+$0xFFFFFFF0];
	[tilespmem:s16+$0x60] =	vst v8  }
0x6c: {  	v8 =	vld.idx.msk [tilespmem:v15+s1+$0x0], $0xffff  }
0x6d: {  	v15 =	vld [tilespmem:s20+$0x0]  }
0x6e: {  	v16 =	vld [tilespmem:s20+$0x10]  }
0x6f: {  	v17 =	vld [tilespmem:s20+$0x20]  }
0x70: {  	v18 =	vld [tilespmem:s20+$0x30]  }
0x71: {  	v19 =	vld [tilespmem:s20+$0x40]  }
0x72: {  	v8 =	vadd.f32 v8, v6;
	v20 =	vld [tilespmem:s20+$0x50]  }
0x73: {  	s16 =	sadd.s32 $0x100, s16;
	v21 =	vld [tilespmem:s20+$0x60]  }
0x74: {  	v22 =	vld [tilespmem:s20+$0xFFFFFF80];
	[tilespmem:s16+$0x70] =	vst v8  }
0x75: {  	v8 =	vld.idx.msk [tilespmem:v13+s1+$0x0], $0xffff  }
0x76: {  	v13 =	vld.idx.msk [tilespmem:v14+s1+$0x0], $0xffff  }
0x77: {  	v9 =	vld.idx.msk [tilespmem:v9+s1+$0x0], $0xffff  }
0x78: {  	v10 =	vld.idx.msk [tilespmem:v10+s1+$0x0], $0xffff  }
0x79: {  	v11 =	vld.idx.msk [tilespmem:v11+s1+$0x0], $0xffff  }
0x7a: {  	v12 =	vld.idx.msk [tilespmem:v12+s1+$0x0], $0xffff  }
0x7b: {  	v8 =	vadd.f32 v8, v6;
	v14 =	vld.idx.msk [tilespmem:v7+s1+$0x0], $0xffff  }
0x7c: {  	v7 =	vadd.f32 v13, v6;
	v22 =	vld.idx.msk [tilespmem:v22+s1+$0x0], $0xffff  }
0x7d: {  	[tilespmem:s16+$0xFFFFFF90] =	vst v8;
	v8 =	vadd.f32 v9, v6;
	v15 =	vld.idx.msk [tilespmem:v15+s1+$0x0], $0xffff  }
0x7e: {  	v9 =	vadd.f32 v10, v6;
	[tilespmem:s16+$0xFFFFFFA0] =	vst v7;
	v7 =	vld.idx.msk [tilespmem:v16+s1+$0x0], $0xffff  }
.Ltmp0:
0x7f: {  	v10 =	vadd.f32 v11, v6;
	[tilespmem:s16+$0xFFFFFFB0] =	vst v8;
	v8 =	vld.idx.msk [tilespmem:v17+s1+$0x0], $0xffff;
	(pc) =	sbr.rel @p0 .LBB2_2-.Ltmp0, $4  }
0x80: {  	v11 =	vadd.f32 v12, v6;
	[tilespmem:s16+$0xFFFFFFC0] =	vst v9;
	v9 =	vld.idx.msk [tilespmem:v18+s1+$0x0], $0xffff  }
0x81: {  	v12 =	vadd.f32 v14, v6;
	[tilespmem:s16+$0xFFFFFFD0] =	vst v10;
	v10 =	vld.idx.msk [tilespmem:v19+s1+$0x0], $0xffff  }
0x82: {  	v13 =	vadd.f32 v22, v6;
	[tilespmem:s16+$0xFFFFFFE0] =	vst v11;
	v11 =	vld.idx.msk [tilespmem:v20+s1+$0x0], $0xffff  }
0x83: {  	s20 =	sadd.s32 $0x100, s20;
	v14 =	vadd.f32 v15, v6;
	[tilespmem:s16+$0xFFFFFFF0] =	vst v12;
	v12 =	vld.idx.msk [tilespmem:v21+s1+$0x0], $0xffff  }
0x84: {  	[tilespmem:s16+$0xFFFFFF80] =	vst v13;
	v7 =	vadd.f32 v7, v6  }
0x85: {  	v8 =	vadd.f32 v8, v6;
	[tilespmem:s16+$0x0] =	vst v14  }
0x86: {  	[tilespmem:s16+$0x10] =	vst v7;
	v7 =	vadd.f32 v9, v6  }
0x87: {  	[tilespmem:s16+$0x20] =	vst v8;
	v8 =	vadd.f32 v10, v6  }
0x88: {  	[tilespmem:s16+$0x30] =	vst v7;
	v7 =	vadd.f32 v11, v6  }
0x89: {  	[tilespmem:s16+$0x40] =	vst v8;
	v8 =	vadd.f32 v12, v6  }
0x8a: {  	[tilespmem:s16+$0x50] =	vst v7  }
0x8b: {  	[tilespmem:s16+$0x60] =	vst v8  }
0x8c: {  	s20 =	simm.s32 $0x197F0;
	s16 =	rddreg [dreg:$0xc]  }
0x8d: {  	[hbm4b:s16+s5] =	stream.strided.scatter [tilespmem:s9], [sflag:$0x3], $0x1000, s6, s5, $0x38;
	[tilespmem:$0x1F800] =	vst v63  }
0x8e: {  	v7 =	vld [tilespmem:s20+$0x0]  }
0x8f: {  	v8 =	vld [tilespmem:s20+$0xFFFFFF20]  }
0x90: {  	v9 =	vld [tilespmem:s20+$0xFFFFFF30]  }
0x91: {  	v10 =	vld [tilespmem:s20+$0xFFFFFF40]  }
0x92: {  	v11 =	vld [tilespmem:s20+$0xFFFFFF50]  }
0x93: {  	v12 =	vld [tilespmem:s20+$0xFFFFFF60]  }
0x94: {  	v13 =	vld [tilespmem:s20+$0xFFFFFF70]  }
0x95: {  	v14 =	vld [tilespmem:s20+$0xFFFFFF80]  }
0x96: {  	v15 =	vld [tilespmem:s20+$0xFFFFFF90]  }
0x97: {  	v16 =	vld [tilespmem:s20+$0xFFFFFFA0]  }
0x98: {  	v17 =	vld [tilespmem:s20+$0xFFFFFFB0]  }
0x99: {  	v18 =	vld [tilespmem:s20+$0xFFFFFFC0]  }
0x9a: {  	v19 =	vld [tilespmem:s20+$0xFFFFFFD0]  }
0x9b: {  	v20 =	vld [tilespmem:s20+$0xFFFFFFE0]  }
0x9c: {  	v21 =	vld [tilespmem:s20+$0xFFFFFFF0]  }
0x9d: {  	v22 =	vld [tilespmem:s20+$0xFFFFFF10]  }
0x9e: {  	v7 =	vld.idx.msk [tilespmem:v7+s1+$0x0], $0xffff  }
0x9f: {  	v8 =	vld.idx.msk [tilespmem:v8+s1+$0x0], $0xffff  }
0xa0: {  	v9 =	vld.idx.msk [tilespmem:v9+s1+$0x0], $0xffff  }
0xa1: {  	v10 =	vld.idx.msk [tilespmem:v10+s1+$0x0], $0xffff  }
0xa2: {  	v11 =	vld.idx.msk [tilespmem:v11+s1+$0x0], $0xffff  }
0xa3: {  	v12 =	vld.idx.msk [tilespmem:v12+s1+$0x0], $0xffff  }
0xa4: {  	v13 =	vld.idx.msk [tilespmem:v13+s1+$0x0], $0xffff;
	v7 =	vadd.f32 v7, v6  }
0xa5: {  	s16 =	simm.s32 $0x1D8F0;
	v14 =	vld.idx.msk [tilespmem:v14+s1+$0x0], $0xffff;
	v8 =	vadd.f32 v8, v6  }
0xa6: {  	v22 =	vld.idx.msk [tilespmem:v22+s1+$0x0], $0xffff;
	[tilespmem:s16+$0x0] =	vst v7;
	v7 =	vadd.f32 v9, v6  }
0xa7: {  	v15 =	vld.idx.msk [tilespmem:v15+s1+$0x0], $0xffff;
	[tilespmem:s16+$0xFFFFFF20] =	vst v8;
	v8 =	vadd.f32 v10, v6  }
0xa8: {  	v9 =	vadd.f32 v11, v6;
	[tilespmem:s16+$0xFFFFFF30] =	vst v7;
	v7 =	vld.idx.msk [tilespmem:v16+s1+$0x0], $0xffff  }
0xa9: {  	v10 =	vadd.f32 v12, v6;
	[tilespmem:s16+$0xFFFFFF40] =	vst v8;
	v8 =	vld.idx.msk [tilespmem:v17+s1+$0x0], $0xffff  }
0xaa: {  	v11 =	vadd.f32 v13, v6;
	[tilespmem:s16+$0xFFFFFF50] =	vst v9;
	v9 =	vld.idx.msk [tilespmem:v18+s1+$0x0], $0xffff  }
0xab: {  	v12 =	vadd.f32 v14, v6;
	[tilespmem:s16+$0xFFFFFF60] =	vst v10;
	v10 =	vld.idx.msk [tilespmem:v19+s1+$0x0], $0xffff  }
0xac: {  	v13 =	vadd.f32 v22, v6;
	[tilespmem:s16+$0xFFFFFF70] =	vst v11;
	v11 =	vld.idx.msk [tilespmem:v20+s1+$0x0], $0xffff  }
0xad: {  	s18 =	simm.s32 $0x0;
	s20 =	simm.s32 $0x198F0;
	v14 =	vadd.f32 v15, v6;
	[tilespmem:s16+$0xFFFFFF80] =	vst v12;
	v12 =	vld.idx.msk [tilespmem:v21+s1+$0x0], $0xffff  }
.LBB2_4:
0xae: {  	v15 =	vld [tilespmem:s20+$0x0];
	s18 =	sadd.s32 $0x10, s18;
	[tilespmem:s16+$0xFFFFFF10] =	vst v13;
	v7 =	vadd.f32 v7, v6  }
0xaf: {  	v8 =	vadd.f32 v8, v6;
	v13 =	vld [tilespmem:s20+$0xFFFFFF20];
	p0 =	slt.u32 s18, $0xF0;
	[tilespmem:s16+$0xFFFFFF90] =	vst v14  }
0xb0: {  	v14 =	vld [tilespmem:s20+$0xFFFFFF30];
	[tilespmem:s16+$0xFFFFFFA0] =	vst v7;
	v7 =	vadd.f32 v9, v6  }
0xb1: {  	v9 =	vld [tilespmem:s20+$0xFFFFFF40];
	[tilespmem:s16+$0xFFFFFFB0] =	vst v8;
	v8 =	vadd.f32 v10, v6  }
0xb2: {  	v10 =	vld [tilespmem:s20+$0xFFFFFF50];
	[tilespmem:s16+$0xFFFFFFC0] =	vst v7;
	v7 =	vadd.f32 v11, v6  }
0xb3: {  	v11 =	vld [tilespmem:s20+$0xFFFFFF60];
	[tilespmem:s16+$0xFFFFFFD0] =	vst v8;
	v8 =	vadd.f32 v12, v6  }
0xb4: {  	v12 =	vld [tilespmem:s20+$0xFFFFFF70];
	[tilespmem:s16+$0xFFFFFFE0] =	vst v7  }
0xb5: {  	v7 =	vld [tilespmem:s20+$0xFFFFFF80];
	[tilespmem:s16+$0xFFFFFFF0] =	vst v8  }
0xb6: {  	v8 =	vld.idx.msk [tilespmem:v15+s1+$0x0], $0xffff  }
0xb7: {  	v15 =	vld [tilespmem:s20+$0xFFFFFF90]  }
0xb8: {  	v16 =	vld [tilespmem:s20+$0xFFFFFFA0]  }
0xb9: {  	v17 =	vld [tilespmem:s20+$0xFFFFFFB0]  }
0xba: {  	v18 =	vld [tilespmem:s20+$0xFFFFFFC0]  }
0xbb: {  	v19 =	vld [tilespmem:s20+$0xFFFFFFD0]  }
0xbc: {  	v8 =	vadd.f32 v8, v6;
	v20 =	vld [tilespmem:s20+$0xFFFFFFE0]  }
0xbd: {  	s16 =	sadd.s32 $0x100, s16;
	v21 =	vld [tilespmem:s20+$0xFFFFFFF0]  }
0xbe: {  	v22 =	vld [tilespmem:s20+$0xFFFFFF10];
	[tilespmem:s16+$0x0] =	vst v8  }
0xbf: {  	v8 =	vld.idx.msk [tilespmem:v13+s1+$0x0], $0xffff  }
0xc0: {  	v13 =	vld.idx.msk [tilespmem:v14+s1+$0x0], $0xffff  }
0xc1: {  	v9 =	vld.idx.msk [tilespmem:v9+s1+$0x0], $0xffff  }
0xc2: {  	v10 =	vld.idx.msk [tilespmem:v10+s1+$0x0], $0xffff  }
0xc3: {  	v11 =	vld.idx.msk [tilespmem:v11+s1+$0x0], $0xffff  }
0xc4: {  	v12 =	vld.idx.msk [tilespmem:v12+s1+$0x0], $0xffff  }
0xc5: {  	v8 =	vadd.f32 v8, v6;
	v14 =	vld.idx.msk [tilespmem:v7+s1+$0x0], $0xffff  }
0xc6: {  	v7 =	vadd.f32 v13, v6;
	v22 =	vld.idx.msk [tilespmem:v22+s1+$0x0], $0xffff  }
0xc7: {  	[tilespmem:s16+$0xFFFFFF20] =	vst v8;
	v8 =	vadd.f32 v9, v6;
	v15 =	vld.idx.msk [tilespmem:v15+s1+$0x0], $0xffff  }
0xc8: {  	v9 =	vadd.f32 v10, v6;
	[tilespmem:s16+$0xFFFFFF30] =	vst v7;
	v7 =	vld.idx.msk [tilespmem:v16+s1+$0x0], $0xffff  }
.Ltmp1:
0xc9: {  	v10 =	vadd.f32 v11, v6;
	[tilespmem:s16+$0xFFFFFF40] =	vst v8;
	v8 =	vld.idx.msk [tilespmem:v17+s1+$0x0], $0xffff;
	(pc) =	sbr.rel @p0 .LBB2_4-.Ltmp1, $4  }
0xca: {  	v11 =	vadd.f32 v12, v6;
	[tilespmem:s16+$0xFFFFFF50] =	vst v9;
	v9 =	vld.idx.msk [tilespmem:v18+s1+$0x0], $0xffff  }
0xcb: {  	v12 =	vadd.f32 v14, v6;
	[tilespmem:s16+$0xFFFFFF60] =	vst v10;
	v10 =	vld.idx.msk [tilespmem:v19+s1+$0x0], $0xffff  }
0xcc: {  	v13 =	vadd.f32 v22, v6;
	[tilespmem:s16+$0xFFFFFF70] =	vst v11;
	v11 =	vld.idx.msk [tilespmem:v20+s1+$0x0], $0xffff  }
0xcd: {  	s20 =	sadd.s32 $0x100, s20;
	v14 =	vadd.f32 v15, v6;
	[tilespmem:s16+$0xFFFFFF80] =	vst v12;
	v12 =	vld.idx.msk [tilespmem:v21+s1+$0x0], $0xffff  }
0xce: {  	[tilespmem:s16+$0xFFFFFF10] =	vst v13;
	v7 =	vadd.f32 v7, v6  }
0xcf: {  	v8 =	vadd.f32 v8, v6;
	[tilespmem:s16+$0xFFFFFF90] =	vst v14  }
0xd0: {  	[tilespmem:s16+$0xFFFFFFA0] =	vst v7;
	v7 =	vadd.f32 v9, v6  }
0xd1: {  	[tilespmem:s16+$0xFFFFFFB0] =	vst v8;
	v8 =	vadd.f32 v10, v6  }
0xd2: {  	[tilespmem:s16+$0xFFFFFFC0] =	vst v7;
	v7 =	vadd.f32 v11, v6  }
0xd3: {  	[tilespmem:s16+$0xFFFFFFD0] =	vst v8;
	v8 =	vadd.f32 v12, v6  }
0xd4: {  	[tilespmem:s16+$0xFFFFFFE0] =	vst v7  }
0xd5: {  	[tilespmem:s16+$0xFFFFFFF0] =	vst v8  }
0xd6: {  	s20 =	simm.s32 $0x1A7F0;
	s16 =	rddreg [dreg:$0xd]  }
0xd7: {  	[hbm4b:s16+s5] =	stream.strided.scatter [tilespmem:s10], [sflag:$0x4], $0x1000, s6, s5, $0x38;
	[tilespmem:$0x1F800] =	vst v63  }
0xd8: {  	v7 =	vld [tilespmem:s20+$0x0]  }
0xd9: {  	v8 =	vld [tilespmem:s20+$0xFFFFFF20]  }
0xda: {  	v9 =	vld [tilespmem:s20+$0xFFFFFF30]  }
0xdb: {  	v10 =	vld [tilespmem:s20+$0xFFFFFF40]  }
0xdc: {  	v11 =	vld [tilespmem:s20+$0xFFFFFF50]  }
0xdd: {  	v12 =	vld [tilespmem:s20+$0xFFFFFF60]  }
0xde: {  	v13 =	vld [tilespmem:s20+$0xFFFFFF70]  }
0xdf: {  	v14 =	vld [tilespmem:s20+$0xFFFFFF80]  }
0xe0: {  	v15 =	vld [tilespmem:s20+$0xFFFFFF90]  }
0xe1: {  	v16 =	vld [tilespmem:s20+$0xFFFFFFA0]  }
0xe2: {  	v17 =	vld [tilespmem:s20+$0xFFFFFFB0]  }
0xe3: {  	v18 =	vld [tilespmem:s20+$0xFFFFFFC0]  }
0xe4: {  	v19 =	vld [tilespmem:s20+$0xFFFFFFD0]  }
0xe5: {  	v20 =	vld [tilespmem:s20+$0xFFFFFFE0]  }
0xe6: {  	v21 =	vld [tilespmem:s20+$0xFFFFFFF0]  }
0xe7: {  	v22 =	vld [tilespmem:s20+$0xFFFFFF10]  }
0xe8: {  	v7 =	vld.idx.msk [tilespmem:v7+s1+$0x0], $0xffff  }
0xe9: {  	v8 =	vld.idx.msk [tilespmem:v8+s1+$0x0], $0xffff  }
0xea: {  	v9 =	vld.idx.msk [tilespmem:v9+s1+$0x0], $0xffff  }
0xeb: {  	v10 =	vld.idx.msk [tilespmem:v10+s1+$0x0], $0xffff  }
0xec: {  	v11 =	vld.idx.msk [tilespmem:v11+s1+$0x0], $0xffff  }
0xed: {  	v12 =	vld.idx.msk [tilespmem:v12+s1+$0x0], $0xffff  }
0xee: {  	v13 =	vld.idx.msk [tilespmem:v13+s1+$0x0], $0xffff;
	v7 =	vadd.f32 v7, v6  }
0xef: {  	s16 =	simm.s32 $0x1E8F0;
	v14 =	vld.idx.msk [tilespmem:v14+s1+$0x0], $0xffff;
	v8 =	vadd.f32 v8, v6  }
0xf0: {  	v22 =	vld.idx.msk [tilespmem:v22+s1+$0x0], $0xffff;
	[tilespmem:s16+$0x0] =	vst v7;
	v7 =	vadd.f32 v9, v6  }
0xf1: {  	v15 =	vld.idx.msk [tilespmem:v15+s1+$0x0], $0xffff;
	[tilespmem:s16+$0xFFFFFF20] =	vst v8;
	v8 =	vadd.f32 v10, v6  }
0xf2: {  	v9 =	vadd.f32 v11, v6;
	[tilespmem:s16+$0xFFFFFF30] =	vst v7;
	v7 =	vld.idx.msk [tilespmem:v16+s1+$0x0], $0xffff  }
0xf3: {  	v10 =	vadd.f32 v12, v6;
	[tilespmem:s16+$0xFFFFFF40] =	vst v8;
	v8 =	vld.idx.msk [tilespmem:v17+s1+$0x0], $0xffff  }
0xf4: {  	v11 =	vadd.f32 v13, v6;
	[tilespmem:s16+$0xFFFFFF50] =	vst v9;
	v9 =	vld.idx.msk [tilespmem:v18+s1+$0x0], $0xffff  }
0xf5: {  	v12 =	vadd.f32 v14, v6;
	[tilespmem:s16+$0xFFFFFF60] =	vst v10;
	v10 =	vld.idx.msk [tilespmem:v19+s1+$0x0], $0xffff  }
0xf6: {  	v13 =	vadd.f32 v22, v6;
	[tilespmem:s16+$0xFFFFFF70] =	vst v11;
	v11 =	vld.idx.msk [tilespmem:v20+s1+$0x0], $0xffff  }
0xf7: {  	s18 =	simm.s32 $0x0;
	s20 =	simm.s32 $0x1A8F0;
	v14 =	vadd.f32 v15, v6;
	[tilespmem:s16+$0xFFFFFF80] =	vst v12;
	v12 =	vld.idx.msk [tilespmem:v21+s1+$0x0], $0xffff  }
.LBB2_6:
0xf8: {  	v15 =	vld [tilespmem:s20+$0x0];
	s18 =	sadd.s32 $0x10, s18;
	[tilespmem:s16+$0xFFFFFF10] =	vst v13;
	v7 =	vadd.f32 v7, v6  }
0xf9: {  	v8 =	vadd.f32 v8, v6;
	v13 =	vld [tilespmem:s20+$0xFFFFFF20];
	p0 =	slt.u32 s18, $0xF0;
	[tilespmem:s16+$0xFFFFFF90] =	vst v14  }
0xfa: {  	v14 =	vld [tilespmem:s20+$0xFFFFFF30];
	[tilespmem:s16+$0xFFFFFFA0] =	vst v7;
	v7 =	vadd.f32 v9, v6  }
0xfb: {  	v9 =	vld [tilespmem:s20+$0xFFFFFF40];
	[tilespmem:s16+$0xFFFFFFB0] =	vst v8;
	v8 =	vadd.f32 v10, v6  }
0xfc: {  	v10 =	vld [tilespmem:s20+$0xFFFFFF50];
	[tilespmem:s16+$0xFFFFFFC0] =	vst v7;
	v7 =	vadd.f32 v11, v6  }
0xfd: {  	v11 =	vld [tilespmem:s20+$0xFFFFFF60];
	[tilespmem:s16+$0xFFFFFFD0] =	vst v8;
	v8 =	vadd.f32 v12, v6  }
0xfe: {  	v12 =	vld [tilespmem:s20+$0xFFFFFF70];
	[tilespmem:s16+$0xFFFFFFE0] =	vst v7  }
0xff: {  	v7 =	vld [tilespmem:s20+$0xFFFFFF80];
	[tilespmem:s16+$0xFFFFFFF0] =	vst v8  }
0x100: {  	v8 =	vld.idx.msk [tilespmem:v15+s1+$0x0], $0xffff  }
0x101: {  	v15 =	vld [tilespmem:s20+$0xFFFFFF90]  }
0x102: {  	v16 =	vld [tilespmem:s20+$0xFFFFFFA0]  }
0x103: {  	v17 =	vld [tilespmem:s20+$0xFFFFFFB0]  }
0x104: {  	v18 =	vld [tilespmem:s20+$0xFFFFFFC0]  }
0x105: {  	v19 =	vld [tilespmem:s20+$0xFFFFFFD0]  }
0x106: {  	v8 =	vadd.f32 v8, v6;
	v20 =	vld [tilespmem:s20+$0xFFFFFFE0]  }
0x107: {  	s16 =	sadd.s32 $0x100, s16;
	v21 =	vld [tilespmem:s20+$0xFFFFFFF0]  }
0x108: {  	v22 =	vld [tilespmem:s20+$0xFFFFFF10];
	[tilespmem:s16+$0x0] =	vst v8  }
0x109: {  	v8 =	vld.idx.msk [tilespmem:v13+s1+$0x0], $0xffff  }
0x10a: {  	v13 =	vld.idx.msk [tilespmem:v14+s1+$0x0], $0xffff  }
0x10b: {  	v9 =	vld.idx.msk [tilespmem:v9+s1+$0x0], $0xffff  }
0x10c: {  	v10 =	vld.idx.msk [tilespmem:v10+s1+$0x0], $0xffff  }
0x10d: {  	v11 =	vld.idx.msk [tilespmem:v11+s1+$0x0], $0xffff  }
0x10e: {  	v12 =	vld.idx.msk [tilespmem:v12+s1+$0x0], $0xffff  }
0x10f: {  	v8 =	vadd.f32 v8, v6;
	v14 =	vld.idx.msk [tilespmem:v7+s1+$0x0], $0xffff  }
0x110: {  	v7 =	vadd.f32 v13, v6;
	v22 =	vld.idx.msk [tilespmem:v22+s1+$0x0], $0xffff  }
0x111: {  	[tilespmem:s16+$0xFFFFFF20] =	vst v8;
	v8 =	vadd.f32 v9, v6;
	v15 =	vld.idx.msk [tilespmem:v15+s1+$0x0], $0xffff  }
0x112: {  	v9 =	vadd.f32 v10, v6;
	[tilespmem:s16+$0xFFFFFF30] =	vst v7;
	v7 =	vld.idx.msk [tilespmem:v16+s1+$0x0], $0xffff  }
.Ltmp2:
0x113: {  	v10 =	vadd.f32 v11, v6;
	[tilespmem:s16+$0xFFFFFF40] =	vst v8;
	v8 =	vld.idx.msk [tilespmem:v17+s1+$0x0], $0xffff;
	(pc) =	sbr.rel @p0 .LBB2_6-.Ltmp2, $4  }
0x114: {  	v11 =	vadd.f32 v12, v6;
	[tilespmem:s16+$0xFFFFFF50] =	vst v9;
	v9 =	vld.idx.msk [tilespmem:v18+s1+$0x0], $0xffff  }
0x115: {  	v12 =	vadd.f32 v14, v6;
	[tilespmem:s16+$0xFFFFFF60] =	vst v10;
	v10 =	vld.idx.msk [tilespmem:v19+s1+$0x0], $0xffff  }
0x116: {  	v13 =	vadd.f32 v22, v6;
	[tilespmem:s16+$0xFFFFFF70] =	vst v11;
	v11 =	vld.idx.msk [tilespmem:v20+s1+$0x0], $0xffff  }
0x117: {  	s20 =	sadd.s32 $0x100, s20;
	v14 =	vadd.f32 v15, v6;
	[tilespmem:s16+$0xFFFFFF80] =	vst v12;
	v12 =	vld.idx.msk [tilespmem:v21+s1+$0x0], $0xffff  }
0x118: {  	[tilespmem:s16+$0xFFFFFF10] =	vst v13;
	v7 =	vadd.f32 v7, v6  }
0x119: {  	v8 =	vadd.f32 v8, v6;
	[tilespmem:s16+$0xFFFFFF90] =	vst v14  }
0x11a: {  	[tilespmem:s16+$0xFFFFFFA0] =	vst v7;
	v7 =	vadd.f32 v9, v6  }
0x11b: {  	[tilespmem:s16+$0xFFFFFFB0] =	vst v8;
	v8 =	vadd.f32 v10, v6  }
0x11c: {  	[tilespmem:s16+$0xFFFFFFC0] =	vst v7;
	v7 =	vadd.f32 v11, v6  }
0x11d: {  	[tilespmem:s16+$0xFFFFFFD0] =	vst v8;
	v8 =	vadd.f32 v12, v6  }
0x11e: {  	[tilespmem:s16+$0xFFFFFFE0] =	vst v7  }
0x11f: {  	[tilespmem:s16+$0xFFFFFFF0] =	vst v8  }
0x120: {  	s16 =	rddreg [dreg:$0xe]  }
0x121: {  	[hbm4b:s16+s5] =	stream.strided.scatter [tilespmem:s11], [sflag:$0x5], $0x1000, s6, s5, $0x38;
	[tilespmem:$0x1F800] =	vst v63  }
0x122: {  	_ =	swait.ge [sflag:s12], $0x1000  }
0x123: {  	[sflag:s12] =	ssyncset.done $0x0  }
0x124: {  	s20 =	simm.s32 $0x1B7F0;
	[sflag:s12] =	ssyncadd.s32 $0xFFFFF000  }
0x125: {  	v7 =	vld [tilespmem:s20+$0x0]  }
0x126: {  	v8 =	vld [tilespmem:s20+$0xFFFFFF20]  }
0x127: {  	v9 =	vld [tilespmem:s20+$0xFFFFFF30]  }
0x128: {  	v10 =	vld [tilespmem:s20+$0xFFFFFF40]  }
0x129: {  	v11 =	vld [tilespmem:s20+$0xFFFFFF50]  }
0x12a: {  	v12 =	vld [tilespmem:s20+$0xFFFFFF60]  }
0x12b: {  	v13 =	vld [tilespmem:s20+$0xFFFFFF70]  }
0x12c: {  	v14 =	vld [tilespmem:s20+$0xFFFFFF80]  }
0x12d: {  	v15 =	vld [tilespmem:s20+$0xFFFFFF90]  }
0x12e: {  	v16 =	vld [tilespmem:s20+$0xFFFFFFA0]  }
0x12f: {  	v17 =	vld [tilespmem:s20+$0xFFFFFFB0]  }
0x130: {  	v18 =	vld [tilespmem:s20+$0xFFFFFFC0]  }
0x131: {  	v19 =	vld [tilespmem:s20+$0xFFFFFFD0]  }
0x132: {  	v20 =	vld [tilespmem:s20+$0xFFFFFFE0]  }
0x133: {  	v21 =	vld [tilespmem:s20+$0xFFFFFFF0]  }
0x134: {  	v22 =	vld [tilespmem:s20+$0xFFFFFF10]  }
0x135: {  	v7 =	vld.idx.msk [tilespmem:v7+s1+$0x0], $0xffff  }
0x136: {  	v8 =	vld.idx.msk [tilespmem:v8+s1+$0x0], $0xffff  }
0x137: {  	v9 =	vld.idx.msk [tilespmem:v9+s1+$0x0], $0xffff  }
0x138: {  	v10 =	vld.idx.msk [tilespmem:v10+s1+$0x0], $0xffff  }
0x139: {  	v11 =	vld.idx.msk [tilespmem:v11+s1+$0x0], $0xffff  }
0x13a: {  	v12 =	vld.idx.msk [tilespmem:v12+s1+$0x0], $0xffff  }
0x13b: {  	v13 =	vld.idx.msk [tilespmem:v13+s1+$0x0], $0xffff;
	v7 =	vadd.f32 v7, v6  }
0x13c: {  	s16 =	simm.s32 $0x1C880;
	v14 =	vld.idx.msk [tilespmem:v14+s1+$0x0], $0xffff;
	v8 =	vadd.f32 v8, v6  }
0x13d: {  	v22 =	vld.idx.msk [tilespmem:v22+s1+$0x0], $0xffff;
	[tilespmem:s16+$0x70] =	vst v7;
	v7 =	vadd.f32 v9, v6  }
0x13e: {  	v15 =	vld.idx.msk [tilespmem:v15+s1+$0x0], $0xffff;
	[tilespmem:s16+$0xFFFFFF90] =	vst v8;
	v8 =	vadd.f32 v10, v6  }
0x13f: {  	v9 =	vadd.f32 v11, v6;
	[tilespmem:s16+$0xFFFFFFA0] =	vst v7;
	v7 =	vld.idx.msk [tilespmem:v16+s1+$0x0], $0xffff  }
0x140: {  	v10 =	vadd.f32 v12, v6;
	[tilespmem:s16+$0xFFFFFFB0] =	vst v8;
	v8 =	vld.idx.msk [tilespmem:v17+s1+$0x0], $0xffff  }
0x141: {  	v11 =	vadd.f32 v13, v6;
	[tilespmem:s16+$0xFFFFFFC0] =	vst v9;
	v9 =	vld.idx.msk [tilespmem:v18+s1+$0x0], $0xffff  }
0x142: {  	v12 =	vadd.f32 v14, v6;
	[tilespmem:s16+$0xFFFFFFD0] =	vst v10;
	v10 =	vld.idx.msk [tilespmem:v19+s1+$0x0], $0xffff  }
0x143: {  	v13 =	vadd.f32 v22, v6;
	[tilespmem:s16+$0xFFFFFFE0] =	vst v11;
	v11 =	vld.idx.msk [tilespmem:v20+s1+$0x0], $0xffff  }
0x144: {  	s18 =	simm.s32 $0x0;
	s20 =	simm.s32 $0x1B8F0;
	v14 =	vadd.f32 v15, v6;
	[tilespmem:s16+$0xFFFFFFF0] =	vst v12;
	v12 =	vld.idx.msk [tilespmem:v21+s1+$0x0], $0xffff  }
.LBB2_8:
0x145: {  	v15 =	vld [tilespmem:s20+$0x0];
	s18 =	sadd.s32 $0x10, s18;
	[tilespmem:s16+$0xFFFFFF80] =	vst v13;
	v7 =	vadd.f32 v7, v6  }
0x146: {  	v8 =	vadd.f32 v8, v6;
	v13 =	vld [tilespmem:s20+$0xFFFFFF20];
	p0 =	slt.u32 s18, $0xF0;
	[tilespmem:s16+$0x0] =	vst v14  }
0x147: {  	v14 =	vld [tilespmem:s20+$0xFFFFFF30];
	[tilespmem:s16+$0x10] =	vst v7;
	v7 =	vadd.f32 v9, v6  }
0x148: {  	v9 =	vld [tilespmem:s20+$0xFFFFFF40];
	[tilespmem:s16+$0x20] =	vst v8;
	v8 =	vadd.f32 v10, v6  }
0x149: {  	v10 =	vld [tilespmem:s20+$0xFFFFFF50];
	[tilespmem:s16+$0x30] =	vst v7;
	v7 =	vadd.f32 v11, v6  }
0x14a: {  	v11 =	vld [tilespmem:s20+$0xFFFFFF60];
	[tilespmem:s16+$0x40] =	vst v8;
	v8 =	vadd.f32 v12, v6  }
0x14b: {  	v12 =	vld [tilespmem:s20+$0xFFFFFF70];
	[tilespmem:s16+$0x50] =	vst v7  }
0x14c: {  	v7 =	vld [tilespmem:s20+$0xFFFFFF80];
	[tilespmem:s16+$0x60] =	vst v8  }
0x14d: {  	v8 =	vld.idx.msk [tilespmem:v15+s1+$0x0], $0xffff  }
0x14e: {  	v15 =	vld [tilespmem:s20+$0xFFFFFF90]  }
0x14f: {  	v16 =	vld [tilespmem:s20+$0xFFFFFFA0]  }
0x150: {  	v17 =	vld [tilespmem:s20+$0xFFFFFFB0]  }
0x151: {  	v18 =	vld [tilespmem:s20+$0xFFFFFFC0]  }
0x152: {  	v19 =	vld [tilespmem:s20+$0xFFFFFFD0]  }
0x153: {  	v8 =	vadd.f32 v8, v6;
	v20 =	vld [tilespmem:s20+$0xFFFFFFE0]  }
0x154: {  	s16 =	sadd.s32 $0x100, s16;
	v21 =	vld [tilespmem:s20+$0xFFFFFFF0]  }
0x155: {  	v22 =	vld [tilespmem:s20+$0xFFFFFF10];
	[tilespmem:s16+$0x70] =	vst v8  }
0x156: {  	v8 =	vld.idx.msk [tilespmem:v13+s1+$0x0], $0xffff  }
0x157: {  	v13 =	vld.idx.msk [tilespmem:v14+s1+$0x0], $0xffff  }
0x158: {  	v9 =	vld.idx.msk [tilespmem:v9+s1+$0x0], $0xffff  }
0x159: {  	v10 =	vld.idx.msk [tilespmem:v10+s1+$0x0], $0xffff  }
0x15a: {  	v11 =	vld.idx.msk [tilespmem:v11+s1+$0x0], $0xffff  }
0x15b: {  	v12 =	vld.idx.msk [tilespmem:v12+s1+$0x0], $0xffff  }
0x15c: {  	v8 =	vadd.f32 v8, v6;
	v14 =	vld.idx.msk [tilespmem:v7+s1+$0x0], $0xffff  }
0x15d: {  	v7 =	vadd.f32 v13, v6;
	v22 =	vld.idx.msk [tilespmem:v22+s1+$0x0], $0xffff  }
0x15e: {  	[tilespmem:s16+$0xFFFFFF90] =	vst v8;
	v8 =	vadd.f32 v9, v6;
	v15 =	vld.idx.msk [tilespmem:v15+s1+$0x0], $0xffff  }
0x15f: {  	v9 =	vadd.f32 v10, v6;
	[tilespmem:s16+$0xFFFFFFA0] =	vst v7;
	v7 =	vld.idx.msk [tilespmem:v16+s1+$0x0], $0xffff  }
.Ltmp3:
0x160: {  	v10 =	vadd.f32 v11, v6;
	[tilespmem:s16+$0xFFFFFFB0] =	vst v8;
	v8 =	vld.idx.msk [tilespmem:v17+s1+$0x0], $0xffff;
	(pc) =	sbr.rel @p0 .LBB2_8-.Ltmp3, $4  }
0x161: {  	v11 =	vadd.f32 v12, v6;
	[tilespmem:s16+$0xFFFFFFC0] =	vst v9;
	v9 =	vld.idx.msk [tilespmem:v18+s1+$0x0], $0xffff  }
0x162: {  	v12 =	vadd.f32 v14, v6;
	[tilespmem:s16+$0xFFFFFFD0] =	vst v10;
	v10 =	vld.idx.msk [tilespmem:v19+s1+$0x0], $0xffff  }
0x163: {  	v13 =	vadd.f32 v22, v6;
	[tilespmem:s16+$0xFFFFFFE0] =	vst v11;
	v11 =	vld.idx.msk [tilespmem:v20+s1+$0x0], $0xffff  }
0x164: {  	s20 =	sadd.s32 $0x100, s20;
	v14 =	vadd.f32 v15, v6;
	[tilespmem:s16+$0xFFFFFFF0] =	vst v12;
	v12 =	vld.idx.msk [tilespmem:v21+s1+$0x0], $0xffff  }
0x165: {  	[tilespmem:s16+$0xFFFFFF80] =	vst v13;
	v7 =	vadd.f32 v7, v6  }
0x166: {  	v8 =	vadd.f32 v8, v6;
	[tilespmem:s16+$0x0] =	vst v14  }
0x167: {  	[tilespmem:s16+$0x10] =	vst v7;
	v7 =	vadd.f32 v9, v6  }
0x168: {  	[tilespmem:s16+$0x20] =	vst v8;
	v8 =	vadd.f32 v10, v6  }
0x169: {  	[tilespmem:s16+$0x30] =	vst v7;
	v7 =	vadd.f32 v11, v6  }
0x16a: {  	[tilespmem:s16+$0x40] =	vst v8;
	v6 =	vadd.f32 v12, v6  }
0x16b: {  	[tilespmem:s16+$0x50] =	vst v7  }
0x16c: {  	[tilespmem:s16+$0x60] =	vst v6  }
0x16d: {  	s16 =	rddreg [dreg:$0xf]  }
0x16e: {  	[hbm4b:s16+s5] =	stream.strided.scatter [tilespmem:s9], [sflag:$0x3], $0x1000, s6, s5, $0x38;
	[tilespmem:$0x1F800] =	vst v63  }
0x16f: {  	s18 =	rddreg [dreg:$0x10]  }
0x170: {  	[tilespmem:s1], [sflag:$0x1] =	stream.strided.gather [hbm4b:s18+s5], $0x18700, s6, s5, $0x38;
	[tilespmem:$0x1F800] =	vst v63  }
0x171: {  	_ =	swait.ge [sflag:s8], $0x18700  }
0x172: {  	[sflag:s8] =	ssyncset.done $0x0  }
0x173: {  	[sflag:s8] =	ssyncadd.s32 $0xFFFE7900  }
0x174: {  	v6 =	vld.idx.msk [tilespmem:v1+s3+$0x0], $0xffff;
	_ =	swait.ge [sflag:s12], $0x1000  }
0x175: {  	[sflag:s12] =	ssyncset.done $0x0  }
0x176: {  	s20 =	simm.s32 $0x18780;
	[sflag:s12] =	ssyncadd.s32 $0xFFFFF000  }
0x177: {  	v7 =	vld [tilespmem:s20+$0x70]  }
0x178: {  	v8 =	vld [tilespmem:s20+$0xFFFFFF90]  }
0x179: {  	v9 =	vld [tilespmem:s20+$0xFFFFFFA0]  }
0x17a: {  	v10 =	vld [tilespmem:s20+$0xFFFFFFB0]  }
0x17b: {  	v11 =	vld [tilespmem:s20+$0xFFFFFFC0]  }
0x17c: {  	v12 =	vld [tilespmem:s20+$0xFFFFFFD0]  }
0x17d: {  	v13 =	vld [tilespmem:s20+$0xFFFFFFE0]  }
0x17e: {  	v14 =	vld [tilespmem:s20+$0xFFFFFFF0]  }
0x17f: {  	v15 =	vld [tilespmem:s20+$0x0]  }
0x180: {  	v16 =	vld [tilespmem:s20+$0x10]  }
0x181: {  	v17 =	vld [tilespmem:s20+$0x20]  }
0x182: {  	v18 =	vld [tilespmem:s20+$0x30]  }
0x183: {  	v19 =	vld [tilespmem:s20+$0x40]  }
0x184: {  	v20 =	vld [tilespmem:s20+$0x50]  }
0x185: {  	v21 =	vld [tilespmem:s20+$0x60]  }
0x186: {  	v22 =	vld [tilespmem:s20+$0xFFFFFF80]  }
0x187: {  	v7 =	vld.idx.msk [tilespmem:v7+s1+$0x0], $0xffff  }
0x188: {  	v8 =	vld.idx.msk [tilespmem:v8+s1+$0x0], $0xffff  }
0x189: {  	v9 =	vld.idx.msk [tilespmem:v9+s1+$0x0], $0xffff  }
0x18a: {  	v10 =	vld.idx.msk [tilespmem:v10+s1+$0x0], $0xffff  }
0x18b: {  	v11 =	vld.idx.msk [tilespmem:v11+s1+$0x0], $0xffff  }
0x18c: {  	v12 =	vld.idx.msk [tilespmem:v12+s1+$0x0], $0xffff  }
0x18d: {  	v13 =	vld.idx.msk [tilespmem:v13+s1+$0x0], $0xffff;
	v7 =	vadd.f32 v7, v6  }
0x18e: {  	s16 =	simm.s32 $0x1C880;
	v14 =	vld.idx.msk [tilespmem:v14+s1+$0x0], $0xffff;
	v8 =	vadd.f32 v8, v6  }
0x18f: {  	v22 =	vld.idx.msk [tilespmem:v22+s1+$0x0], $0xffff;
	[tilespmem:s16+$0x70] =	vst v7;
	v7 =	vadd.f32 v9, v6  }
0x190: {  	v15 =	vld.idx.msk [tilespmem:v15+s1+$0x0], $0xffff;
	[tilespmem:s16+$0xFFFFFF90] =	vst v8;
	v8 =	vadd.f32 v10, v6  }
0x191: {  	v9 =	vadd.f32 v11, v6;
	[tilespmem:s16+$0xFFFFFFA0] =	vst v7;
	v7 =	vld.idx.msk [tilespmem:v16+s1+$0x0], $0xffff  }
0x192: {  	v10 =	vadd.f32 v12, v6;
	[tilespmem:s16+$0xFFFFFFB0] =	vst v8;
	v8 =	vld.idx.msk [tilespmem:v17+s1+$0x0], $0xffff  }
0x193: {  	v11 =	vadd.f32 v13, v6;
	[tilespmem:s16+$0xFFFFFFC0] =	vst v9;
	v9 =	vld.idx.msk [tilespmem:v18+s1+$0x0], $0xffff  }
0x194: {  	v12 =	vadd.f32 v14, v6;
	[tilespmem:s16+$0xFFFFFFD0] =	vst v10;
	v10 =	vld.idx.msk [tilespmem:v19+s1+$0x0], $0xffff  }
0x195: {  	v13 =	vadd.f32 v22, v6;
	[tilespmem:s16+$0xFFFFFFE0] =	vst v11;
	v11 =	vld.idx.msk [tilespmem:v20+s1+$0x0], $0xffff  }
0x196: {  	s18 =	simm.s32 $0x0;
	s20 =	simm.s32 $0x18880;
	v14 =	vadd.f32 v15, v6;
	[tilespmem:s16+$0xFFFFFFF0] =	vst v12;
	v12 =	vld.idx.msk [tilespmem:v21+s1+$0x0], $0xffff  }
.LBB2_10:
0x197: {  	v15 =	vld [tilespmem:s20+$0x70];
	s18 =	sadd.s32 $0x10, s18;
	[tilespmem:s16+$0xFFFFFF80] =	vst v13;
	v7 =	vadd.f32 v7, v6  }
0x198: {  	v8 =	vadd.f32 v8, v6;
	v13 =	vld [tilespmem:s20+$0xFFFFFF90];
	p0 =	slt.u32 s18, $0xF0;
	[tilespmem:s16+$0x0] =	vst v14  }
0x199: {  	v14 =	vld [tilespmem:s20+$0xFFFFFFA0];
	[tilespmem:s16+$0x10] =	vst v7;
	v7 =	vadd.f32 v9, v6  }
0x19a: {  	v9 =	vld [tilespmem:s20+$0xFFFFFFB0];
	[tilespmem:s16+$0x20] =	vst v8;
	v8 =	vadd.f32 v10, v6  }
0x19b: {  	v10 =	vld [tilespmem:s20+$0xFFFFFFC0];
	[tilespmem:s16+$0x30] =	vst v7;
	v7 =	vadd.f32 v11, v6  }
0x19c: {  	v11 =	vld [tilespmem:s20+$0xFFFFFFD0];
	[tilespmem:s16+$0x40] =	vst v8;
	v8 =	vadd.f32 v12, v6  }
0x19d: {  	v12 =	vld [tilespmem:s20+$0xFFFFFFE0];
	[tilespmem:s16+$0x50] =	vst v7  }
0x19e: {  	v7 =	vld [tilespmem:s20+$0xFFFFFFF0];
	[tilespmem:s16+$0x60] =	vst v8  }
0x19f: {  	v8 =	vld.idx.msk [tilespmem:v15+s1+$0x0], $0xffff  }
0x1a0: {  	v15 =	vld [tilespmem:s20+$0x0]  }
0x1a1: {  	v16 =	vld [tilespmem:s20+$0x10]  }
0x1a2: {  	v17 =	vld [tilespmem:s20+$0x20]  }
0x1a3: {  	v18 =	vld [tilespmem:s20+$0x30]  }
0x1a4: {  	v19 =	vld [tilespmem:s20+$0x40]  }
0x1a5: {  	v8 =	vadd.f32 v8, v6;
	v20 =	vld [tilespmem:s20+$0x50]  }
0x1a6: {  	s16 =	sadd.s32 $0x100, s16;
	v21 =	vld [tilespmem:s20+$0x60]  }
0x1a7: {  	v22 =	vld [tilespmem:s20+$0xFFFFFF80];
	[tilespmem:s16+$0x70] =	vst v8  }
0x1a8: {  	v8 =	vld.idx.msk [tilespmem:v13+s1+$0x0], $0xffff  }
0x1a9: {  	v13 =	vld.idx.msk [tilespmem:v14+s1+$0x0], $0xffff  }
0x1aa: {  	v9 =	vld.idx.msk [tilespmem:v9+s1+$0x0], $0xffff  }
0x1ab: {  	v10 =	vld.idx.msk [tilespmem:v10+s1+$0x0], $0xffff  }
0x1ac: {  	v11 =	vld.idx.msk [tilespmem:v11+s1+$0x0], $0xffff  }
0x1ad: {  	v12 =	vld.idx.msk [tilespmem:v12+s1+$0x0], $0xffff  }
0x1ae: {  	v8 =	vadd.f32 v8, v6;
	v14 =	vld.idx.msk [tilespmem:v7+s1+$0x0], $0xffff  }
0x1af: {  	v7 =	vadd.f32 v13, v6;
	v22 =	vld.idx.msk [tilespmem:v22+s1+$0x0], $0xffff  }
0x1b0: {  	[tilespmem:s16+$0xFFFFFF90] =	vst v8;
	v8 =	vadd.f32 v9, v6;
	v15 =	vld.idx.msk [tilespmem:v15+s1+$0x0], $0xffff  }
0x1b1: {  	v9 =	vadd.f32 v10, v6;
	[tilespmem:s16+$0xFFFFFFA0] =	vst v7;
	v7 =	vld.idx.msk [tilespmem:v16+s1+$0x0], $0xffff  }
.Ltmp4:
0x1b2: {  	v10 =	vadd.f32 v11, v6;
	[tilespmem:s16+$0xFFFFFFB0] =	vst v8;
	v8 =	vld.idx.msk [tilespmem:v17+s1+$0x0], $0xffff;
	(pc) =	sbr.rel @p0 .LBB2_10-.Ltmp4, $4  }
0x1b3: {  	v11 =	vadd.f32 v12, v6;
	[tilespmem:s16+$0xFFFFFFC0] =	vst v9;
	v9 =	vld.idx.msk [tilespmem:v18+s1+$0x0], $0xffff  }
0x1b4: {  	v12 =	vadd.f32 v14, v6;
	[tilespmem:s16+$0xFFFFFFD0] =	vst v10;
	v10 =	vld.idx.msk [tilespmem:v19+s1+$0x0], $0xffff  }
0x1b5: {  	v13 =	vadd.f32 v22, v6;
	[tilespmem:s16+$0xFFFFFFE0] =	vst v11;
	v11 =	vld.idx.msk [tilespmem:v20+s1+$0x0], $0xffff  }
0x1b6: {  	s20 =	sadd.s32 $0x100, s20;
	v14 =	vadd.f32 v15, v6;
	[tilespmem:s16+$0xFFFFFFF0] =	vst v12;
	v12 =	vld.idx.msk [tilespmem:v21+s1+$0x0], $0xffff  }
0x1b7: {  	[tilespmem:s16+$0xFFFFFF80] =	vst v13;
	v7 =	vadd.f32 v7, v6  }
0x1b8: {  	v8 =	vadd.f32 v8, v6;
	[tilespmem:s16+$0x0] =	vst v14  }
0x1b9: {  	[tilespmem:s16+$0x10] =	vst v7;
	v7 =	vadd.f32 v9, v6  }
0x1ba: {  	[tilespmem:s16+$0x20] =	vst v8;
	v8 =	vadd.f32 v10, v6  }
0x1bb: {  	[tilespmem:s16+$0x30] =	vst v7;
	v7 =	vadd.f32 v11, v6  }
0x1bc: {  	[tilespmem:s16+$0x40] =	vst v8;
	v8 =	vadd.f32 v12, v6  }
0x1bd: {  	[tilespmem:s16+$0x50] =	vst v7  }
0x1be: {  	[tilespmem:s16+$0x60] =	vst v8  }
0x1bf: {  	s16 =	rddreg [dreg:$0x11]  }
0x1c0: {  	[hbm4b:s16+s5] =	stream.strided.scatter [tilespmem:s9], [sflag:$0x3], $0x1000, s6, s5, $0x38;
	[tilespmem:$0x1F800] =	vst v63  }
0x1c1: {  	_ =	swait.ge [sflag:s13], $0x1000  }
0x1c2: {  	[sflag:s13] =	ssyncset.done $0x0  }
0x1c3: {  	s20 =	simm.s32 $0x197F0;
	[sflag:s13] =	ssyncadd.s32 $0xFFFFF000  }
0x1c4: {  	v7 =	vld [tilespmem:s20+$0x0]  }
0x1c5: {  	v8 =	vld [tilespmem:s20+$0xFFFFFF20]  }
0x1c6: {  	v9 =	vld [tilespmem:s20+$0xFFFFFF30]  }
0x1c7: {  	v10 =	vld [tilespmem:s20+$0xFFFFFF40]  }
0x1c8: {  	v11 =	vld [tilespmem:s20+$0xFFFFFF50]  }
0x1c9: {  	v12 =	vld [tilespmem:s20+$0xFFFFFF60]  }
0x1ca: {  	v13 =	vld [tilespmem:s20+$0xFFFFFF70]  }
0x1cb: {  	v14 =	vld [tilespmem:s20+$0xFFFFFF80]  }
0x1cc: {  	v15 =	vld [tilespmem:s20+$0xFFFFFF90]  }
0x1cd: {  	v16 =	vld [tilespmem:s20+$0xFFFFFFA0]  }
0x1ce: {  	v17 =	vld [tilespmem:s20+$0xFFFFFFB0]  }
0x1cf: {  	v18 =	vld [tilespmem:s20+$0xFFFFFFC0]  }
0x1d0: {  	v19 =	vld [tilespmem:s20+$0xFFFFFFD0]  }
0x1d1: {  	v20 =	vld [tilespmem:s20+$0xFFFFFFE0]  }
0x1d2: {  	v21 =	vld [tilespmem:s20+$0xFFFFFFF0]  }
0x1d3: {  	v22 =	vld [tilespmem:s20+$0xFFFFFF10]  }
0x1d4: {  	v7 =	vld.idx.msk [tilespmem:v7+s1+$0x0], $0xffff  }
0x1d5: {  	v8 =	vld.idx.msk [tilespmem:v8+s1+$0x0], $0xffff  }
0x1d6: {  	v9 =	vld.idx.msk [tilespmem:v9+s1+$0x0], $0xffff  }
0x1d7: {  	v10 =	vld.idx.msk [tilespmem:v10+s1+$0x0], $0xffff  }
0x1d8: {  	v11 =	vld.idx.msk [tilespmem:v11+s1+$0x0], $0xffff  }
0x1d9: {  	v12 =	vld.idx.msk [tilespmem:v12+s1+$0x0], $0xffff  }
0x1da: {  	v13 =	vld.idx.msk [tilespmem:v13+s1+$0x0], $0xffff;
	v7 =	vadd.f32 v7, v6  }
0x1db: {  	s16 =	simm.s32 $0x1D8F0;
	v14 =	vld.idx.msk [tilespmem:v14+s1+$0x0], $0xffff;
	v8 =	vadd.f32 v8, v6  }
0x1dc: {  	v22 =	vld.idx.msk [tilespmem:v22+s1+$0x0], $0xffff;
	[tilespmem:s16+$0x0] =	vst v7;
	v7 =	vadd.f32 v9, v6  }
0x1dd: {  	v15 =	vld.idx.msk [tilespmem:v15+s1+$0x0], $0xffff;
	[tilespmem:s16+$0xFFFFFF20] =	vst v8;
	v8 =	vadd.f32 v10, v6  }
0x1de: {  	v9 =	vadd.f32 v11, v6;
	[tilespmem:s16+$0xFFFFFF30] =	vst v7;
	v7 =	vld.idx.msk [tilespmem:v16+s1+$0x0], $0xffff  }
0x1df: {  	v10 =	vadd.f32 v12, v6;
	[tilespmem:s16+$0xFFFFFF40] =	vst v8;
	v8 =	vld.idx.msk [tilespmem:v17+s1+$0x0], $0xffff  }
0x1e0: {  	v11 =	vadd.f32 v13, v6;
	[tilespmem:s16+$0xFFFFFF50] =	vst v9;
	v9 =	vld.idx.msk [tilespmem:v18+s1+$0x0], $0xffff  }
0x1e1: {  	v12 =	vadd.f32 v14, v6;
	[tilespmem:s16+$0xFFFFFF60] =	vst v10;
	v10 =	vld.idx.msk [tilespmem:v19+s1+$0x0], $0xffff  }
0x1e2: {  	v13 =	vadd.f32 v22, v6;
	[tilespmem:s16+$0xFFFFFF70] =	vst v11;
	v11 =	vld.idx.msk [tilespmem:v20+s1+$0x0], $0xffff  }
0x1e3: {  	s18 =	simm.s32 $0x0;
	s20 =	simm.s32 $0x198F0;
	v14 =	vadd.f32 v15, v6;
	[tilespmem:s16+$0xFFFFFF80] =	vst v12;
	v12 =	vld.idx.msk [tilespmem:v21+s1+$0x0], $0xffff  }
.LBB2_12:
0x1e4: {  	v15 =	vld [tilespmem:s20+$0x0];
	s18 =	sadd.s32 $0x10, s18;
	[tilespmem:s16+$0xFFFFFF10] =	vst v13;
	v7 =	vadd.f32 v7, v6  }
0x1e5: {  	v8 =	vadd.f32 v8, v6;
	v13 =	vld [tilespmem:s20+$0xFFFFFF20];
	p0 =	slt.u32 s18, $0xF0;
	[tilespmem:s16+$0xFFFFFF90] =	vst v14  }
0x1e6: {  	v14 =	vld [tilespmem:s20+$0xFFFFFF30];
	[tilespmem:s16+$0xFFFFFFA0] =	vst v7;
	v7 =	vadd.f32 v9, v6  }
0x1e7: {  	v9 =	vld [tilespmem:s20+$0xFFFFFF40];
	[tilespmem:s16+$0xFFFFFFB0] =	vst v8;
	v8 =	vadd.f32 v10, v6  }
0x1e8: {  	v10 =	vld [tilespmem:s20+$0xFFFFFF50];
	[tilespmem:s16+$0xFFFFFFC0] =	vst v7;
	v7 =	vadd.f32 v11, v6  }
0x1e9: {  	v11 =	vld [tilespmem:s20+$0xFFFFFF60];
	[tilespmem:s16+$0xFFFFFFD0] =	vst v8;
	v8 =	vadd.f32 v12, v6  }
0x1ea: {  	v12 =	vld [tilespmem:s20+$0xFFFFFF70];
	[tilespmem:s16+$0xFFFFFFE0] =	vst v7  }
0x1eb: {  	v7 =	vld [tilespmem:s20+$0xFFFFFF80];
	[tilespmem:s16+$0xFFFFFFF0] =	vst v8  }
0x1ec: {  	v8 =	vld.idx.msk [tilespmem:v15+s1+$0x0], $0xffff  }
0x1ed: {  	v15 =	vld [tilespmem:s20+$0xFFFFFF90]  }
0x1ee: {  	v16 =	vld [tilespmem:s20+$0xFFFFFFA0]  }
0x1ef: {  	v17 =	vld [tilespmem:s20+$0xFFFFFFB0]  }
0x1f0: {  	v18 =	vld [tilespmem:s20+$0xFFFFFFC0]  }
0x1f1: {  	v19 =	vld [tilespmem:s20+$0xFFFFFFD0]  }
0x1f2: {  	v8 =	vadd.f32 v8, v6;
	v20 =	vld [tilespmem:s20+$0xFFFFFFE0]  }
0x1f3: {  	s16 =	sadd.s32 $0x100, s16;
	v21 =	vld [tilespmem:s20+$0xFFFFFFF0]  }
0x1f4: {  	v22 =	vld [tilespmem:s20+$0xFFFFFF10];
	[tilespmem:s16+$0x0] =	vst v8  }
0x1f5: {  	v8 =	vld.idx.msk [tilespmem:v13+s1+$0x0], $0xffff  }
0x1f6: {  	v13 =	vld.idx.msk [tilespmem:v14+s1+$0x0], $0xffff  }
0x1f7: {  	v9 =	vld.idx.msk [tilespmem:v9+s1+$0x0], $0xffff  }
0x1f8: {  	v10 =	vld.idx.msk [tilespmem:v10+s1+$0x0], $0xffff  }
0x1f9: {  	v11 =	vld.idx.msk [tilespmem:v11+s1+$0x0], $0xffff  }
0x1fa: {  	v12 =	vld.idx.msk [tilespmem:v12+s1+$0x0], $0xffff  }
0x1fb: {  	v8 =	vadd.f32 v8, v6;
	v14 =	vld.idx.msk [tilespmem:v7+s1+$0x0], $0xffff  }
0x1fc: {  	v7 =	vadd.f32 v13, v6;
	v22 =	vld.idx.msk [tilespmem:v22+s1+$0x0], $0xffff  }
0x1fd: {  	[tilespmem:s16+$0xFFFFFF20] =	vst v8;
	v8 =	vadd.f32 v9, v6;
	v15 =	vld.idx.msk [tilespmem:v15+s1+$0x0], $0xffff  }
0x1fe: {  	v9 =	vadd.f32 v10, v6;
	[tilespmem:s16+$0xFFFFFF30] =	vst v7;
	v7 =	vld.idx.msk [tilespmem:v16+s1+$0x0], $0xffff  }
.Ltmp5:
0x1ff: {  	v10 =	vadd.f32 v11, v6;
	[tilespmem:s16+$0xFFFFFF40] =	vst v8;
	v8 =	vld.idx.msk [tilespmem:v17+s1+$0x0], $0xffff;
	(pc) =	sbr.rel @p0 .LBB2_12-.Ltmp5, $4  }
0x200: {  	v11 =	vadd.f32 v12, v6;
	[tilespmem:s16+$0xFFFFFF50] =	vst v9;
	v9 =	vld.idx.msk [tilespmem:v18+s1+$0x0], $0xffff  }
0x201: {  	v12 =	vadd.f32 v14, v6;
	[tilespmem:s16+$0xFFFFFF60] =	vst v10;
	v10 =	vld.idx.msk [tilespmem:v19+s1+$0x0], $0xffff  }
0x202: {  	v13 =	vadd.f32 v22, v6;
	[tilespmem:s16+$0xFFFFFF70] =	vst v11;
	v11 =	vld.idx.msk [tilespmem:v20+s1+$0x0], $0xffff  }
0x203: {  	s20 =	sadd.s32 $0x100, s20;
	v14 =	vadd.f32 v15, v6;
	[tilespmem:s16+$0xFFFFFF80] =	vst v12;
	v12 =	vld.idx.msk [tilespmem:v21+s1+$0x0], $0xffff  }
0x204: {  	[tilespmem:s16+$0xFFFFFF10] =	vst v13;
	v7 =	vadd.f32 v7, v6  }
0x205: {  	v8 =	vadd.f32 v8, v6;
	[tilespmem:s16+$0xFFFFFF90] =	vst v14  }
0x206: {  	[tilespmem:s16+$0xFFFFFFA0] =	vst v7;
	v7 =	vadd.f32 v9, v6  }
0x207: {  	[tilespmem:s16+$0xFFFFFFB0] =	vst v8;
	v8 =	vadd.f32 v10, v6  }
0x208: {  	[tilespmem:s16+$0xFFFFFFC0] =	vst v7;
	v7 =	vadd.f32 v11, v6  }
0x209: {  	[tilespmem:s16+$0xFFFFFFD0] =	vst v8;
	v8 =	vadd.f32 v12, v6  }
0x20a: {  	[tilespmem:s16+$0xFFFFFFE0] =	vst v7  }
0x20b: {  	[tilespmem:s16+$0xFFFFFFF0] =	vst v8  }
0x20c: {  	s16 =	rddreg [dreg:$0x16]  }
0x20d: {  	[hbm4b:s16+s5] =	stream.strided.scatter [tilespmem:s10], [sflag:$0x4], $0x1000, s6, s5, $0x38;
	[tilespmem:$0x1F800] =	vst v63  }
0x20e: {  	_ =	swait.ge [sflag:s14], $0x1000  }
0x20f: {  	[sflag:s14] =	ssyncset.done $0x0  }
0x210: {  	s20 =	simm.s32 $0x1A7F0;
	[sflag:s14] =	ssyncadd.s32 $0xFFFFF000  }
0x211: {  	v7 =	vld [tilespmem:s20+$0x0]  }
0x212: {  	v8 =	vld [tilespmem:s20+$0xFFFFFF20]  }
0x213: {  	v9 =	vld [tilespmem:s20+$0xFFFFFF30]  }
0x214: {  	v10 =	vld [tilespmem:s20+$0xFFFFFF40]  }
0x215: {  	v11 =	vld [tilespmem:s20+$0xFFFFFF50]  }
0x216: {  	v12 =	vld [tilespmem:s20+$0xFFFFFF60]  }
0x217: {  	v13 =	vld [tilespmem:s20+$0xFFFFFF70]  }
0x218: {  	v14 =	vld [tilespmem:s20+$0xFFFFFF80]  }
0x219: {  	v15 =	vld [tilespmem:s20+$0xFFFFFF90]  }
0x21a: {  	v16 =	vld [tilespmem:s20+$0xFFFFFFA0]  }
0x21b: {  	v17 =	vld [tilespmem:s20+$0xFFFFFFB0]  }
0x21c: {  	v18 =	vld [tilespmem:s20+$0xFFFFFFC0]  }
0x21d: {  	v19 =	vld [tilespmem:s20+$0xFFFFFFD0]  }
0x21e: {  	v20 =	vld [tilespmem:s20+$0xFFFFFFE0]  }
0x21f: {  	v21 =	vld [tilespmem:s20+$0xFFFFFFF0]  }
0x220: {  	v22 =	vld [tilespmem:s20+$0xFFFFFF10]  }
0x221: {  	v7 =	vld.idx.msk [tilespmem:v7+s1+$0x0], $0xffff  }
0x222: {  	v8 =	vld.idx.msk [tilespmem:v8+s1+$0x0], $0xffff  }
0x223: {  	v9 =	vld.idx.msk [tilespmem:v9+s1+$0x0], $0xffff  }
0x224: {  	v10 =	vld.idx.msk [tilespmem:v10+s1+$0x0], $0xffff  }
0x225: {  	v11 =	vld.idx.msk [tilespmem:v11+s1+$0x0], $0xffff  }
0x226: {  	v12 =	vld.idx.msk [tilespmem:v12+s1+$0x0], $0xffff  }
0x227: {  	v13 =	vld.idx.msk [tilespmem:v13+s1+$0x0], $0xffff;
	v7 =	vadd.f32 v7, v6  }
0x228: {  	s16 =	simm.s32 $0x1E8F0;
	v14 =	vld.idx.msk [tilespmem:v14+s1+$0x0], $0xffff;
	v8 =	vadd.f32 v8, v6  }
0x229: {  	v22 =	vld.idx.msk [tilespmem:v22+s1+$0x0], $0xffff;
	[tilespmem:s16+$0x0] =	vst v7;
	v7 =	vadd.f32 v9, v6  }
0x22a: {  	v15 =	vld.idx.msk [tilespmem:v15+s1+$0x0], $0xffff;
	[tilespmem:s16+$0xFFFFFF20] =	vst v8;
	v8 =	vadd.f32 v10, v6  }
0x22b: {  	v9 =	vadd.f32 v11, v6;
	[tilespmem:s16+$0xFFFFFF30] =	vst v7;
	v7 =	vld.idx.msk [tilespmem:v16+s1+$0x0], $0xffff  }
0x22c: {  	v10 =	vadd.f32 v12, v6;
	[tilespmem:s16+$0xFFFFFF40] =	vst v8;
	v8 =	vld.idx.msk [tilespmem:v17+s1+$0x0], $0xffff  }
0x22d: {  	v11 =	vadd.f32 v13, v6;
	[tilespmem:s16+$0xFFFFFF50] =	vst v9;
	v9 =	vld.idx.msk [tilespmem:v18+s1+$0x0], $0xffff  }
0x22e: {  	v12 =	vadd.f32 v14, v6;
	[tilespmem:s16+$0xFFFFFF60] =	vst v10;
	v10 =	vld.idx.msk [tilespmem:v19+s1+$0x0], $0xffff  }
0x22f: {  	v13 =	vadd.f32 v22, v6;
	[tilespmem:s16+$0xFFFFFF70] =	vst v11;
	v11 =	vld.idx.msk [tilespmem:v20+s1+$0x0], $0xffff  }
0x230: {  	s18 =	simm.s32 $0x0;
	s20 =	simm.s32 $0x1A8F0;
	v14 =	vadd.f32 v15, v6;
	[tilespmem:s16+$0xFFFFFF80] =	vst v12;
	v12 =	vld.idx.msk [tilespmem:v21+s1+$0x0], $0xffff  }
.LBB2_14:
0x231: {  	v15 =	vld [tilespmem:s20+$0x0];
	s18 =	sadd.s32 $0x10, s18;
	[tilespmem:s16+$0xFFFFFF10] =	vst v13;
	v7 =	vadd.f32 v7, v6  }
0x232: {  	v8 =	vadd.f32 v8, v6;
	v13 =	vld [tilespmem:s20+$0xFFFFFF20];
	p0 =	slt.u32 s18, $0xF0;
	[tilespmem:s16+$0xFFFFFF90] =	vst v14  }
0x233: {  	v14 =	vld [tilespmem:s20+$0xFFFFFF30];
	[tilespmem:s16+$0xFFFFFFA0] =	vst v7;
	v7 =	vadd.f32 v9, v6  }
0x234: {  	v9 =	vld [tilespmem:s20+$0xFFFFFF40];
	[tilespmem:s16+$0xFFFFFFB0] =	vst v8;
	v8 =	vadd.f32 v10, v6  }
0x235: {  	v10 =	vld [tilespmem:s20+$0xFFFFFF50];
	[tilespmem:s16+$0xFFFFFFC0] =	vst v7;
	v7 =	vadd.f32 v11, v6  }
0x236: {  	v11 =	vld [tilespmem:s20+$0xFFFFFF60];
	[tilespmem:s16+$0xFFFFFFD0] =	vst v8;
	v8 =	vadd.f32 v12, v6  }
0x237: {  	v12 =	vld [tilespmem:s20+$0xFFFFFF70];
	[tilespmem:s16+$0xFFFFFFE0] =	vst v7  }
0x238: {  	v7 =	vld [tilespmem:s20+$0xFFFFFF80];
	[tilespmem:s16+$0xFFFFFFF0] =	vst v8  }
0x239: {  	v8 =	vld.idx.msk [tilespmem:v15+s1+$0x0], $0xffff  }
0x23a: {  	v15 =	vld [tilespmem:s20+$0xFFFFFF90]  }
0x23b: {  	v16 =	vld [tilespmem:s20+$0xFFFFFFA0]  }
0x23c: {  	v17 =	vld [tilespmem:s20+$0xFFFFFFB0]  }
0x23d: {  	v18 =	vld [tilespmem:s20+$0xFFFFFFC0]  }
0x23e: {  	v19 =	vld [tilespmem:s20+$0xFFFFFFD0]  }
0x23f: {  	v8 =	vadd.f32 v8, v6;
	v20 =	vld [tilespmem:s20+$0xFFFFFFE0]  }
0x240: {  	s16 =	sadd.s32 $0x100, s16;
	v21 =	vld [tilespmem:s20+$0xFFFFFFF0]  }
0x241: {  	v22 =	vld [tilespmem:s20+$0xFFFFFF10];
	[tilespmem:s16+$0x0] =	vst v8  }
0x242: {  	v8 =	vld.idx.msk [tilespmem:v13+s1+$0x0], $0xffff  }
0x243: {  	v13 =	vld.idx.msk [tilespmem:v14+s1+$0x0], $0xffff  }
0x244: {  	v9 =	vld.idx.msk [tilespmem:v9+s1+$0x0], $0xffff  }
0x245: {  	v10 =	vld.idx.msk [tilespmem:v10+s1+$0x0], $0xffff  }
0x246: {  	v11 =	vld.idx.msk [tilespmem:v11+s1+$0x0], $0xffff  }
0x247: {  	v12 =	vld.idx.msk [tilespmem:v12+s1+$0x0], $0xffff  }
0x248: {  	v8 =	vadd.f32 v8, v6;
	v14 =	vld.idx.msk [tilespmem:v7+s1+$0x0], $0xffff  }
0x249: {  	v7 =	vadd.f32 v13, v6;
	v22 =	vld.idx.msk [tilespmem:v22+s1+$0x0], $0xffff  }
0x24a: {  	[tilespmem:s16+$0xFFFFFF20] =	vst v8;
	v8 =	vadd.f32 v9, v6;
	v15 =	vld.idx.msk [tilespmem:v15+s1+$0x0], $0xffff  }
0x24b: {  	v9 =	vadd.f32 v10, v6;
	[tilespmem:s16+$0xFFFFFF30] =	vst v7;
	v7 =	vld.idx.msk [tilespmem:v16+s1+$0x0], $0xffff  }
.Ltmp6:
0x24c: {  	v10 =	vadd.f32 v11, v6;
	[tilespmem:s16+$0xFFFFFF40] =	vst v8;
	v8 =	vld.idx.msk [tilespmem:v17+s1+$0x0], $0xffff;
	(pc) =	sbr.rel @p0 .LBB2_14-.Ltmp6, $4  }
0x24d: {  	v11 =	vadd.f32 v12, v6;
	[tilespmem:s16+$0xFFFFFF50] =	vst v9;
	v9 =	vld.idx.msk [tilespmem:v18+s1+$0x0], $0xffff  }
0x24e: {  	v12 =	vadd.f32 v14, v6;
	[tilespmem:s16+$0xFFFFFF60] =	vst v10;
	v10 =	vld.idx.msk [tilespmem:v19+s1+$0x0], $0xffff  }
0x24f: {  	v13 =	vadd.f32 v22, v6;
	[tilespmem:s16+$0xFFFFFF70] =	vst v11;
	v11 =	vld.idx.msk [tilespmem:v20+s1+$0x0], $0xffff  }
0x250: {  	s20 =	sadd.s32 $0x100, s20;
	v14 =	vadd.f32 v15, v6;
	[tilespmem:s16+$0xFFFFFF80] =	vst v12;
	v12 =	vld.idx.msk [tilespmem:v21+s1+$0x0], $0xffff  }
0x251: {  	[tilespmem:s16+$0xFFFFFF10] =	vst v13;
	v7 =	vadd.f32 v7, v6  }
0x252: {  	v8 =	vadd.f32 v8, v6;
	[tilespmem:s16+$0xFFFFFF90] =	vst v14  }
0x253: {  	[tilespmem:s16+$0xFFFFFFA0] =	vst v7;
	v7 =	vadd.f32 v9, v6  }
0x254: {  	[tilespmem:s16+$0xFFFFFFB0] =	vst v8;
	v8 =	vadd.f32 v10, v6  }
0x255: {  	[tilespmem:s16+$0xFFFFFFC0] =	vst v7;
	v7 =	vadd.f32 v11, v6  }
0x256: {  	[tilespmem:s16+$0xFFFFFFD0] =	vst v8;
	v8 =	vadd.f32 v12, v6  }
0x257: {  	[tilespmem:s16+$0xFFFFFFE0] =	vst v7  }
0x258: {  	[tilespmem:s16+$0xFFFFFFF0] =	vst v8  }
0x259: {  	s16 =	rddreg [dreg:$0x17]  }
0x25a: {  	[hbm4b:s16+s5] =	stream.strided.scatter [tilespmem:s11], [sflag:$0x5], $0x1000, s6, s5, $0x38;
	[tilespmem:$0x1F800] =	vst v63  }
0x25b: {  	_ =	swait.ge [sflag:s12], $0x1000  }
0x25c: {  	[sflag:s12] =	ssyncset.done $0x0  }
0x25d: {  	s20 =	simm.s32 $0x1B7F0;
	[sflag:s12] =	ssyncadd.s32 $0xFFFFF000  }
0x25e: {  	v7 =	vld [tilespmem:s20+$0x0]  }
0x25f: {  	v8 =	vld [tilespmem:s20+$0xFFFFFF20]  }
0x260: {  	v9 =	vld [tilespmem:s20+$0xFFFFFF30]  }
0x261: {  	v10 =	vld [tilespmem:s20+$0xFFFFFF40]  }
0x262: {  	v11 =	vld [tilespmem:s20+$0xFFFFFF50]  }
0x263: {  	v12 =	vld [tilespmem:s20+$0xFFFFFF60]  }
0x264: {  	v13 =	vld [tilespmem:s20+$0xFFFFFF70]  }
0x265: {  	v14 =	vld [tilespmem:s20+$0xFFFFFF80]  }
0x266: {  	v15 =	vld [tilespmem:s20+$0xFFFFFF90]  }
0x267: {  	v16 =	vld [tilespmem:s20+$0xFFFFFFA0]  }
0x268: {  	v17 =	vld [tilespmem:s20+$0xFFFFFFB0]  }
0x269: {  	v18 =	vld [tilespmem:s20+$0xFFFFFFC0]  }
0x26a: {  	v19 =	vld [tilespmem:s20+$0xFFFFFFD0]  }
0x26b: {  	v20 =	vld [tilespmem:s20+$0xFFFFFFE0]  }
0x26c: {  	v21 =	vld [tilespmem:s20+$0xFFFFFFF0]  }
0x26d: {  	v22 =	vld [tilespmem:s20+$0xFFFFFF10]  }
0x26e: {  	v7 =	vld.idx.msk [tilespmem:v7+s1+$0x0], $0xffff  }
0x26f: {  	v8 =	vld.idx.msk [tilespmem:v8+s1+$0x0], $0xffff  }
0x270: {  	v9 =	vld.idx.msk [tilespmem:v9+s1+$0x0], $0xffff  }
0x271: {  	v10 =	vld.idx.msk [tilespmem:v10+s1+$0x0], $0xffff  }
0x272: {  	v11 =	vld.idx.msk [tilespmem:v11+s1+$0x0], $0xffff  }
0x273: {  	v12 =	vld.idx.msk [tilespmem:v12+s1+$0x0], $0xffff  }
0x274: {  	v13 =	vld.idx.msk [tilespmem:v13+s1+$0x0], $0xffff;
	v7 =	vadd.f32 v7, v6  }
0x275: {  	s16 =	simm.s32 $0x1C880;
	v14 =	vld.idx.msk [tilespmem:v14+s1+$0x0], $0xffff;
	v8 =	vadd.f32 v8, v6  }
0x276: {  	v22 =	vld.idx.msk [tilespmem:v22+s1+$0x0], $0xffff;
	[tilespmem:s16+$0x70] =	vst v7;
	v7 =	vadd.f32 v9, v6  }
0x277: {  	v15 =	vld.idx.msk [tilespmem:v15+s1+$0x0], $0xffff;
	[tilespmem:s16+$0xFFFFFF90] =	vst v8;
	v8 =	vadd.f32 v10, v6  }
0x278: {  	v9 =	vadd.f32 v11, v6;
	[tilespmem:s16+$0xFFFFFFA0] =	vst v7;
	v7 =	vld.idx.msk [tilespmem:v16+s1+$0x0], $0xffff  }
0x279: {  	v10 =	vadd.f32 v12, v6;
	[tilespmem:s16+$0xFFFFFFB0] =	vst v8;
	v8 =	vld.idx.msk [tilespmem:v17+s1+$0x0], $0xffff  }
0x27a: {  	v11 =	vadd.f32 v13, v6;
	[tilespmem:s16+$0xFFFFFFC0] =	vst v9;
	v9 =	vld.idx.msk [tilespmem:v18+s1+$0x0], $0xffff  }
0x27b: {  	v12 =	vadd.f32 v14, v6;
	[tilespmem:s16+$0xFFFFFFD0] =	vst v10;
	v10 =	vld.idx.msk [tilespmem:v19+s1+$0x0], $0xffff  }
0x27c: {  	v13 =	vadd.f32 v22, v6;
	[tilespmem:s16+$0xFFFFFFE0] =	vst v11;
	v11 =	vld.idx.msk [tilespmem:v20+s1+$0x0], $0xffff  }
0x27d: {  	s18 =	simm.s32 $0x0;
	s20 =	simm.s32 $0x1B8F0;
	v14 =	vadd.f32 v15, v6;
	[tilespmem:s16+$0xFFFFFFF0] =	vst v12;
	v12 =	vld.idx.msk [tilespmem:v21+s1+$0x0], $0xffff  }
.LBB2_16:
0x27e: {  	v15 =	vld [tilespmem:s20+$0x0];
	s18 =	sadd.s32 $0x10, s18;
	[tilespmem:s16+$0xFFFFFF80] =	vst v13;
	v7 =	vadd.f32 v7, v6  }
0x27f: {  	v8 =	vadd.f32 v8, v6;
	v13 =	vld [tilespmem:s20+$0xFFFFFF20];
	p0 =	slt.u32 s18, $0xF0;
	[tilespmem:s16+$0x0] =	vst v14  }
0x280: {  	v14 =	vld [tilespmem:s20+$0xFFFFFF30];
	[tilespmem:s16+$0x10] =	vst v7;
	v7 =	vadd.f32 v9, v6  }
0x281: {  	v9 =	vld [tilespmem:s20+$0xFFFFFF40];
	[tilespmem:s16+$0x20] =	vst v8;
	v8 =	vadd.f32 v10, v6  }
0x282: {  	v10 =	vld [tilespmem:s20+$0xFFFFFF50];
	[tilespmem:s16+$0x30] =	vst v7;
	v7 =	vadd.f32 v11, v6  }
0x283: {  	v11 =	vld [tilespmem:s20+$0xFFFFFF60];
	[tilespmem:s16+$0x40] =	vst v8;
	v8 =	vadd.f32 v12, v6  }
0x284: {  	v12 =	vld [tilespmem:s20+$0xFFFFFF70];
	[tilespmem:s16+$0x50] =	vst v7  }
0x285: {  	v7 =	vld [tilespmem:s20+$0xFFFFFF80];
	[tilespmem:s16+$0x60] =	vst v8  }
0x286: {  	v8 =	vld.idx.msk [tilespmem:v15+s1+$0x0], $0xffff  }
0x287: {  	v15 =	vld [tilespmem:s20+$0xFFFFFF90]  }
0x288: {  	v16 =	vld [tilespmem:s20+$0xFFFFFFA0]  }
0x289: {  	v17 =	vld [tilespmem:s20+$0xFFFFFFB0]  }
0x28a: {  	v18 =	vld [tilespmem:s20+$0xFFFFFFC0]  }
0x28b: {  	v19 =	vld [tilespmem:s20+$0xFFFFFFD0]  }
0x28c: {  	v8 =	vadd.f32 v8, v6;
	v20 =	vld [tilespmem:s20+$0xFFFFFFE0]  }
0x28d: {  	s16 =	sadd.s32 $0x100, s16;
	v21 =	vld [tilespmem:s20+$0xFFFFFFF0]  }
0x28e: {  	v22 =	vld [tilespmem:s20+$0xFFFFFF10];
	[tilespmem:s16+$0x70] =	vst v8  }
0x28f: {  	v8 =	vld.idx.msk [tilespmem:v13+s1+$0x0], $0xffff  }
0x290: {  	v13 =	vld.idx.msk [tilespmem:v14+s1+$0x0], $0xffff  }
0x291: {  	v9 =	vld.idx.msk [tilespmem:v9+s1+$0x0], $0xffff  }
0x292: {  	v10 =	vld.idx.msk [tilespmem:v10+s1+$0x0], $0xffff  }
0x293: {  	v11 =	vld.idx.msk [tilespmem:v11+s1+$0x0], $0xffff  }
0x294: {  	v12 =	vld.idx.msk [tilespmem:v12+s1+$0x0], $0xffff  }
0x295: {  	v8 =	vadd.f32 v8, v6;
	v14 =	vld.idx.msk [tilespmem:v7+s1+$0x0], $0xffff  }
0x296: {  	v7 =	vadd.f32 v13, v6;
	v22 =	vld.idx.msk [tilespmem:v22+s1+$0x0], $0xffff  }
0x297: {  	[tilespmem:s16+$0xFFFFFF90] =	vst v8;
	v8 =	vadd.f32 v9, v6;
	v15 =	vld.idx.msk [tilespmem:v15+s1+$0x0], $0xffff  }
0x298: {  	v9 =	vadd.f32 v10, v6;
	[tilespmem:s16+$0xFFFFFFA0] =	vst v7;
	v7 =	vld.idx.msk [tilespmem:v16+s1+$0x0], $0xffff  }
.Ltmp7:
0x299: {  	v10 =	vadd.f32 v11, v6;
	[tilespmem:s16+$0xFFFFFFB0] =	vst v8;
	v8 =	vld.idx.msk [tilespmem:v17+s1+$0x0], $0xffff;
	(pc) =	sbr.rel @p0 .LBB2_16-.Ltmp7, $4  }
0x29a: {  	v11 =	vadd.f32 v12, v6;
	[tilespmem:s16+$0xFFFFFFC0] =	vst v9;
	v9 =	vld.idx.msk [tilespmem:v18+s1+$0x0], $0xffff  }
0x29b: {  	v12 =	vadd.f32 v14, v6;
	[tilespmem:s16+$0xFFFFFFD0] =	vst v10;
	v10 =	vld.idx.msk [tilespmem:v19+s1+$0x0], $0xffff  }
0x29c: {  	v13 =	vadd.f32 v22, v6;
	[tilespmem:s16+$0xFFFFFFE0] =	vst v11;
	v11 =	vld.idx.msk [tilespmem:v20+s1+$0x0], $0xffff  }
0x29d: {  	s20 =	sadd.s32 $0x100, s20;
	v14 =	vadd.f32 v15, v6;
	[tilespmem:s16+$0xFFFFFFF0] =	vst v12;
	v12 =	vld.idx.msk [tilespmem:v21+s1+$0x0], $0xffff  }
0x29e: {  	[tilespmem:s16+$0xFFFFFF80] =	vst v13;
	v7 =	vadd.f32 v7, v6  }
0x29f: {  	v8 =	vadd.f32 v8, v6;
	[tilespmem:s16+$0x0] =	vst v14  }
0x2a0: {  	[tilespmem:s16+$0x10] =	vst v7;
	v7 =	vadd.f32 v9, v6  }
0x2a1: {  	[tilespmem:s16+$0x20] =	vst v8;
	v8 =	vadd.f32 v10, v6  }
0x2a2: {  	[tilespmem:s16+$0x30] =	vst v7;
	v7 =	vadd.f32 v11, v6  }
0x2a3: {  	[tilespmem:s16+$0x40] =	vst v8;
	v6 =	vadd.f32 v12, v6  }
0x2a4: {  	[tilespmem:s16+$0x50] =	vst v7  }
0x2a5: {  	[tilespmem:s16+$0x60] =	vst v6  }
0x2a6: {  	s16 =	rddreg [dreg:$0x18]  }
0x2a7: {  	[hbm4b:s16+s5] =	stream.strided.scatter [tilespmem:s9], [sflag:$0x3], $0x1000, s6, s5, $0x38;
	[tilespmem:$0x1F800] =	vst v63  }
0x2a8: {  	s20 =	rddreg [dreg:$0x12]  }
0x2a9: {  	[tilespmem:s1], [sflag:$0x1] =	stream.strided.gather [hbm4b:s20+s5], $0x18700, s6, s5, $0x38;
	[tilespmem:$0x1F800] =	vst v63  }
0x2aa: {  	s18 =	rddreg [dreg:$0x1]  }
0x2ab: {  	[tilespmem:s4], [sflag:$0x2] =	stream.linear.gather [hbm4b:s18+s1], $0x4000, $0x38;
	[tilespmem:$0x1F800] =	vst v63  }
0x2ac: {  	_ =	swait.ge [sflag:s8], $0x18700  }
0x2ad: {  	[sflag:s8] =	ssyncset.done $0x0  }
0x2ae: {  	[sflag:s8] =	ssyncadd.s32 $0xFFFE7900  }
0x2af: {  	_ =	swait.ge [sflag:s7], $0x4000  }
0x2b0: {  	[sflag:s7] =	ssyncset.done $0x0  }
0x2b1: {  	[sflag:s7] =	ssyncadd.s32 $0xFFFFC000  }
0x2b2: {  	v6 =	vld.idx.msk [tilespmem:v2+s3+$0x0], $0xffff;
	_ =	swait.ge [sflag:s12], $0x1000  }
0x2b3: {  	[sflag:s12] =	ssyncset.done $0x0  }
0x2b4: {  	s20 =	simm.s32 $0x18780;
	[sflag:s12] =	ssyncadd.s32 $0xFFFFF000  }
0x2b5: {  	v7 =	vld [tilespmem:s20+$0x70]  }
0x2b6: {  	v8 =	vld [tilespmem:s20+$0xFFFFFF90]  }
0x2b7: {  	v9 =	vld [tilespmem:s20+$0xFFFFFFA0]  }
0x2b8: {  	v10 =	vld [tilespmem:s20+$0xFFFFFFB0]  }
0x2b9: {  	v11 =	vld [tilespmem:s20+$0xFFFFFFC0]  }
0x2ba: {  	v12 =	vld [tilespmem:s20+$0xFFFFFFD0]  }
0x2bb: {  	v13 =	vld [tilespmem:s20+$0xFFFFFFE0]  }
0x2bc: {  	v14 =	vld [tilespmem:s20+$0xFFFFFFF0]  }
0x2bd: {  	v15 =	vld [tilespmem:s20+$0x0]  }
0x2be: {  	v16 =	vld [tilespmem:s20+$0x10]  }
0x2bf: {  	v17 =	vld [tilespmem:s20+$0x20]  }
0x2c0: {  	v18 =	vld [tilespmem:s20+$0x30]  }
0x2c1: {  	v19 =	vld [tilespmem:s20+$0x40]  }
0x2c2: {  	v20 =	vld [tilespmem:s20+$0x50]  }
0x2c3: {  	v21 =	vld [tilespmem:s20+$0x60]  }
0x2c4: {  	v22 =	vld [tilespmem:s20+$0xFFFFFF80]  }
0x2c5: {  	v7 =	vld.idx.msk [tilespmem:v7+s1+$0x0], $0xffff  }
0x2c6: {  	v8 =	vld.idx.msk [tilespmem:v8+s1+$0x0], $0xffff  }
0x2c7: {  	v9 =	vld.idx.msk [tilespmem:v9+s1+$0x0], $0xffff  }
0x2c8: {  	v10 =	vld.idx.msk [tilespmem:v10+s1+$0x0], $0xffff  }
0x2c9: {  	v11 =	vld.idx.msk [tilespmem:v11+s1+$0x0], $0xffff  }
0x2ca: {  	v12 =	vld.idx.msk [tilespmem:v12+s1+$0x0], $0xffff  }
0x2cb: {  	v13 =	vld.idx.msk [tilespmem:v13+s1+$0x0], $0xffff;
	v7 =	vadd.f32 v7, v6  }
0x2cc: {  	s16 =	simm.s32 $0x1C880;
	v14 =	vld.idx.msk [tilespmem:v14+s1+$0x0], $0xffff;
	v8 =	vadd.f32 v8, v6  }
0x2cd: {  	v22 =	vld.idx.msk [tilespmem:v22+s1+$0x0], $0xffff;
	[tilespmem:s16+$0x70] =	vst v7;
	v7 =	vadd.f32 v9, v6  }
0x2ce: {  	v15 =	vld.idx.msk [tilespmem:v15+s1+$0x0], $0xffff;
	[tilespmem:s16+$0xFFFFFF90] =	vst v8;
	v8 =	vadd.f32 v10, v6  }
0x2cf: {  	v9 =	vadd.f32 v11, v6;
	[tilespmem:s16+$0xFFFFFFA0] =	vst v7;
	v7 =	vld.idx.msk [tilespmem:v16+s1+$0x0], $0xffff  }
0x2d0: {  	v10 =	vadd.f32 v12, v6;
	[tilespmem:s16+$0xFFFFFFB0] =	vst v8;
	v8 =	vld.idx.msk [tilespmem:v17+s1+$0x0], $0xffff  }
0x2d1: {  	v11 =	vadd.f32 v13, v6;
	[tilespmem:s16+$0xFFFFFFC0] =	vst v9;
	v9 =	vld.idx.msk [tilespmem:v18+s1+$0x0], $0xffff  }
0x2d2: {  	v12 =	vadd.f32 v14, v6;
	[tilespmem:s16+$0xFFFFFFD0] =	vst v10;
	v10 =	vld.idx.msk [tilespmem:v19+s1+$0x0], $0xffff  }
0x2d3: {  	v13 =	vadd.f32 v22, v6;
	[tilespmem:s16+$0xFFFFFFE0] =	vst v11;
	v11 =	vld.idx.msk [tilespmem:v20+s1+$0x0], $0xffff  }
0x2d4: {  	s18 =	simm.s32 $0x0;
	s20 =	simm.s32 $0x18880;
	v14 =	vadd.f32 v15, v6;
	[tilespmem:s16+$0xFFFFFFF0] =	vst v12;
	v12 =	vld.idx.msk [tilespmem:v21+s1+$0x0], $0xffff  }
.LBB2_18:
0x2d5: {  	v15 =	vld [tilespmem:s20+$0x70];
	s18 =	sadd.s32 $0x10, s18;
	[tilespmem:s16+$0xFFFFFF80] =	vst v13;
	v7 =	vadd.f32 v7, v6  }
0x2d6: {  	v8 =	vadd.f32 v8, v6;
	v13 =	vld [tilespmem:s20+$0xFFFFFF90];
	p0 =	slt.u32 s18, $0xF0;
	[tilespmem:s16+$0x0] =	vst v14  }
0x2d7: {  	v14 =	vld [tilespmem:s20+$0xFFFFFFA0];
	[tilespmem:s16+$0x10] =	vst v7;
	v7 =	vadd.f32 v9, v6  }
0x2d8: {  	v9 =	vld [tilespmem:s20+$0xFFFFFFB0];
	[tilespmem:s16+$0x20] =	vst v8;
	v8 =	vadd.f32 v10, v6  }
0x2d9: {  	v10 =	vld [tilespmem:s20+$0xFFFFFFC0];
	[tilespmem:s16+$0x30] =	vst v7;
	v7 =	vadd.f32 v11, v6  }
0x2da: {  	v11 =	vld [tilespmem:s20+$0xFFFFFFD0];
	[tilespmem:s16+$0x40] =	vst v8;
	v8 =	vadd.f32 v12, v6  }
0x2db: {  	v12 =	vld [tilespmem:s20+$0xFFFFFFE0];
	[tilespmem:s16+$0x50] =	vst v7  }
0x2dc: {  	v7 =	vld [tilespmem:s20+$0xFFFFFFF0];
	[tilespmem:s16+$0x60] =	vst v8  }
0x2dd: {  	v8 =	vld.idx.msk [tilespmem:v15+s1+$0x0], $0xffff  }
0x2de: {  	v15 =	vld [tilespmem:s20+$0x0]  }
0x2df: {  	v16 =	vld [tilespmem:s20+$0x10]  }
0x2e0: {  	v17 =	vld [tilespmem:s20+$0x20]  }
0x2e1: {  	v18 =	vld [tilespmem:s20+$0x30]  }
0x2e2: {  	v19 =	vld [tilespmem:s20+$0x40]  }
0x2e3: {  	v8 =	vadd.f32 v8, v6;
	v20 =	vld [tilespmem:s20+$0x50]  }
0x2e4: {  	s16 =	sadd.s32 $0x100, s16;
	v21 =	vld [tilespmem:s20+$0x60]  }
0x2e5: {  	v22 =	vld [tilespmem:s20+$0xFFFFFF80];
	[tilespmem:s16+$0x70] =	vst v8  }
0x2e6: {  	v8 =	vld.idx.msk [tilespmem:v13+s1+$0x0], $0xffff  }
0x2e7: {  	v13 =	vld.idx.msk [tilespmem:v14+s1+$0x0], $0xffff  }
0x2e8: {  	v9 =	vld.idx.msk [tilespmem:v9+s1+$0x0], $0xffff  }
0x2e9: {  	v10 =	vld.idx.msk [tilespmem:v10+s1+$0x0], $0xffff  }
0x2ea: {  	v11 =	vld.idx.msk [tilespmem:v11+s1+$0x0], $0xffff  }
0x2eb: {  	v12 =	vld.idx.msk [tilespmem:v12+s1+$0x0], $0xffff  }
0x2ec: {  	v8 =	vadd.f32 v8, v6;
	v14 =	vld.idx.msk [tilespmem:v7+s1+$0x0], $0xffff  }
0x2ed: {  	v7 =	vadd.f32 v13, v6;
	v22 =	vld.idx.msk [tilespmem:v22+s1+$0x0], $0xffff  }
0x2ee: {  	[tilespmem:s16+$0xFFFFFF90] =	vst v8;
	v8 =	vadd.f32 v9, v6;
	v15 =	vld.idx.msk [tilespmem:v15+s1+$0x0], $0xffff  }
0x2ef: {  	v9 =	vadd.f32 v10, v6;
	[tilespmem:s16+$0xFFFFFFA0] =	vst v7;
	v7 =	vld.idx.msk [tilespmem:v16+s1+$0x0], $0xffff  }
.Ltmp8:
0x2f0: {  	v10 =	vadd.f32 v11, v6;
	[tilespmem:s16+$0xFFFFFFB0] =	vst v8;
	v8 =	vld.idx.msk [tilespmem:v17+s1+$0x0], $0xffff;
	(pc) =	sbr.rel @p0 .LBB2_18-.Ltmp8, $4  }
0x2f1: {  	v11 =	vadd.f32 v12, v6;
	[tilespmem:s16+$0xFFFFFFC0] =	vst v9;
	v9 =	vld.idx.msk [tilespmem:v18+s1+$0x0], $0xffff  }
0x2f2: {  	v12 =	vadd.f32 v14, v6;
	[tilespmem:s16+$0xFFFFFFD0] =	vst v10;
	v10 =	vld.idx.msk [tilespmem:v19+s1+$0x0], $0xffff  }
0x2f3: {  	v13 =	vadd.f32 v22, v6;
	[tilespmem:s16+$0xFFFFFFE0] =	vst v11;
	v11 =	vld.idx.msk [tilespmem:v20+s1+$0x0], $0xffff  }
0x2f4: {  	s20 =	sadd.s32 $0x100, s20;
	v14 =	vadd.f32 v15, v6;
	[tilespmem:s16+$0xFFFFFFF0] =	vst v12;
	v12 =	vld.idx.msk [tilespmem:v21+s1+$0x0], $0xffff  }
0x2f5: {  	[tilespmem:s16+$0xFFFFFF80] =	vst v13;
	v7 =	vadd.f32 v7, v6  }
0x2f6: {  	v8 =	vadd.f32 v8, v6;
	[tilespmem:s16+$0x0] =	vst v14  }
0x2f7: {  	[tilespmem:s16+$0x10] =	vst v7;
	v7 =	vadd.f32 v9, v6  }
0x2f8: {  	[tilespmem:s16+$0x20] =	vst v8;
	v8 =	vadd.f32 v10, v6  }
0x2f9: {  	[tilespmem:s16+$0x30] =	vst v7;
	v7 =	vadd.f32 v11, v6  }
0x2fa: {  	[tilespmem:s16+$0x40] =	vst v8;
	v8 =	vadd.f32 v12, v6  }
0x2fb: {  	[tilespmem:s16+$0x50] =	vst v7  }
0x2fc: {  	[tilespmem:s16+$0x60] =	vst v8  }
0x2fd: {  	[hbm4b:s24+s5] =	stream.strided.scatter [tilespmem:s9], [sflag:$0x3], $0x1000, s6, s5, $0x38;
	[tilespmem:$0x1F800] =	vst v63  }
0x2fe: {  	_ =	swait.ge [sflag:s13], $0x1000  }
0x2ff: {  	[sflag:s13] =	ssyncset.done $0x0  }
0x300: {  	s20 =	simm.s32 $0x197F0;
	[sflag:s13] =	ssyncadd.s32 $0xFFFFF000  }
0x301: {  	v7 =	vld [tilespmem:s20+$0x0]  }
0x302: {  	v8 =	vld [tilespmem:s20+$0xFFFFFF20]  }
0x303: {  	v9 =	vld [tilespmem:s20+$0xFFFFFF30]  }
0x304: {  	v10 =	vld [tilespmem:s20+$0xFFFFFF40]  }
0x305: {  	v11 =	vld [tilespmem:s20+$0xFFFFFF50]  }
0x306: {  	v12 =	vld [tilespmem:s20+$0xFFFFFF60]  }
0x307: {  	v13 =	vld [tilespmem:s20+$0xFFFFFF70]  }
0x308: {  	v14 =	vld [tilespmem:s20+$0xFFFFFF80]  }
0x309: {  	v15 =	vld [tilespmem:s20+$0xFFFFFF90]  }
0x30a: {  	v16 =	vld [tilespmem:s20+$0xFFFFFFA0]  }
0x30b: {  	v17 =	vld [tilespmem:s20+$0xFFFFFFB0]  }
0x30c: {  	v18 =	vld [tilespmem:s20+$0xFFFFFFC0]  }
0x30d: {  	v19 =	vld [tilespmem:s20+$0xFFFFFFD0]  }
0x30e: {  	v20 =	vld [tilespmem:s20+$0xFFFFFFE0]  }
0x30f: {  	v21 =	vld [tilespmem:s20+$0xFFFFFFF0]  }
0x310: {  	v22 =	vld [tilespmem:s20+$0xFFFFFF10]  }
0x311: {  	v7 =	vld.idx.msk [tilespmem:v7+s1+$0x0], $0xffff  }
0x312: {  	v8 =	vld.idx.msk [tilespmem:v8+s1+$0x0], $0xffff  }
0x313: {  	v9 =	vld.idx.msk [tilespmem:v9+s1+$0x0], $0xffff  }
0x314: {  	v10 =	vld.idx.msk [tilespmem:v10+s1+$0x0], $0xffff  }
0x315: {  	v11 =	vld.idx.msk [tilespmem:v11+s1+$0x0], $0xffff  }
0x316: {  	v12 =	vld.idx.msk [tilespmem:v12+s1+$0x0], $0xffff  }
0x317: {  	v13 =	vld.idx.msk [tilespmem:v13+s1+$0x0], $0xffff;
	v7 =	vadd.f32 v7, v6  }
0x318: {  	s16 =	simm.s32 $0x1D8F0;
	v14 =	vld.idx.msk [tilespmem:v14+s1+$0x0], $0xffff;
	v8 =	vadd.f32 v8, v6  }
0x319: {  	v22 =	vld.idx.msk [tilespmem:v22+s1+$0x0], $0xffff;
	[tilespmem:s16+$0x0] =	vst v7;
	v7 =	vadd.f32 v9, v6  }
0x31a: {  	v15 =	vld.idx.msk [tilespmem:v15+s1+$0x0], $0xffff;
	[tilespmem:s16+$0xFFFFFF20] =	vst v8;
	v8 =	vadd.f32 v10, v6  }
0x31b: {  	v9 =	vadd.f32 v11, v6;
	[tilespmem:s16+$0xFFFFFF30] =	vst v7;
	v7 =	vld.idx.msk [tilespmem:v16+s1+$0x0], $0xffff  }
0x31c: {  	v10 =	vadd.f32 v12, v6;
	[tilespmem:s16+$0xFFFFFF40] =	vst v8;
	v8 =	vld.idx.msk [tilespmem:v17+s1+$0x0], $0xffff  }
0x31d: {  	v11 =	vadd.f32 v13, v6;
	[tilespmem:s16+$0xFFFFFF50] =	vst v9;
	v9 =	vld.idx.msk [tilespmem:v18+s1+$0x0], $0xffff  }
0x31e: {  	v12 =	vadd.f32 v14, v6;
	[tilespmem:s16+$0xFFFFFF60] =	vst v10;
	v10 =	vld.idx.msk [tilespmem:v19+s1+$0x0], $0xffff  }
0x31f: {  	v13 =	vadd.f32 v22, v6;
	[tilespmem:s16+$0xFFFFFF70] =	vst v11;
	v11 =	vld.idx.msk [tilespmem:v20+s1+$0x0], $0xffff  }
0x320: {  	s18 =	simm.s32 $0x0;
	s20 =	simm.s32 $0x198F0;
	v14 =	vadd.f32 v15, v6;
	[tilespmem:s16+$0xFFFFFF80] =	vst v12;
	v12 =	vld.idx.msk [tilespmem:v21+s1+$0x0], $0xffff  }
.LBB2_20:
0x321: {  	v15 =	vld [tilespmem:s20+$0x0];
	s18 =	sadd.s32 $0x10, s18;
	[tilespmem:s16+$0xFFFFFF10] =	vst v13;
	v7 =	vadd.f32 v7, v6  }
0x322: {  	v8 =	vadd.f32 v8, v6;
	v13 =	vld [tilespmem:s20+$0xFFFFFF20];
	p0 =	slt.u32 s18, $0xF0;
	[tilespmem:s16+$0xFFFFFF90] =	vst v14  }
0x323: {  	v14 =	vld [tilespmem:s20+$0xFFFFFF30];
	[tilespmem:s16+$0xFFFFFFA0] =	vst v7;
	v7 =	vadd.f32 v9, v6  }
0x324: {  	v9 =	vld [tilespmem:s20+$0xFFFFFF40];
	[tilespmem:s16+$0xFFFFFFB0] =	vst v8;
	v8 =	vadd.f32 v10, v6  }
0x325: {  	v10 =	vld [tilespmem:s20+$0xFFFFFF50];
	[tilespmem:s16+$0xFFFFFFC0] =	vst v7;
	v7 =	vadd.f32 v11, v6  }
0x326: {  	v11 =	vld [tilespmem:s20+$0xFFFFFF60];
	[tilespmem:s16+$0xFFFFFFD0] =	vst v8;
	v8 =	vadd.f32 v12, v6  }
0x327: {  	v12 =	vld [tilespmem:s20+$0xFFFFFF70];
	[tilespmem:s16+$0xFFFFFFE0] =	vst v7  }
0x328: {  	v7 =	vld [tilespmem:s20+$0xFFFFFF80];
	[tilespmem:s16+$0xFFFFFFF0] =	vst v8  }
0x329: {  	v8 =	vld.idx.msk [tilespmem:v15+s1+$0x0], $0xffff  }
0x32a: {  	v15 =	vld [tilespmem:s20+$0xFFFFFF90]  }
0x32b: {  	v16 =	vld [tilespmem:s20+$0xFFFFFFA0]  }
0x32c: {  	v17 =	vld [tilespmem:s20+$0xFFFFFFB0]  }
0x32d: {  	v18 =	vld [tilespmem:s20+$0xFFFFFFC0]  }
0x32e: {  	v19 =	vld [tilespmem:s20+$0xFFFFFFD0]  }
0x32f: {  	v8 =	vadd.f32 v8, v6;
	v20 =	vld [tilespmem:s20+$0xFFFFFFE0]  }
0x330: {  	s16 =	sadd.s32 $0x100, s16;
	v21 =	vld [tilespmem:s20+$0xFFFFFFF0]  }
0x331: {  	v22 =	vld [tilespmem:s20+$0xFFFFFF10];
	[tilespmem:s16+$0x0] =	vst v8  }
0x332: {  	v8 =	vld.idx.msk [tilespmem:v13+s1+$0x0], $0xffff  }
0x333: {  	v13 =	vld.idx.msk [tilespmem:v14+s1+$0x0], $0xffff  }
0x334: {  	v9 =	vld.idx.msk [tilespmem:v9+s1+$0x0], $0xffff  }
0x335: {  	v10 =	vld.idx.msk [tilespmem:v10+s1+$0x0], $0xffff  }
0x336: {  	v11 =	vld.idx.msk [tilespmem:v11+s1+$0x0], $0xffff  }
0x337: {  	v12 =	vld.idx.msk [tilespmem:v12+s1+$0x0], $0xffff  }
0x338: {  	v8 =	vadd.f32 v8, v6;
	v14 =	vld.idx.msk [tilespmem:v7+s1+$0x0], $0xffff  }
0x339: {  	v7 =	vadd.f32 v13, v6;
	v22 =	vld.idx.msk [tilespmem:v22+s1+$0x0], $0xffff  }
0x33a: {  	[tilespmem:s16+$0xFFFFFF20] =	vst v8;
	v8 =	vadd.f32 v9, v6;
	v15 =	vld.idx.msk [tilespmem:v15+s1+$0x0], $0xffff  }
0x33b: {  	v9 =	vadd.f32 v10, v6;
	[tilespmem:s16+$0xFFFFFF30] =	vst v7;
	v7 =	vld.idx.msk [tilespmem:v16+s1+$0x0], $0xffff  }
.Ltmp9:
0x33c: {  	v10 =	vadd.f32 v11, v6;
	[tilespmem:s16+$0xFFFFFF40] =	vst v8;
	v8 =	vld.idx.msk [tilespmem:v17+s1+$0x0], $0xffff;
	(pc) =	sbr.rel @p0 .LBB2_20-.Ltmp9, $4  }
0x33d: {  	v11 =	vadd.f32 v12, v6;
	[tilespmem:s16+$0xFFFFFF50] =	vst v9;
	v9 =	vld.idx.msk [tilespmem:v18+s1+$0x0], $0xffff  }
0x33e: {  	v12 =	vadd.f32 v14, v6;
	[tilespmem:s16+$0xFFFFFF60] =	vst v10;
	v10 =	vld.idx.msk [tilespmem:v19+s1+$0x0], $0xffff  }
0x33f: {  	v13 =	vadd.f32 v22, v6;
	[tilespmem:s16+$0xFFFFFF70] =	vst v11;
	v11 =	vld.idx.msk [tilespmem:v20+s1+$0x0], $0xffff  }
0x340: {  	s20 =	sadd.s32 $0x100, s20;
	v14 =	vadd.f32 v15, v6;
	[tilespmem:s16+$0xFFFFFF80] =	vst v12;
	v12 =	vld.idx.msk [tilespmem:v21+s1+$0x0], $0xffff  }
0x341: {  	[tilespmem:s16+$0xFFFFFF10] =	vst v13;
	v7 =	vadd.f32 v7, v6  }
0x342: {  	v8 =	vadd.f32 v8, v6;
	[tilespmem:s16+$0xFFFFFF90] =	vst v14  }
0x343: {  	[tilespmem:s16+$0xFFFFFFA0] =	vst v7;
	v7 =	vadd.f32 v9, v6  }
0x344: {  	[tilespmem:s16+$0xFFFFFFB0] =	vst v8;
	v8 =	vadd.f32 v10, v6  }
0x345: {  	[tilespmem:s16+$0xFFFFFFC0] =	vst v7;
	v7 =	vadd.f32 v11, v6  }
0x346: {  	[tilespmem:s16+$0xFFFFFFD0] =	vst v8;
	v8 =	vadd.f32 v12, v6  }
0x347: {  	[tilespmem:s16+$0xFFFFFFE0] =	vst v7  }
0x348: {  	[tilespmem:s16+$0xFFFFFFF0] =	vst v8  }
0x349: {  	[hbm4b:s26+s5] =	stream.strided.scatter [tilespmem:s10], [sflag:$0x4], $0x1000, s6, s5, $0x38;
	[tilespmem:$0x1F800] =	vst v63  }
0x34a: {  	_ =	swait.ge [sflag:s14], $0x1000  }
0x34b: {  	[sflag:s14] =	ssyncset.done $0x0  }
0x34c: {  	s20 =	simm.s32 $0x1A7F0;
	[sflag:s14] =	ssyncadd.s32 $0xFFFFF000  }
0x34d: {  	v7 =	vld [tilespmem:s20+$0x0]  }
0x34e: {  	v8 =	vld [tilespmem:s20+$0xFFFFFF20]  }
0x34f: {  	v9 =	vld [tilespmem:s20+$0xFFFFFF30]  }
0x350: {  	v10 =	vld [tilespmem:s20+$0xFFFFFF40]  }
0x351: {  	v11 =	vld [tilespmem:s20+$0xFFFFFF50]  }
0x352: {  	v12 =	vld [tilespmem:s20+$0xFFFFFF60]  }
0x353: {  	v13 =	vld [tilespmem:s20+$0xFFFFFF70]  }
0x354: {  	v14 =	vld [tilespmem:s20+$0xFFFFFF80]  }
0x355: {  	v15 =	vld [tilespmem:s20+$0xFFFFFF90]  }
0x356: {  	v16 =	vld [tilespmem:s20+$0xFFFFFFA0]  }
0x357: {  	v17 =	vld [tilespmem:s20+$0xFFFFFFB0]  }
0x358: {  	v18 =	vld [tilespmem:s20+$0xFFFFFFC0]  }
0x359: {  	v19 =	vld [tilespmem:s20+$0xFFFFFFD0]  }
0x35a: {  	v20 =	vld [tilespmem:s20+$0xFFFFFFE0]  }
0x35b: {  	v21 =	vld [tilespmem:s20+$0xFFFFFFF0]  }
0x35c: {  	v22 =	vld [tilespmem:s20+$0xFFFFFF10]  }
0x35d: {  	v7 =	vld.idx.msk [tilespmem:v7+s1+$0x0], $0xffff  }
0x35e: {  	v8 =	vld.idx.msk [tilespmem:v8+s1+$0x0], $0xffff  }
0x35f: {  	v9 =	vld.idx.msk [tilespmem:v9+s1+$0x0], $0xffff  }
0x360: {  	v10 =	vld.idx.msk [tilespmem:v10+s1+$0x0], $0xffff  }
0x361: {  	v11 =	vld.idx.msk [tilespmem:v11+s1+$0x0], $0xffff  }
0x362: {  	v12 =	vld.idx.msk [tilespmem:v12+s1+$0x0], $0xffff  }
0x363: {  	v13 =	vld.idx.msk [tilespmem:v13+s1+$0x0], $0xffff;
	v7 =	vadd.f32 v7, v6  }
0x364: {  	s16 =	simm.s32 $0x1E8F0;
	v14 =	vld.idx.msk [tilespmem:v14+s1+$0x0], $0xffff;
	v8 =	vadd.f32 v8, v6  }
0x365: {  	v22 =	vld.idx.msk [tilespmem:v22+s1+$0x0], $0xffff;
	[tilespmem:s16+$0x0] =	vst v7;
	v7 =	vadd.f32 v9, v6  }
0x366: {  	v15 =	vld.idx.msk [tilespmem:v15+s1+$0x0], $0xffff;
	[tilespmem:s16+$0xFFFFFF20] =	vst v8;
	v8 =	vadd.f32 v10, v6  }
0x367: {  	v9 =	vadd.f32 v11, v6;
	[tilespmem:s16+$0xFFFFFF30] =	vst v7;
	v7 =	vld.idx.msk [tilespmem:v16+s1+$0x0], $0xffff  }
0x368: {  	v10 =	vadd.f32 v12, v6;
	[tilespmem:s16+$0xFFFFFF40] =	vst v8;
	v8 =	vld.idx.msk [tilespmem:v17+s1+$0x0], $0xffff  }
0x369: {  	v11 =	vadd.f32 v13, v6;
	[tilespmem:s16+$0xFFFFFF50] =	vst v9;
	v9 =	vld.idx.msk [tilespmem:v18+s1+$0x0], $0xffff  }
0x36a: {  	v12 =	vadd.f32 v14, v6;
	[tilespmem:s16+$0xFFFFFF60] =	vst v10;
	v10 =	vld.idx.msk [tilespmem:v19+s1+$0x0], $0xffff  }
0x36b: {  	v13 =	vadd.f32 v22, v6;
	[tilespmem:s16+$0xFFFFFF70] =	vst v11;
	v11 =	vld.idx.msk [tilespmem:v20+s1+$0x0], $0xffff  }
0x36c: {  	s18 =	simm.s32 $0x0;
	s20 =	simm.s32 $0x1A8F0;
	v14 =	vadd.f32 v15, v6;
	[tilespmem:s16+$0xFFFFFF80] =	vst v12;
	v12 =	vld.idx.msk [tilespmem:v21+s1+$0x0], $0xffff  }
.LBB2_22:
0x36d: {  	v15 =	vld [tilespmem:s20+$0x0];
	s18 =	sadd.s32 $0x10, s18;
	[tilespmem:s16+$0xFFFFFF10] =	vst v13;
	v7 =	vadd.f32 v7, v6  }
0x36e: {  	v8 =	vadd.f32 v8, v6;
	v13 =	vld [tilespmem:s20+$0xFFFFFF20];
	p0 =	slt.u32 s18, $0xF0;
	[tilespmem:s16+$0xFFFFFF90] =	vst v14  }
0x36f: {  	v14 =	vld [tilespmem:s20+$0xFFFFFF30];
	[tilespmem:s16+$0xFFFFFFA0] =	vst v7;
	v7 =	vadd.f32 v9, v6  }
0x370: {  	v9 =	vld [tilespmem:s20+$0xFFFFFF40];
	[tilespmem:s16+$0xFFFFFFB0] =	vst v8;
	v8 =	vadd.f32 v10, v6  }
0x371: {  	v10 =	vld [tilespmem:s20+$0xFFFFFF50];
	[tilespmem:s16+$0xFFFFFFC0] =	vst v7;
	v7 =	vadd.f32 v11, v6  }
0x372: {  	v11 =	vld [tilespmem:s20+$0xFFFFFF60];
	[tilespmem:s16+$0xFFFFFFD0] =	vst v8;
	v8 =	vadd.f32 v12, v6  }
0x373: {  	v12 =	vld [tilespmem:s20+$0xFFFFFF70];
	[tilespmem:s16+$0xFFFFFFE0] =	vst v7  }
0x374: {  	v7 =	vld [tilespmem:s20+$0xFFFFFF80];
	[tilespmem:s16+$0xFFFFFFF0] =	vst v8  }
0x375: {  	v8 =	vld.idx.msk [tilespmem:v15+s1+$0x0], $0xffff  }
0x376: {  	v15 =	vld [tilespmem:s20+$0xFFFFFF90]  }
0x377: {  	v16 =	vld [tilespmem:s20+$0xFFFFFFA0]  }
0x378: {  	v17 =	vld [tilespmem:s20+$0xFFFFFFB0]  }
0x379: {  	v18 =	vld [tilespmem:s20+$0xFFFFFFC0]  }
0x37a: {  	v19 =	vld [tilespmem:s20+$0xFFFFFFD0]  }
0x37b: {  	v8 =	vadd.f32 v8, v6;
	v20 =	vld [tilespmem:s20+$0xFFFFFFE0]  }
0x37c: {  	s16 =	sadd.s32 $0x100, s16;
	v21 =	vld [tilespmem:s20+$0xFFFFFFF0]  }
0x37d: {  	v22 =	vld [tilespmem:s20+$0xFFFFFF10];
	[tilespmem:s16+$0x0] =	vst v8  }
0x37e: {  	v8 =	vld.idx.msk [tilespmem:v13+s1+$0x0], $0xffff  }
0x37f: {  	v13 =	vld.idx.msk [tilespmem:v14+s1+$0x0], $0xffff  }
0x380: {  	v9 =	vld.idx.msk [tilespmem:v9+s1+$0x0], $0xffff  }
0x381: {  	v10 =	vld.idx.msk [tilespmem:v10+s1+$0x0], $0xffff  }
0x382: {  	v11 =	vld.idx.msk [tilespmem:v11+s1+$0x0], $0xffff  }
0x383: {  	v12 =	vld.idx.msk [tilespmem:v12+s1+$0x0], $0xffff  }
0x384: {  	v8 =	vadd.f32 v8, v6;
	v14 =	vld.idx.msk [tilespmem:v7+s1+$0x0], $0xffff  }
0x385: {  	v7 =	vadd.f32 v13, v6;
	v22 =	vld.idx.msk [tilespmem:v22+s1+$0x0], $0xffff  }
0x386: {  	[tilespmem:s16+$0xFFFFFF20] =	vst v8;
	v8 =	vadd.f32 v9, v6;
	v15 =	vld.idx.msk [tilespmem:v15+s1+$0x0], $0xffff  }
0x387: {  	v9 =	vadd.f32 v10, v6;
	[tilespmem:s16+$0xFFFFFF30] =	vst v7;
	v7 =	vld.idx.msk [tilespmem:v16+s1+$0x0], $0xffff  }
.Ltmp10:
0x388: {  	v10 =	vadd.f32 v11, v6;
	[tilespmem:s16+$0xFFFFFF40] =	vst v8;
	v8 =	vld.idx.msk [tilespmem:v17+s1+$0x0], $0xffff;
	(pc) =	sbr.rel @p0 .LBB2_22-.Ltmp10, $4  }
0x389: {  	v11 =	vadd.f32 v12, v6;
	[tilespmem:s16+$0xFFFFFF50] =	vst v9;
	v9 =	vld.idx.msk [tilespmem:v18+s1+$0x0], $0xffff  }
0x38a: {  	v12 =	vadd.f32 v14, v6;
	[tilespmem:s16+$0xFFFFFF60] =	vst v10;
	v10 =	vld.idx.msk [tilespmem:v19+s1+$0x0], $0xffff  }
0x38b: {  	v13 =	vadd.f32 v22, v6;
	[tilespmem:s16+$0xFFFFFF70] =	vst v11;
	v11 =	vld.idx.msk [tilespmem:v20+s1+$0x0], $0xffff  }
0x38c: {  	s20 =	sadd.s32 $0x100, s20;
	v14 =	vadd.f32 v15, v6;
	[tilespmem:s16+$0xFFFFFF80] =	vst v12;
	v12 =	vld.idx.msk [tilespmem:v21+s1+$0x0], $0xffff  }
0x38d: {  	[tilespmem:s16+$0xFFFFFF10] =	vst v13;
	v7 =	vadd.f32 v7, v6  }
0x38e: {  	v8 =	vadd.f32 v8, v6;
	[tilespmem:s16+$0xFFFFFF90] =	vst v14  }
0x38f: {  	[tilespmem:s16+$0xFFFFFFA0] =	vst v7;
	v7 =	vadd.f32 v9, v6  }
0x390: {  	[tilespmem:s16+$0xFFFFFFB0] =	vst v8;
	v8 =	vadd.f32 v10, v6  }
0x391: {  	[tilespmem:s16+$0xFFFFFFC0] =	vst v7;
	v7 =	vadd.f32 v11, v6  }
0x392: {  	[tilespmem:s16+$0xFFFFFFD0] =	vst v8;
	v8 =	vadd.f32 v12, v6  }
0x393: {  	[tilespmem:s16+$0xFFFFFFE0] =	vst v7  }
0x394: {  	[tilespmem:s16+$0xFFFFFFF0] =	vst v8  }
0x395: {  	s16 =	rddreg [dreg:$0x19]  }
0x396: {  	[hbm4b:s16+s5] =	stream.strided.scatter [tilespmem:s11], [sflag:$0x5], $0x1000, s6, s5, $0x38;
	[tilespmem:$0x1F800] =	vst v63  }
0x397: {  	_ =	swait.ge [sflag:s12], $0x1000  }
0x398: {  	[sflag:s12] =	ssyncset.done $0x0  }
0x399: {  	s20 =	simm.s32 $0x1B7F0;
	[sflag:s12] =	ssyncadd.s32 $0xFFFFF000  }
0x39a: {  	v7 =	vld [tilespmem:s20+$0x0]  }
0x39b: {  	v8 =	vld [tilespmem:s20+$0xFFFFFF20]  }
0x39c: {  	v9 =	vld [tilespmem:s20+$0xFFFFFF30]  }
0x39d: {  	v10 =	vld [tilespmem:s20+$0xFFFFFF40]  }
0x39e: {  	v11 =	vld [tilespmem:s20+$0xFFFFFF50]  }
0x39f: {  	v12 =	vld [tilespmem:s20+$0xFFFFFF60]  }
0x3a0: {  	v13 =	vld [tilespmem:s20+$0xFFFFFF70]  }
0x3a1: {  	v14 =	vld [tilespmem:s20+$0xFFFFFF80]  }
0x3a2: {  	v15 =	vld [tilespmem:s20+$0xFFFFFF90]  }
0x3a3: {  	v16 =	vld [tilespmem:s20+$0xFFFFFFA0]  }
0x3a4: {  	v17 =	vld [tilespmem:s20+$0xFFFFFFB0]  }
0x3a5: {  	v18 =	vld [tilespmem:s20+$0xFFFFFFC0]  }
0x3a6: {  	v19 =	vld [tilespmem:s20+$0xFFFFFFD0]  }
0x3a7: {  	v20 =	vld [tilespmem:s20+$0xFFFFFFE0]  }
0x3a8: {  	v21 =	vld [tilespmem:s20+$0xFFFFFFF0]  }
0x3a9: {  	v22 =	vld [tilespmem:s20+$0xFFFFFF10]  }
0x3aa: {  	v7 =	vld.idx.msk [tilespmem:v7+s1+$0x0], $0xffff  }
0x3ab: {  	v8 =	vld.idx.msk [tilespmem:v8+s1+$0x0], $0xffff  }
0x3ac: {  	v9 =	vld.idx.msk [tilespmem:v9+s1+$0x0], $0xffff  }
0x3ad: {  	v10 =	vld.idx.msk [tilespmem:v10+s1+$0x0], $0xffff  }
0x3ae: {  	v11 =	vld.idx.msk [tilespmem:v11+s1+$0x0], $0xffff  }
0x3af: {  	v12 =	vld.idx.msk [tilespmem:v12+s1+$0x0], $0xffff  }
0x3b0: {  	v13 =	vld.idx.msk [tilespmem:v13+s1+$0x0], $0xffff;
	v7 =	vadd.f32 v7, v6  }
0x3b1: {  	s16 =	simm.s32 $0x1C880;
	v14 =	vld.idx.msk [tilespmem:v14+s1+$0x0], $0xffff;
	v8 =	vadd.f32 v8, v6  }
0x3b2: {  	v22 =	vld.idx.msk [tilespmem:v22+s1+$0x0], $0xffff;
	[tilespmem:s16+$0x70] =	vst v7;
	v7 =	vadd.f32 v9, v6  }
0x3b3: {  	v15 =	vld.idx.msk [tilespmem:v15+s1+$0x0], $0xffff;
	[tilespmem:s16+$0xFFFFFF90] =	vst v8;
	v8 =	vadd.f32 v10, v6  }
0x3b4: {  	v9 =	vadd.f32 v11, v6;
	[tilespmem:s16+$0xFFFFFFA0] =	vst v7;
	v7 =	vld.idx.msk [tilespmem:v16+s1+$0x0], $0xffff  }
0x3b5: {  	v10 =	vadd.f32 v12, v6;
	[tilespmem:s16+$0xFFFFFFB0] =	vst v8;
	v8 =	vld.idx.msk [tilespmem:v17+s1+$0x0], $0xffff  }
0x3b6: {  	v11 =	vadd.f32 v13, v6;
	[tilespmem:s16+$0xFFFFFFC0] =	vst v9;
	v9 =	vld.idx.msk [tilespmem:v18+s1+$0x0], $0xffff  }
0x3b7: {  	v12 =	vadd.f32 v14, v6;
	[tilespmem:s16+$0xFFFFFFD0] =	vst v10;
	v10 =	vld.idx.msk [tilespmem:v19+s1+$0x0], $0xffff  }
0x3b8: {  	v13 =	vadd.f32 v22, v6;
	[tilespmem:s16+$0xFFFFFFE0] =	vst v11;
	v11 =	vld.idx.msk [tilespmem:v20+s1+$0x0], $0xffff  }
0x3b9: {  	s18 =	simm.s32 $0x0;
	s20 =	simm.s32 $0x1B8F0;
	v14 =	vadd.f32 v15, v6;
	[tilespmem:s16+$0xFFFFFFF0] =	vst v12;
	v12 =	vld.idx.msk [tilespmem:v21+s1+$0x0], $0xffff  }
.LBB2_24:
0x3ba: {  	v15 =	vld [tilespmem:s20+$0x0];
	s18 =	sadd.s32 $0x10, s18;
	[tilespmem:s16+$0xFFFFFF80] =	vst v13;
	v7 =	vadd.f32 v7, v6  }
0x3bb: {  	v8 =	vadd.f32 v8, v6;
	v13 =	vld [tilespmem:s20+$0xFFFFFF20];
	p0 =	slt.u32 s18, $0xF0;
	[tilespmem:s16+$0x0] =	vst v14  }
0x3bc: {  	v14 =	vld [tilespmem:s20+$0xFFFFFF30];
	[tilespmem:s16+$0x10] =	vst v7;
	v7 =	vadd.f32 v9, v6  }
0x3bd: {  	v9 =	vld [tilespmem:s20+$0xFFFFFF40];
	[tilespmem:s16+$0x20] =	vst v8;
	v8 =	vadd.f32 v10, v6  }
0x3be: {  	v10 =	vld [tilespmem:s20+$0xFFFFFF50];
	[tilespmem:s16+$0x30] =	vst v7;
	v7 =	vadd.f32 v11, v6  }
0x3bf: {  	v11 =	vld [tilespmem:s20+$0xFFFFFF60];
	[tilespmem:s16+$0x40] =	vst v8;
	v8 =	vadd.f32 v12, v6  }
0x3c0: {  	v12 =	vld [tilespmem:s20+$0xFFFFFF70];
	[tilespmem:s16+$0x50] =	vst v7  }
0x3c1: {  	v7 =	vld [tilespmem:s20+$0xFFFFFF80];
	[tilespmem:s16+$0x60] =	vst v8  }
0x3c2: {  	v8 =	vld.idx.msk [tilespmem:v15+s1+$0x0], $0xffff  }
0x3c3: {  	v15 =	vld [tilespmem:s20+$0xFFFFFF90]  }
0x3c4: {  	v16 =	vld [tilespmem:s20+$0xFFFFFFA0]  }
0x3c5: {  	v17 =	vld [tilespmem:s20+$0xFFFFFFB0]  }
0x3c6: {  	v18 =	vld [tilespmem:s20+$0xFFFFFFC0]  }
0x3c7: {  	v19 =	vld [tilespmem:s20+$0xFFFFFFD0]  }
0x3c8: {  	v8 =	vadd.f32 v8, v6;
	v20 =	vld [tilespmem:s20+$0xFFFFFFE0]  }
0x3c9: {  	s16 =	sadd.s32 $0x100, s16;
	v21 =	vld [tilespmem:s20+$0xFFFFFFF0]  }
0x3ca: {  	v22 =	vld [tilespmem:s20+$0xFFFFFF10];
	[tilespmem:s16+$0x70] =	vst v8  }
0x3cb: {  	v8 =	vld.idx.msk [tilespmem:v13+s1+$0x0], $0xffff  }
0x3cc: {  	v13 =	vld.idx.msk [tilespmem:v14+s1+$0x0], $0xffff  }
0x3cd: {  	v9 =	vld.idx.msk [tilespmem:v9+s1+$0x0], $0xffff  }
0x3ce: {  	v10 =	vld.idx.msk [tilespmem:v10+s1+$0x0], $0xffff  }
0x3cf: {  	v11 =	vld.idx.msk [tilespmem:v11+s1+$0x0], $0xffff  }
0x3d0: {  	v12 =	vld.idx.msk [tilespmem:v12+s1+$0x0], $0xffff  }
0x3d1: {  	v8 =	vadd.f32 v8, v6;
	v14 =	vld.idx.msk [tilespmem:v7+s1+$0x0], $0xffff  }
0x3d2: {  	v7 =	vadd.f32 v13, v6;
	v22 =	vld.idx.msk [tilespmem:v22+s1+$0x0], $0xffff  }
0x3d3: {  	[tilespmem:s16+$0xFFFFFF90] =	vst v8;
	v8 =	vadd.f32 v9, v6;
	v15 =	vld.idx.msk [tilespmem:v15+s1+$0x0], $0xffff  }
0x3d4: {  	v9 =	vadd.f32 v10, v6;
	[tilespmem:s16+$0xFFFFFFA0] =	vst v7;
	v7 =	vld.idx.msk [tilespmem:v16+s1+$0x0], $0xffff  }
.Ltmp11:
0x3d5: {  	v10 =	vadd.f32 v11, v6;
	[tilespmem:s16+$0xFFFFFFB0] =	vst v8;
	v8 =	vld.idx.msk [tilespmem:v17+s1+$0x0], $0xffff;
	(pc) =	sbr.rel @p0 .LBB2_24-.Ltmp11, $4  }
0x3d6: {  	v11 =	vadd.f32 v12, v6;
	[tilespmem:s16+$0xFFFFFFC0] =	vst v9;
	v9 =	vld.idx.msk [tilespmem:v18+s1+$0x0], $0xffff  }
0x3d7: {  	v12 =	vadd.f32 v14, v6;
	[tilespmem:s16+$0xFFFFFFD0] =	vst v10;
	v10 =	vld.idx.msk [tilespmem:v19+s1+$0x0], $0xffff  }
0x3d8: {  	v13 =	vadd.f32 v22, v6;
	[tilespmem:s16+$0xFFFFFFE0] =	vst v11;
	v11 =	vld.idx.msk [tilespmem:v20+s1+$0x0], $0xffff  }
0x3d9: {  	s20 =	sadd.s32 $0x100, s20;
	v14 =	vadd.f32 v15, v6;
	[tilespmem:s16+$0xFFFFFFF0] =	vst v12;
	v12 =	vld.idx.msk [tilespmem:v21+s1+$0x0], $0xffff  }
0x3da: {  	[tilespmem:s16+$0xFFFFFF80] =	vst v13;
	v7 =	vadd.f32 v7, v6  }
0x3db: {  	v8 =	vadd.f32 v8, v6;
	[tilespmem:s16+$0x0] =	vst v14  }
0x3dc: {  	[tilespmem:s16+$0x10] =	vst v7;
	v7 =	vadd.f32 v9, v6  }
0x3dd: {  	[tilespmem:s16+$0x20] =	vst v8;
	v8 =	vadd.f32 v10, v6  }
0x3de: {  	[tilespmem:s16+$0x30] =	vst v7;
	v7 =	vadd.f32 v11, v6  }
0x3df: {  	[tilespmem:s16+$0x40] =	vst v8;
	v6 =	vadd.f32 v12, v6  }
0x3e0: {  	[tilespmem:s16+$0x50] =	vst v7  }
0x3e1: {  	[tilespmem:s16+$0x60] =	vst v6  }
0x3e2: {  	s16 =	rddreg [dreg:$0x1a]  }
0x3e3: {  	[hbm4b:s16+s5] =	stream.strided.scatter [tilespmem:s9], [sflag:$0x3], $0x1000, s6, s5, $0x38;
	[tilespmem:$0x1F800] =	vst v63  }
0x3e4: {  	s18 =	rddreg [dreg:$0x13]  }
0x3e5: {  	[tilespmem:s1], [sflag:$0x1] =	stream.strided.gather [hbm4b:s18+s5], $0x18700, s6, s5, $0x38;
	[tilespmem:$0x1F800] =	vst v63  }
0x3e6: {  	_ =	swait.ge [sflag:s8], $0x18700  }
0x3e7: {  	[sflag:s8] =	ssyncset.done $0x0  }
0x3e8: {  	[sflag:s8] =	ssyncadd.s32 $0xFFFE7900  }
0x3e9: {  	v6 =	vld.idx.msk [tilespmem:v3+s3+$0x0], $0xffff;
	_ =	swait.ge [sflag:s12], $0x1000  }
0x3ea: {  	[sflag:s12] =	ssyncset.done $0x0  }
0x3eb: {  	s20 =	simm.s32 $0x18780;
	[sflag:s12] =	ssyncadd.s32 $0xFFFFF000  }
0x3ec: {  	v7 =	vld [tilespmem:s20+$0x70]  }
0x3ed: {  	v8 =	vld [tilespmem:s20+$0xFFFFFF90]  }
0x3ee: {  	v9 =	vld [tilespmem:s20+$0xFFFFFFA0]  }
0x3ef: {  	v10 =	vld [tilespmem:s20+$0xFFFFFFB0]  }
0x3f0: {  	v11 =	vld [tilespmem:s20+$0xFFFFFFC0]  }
0x3f1: {  	v12 =	vld [tilespmem:s20+$0xFFFFFFD0]  }
0x3f2: {  	v13 =	vld [tilespmem:s20+$0xFFFFFFE0]  }
0x3f3: {  	v14 =	vld [tilespmem:s20+$0xFFFFFFF0]  }
0x3f4: {  	v15 =	vld [tilespmem:s20+$0x0]  }
0x3f5: {  	v16 =	vld [tilespmem:s20+$0x10]  }
0x3f6: {  	v17 =	vld [tilespmem:s20+$0x20]  }
0x3f7: {  	v18 =	vld [tilespmem:s20+$0x30]  }
0x3f8: {  	v19 =	vld [tilespmem:s20+$0x40]  }
0x3f9: {  	v20 =	vld [tilespmem:s20+$0x50]  }
0x3fa: {  	v21 =	vld [tilespmem:s20+$0x60]  }
0x3fb: {  	v22 =	vld [tilespmem:s20+$0xFFFFFF80]  }
0x3fc: {  	v7 =	vld.idx.msk [tilespmem:v7+s1+$0x0], $0xffff  }
0x3fd: {  	v8 =	vld.idx.msk [tilespmem:v8+s1+$0x0], $0xffff  }
0x3fe: {  	v9 =	vld.idx.msk [tilespmem:v9+s1+$0x0], $0xffff  }
0x3ff: {  	v10 =	vld.idx.msk [tilespmem:v10+s1+$0x0], $0xffff  }
0x400: {  	v11 =	vld.idx.msk [tilespmem:v11+s1+$0x0], $0xffff  }
0x401: {  	v12 =	vld.idx.msk [tilespmem:v12+s1+$0x0], $0xffff  }
0x402: {  	v13 =	vld.idx.msk [tilespmem:v13+s1+$0x0], $0xffff;
	v7 =	vadd.f32 v7, v6  }
0x403: {  	s16 =	simm.s32 $0x1C880;
	v14 =	vld.idx.msk [tilespmem:v14+s1+$0x0], $0xffff;
	v8 =	vadd.f32 v8, v6  }
0x404: {  	v22 =	vld.idx.msk [tilespmem:v22+s1+$0x0], $0xffff;
	[tilespmem:s16+$0x70] =	vst v7;
	v7 =	vadd.f32 v9, v6  }
0x405: {  	v15 =	vld.idx.msk [tilespmem:v15+s1+$0x0], $0xffff;
	[tilespmem:s16+$0xFFFFFF90] =	vst v8;
	v8 =	vadd.f32 v10, v6  }
0x406: {  	v9 =	vadd.f32 v11, v6;
	[tilespmem:s16+$0xFFFFFFA0] =	vst v7;
	v7 =	vld.idx.msk [tilespmem:v16+s1+$0x0], $0xffff  }
0x407: {  	v10 =	vadd.f32 v12, v6;
	[tilespmem:s16+$0xFFFFFFB0] =	vst v8;
	v8 =	vld.idx.msk [tilespmem:v17+s1+$0x0], $0xffff  }
0x408: {  	v11 =	vadd.f32 v13, v6;
	[tilespmem:s16+$0xFFFFFFC0] =	vst v9;
	v9 =	vld.idx.msk [tilespmem:v18+s1+$0x0], $0xffff  }
0x409: {  	v12 =	vadd.f32 v14, v6;
	[tilespmem:s16+$0xFFFFFFD0] =	vst v10;
	v10 =	vld.idx.msk [tilespmem:v19+s1+$0x0], $0xffff  }
0x40a: {  	v13 =	vadd.f32 v22, v6;
	[tilespmem:s16+$0xFFFFFFE0] =	vst v11;
	v11 =	vld.idx.msk [tilespmem:v20+s1+$0x0], $0xffff  }
0x40b: {  	s18 =	simm.s32 $0x0;
	s20 =	simm.s32 $0x18880;
	v14 =	vadd.f32 v15, v6;
	[tilespmem:s16+$0xFFFFFFF0] =	vst v12;
	v12 =	vld.idx.msk [tilespmem:v21+s1+$0x0], $0xffff  }
.LBB2_26:
0x40c: {  	v15 =	vld [tilespmem:s20+$0x70];
	s18 =	sadd.s32 $0x10, s18;
	[tilespmem:s16+$0xFFFFFF80] =	vst v13;
	v7 =	vadd.f32 v7, v6  }
0x40d: {  	v8 =	vadd.f32 v8, v6;
	v13 =	vld [tilespmem:s20+$0xFFFFFF90];
	p0 =	slt.u32 s18, $0xF0;
	[tilespmem:s16+$0x0] =	vst v14  }
0x40e: {  	v14 =	vld [tilespmem:s20+$0xFFFFFFA0];
	[tilespmem:s16+$0x10] =	vst v7;
	v7 =	vadd.f32 v9, v6  }
0x40f: {  	v9 =	vld [tilespmem:s20+$0xFFFFFFB0];
	[tilespmem:s16+$0x20] =	vst v8;
	v8 =	vadd.f32 v10, v6  }
0x410: {  	v10 =	vld [tilespmem:s20+$0xFFFFFFC0];
	[tilespmem:s16+$0x30] =	vst v7;
	v7 =	vadd.f32 v11, v6  }
0x411: {  	v11 =	vld [tilespmem:s20+$0xFFFFFFD0];
	[tilespmem:s16+$0x40] =	vst v8;
	v8 =	vadd.f32 v12, v6  }
0x412: {  	v12 =	vld [tilespmem:s20+$0xFFFFFFE0];
	[tilespmem:s16+$0x50] =	vst v7  }
0x413: {  	v7 =	vld [tilespmem:s20+$0xFFFFFFF0];
	[tilespmem:s16+$0x60] =	vst v8  }
0x414: {  	v8 =	vld.idx.msk [tilespmem:v15+s1+$0x0], $0xffff  }
0x415: {  	v15 =	vld [tilespmem:s20+$0x0]  }
0x416: {  	v16 =	vld [tilespmem:s20+$0x10]  }
0x417: {  	v17 =	vld [tilespmem:s20+$0x20]  }
0x418: {  	v18 =	vld [tilespmem:s20+$0x30]  }
0x419: {  	v19 =	vld [tilespmem:s20+$0x40]  }
0x41a: {  	v8 =	vadd.f32 v8, v6;
	v20 =	vld [tilespmem:s20+$0x50]  }
0x41b: {  	s16 =	sadd.s32 $0x100, s16;
	v21 =	vld [tilespmem:s20+$0x60]  }
0x41c: {  	v22 =	vld [tilespmem:s20+$0xFFFFFF80];
	[tilespmem:s16+$0x70] =	vst v8  }
0x41d: {  	v8 =	vld.idx.msk [tilespmem:v13+s1+$0x0], $0xffff  }
0x41e: {  	v13 =	vld.idx.msk [tilespmem:v14+s1+$0x0], $0xffff  }
0x41f: {  	v9 =	vld.idx.msk [tilespmem:v9+s1+$0x0], $0xffff  }
0x420: {  	v10 =	vld.idx.msk [tilespmem:v10+s1+$0x0], $0xffff  }
0x421: {  	v11 =	vld.idx.msk [tilespmem:v11+s1+$0x0], $0xffff  }
0x422: {  	v12 =	vld.idx.msk [tilespmem:v12+s1+$0x0], $0xffff  }
0x423: {  	v8 =	vadd.f32 v8, v6;
	v14 =	vld.idx.msk [tilespmem:v7+s1+$0x0], $0xffff  }
0x424: {  	v7 =	vadd.f32 v13, v6;
	v22 =	vld.idx.msk [tilespmem:v22+s1+$0x0], $0xffff  }
0x425: {  	[tilespmem:s16+$0xFFFFFF90] =	vst v8;
	v8 =	vadd.f32 v9, v6;
	v15 =	vld.idx.msk [tilespmem:v15+s1+$0x0], $0xffff  }
0x426: {  	v9 =	vadd.f32 v10, v6;
	[tilespmem:s16+$0xFFFFFFA0] =	vst v7;
	v7 =	vld.idx.msk [tilespmem:v16+s1+$0x0], $0xffff  }
.Ltmp12:
0x427: {  	v10 =	vadd.f32 v11, v6;
	[tilespmem:s16+$0xFFFFFFB0] =	vst v8;
	v8 =	vld.idx.msk [tilespmem:v17+s1+$0x0], $0xffff;
	(pc) =	sbr.rel @p0 .LBB2_26-.Ltmp12, $4  }
0x428: {  	v11 =	vadd.f32 v12, v6;
	[tilespmem:s16+$0xFFFFFFC0] =	vst v9;
	v9 =	vld.idx.msk [tilespmem:v18+s1+$0x0], $0xffff  }
0x429: {  	v12 =	vadd.f32 v14, v6;
	[tilespmem:s16+$0xFFFFFFD0] =	vst v10;
	v10 =	vld.idx.msk [tilespmem:v19+s1+$0x0], $0xffff  }
0x42a: {  	v13 =	vadd.f32 v22, v6;
	[tilespmem:s16+$0xFFFFFFE0] =	vst v11;
	v11 =	vld.idx.msk [tilespmem:v20+s1+$0x0], $0xffff  }
0x42b: {  	s20 =	sadd.s32 $0x100, s20;
	v14 =	vadd.f32 v15, v6;
	[tilespmem:s16+$0xFFFFFFF0] =	vst v12;
	v12 =	vld.idx.msk [tilespmem:v21+s1+$0x0], $0xffff  }
0x42c: {  	[tilespmem:s16+$0xFFFFFF80] =	vst v13;
	v7 =	vadd.f32 v7, v6  }
0x42d: {  	v8 =	vadd.f32 v8, v6;
	[tilespmem:s16+$0x0] =	vst v14  }
0x42e: {  	[tilespmem:s16+$0x10] =	vst v7;
	v7 =	vadd.f32 v9, v6  }
0x42f: {  	[tilespmem:s16+$0x20] =	vst v8;
	v8 =	vadd.f32 v10, v6  }
0x430: {  	[tilespmem:s16+$0x30] =	vst v7;
	v7 =	vadd.f32 v11, v6  }
0x431: {  	[tilespmem:s16+$0x40] =	vst v8;
	v8 =	vadd.f32 v12, v6  }
0x432: {  	[tilespmem:s16+$0x50] =	vst v7  }
0x433: {  	[tilespmem:s16+$0x60] =	vst v8  }
0x434: {  	s16 =	rddreg [dreg:$0x1b]  }
0x435: {  	[hbm4b:s16+s5] =	stream.strided.scatter [tilespmem:s9], [sflag:$0x3], $0x1000, s6, s5, $0x38;
	[tilespmem:$0x1F800] =	vst v63  }
0x436: {  	_ =	swait.ge [sflag:s13], $0x1000  }
0x437: {  	[sflag:s13] =	ssyncset.done $0x0  }
0x438: {  	s20 =	simm.s32 $0x197F0;
	[sflag:s13] =	ssyncadd.s32 $0xFFFFF000  }
0x439: {  	v7 =	vld [tilespmem:s20+$0x0]  }
0x43a: {  	v8 =	vld [tilespmem:s20+$0xFFFFFF20]  }
0x43b: {  	v9 =	vld [tilespmem:s20+$0xFFFFFF30]  }
0x43c: {  	v10 =	vld [tilespmem:s20+$0xFFFFFF40]  }
0x43d: {  	v11 =	vld [tilespmem:s20+$0xFFFFFF50]  }
0x43e: {  	v12 =	vld [tilespmem:s20+$0xFFFFFF60]  }
0x43f: {  	v13 =	vld [tilespmem:s20+$0xFFFFFF70]  }
0x440: {  	v14 =	vld [tilespmem:s20+$0xFFFFFF80]  }
0x441: {  	v15 =	vld [tilespmem:s20+$0xFFFFFF90]  }
0x442: {  	v16 =	vld [tilespmem:s20+$0xFFFFFFA0]  }
0x443: {  	v17 =	vld [tilespmem:s20+$0xFFFFFFB0]  }
0x444: {  	v18 =	vld [tilespmem:s20+$0xFFFFFFC0]  }
0x445: {  	v19 =	vld [tilespmem:s20+$0xFFFFFFD0]  }
0x446: {  	v20 =	vld [tilespmem:s20+$0xFFFFFFE0]  }
0x447: {  	v21 =	vld [tilespmem:s20+$0xFFFFFFF0]  }
0x448: {  	v22 =	vld [tilespmem:s20+$0xFFFFFF10]  }
0x449: {  	v7 =	vld.idx.msk [tilespmem:v7+s1+$0x0], $0xffff  }
0x44a: {  	v8 =	vld.idx.msk [tilespmem:v8+s1+$0x0], $0xffff  }
0x44b: {  	v9 =	vld.idx.msk [tilespmem:v9+s1+$0x0], $0xffff  }
0x44c: {  	v10 =	vld.idx.msk [tilespmem:v10+s1+$0x0], $0xffff  }
0x44d: {  	v11 =	vld.idx.msk [tilespmem:v11+s1+$0x0], $0xffff  }
0x44e: {  	v12 =	vld.idx.msk [tilespmem:v12+s1+$0x0], $0xffff  }
0x44f: {  	v13 =	vld.idx.msk [tilespmem:v13+s1+$0x0], $0xffff;
	v7 =	vadd.f32 v7, v6  }
0x450: {  	s16 =	simm.s32 $0x1D8F0;
	v14 =	vld.idx.msk [tilespmem:v14+s1+$0x0], $0xffff;
	v8 =	vadd.f32 v8, v6  }
0x451: {  	v22 =	vld.idx.msk [tilespmem:v22+s1+$0x0], $0xffff;
	[tilespmem:s16+$0x0] =	vst v7;
	v7 =	vadd.f32 v9, v6  }
0x452: {  	v15 =	vld.idx.msk [tilespmem:v15+s1+$0x0], $0xffff;
	[tilespmem:s16+$0xFFFFFF20] =	vst v8;
	v8 =	vadd.f32 v10, v6  }
0x453: {  	v9 =	vadd.f32 v11, v6;
	[tilespmem:s16+$0xFFFFFF30] =	vst v7;
	v7 =	vld.idx.msk [tilespmem:v16+s1+$0x0], $0xffff  }
0x454: {  	v10 =	vadd.f32 v12, v6;
	[tilespmem:s16+$0xFFFFFF40] =	vst v8;
	v8 =	vld.idx.msk [tilespmem:v17+s1+$0x0], $0xffff  }
0x455: {  	v11 =	vadd.f32 v13, v6;
	[tilespmem:s16+$0xFFFFFF50] =	vst v9;
	v9 =	vld.idx.msk [tilespmem:v18+s1+$0x0], $0xffff  }
0x456: {  	v12 =	vadd.f32 v14, v6;
	[tilespmem:s16+$0xFFFFFF60] =	vst v10;
	v10 =	vld.idx.msk [tilespmem:v19+s1+$0x0], $0xffff  }
0x457: {  	v13 =	vadd.f32 v22, v6;
	[tilespmem:s16+$0xFFFFFF70] =	vst v11;
	v11 =	vld.idx.msk [tilespmem:v20+s1+$0x0], $0xffff  }
0x458: {  	s18 =	simm.s32 $0x0;
	s20 =	simm.s32 $0x198F0;
	v14 =	vadd.f32 v15, v6;
	[tilespmem:s16+$0xFFFFFF80] =	vst v12;
	v12 =	vld.idx.msk [tilespmem:v21+s1+$0x0], $0xffff  }
.LBB2_28:
0x459: {  	v15 =	vld [tilespmem:s20+$0x0];
	s18 =	sadd.s32 $0x10, s18;
	[tilespmem:s16+$0xFFFFFF10] =	vst v13;
	v7 =	vadd.f32 v7, v6  }
0x45a: {  	v8 =	vadd.f32 v8, v6;
	v13 =	vld [tilespmem:s20+$0xFFFFFF20];
	p0 =	slt.u32 s18, $0xF0;
	[tilespmem:s16+$0xFFFFFF90] =	vst v14  }
0x45b: {  	v14 =	vld [tilespmem:s20+$0xFFFFFF30];
	[tilespmem:s16+$0xFFFFFFA0] =	vst v7;
	v7 =	vadd.f32 v9, v6  }
0x45c: {  	v9 =	vld [tilespmem:s20+$0xFFFFFF40];
	[tilespmem:s16+$0xFFFFFFB0] =	vst v8;
	v8 =	vadd.f32 v10, v6  }
0x45d: {  	v10 =	vld [tilespmem:s20+$0xFFFFFF50];
	[tilespmem:s16+$0xFFFFFFC0] =	vst v7;
	v7 =	vadd.f32 v11, v6  }
0x45e: {  	v11 =	vld [tilespmem:s20+$0xFFFFFF60];
	[tilespmem:s16+$0xFFFFFFD0] =	vst v8;
	v8 =	vadd.f32 v12, v6  }
0x45f: {  	v12 =	vld [tilespmem:s20+$0xFFFFFF70];
	[tilespmem:s16+$0xFFFFFFE0] =	vst v7  }
0x460: {  	v7 =	vld [tilespmem:s20+$0xFFFFFF80];
	[tilespmem:s16+$0xFFFFFFF0] =	vst v8  }
0x461: {  	v8 =	vld.idx.msk [tilespmem:v15+s1+$0x0], $0xffff  }
0x462: {  	v15 =	vld [tilespmem:s20+$0xFFFFFF90]  }
0x463: {  	v16 =	vld [tilespmem:s20+$0xFFFFFFA0]  }
0x464: {  	v17 =	vld [tilespmem:s20+$0xFFFFFFB0]  }
0x465: {  	v18 =	vld [tilespmem:s20+$0xFFFFFFC0]  }
0x466: {  	v19 =	vld [tilespmem:s20+$0xFFFFFFD0]  }
0x467: {  	v8 =	vadd.f32 v8, v6;
	v20 =	vld [tilespmem:s20+$0xFFFFFFE0]  }
0x468: {  	s16 =	sadd.s32 $0x100, s16;
	v21 =	vld [tilespmem:s20+$0xFFFFFFF0]  }
0x469: {  	v22 =	vld [tilespmem:s20+$0xFFFFFF10];
	[tilespmem:s16+$0x0] =	vst v8  }
0x46a: {  	v8 =	vld.idx.msk [tilespmem:v13+s1+$0x0], $0xffff  }
0x46b: {  	v13 =	vld.idx.msk [tilespmem:v14+s1+$0x0], $0xffff  }
0x46c: {  	v9 =	vld.idx.msk [tilespmem:v9+s1+$0x0], $0xffff  }
0x46d: {  	v10 =	vld.idx.msk [tilespmem:v10+s1+$0x0], $0xffff  }
0x46e: {  	v11 =	vld.idx.msk [tilespmem:v11+s1+$0x0], $0xffff  }
0x46f: {  	v12 =	vld.idx.msk [tilespmem:v12+s1+$0x0], $0xffff  }
0x470: {  	v8 =	vadd.f32 v8, v6;
	v14 =	vld.idx.msk [tilespmem:v7+s1+$0x0], $0xffff  }
0x471: {  	v7 =	vadd.f32 v13, v6;
	v22 =	vld.idx.msk [tilespmem:v22+s1+$0x0], $0xffff  }
0x472: {  	[tilespmem:s16+$0xFFFFFF20] =	vst v8;
	v8 =	vadd.f32 v9, v6;
	v15 =	vld.idx.msk [tilespmem:v15+s1+$0x0], $0xffff  }
0x473: {  	v9 =	vadd.f32 v10, v6;
	[tilespmem:s16+$0xFFFFFF30] =	vst v7;
	v7 =	vld.idx.msk [tilespmem:v16+s1+$0x0], $0xffff  }
.Ltmp13:
0x474: {  	v10 =	vadd.f32 v11, v6;
	[tilespmem:s16+$0xFFFFFF40] =	vst v8;
	v8 =	vld.idx.msk [tilespmem:v17+s1+$0x0], $0xffff;
	(pc) =	sbr.rel @p0 .LBB2_28-.Ltmp13, $4  }
0x475: {  	v11 =	vadd.f32 v12, v6;
	[tilespmem:s16+$0xFFFFFF50] =	vst v9;
	v9 =	vld.idx.msk [tilespmem:v18+s1+$0x0], $0xffff  }
0x476: {  	v12 =	vadd.f32 v14, v6;
	[tilespmem:s16+$0xFFFFFF60] =	vst v10;
	v10 =	vld.idx.msk [tilespmem:v19+s1+$0x0], $0xffff  }
0x477: {  	v13 =	vadd.f32 v22, v6;
	[tilespmem:s16+$0xFFFFFF70] =	vst v11;
	v11 =	vld.idx.msk [tilespmem:v20+s1+$0x0], $0xffff  }
0x478: {  	s20 =	sadd.s32 $0x100, s20;
	v14 =	vadd.f32 v15, v6;
	[tilespmem:s16+$0xFFFFFF80] =	vst v12;
	v12 =	vld.idx.msk [tilespmem:v21+s1+$0x0], $0xffff  }
0x479: {  	[tilespmem:s16+$0xFFFFFF10] =	vst v13;
	v7 =	vadd.f32 v7, v6  }
0x47a: {  	v8 =	vadd.f32 v8, v6;
	[tilespmem:s16+$0xFFFFFF90] =	vst v14  }
0x47b: {  	[tilespmem:s16+$0xFFFFFFA0] =	vst v7;
	v7 =	vadd.f32 v9, v6  }
0x47c: {  	[tilespmem:s16+$0xFFFFFFB0] =	vst v8;
	v8 =	vadd.f32 v10, v6  }
0x47d: {  	[tilespmem:s16+$0xFFFFFFC0] =	vst v7;
	v7 =	vadd.f32 v11, v6  }
0x47e: {  	[tilespmem:s16+$0xFFFFFFD0] =	vst v8;
	v8 =	vadd.f32 v12, v6  }
0x47f: {  	[tilespmem:s16+$0xFFFFFFE0] =	vst v7  }
0x480: {  	[tilespmem:s16+$0xFFFFFFF0] =	vst v8  }
0x481: {  	[hbm4b:s21+s5] =	stream.strided.scatter [tilespmem:s10], [sflag:$0x4], $0x1000, s6, s5, $0x38;
	[tilespmem:$0x1F800] =	vst v63  }
0x482: {  	_ =	swait.ge [sflag:s14], $0x1000  }
0x483: {  	[sflag:s14] =	ssyncset.done $0x0  }
0x484: {  	s20 =	simm.s32 $0x1A7F0;
	[sflag:s14] =	ssyncadd.s32 $0xFFFFF000  }
0x485: {  	v7 =	vld [tilespmem:s20+$0x0]  }
0x486: {  	v8 =	vld [tilespmem:s20+$0xFFFFFF20]  }
0x487: {  	v9 =	vld [tilespmem:s20+$0xFFFFFF30]  }
0x488: {  	v10 =	vld [tilespmem:s20+$0xFFFFFF40]  }
0x489: {  	v11 =	vld [tilespmem:s20+$0xFFFFFF50]  }
0x48a: {  	v12 =	vld [tilespmem:s20+$0xFFFFFF60]  }
0x48b: {  	v13 =	vld [tilespmem:s20+$0xFFFFFF70]  }
0x48c: {  	v14 =	vld [tilespmem:s20+$0xFFFFFF80]  }
0x48d: {  	v15 =	vld [tilespmem:s20+$0xFFFFFF90]  }
0x48e: {  	v16 =	vld [tilespmem:s20+$0xFFFFFFA0]  }
0x48f: {  	v17 =	vld [tilespmem:s20+$0xFFFFFFB0]  }
0x490: {  	v18 =	vld [tilespmem:s20+$0xFFFFFFC0]  }
0x491: {  	v19 =	vld [tilespmem:s20+$0xFFFFFFD0]  }
0x492: {  	v20 =	vld [tilespmem:s20+$0xFFFFFFE0]  }
0x493: {  	v21 =	vld [tilespmem:s20+$0xFFFFFFF0]  }
0x494: {  	v22 =	vld [tilespmem:s20+$0xFFFFFF10]  }
0x495: {  	v7 =	vld.idx.msk [tilespmem:v7+s1+$0x0], $0xffff  }
0x496: {  	v8 =	vld.idx.msk [tilespmem:v8+s1+$0x0], $0xffff  }
0x497: {  	v9 =	vld.idx.msk [tilespmem:v9+s1+$0x0], $0xffff  }
0x498: {  	v10 =	vld.idx.msk [tilespmem:v10+s1+$0x0], $0xffff  }
0x499: {  	v11 =	vld.idx.msk [tilespmem:v11+s1+$0x0], $0xffff  }
0x49a: {  	v12 =	vld.idx.msk [tilespmem:v12+s1+$0x0], $0xffff  }
0x49b: {  	v13 =	vld.idx.msk [tilespmem:v13+s1+$0x0], $0xffff;
	v7 =	vadd.f32 v7, v6  }
0x49c: {  	s16 =	simm.s32 $0x1E8F0;
	v14 =	vld.idx.msk [tilespmem:v14+s1+$0x0], $0xffff;
	v8 =	vadd.f32 v8, v6  }
0x49d: {  	v22 =	vld.idx.msk [tilespmem:v22+s1+$0x0], $0xffff;
	[tilespmem:s16+$0x0] =	vst v7;
	v7 =	vadd.f32 v9, v6  }
0x49e: {  	v15 =	vld.idx.msk [tilespmem:v15+s1+$0x0], $0xffff;
	[tilespmem:s16+$0xFFFFFF20] =	vst v8;
	v8 =	vadd.f32 v10, v6  }
0x49f: {  	v9 =	vadd.f32 v11, v6;
	[tilespmem:s16+$0xFFFFFF30] =	vst v7;
	v7 =	vld.idx.msk [tilespmem:v16+s1+$0x0], $0xffff  }
0x4a0: {  	v10 =	vadd.f32 v12, v6;
	[tilespmem:s16+$0xFFFFFF40] =	vst v8;
	v8 =	vld.idx.msk [tilespmem:v17+s1+$0x0], $0xffff  }
0x4a1: {  	v11 =	vadd.f32 v13, v6;
	[tilespmem:s16+$0xFFFFFF50] =	vst v9;
	v9 =	vld.idx.msk [tilespmem:v18+s1+$0x0], $0xffff  }
0x4a2: {  	v12 =	vadd.f32 v14, v6;
	[tilespmem:s16+$0xFFFFFF60] =	vst v10;
	v10 =	vld.idx.msk [tilespmem:v19+s1+$0x0], $0xffff  }
0x4a3: {  	v13 =	vadd.f32 v22, v6;
	[tilespmem:s16+$0xFFFFFF70] =	vst v11;
	v11 =	vld.idx.msk [tilespmem:v20+s1+$0x0], $0xffff  }
0x4a4: {  	s18 =	simm.s32 $0x0;
	s20 =	simm.s32 $0x1A8F0;
	v14 =	vadd.f32 v15, v6;
	[tilespmem:s16+$0xFFFFFF80] =	vst v12;
	v12 =	vld.idx.msk [tilespmem:v21+s1+$0x0], $0xffff  }
.LBB2_30:
0x4a5: {  	v15 =	vld [tilespmem:s20+$0x0];
	s18 =	sadd.s32 $0x10, s18;
	[tilespmem:s16+$0xFFFFFF10] =	vst v13;
	v7 =	vadd.f32 v7, v6  }
0x4a6: {  	v8 =	vadd.f32 v8, v6;
	v13 =	vld [tilespmem:s20+$0xFFFFFF20];
	p0 =	slt.u32 s18, $0xF0;
	[tilespmem:s16+$0xFFFFFF90] =	vst v14  }
0x4a7: {  	v14 =	vld [tilespmem:s20+$0xFFFFFF30];
	[tilespmem:s16+$0xFFFFFFA0] =	vst v7;
	v7 =	vadd.f32 v9, v6  }
0x4a8: {  	v9 =	vld [tilespmem:s20+$0xFFFFFF40];
	[tilespmem:s16+$0xFFFFFFB0] =	vst v8;
	v8 =	vadd.f32 v10, v6  }
0x4a9: {  	v10 =	vld [tilespmem:s20+$0xFFFFFF50];
	[tilespmem:s16+$0xFFFFFFC0] =	vst v7;
	v7 =	vadd.f32 v11, v6  }
0x4aa: {  	v11 =	vld [tilespmem:s20+$0xFFFFFF60];
	[tilespmem:s16+$0xFFFFFFD0] =	vst v8;
	v8 =	vadd.f32 v12, v6  }
0x4ab: {  	v12 =	vld [tilespmem:s20+$0xFFFFFF70];
	[tilespmem:s16+$0xFFFFFFE0] =	vst v7  }
0x4ac: {  	v7 =	vld [tilespmem:s20+$0xFFFFFF80];
	[tilespmem:s16+$0xFFFFFFF0] =	vst v8  }
0x4ad: {  	v8 =	vld.idx.msk [tilespmem:v15+s1+$0x0], $0xffff  }
0x4ae: {  	v15 =	vld [tilespmem:s20+$0xFFFFFF90]  }
0x4af: {  	v16 =	vld [tilespmem:s20+$0xFFFFFFA0]  }
0x4b0: {  	v17 =	vld [tilespmem:s20+$0xFFFFFFB0]  }
0x4b1: {  	v18 =	vld [tilespmem:s20+$0xFFFFFFC0]  }
0x4b2: {  	v19 =	vld [tilespmem:s20+$0xFFFFFFD0]  }
0x4b3: {  	v8 =	vadd.f32 v8, v6;
	v20 =	vld [tilespmem:s20+$0xFFFFFFE0]  }
0x4b4: {  	s16 =	sadd.s32 $0x100, s16;
	v21 =	vld [tilespmem:s20+$0xFFFFFFF0]  }
0x4b5: {  	v22 =	vld [tilespmem:s20+$0xFFFFFF10];
	[tilespmem:s16+$0x0] =	vst v8  }
0x4b6: {  	v8 =	vld.idx.msk [tilespmem:v13+s1+$0x0], $0xffff  }
0x4b7: {  	v13 =	vld.idx.msk [tilespmem:v14+s1+$0x0], $0xffff  }
0x4b8: {  	v9 =	vld.idx.msk [tilespmem:v9+s1+$0x0], $0xffff  }
0x4b9: {  	v10 =	vld.idx.msk [tilespmem:v10+s1+$0x0], $0xffff  }
0x4ba: {  	v11 =	vld.idx.msk [tilespmem:v11+s1+$0x0], $0xffff  }
0x4bb: {  	v12 =	vld.idx.msk [tilespmem:v12+s1+$0x0], $0xffff  }
0x4bc: {  	v8 =	vadd.f32 v8, v6;
	v14 =	vld.idx.msk [tilespmem:v7+s1+$0x0], $0xffff  }
0x4bd: {  	v7 =	vadd.f32 v13, v6;
	v22 =	vld.idx.msk [tilespmem:v22+s1+$0x0], $0xffff  }
0x4be: {  	[tilespmem:s16+$0xFFFFFF20] =	vst v8;
	v8 =	vadd.f32 v9, v6;
	v15 =	vld.idx.msk [tilespmem:v15+s1+$0x0], $0xffff  }
0x4bf: {  	v9 =	vadd.f32 v10, v6;
	[tilespmem:s16+$0xFFFFFF30] =	vst v7;
	v7 =	vld.idx.msk [tilespmem:v16+s1+$0x0], $0xffff  }
.Ltmp14:
0x4c0: {  	v10 =	vadd.f32 v11, v6;
	[tilespmem:s16+$0xFFFFFF40] =	vst v8;
	v8 =	vld.idx.msk [tilespmem:v17+s1+$0x0], $0xffff;
	(pc) =	sbr.rel @p0 .LBB2_30-.Ltmp14, $4  }
0x4c1: {  	v11 =	vadd.f32 v12, v6;
	[tilespmem:s16+$0xFFFFFF50] =	vst v9;
	v9 =	vld.idx.msk [tilespmem:v18+s1+$0x0], $0xffff  }
0x4c2: {  	v12 =	vadd.f32 v14, v6;
	[tilespmem:s16+$0xFFFFFF60] =	vst v10;
	v10 =	vld.idx.msk [tilespmem:v19+s1+$0x0], $0xffff  }
0x4c3: {  	v13 =	vadd.f32 v22, v6;
	[tilespmem:s16+$0xFFFFFF70] =	vst v11;
	v11 =	vld.idx.msk [tilespmem:v20+s1+$0x0], $0xffff  }
0x4c4: {  	s20 =	sadd.s32 $0x100, s20;
	v14 =	vadd.f32 v15, v6;
	[tilespmem:s16+$0xFFFFFF80] =	vst v12;
	v12 =	vld.idx.msk [tilespmem:v21+s1+$0x0], $0xffff  }
0x4c5: {  	[tilespmem:s16+$0xFFFFFF10] =	vst v13;
	v7 =	vadd.f32 v7, v6  }
0x4c6: {  	v8 =	vadd.f32 v8, v6;
	[tilespmem:s16+$0xFFFFFF90] =	vst v14  }
0x4c7: {  	[tilespmem:s16+$0xFFFFFFA0] =	vst v7;
	v7 =	vadd.f32 v9, v6  }
0x4c8: {  	[tilespmem:s16+$0xFFFFFFB0] =	vst v8;
	v8 =	vadd.f32 v10, v6  }
0x4c9: {  	[tilespmem:s16+$0xFFFFFFC0] =	vst v7;
	v7 =	vadd.f32 v11, v6  }
0x4ca: {  	[tilespmem:s16+$0xFFFFFFD0] =	vst v8;
	v8 =	vadd.f32 v12, v6  }
0x4cb: {  	[tilespmem:s16+$0xFFFFFFE0] =	vst v7  }
0x4cc: {  	[tilespmem:s16+$0xFFFFFFF0] =	vst v8  }
0x4cd: {  	[hbm4b:s22+s5] =	stream.strided.scatter [tilespmem:s11], [sflag:$0x5], $0x1000, s6, s5, $0x38;
	[tilespmem:$0x1F800] =	vst v63  }
0x4ce: {  	_ =	swait.ge [sflag:s12], $0x1000  }
0x4cf: {  	[sflag:s12] =	ssyncset.done $0x0  }
0x4d0: {  	s20 =	simm.s32 $0x1B7F0;
	[sflag:s12] =	ssyncadd.s32 $0xFFFFF000  }
0x4d1: {  	v7 =	vld [tilespmem:s20+$0x0]  }
0x4d2: {  	v8 =	vld [tilespmem:s20+$0xFFFFFF20]  }
0x4d3: {  	v9 =	vld [tilespmem:s20+$0xFFFFFF30]  }
0x4d4: {  	v10 =	vld [tilespmem:s20+$0xFFFFFF40]  }
0x4d5: {  	v11 =	vld [tilespmem:s20+$0xFFFFFF50]  }
0x4d6: {  	v12 =	vld [tilespmem:s20+$0xFFFFFF60]  }
0x4d7: {  	v13 =	vld [tilespmem:s20+$0xFFFFFF70]  }
0x4d8: {  	v14 =	vld [tilespmem:s20+$0xFFFFFF80]  }
0x4d9: {  	v15 =	vld [tilespmem:s20+$0xFFFFFF90]  }
0x4da: {  	v16 =	vld [tilespmem:s20+$0xFFFFFFA0]  }
0x4db: {  	v17 =	vld [tilespmem:s20+$0xFFFFFFB0]  }
0x4dc: {  	v18 =	vld [tilespmem:s20+$0xFFFFFFC0]  }
0x4dd: {  	v19 =	vld [tilespmem:s20+$0xFFFFFFD0]  }
0x4de: {  	v20 =	vld [tilespmem:s20+$0xFFFFFFE0]  }
0x4df: {  	v21 =	vld [tilespmem:s20+$0xFFFFFFF0]  }
0x4e0: {  	v22 =	vld [tilespmem:s20+$0xFFFFFF10]  }
0x4e1: {  	v7 =	vld.idx.msk [tilespmem:v7+s1+$0x0], $0xffff  }
0x4e2: {  	v8 =	vld.idx.msk [tilespmem:v8+s1+$0x0], $0xffff  }
0x4e3: {  	v9 =	vld.idx.msk [tilespmem:v9+s1+$0x0], $0xffff  }
0x4e4: {  	v10 =	vld.idx.msk [tilespmem:v10+s1+$0x0], $0xffff  }
0x4e5: {  	v11 =	vld.idx.msk [tilespmem:v11+s1+$0x0], $0xffff  }
0x4e6: {  	v12 =	vld.idx.msk [tilespmem:v12+s1+$0x0], $0xffff  }
0x4e7: {  	v13 =	vld.idx.msk [tilespmem:v13+s1+$0x0], $0xffff;
	v7 =	vadd.f32 v7, v6  }
0x4e8: {  	s16 =	simm.s32 $0x1C880;
	v14 =	vld.idx.msk [tilespmem:v14+s1+$0x0], $0xffff;
	v8 =	vadd.f32 v8, v6  }
0x4e9: {  	v22 =	vld.idx.msk [tilespmem:v22+s1+$0x0], $0xffff;
	[tilespmem:s16+$0x70] =	vst v7;
	v7 =	vadd.f32 v9, v6  }
0x4ea: {  	v15 =	vld.idx.msk [tilespmem:v15+s1+$0x0], $0xffff;
	[tilespmem:s16+$0xFFFFFF90] =	vst v8;
	v8 =	vadd.f32 v10, v6  }
0x4eb: {  	v9 =	vadd.f32 v11, v6;
	[tilespmem:s16+$0xFFFFFFA0] =	vst v7;
	v7 =	vld.idx.msk [tilespmem:v16+s1+$0x0], $0xffff  }
0x4ec: {  	v10 =	vadd.f32 v12, v6;
	[tilespmem:s16+$0xFFFFFFB0] =	vst v8;
	v8 =	vld.idx.msk [tilespmem:v17+s1+$0x0], $0xffff  }
0x4ed: {  	v11 =	vadd.f32 v13, v6;
	[tilespmem:s16+$0xFFFFFFC0] =	vst v9;
	v9 =	vld.idx.msk [tilespmem:v18+s1+$0x0], $0xffff  }
0x4ee: {  	v12 =	vadd.f32 v14, v6;
	[tilespmem:s16+$0xFFFFFFD0] =	vst v10;
	v10 =	vld.idx.msk [tilespmem:v19+s1+$0x0], $0xffff  }
0x4ef: {  	v13 =	vadd.f32 v22, v6;
	[tilespmem:s16+$0xFFFFFFE0] =	vst v11;
	v11 =	vld.idx.msk [tilespmem:v20+s1+$0x0], $0xffff  }
0x4f0: {  	s18 =	simm.s32 $0x0;
	s20 =	simm.s32 $0x1B8F0;
	v14 =	vadd.f32 v15, v6;
	[tilespmem:s16+$0xFFFFFFF0] =	vst v12;
	v12 =	vld.idx.msk [tilespmem:v21+s1+$0x0], $0xffff  }
.LBB2_32:
0x4f1: {  	v15 =	vld [tilespmem:s20+$0x0];
	s18 =	sadd.s32 $0x10, s18;
	[tilespmem:s16+$0xFFFFFF80] =	vst v13;
	v7 =	vadd.f32 v7, v6  }
0x4f2: {  	v8 =	vadd.f32 v8, v6;
	v13 =	vld [tilespmem:s20+$0xFFFFFF20];
	p0 =	slt.u32 s18, $0xF0;
	[tilespmem:s16+$0x0] =	vst v14  }
0x4f3: {  	v14 =	vld [tilespmem:s20+$0xFFFFFF30];
	[tilespmem:s16+$0x10] =	vst v7;
	v7 =	vadd.f32 v9, v6  }
0x4f4: {  	v9 =	vld [tilespmem:s20+$0xFFFFFF40];
	[tilespmem:s16+$0x20] =	vst v8;
	v8 =	vadd.f32 v10, v6  }
0x4f5: {  	v10 =	vld [tilespmem:s20+$0xFFFFFF50];
	[tilespmem:s16+$0x30] =	vst v7;
	v7 =	vadd.f32 v11, v6  }
0x4f6: {  	v11 =	vld [tilespmem:s20+$0xFFFFFF60];
	[tilespmem:s16+$0x40] =	vst v8;
	v8 =	vadd.f32 v12, v6  }
0x4f7: {  	v12 =	vld [tilespmem:s20+$0xFFFFFF70];
	[tilespmem:s16+$0x50] =	vst v7  }
0x4f8: {  	v7 =	vld [tilespmem:s20+$0xFFFFFF80];
	[tilespmem:s16+$0x60] =	vst v8  }
0x4f9: {  	v8 =	vld.idx.msk [tilespmem:v15+s1+$0x0], $0xffff  }
0x4fa: {  	v15 =	vld [tilespmem:s20+$0xFFFFFF90]  }
0x4fb: {  	v16 =	vld [tilespmem:s20+$0xFFFFFFA0]  }
0x4fc: {  	v17 =	vld [tilespmem:s20+$0xFFFFFFB0]  }
0x4fd: {  	v18 =	vld [tilespmem:s20+$0xFFFFFFC0]  }
0x4fe: {  	v19 =	vld [tilespmem:s20+$0xFFFFFFD0]  }
0x4ff: {  	v8 =	vadd.f32 v8, v6;
	v20 =	vld [tilespmem:s20+$0xFFFFFFE0]  }
0x500: {  	s16 =	sadd.s32 $0x100, s16;
	v21 =	vld [tilespmem:s20+$0xFFFFFFF0]  }
0x501: {  	v22 =	vld [tilespmem:s20+$0xFFFFFF10];
	[tilespmem:s16+$0x70] =	vst v8  }
0x502: {  	v8 =	vld.idx.msk [tilespmem:v13+s1+$0x0], $0xffff  }
0x503: {  	v13 =	vld.idx.msk [tilespmem:v14+s1+$0x0], $0xffff  }
0x504: {  	v9 =	vld.idx.msk [tilespmem:v9+s1+$0x0], $0xffff  }
0x505: {  	v10 =	vld.idx.msk [tilespmem:v10+s1+$0x0], $0xffff  }
0x506: {  	v11 =	vld.idx.msk [tilespmem:v11+s1+$0x0], $0xffff  }
0x507: {  	v12 =	vld.idx.msk [tilespmem:v12+s1+$0x0], $0xffff  }
0x508: {  	v8 =	vadd.f32 v8, v6;
	v14 =	vld.idx.msk [tilespmem:v7+s1+$0x0], $0xffff  }
0x509: {  	v7 =	vadd.f32 v13, v6;
	v22 =	vld.idx.msk [tilespmem:v22+s1+$0x0], $0xffff  }
0x50a: {  	[tilespmem:s16+$0xFFFFFF90] =	vst v8;
	v8 =	vadd.f32 v9, v6;
	v15 =	vld.idx.msk [tilespmem:v15+s1+$0x0], $0xffff  }
0x50b: {  	v9 =	vadd.f32 v10, v6;
	[tilespmem:s16+$0xFFFFFFA0] =	vst v7;
	v7 =	vld.idx.msk [tilespmem:v16+s1+$0x0], $0xffff  }
.Ltmp15:
0x50c: {  	v10 =	vadd.f32 v11, v6;
	[tilespmem:s16+$0xFFFFFFB0] =	vst v8;
	v8 =	vld.idx.msk [tilespmem:v17+s1+$0x0], $0xffff;
	(pc) =	sbr.rel @p0 .LBB2_32-.Ltmp15, $4  }
0x50d: {  	v11 =	vadd.f32 v12, v6;
	[tilespmem:s16+$0xFFFFFFC0] =	vst v9;
	v9 =	vld.idx.msk [tilespmem:v18+s1+$0x0], $0xffff  }
0x50e: {  	v12 =	vadd.f32 v14, v6;
	[tilespmem:s16+$0xFFFFFFD0] =	vst v10;
	v10 =	vld.idx.msk [tilespmem:v19+s1+$0x0], $0xffff  }
0x50f: {  	v13 =	vadd.f32 v22, v6;
	[tilespmem:s16+$0xFFFFFFE0] =	vst v11;
	v11 =	vld.idx.msk [tilespmem:v20+s1+$0x0], $0xffff  }
0x510: {  	s20 =	sadd.s32 $0x100, s20;
	v14 =	vadd.f32 v15, v6;
	[tilespmem:s16+$0xFFFFFFF0] =	vst v12;
	v12 =	vld.idx.msk [tilespmem:v21+s1+$0x0], $0xffff  }
0x511: {  	[tilespmem:s16+$0xFFFFFF80] =	vst v13;
	v7 =	vadd.f32 v7, v6  }
0x512: {  	v8 =	vadd.f32 v8, v6;
	[tilespmem:s16+$0x0] =	vst v14  }
0x513: {  	[tilespmem:s16+$0x10] =	vst v7;
	v7 =	vadd.f32 v9, v6  }
0x514: {  	[tilespmem:s16+$0x20] =	vst v8;
	v8 =	vadd.f32 v10, v6  }
0x515: {  	[tilespmem:s16+$0x30] =	vst v7;
	v7 =	vadd.f32 v11, v6  }
0x516: {  	[tilespmem:s16+$0x40] =	vst v8;
	v6 =	vadd.f32 v12, v6  }
0x517: {  	[tilespmem:s16+$0x50] =	vst v7  }
0x518: {  	[tilespmem:s16+$0x60] =	vst v6  }
0x519: {  	[hbm4b:s23+s5] =	stream.strided.scatter [tilespmem:s9], [sflag:$0x3], $0x1000, s6, s5, $0x38;
	[tilespmem:$0x1F800] =	vst v63  }
0x51a: {  	s16 =	rddreg [dreg:$0x14]  }
0x51b: {  	[tilespmem:s1], [sflag:$0x1] =	stream.strided.gather [hbm4b:s16+s5], $0x18700, s6, s5, $0x38;
	[tilespmem:$0x1F800] =	vst v63  }
0x51c: {  	s18 =	rddreg [dreg:$0x2]  }
0x51d: {  	[tilespmem:s4], [sflag:$0x2] =	stream.linear.gather [hbm4b:s18+s1], $0x4000, $0x38;
	[tilespmem:$0x1F800] =	vst v63  }
0x51e: {  	_ =	swait.ge [sflag:s8], $0x18700  }
0x51f: {  	[sflag:s8] =	ssyncset.done $0x0  }
0x520: {  	[sflag:s8] =	ssyncadd.s32 $0xFFFE7900  }
0x521: {  	_ =	swait.ge [sflag:s7], $0x4000  }
0x522: {  	[sflag:s7] =	ssyncset.done $0x0  }
0x523: {  	[sflag:s7] =	ssyncadd.s32 $0xFFFFC000  }
0x524: {  	v6 =	vld.idx.msk [tilespmem:v4+s3+$0x0], $0xffff;
	_ =	swait.ge [sflag:s12], $0x1000  }
0x525: {  	[sflag:s12] =	ssyncset.done $0x0  }
0x526: {  	s20 =	simm.s32 $0x18780;
	[sflag:s12] =	ssyncadd.s32 $0xFFFFF000  }
0x527: {  	v7 =	vld [tilespmem:s20+$0x70]  }
0x528: {  	v8 =	vld [tilespmem:s20+$0xFFFFFF90]  }
0x529: {  	v9 =	vld [tilespmem:s20+$0xFFFFFFA0]  }
0x52a: {  	v10 =	vld [tilespmem:s20+$0xFFFFFFB0]  }
0x52b: {  	v11 =	vld [tilespmem:s20+$0xFFFFFFC0]  }
0x52c: {  	v12 =	vld [tilespmem:s20+$0xFFFFFFD0]  }
0x52d: {  	v13 =	vld [tilespmem:s20+$0xFFFFFFE0]  }
0x52e: {  	v14 =	vld [tilespmem:s20+$0xFFFFFFF0]  }
0x52f: {  	v15 =	vld [tilespmem:s20+$0x0]  }
0x530: {  	v16 =	vld [tilespmem:s20+$0x10]  }
0x531: {  	v17 =	vld [tilespmem:s20+$0x20]  }
0x532: {  	v18 =	vld [tilespmem:s20+$0x30]  }
0x533: {  	v19 =	vld [tilespmem:s20+$0x40]  }
0x534: {  	v20 =	vld [tilespmem:s20+$0x50]  }
0x535: {  	v21 =	vld [tilespmem:s20+$0x60]  }
0x536: {  	v22 =	vld [tilespmem:s20+$0xFFFFFF80]  }
0x537: {  	v7 =	vld.idx.msk [tilespmem:v7+s1+$0x0], $0xffff  }
0x538: {  	v8 =	vld.idx.msk [tilespmem:v8+s1+$0x0], $0xffff  }
0x539: {  	v9 =	vld.idx.msk [tilespmem:v9+s1+$0x0], $0xffff  }
0x53a: {  	v10 =	vld.idx.msk [tilespmem:v10+s1+$0x0], $0xffff  }
0x53b: {  	v11 =	vld.idx.msk [tilespmem:v11+s1+$0x0], $0xffff  }
0x53c: {  	v12 =	vld.idx.msk [tilespmem:v12+s1+$0x0], $0xffff  }
0x53d: {  	v13 =	vld.idx.msk [tilespmem:v13+s1+$0x0], $0xffff;
	v7 =	vadd.f32 v7, v6  }
0x53e: {  	s16 =	simm.s32 $0x1C880;
	v14 =	vld.idx.msk [tilespmem:v14+s1+$0x0], $0xffff;
	v8 =	vadd.f32 v8, v6  }
0x53f: {  	v22 =	vld.idx.msk [tilespmem:v22+s1+$0x0], $0xffff;
	[tilespmem:s16+$0x70] =	vst v7;
	v7 =	vadd.f32 v9, v6  }
0x540: {  	v15 =	vld.idx.msk [tilespmem:v15+s1+$0x0], $0xffff;
	[tilespmem:s16+$0xFFFFFF90] =	vst v8;
	v8 =	vadd.f32 v10, v6  }
0x541: {  	v9 =	vadd.f32 v11, v6;
	[tilespmem:s16+$0xFFFFFFA0] =	vst v7;
	v7 =	vld.idx.msk [tilespmem:v16+s1+$0x0], $0xffff  }
0x542: {  	v10 =	vadd.f32 v12, v6;
	[tilespmem:s16+$0xFFFFFFB0] =	vst v8;
	v8 =	vld.idx.msk [tilespmem:v17+s1+$0x0], $0xffff  }
0x543: {  	v11 =	vadd.f32 v13, v6;
	[tilespmem:s16+$0xFFFFFFC0] =	vst v9;
	v9 =	vld.idx.msk [tilespmem:v18+s1+$0x0], $0xffff  }
0x544: {  	v12 =	vadd.f32 v14, v6;
	[tilespmem:s16+$0xFFFFFFD0] =	vst v10;
	v10 =	vld.idx.msk [tilespmem:v19+s1+$0x0], $0xffff  }
0x545: {  	v13 =	vadd.f32 v22, v6;
	[tilespmem:s16+$0xFFFFFFE0] =	vst v11;
	v11 =	vld.idx.msk [tilespmem:v20+s1+$0x0], $0xffff  }
0x546: {  	s18 =	simm.s32 $0x0;
	s20 =	simm.s32 $0x18880;
	v14 =	vadd.f32 v15, v6;
	[tilespmem:s16+$0xFFFFFFF0] =	vst v12;
	v12 =	vld.idx.msk [tilespmem:v21+s1+$0x0], $0xffff  }
.LBB2_34:
0x547: {  	v15 =	vld [tilespmem:s20+$0x70];
	s18 =	sadd.s32 $0x10, s18;
	[tilespmem:s16+$0xFFFFFF80] =	vst v13;
	v7 =	vadd.f32 v7, v6  }
0x548: {  	v8 =	vadd.f32 v8, v6;
	v13 =	vld [tilespmem:s20+$0xFFFFFF90];
	p0 =	slt.u32 s18, $0xF0;
	[tilespmem:s16+$0x0] =	vst v14  }
0x549: {  	v14 =	vld [tilespmem:s20+$0xFFFFFFA0];
	[tilespmem:s16+$0x10] =	vst v7;
	v7 =	vadd.f32 v9, v6  }
0x54a: {  	v9 =	vld [tilespmem:s20+$0xFFFFFFB0];
	[tilespmem:s16+$0x20] =	vst v8;
	v8 =	vadd.f32 v10, v6  }
0x54b: {  	v10 =	vld [tilespmem:s20+$0xFFFFFFC0];
	[tilespmem:s16+$0x30] =	vst v7;
	v7 =	vadd.f32 v11, v6  }
0x54c: {  	v11 =	vld [tilespmem:s20+$0xFFFFFFD0];
	[tilespmem:s16+$0x40] =	vst v8;
	v8 =	vadd.f32 v12, v6  }
0x54d: {  	v12 =	vld [tilespmem:s20+$0xFFFFFFE0];
	[tilespmem:s16+$0x50] =	vst v7  }
0x54e: {  	v7 =	vld [tilespmem:s20+$0xFFFFFFF0];
	[tilespmem:s16+$0x60] =	vst v8  }
0x54f: {  	v8 =	vld.idx.msk [tilespmem:v15+s1+$0x0], $0xffff  }
0x550: {  	v15 =	vld [tilespmem:s20+$0x0]  }
0x551: {  	v16 =	vld [tilespmem:s20+$0x10]  }
0x552: {  	v17 =	vld [tilespmem:s20+$0x20]  }
0x553: {  	v18 =	vld [tilespmem:s20+$0x30]  }
0x554: {  	v19 =	vld [tilespmem:s20+$0x40]  }
0x555: {  	v8 =	vadd.f32 v8, v6;
	v20 =	vld [tilespmem:s20+$0x50]  }
0x556: {  	s16 =	sadd.s32 $0x100, s16;
	v21 =	vld [tilespmem:s20+$0x60]  }
0x557: {  	v22 =	vld [tilespmem:s20+$0xFFFFFF80];
	[tilespmem:s16+$0x70] =	vst v8  }
0x558: {  	v8 =	vld.idx.msk [tilespmem:v13+s1+$0x0], $0xffff  }
0x559: {  	v13 =	vld.idx.msk [tilespmem:v14+s1+$0x0], $0xffff  }
0x55a: {  	v9 =	vld.idx.msk [tilespmem:v9+s1+$0x0], $0xffff  }
0x55b: {  	v10 =	vld.idx.msk [tilespmem:v10+s1+$0x0], $0xffff  }
0x55c: {  	v11 =	vld.idx.msk [tilespmem:v11+s1+$0x0], $0xffff  }
0x55d: {  	v12 =	vld.idx.msk [tilespmem:v12+s1+$0x0], $0xffff  }
0x55e: {  	v8 =	vadd.f32 v8, v6;
	v14 =	vld.idx.msk [tilespmem:v7+s1+$0x0], $0xffff  }
0x55f: {  	v7 =	vadd.f32 v13, v6;
	v22 =	vld.idx.msk [tilespmem:v22+s1+$0x0], $0xffff  }
0x560: {  	[tilespmem:s16+$0xFFFFFF90] =	vst v8;
	v8 =	vadd.f32 v9, v6;
	v15 =	vld.idx.msk [tilespmem:v15+s1+$0x0], $0xffff  }
0x561: {  	v9 =	vadd.f32 v10, v6;
	[tilespmem:s16+$0xFFFFFFA0] =	vst v7;
	v7 =	vld.idx.msk [tilespmem:v16+s1+$0x0], $0xffff  }
.Ltmp16:
0x562: {  	v10 =	vadd.f32 v11, v6;
	[tilespmem:s16+$0xFFFFFFB0] =	vst v8;
	v8 =	vld.idx.msk [tilespmem:v17+s1+$0x0], $0xffff;
	(pc) =	sbr.rel @p0 .LBB2_34-.Ltmp16, $4  }
0x563: {  	v11 =	vadd.f32 v12, v6;
	[tilespmem:s16+$0xFFFFFFC0] =	vst v9;
	v9 =	vld.idx.msk [tilespmem:v18+s1+$0x0], $0xffff  }
0x564: {  	v12 =	vadd.f32 v14, v6;
	[tilespmem:s16+$0xFFFFFFD0] =	vst v10;
	v10 =	vld.idx.msk [tilespmem:v19+s1+$0x0], $0xffff  }
0x565: {  	v13 =	vadd.f32 v22, v6;
	[tilespmem:s16+$0xFFFFFFE0] =	vst v11;
	v11 =	vld.idx.msk [tilespmem:v20+s1+$0x0], $0xffff  }
0x566: {  	s20 =	sadd.s32 $0x100, s20;
	v14 =	vadd.f32 v15, v6;
	[tilespmem:s16+$0xFFFFFFF0] =	vst v12;
	v12 =	vld.idx.msk [tilespmem:v21+s1+$0x0], $0xffff  }
0x567: {  	[tilespmem:s16+$0xFFFFFF80] =	vst v13;
	v7 =	vadd.f32 v7, v6  }
0x568: {  	v8 =	vadd.f32 v8, v6;
	[tilespmem:s16+$0x0] =	vst v14  }
0x569: {  	[tilespmem:s16+$0x10] =	vst v7;
	v7 =	vadd.f32 v9, v6  }
0x56a: {  	[tilespmem:s16+$0x20] =	vst v8;
	v8 =	vadd.f32 v10, v6  }
0x56b: {  	[tilespmem:s16+$0x30] =	vst v7;
	v7 =	vadd.f32 v11, v6  }
0x56c: {  	[tilespmem:s16+$0x40] =	vst v8;
	v8 =	vadd.f32 v12, v6  }
0x56d: {  	[tilespmem:s16+$0x50] =	vst v7  }
0x56e: {  	[tilespmem:s16+$0x60] =	vst v8  }
0x56f: {  	[hbm4b:s30+s5] =	stream.strided.scatter [tilespmem:s9], [sflag:$0x3], $0x1000, s6, s5, $0x38;
	[tilespmem:$0x1F800] =	vst v63  }
0x570: {  	_ =	swait.ge [sflag:s13], $0x1000  }
0x571: {  	[sflag:s13] =	ssyncset.done $0x0  }
0x572: {  	s20 =	simm.s32 $0x197F0;
	[sflag:s13] =	ssyncadd.s32 $0xFFFFF000  }
0x573: {  	v7 =	vld [tilespmem:s20+$0x0]  }
0x574: {  	v8 =	vld [tilespmem:s20+$0xFFFFFF20]  }
0x575: {  	v9 =	vld [tilespmem:s20+$0xFFFFFF30]  }
0x576: {  	v10 =	vld [tilespmem:s20+$0xFFFFFF40]  }
0x577: {  	v11 =	vld [tilespmem:s20+$0xFFFFFF50]  }
0x578: {  	v12 =	vld [tilespmem:s20+$0xFFFFFF60]  }
0x579: {  	v13 =	vld [tilespmem:s20+$0xFFFFFF70]  }
0x57a: {  	v14 =	vld [tilespmem:s20+$0xFFFFFF80]  }
0x57b: {  	v15 =	vld [tilespmem:s20+$0xFFFFFF90]  }
0x57c: {  	v16 =	vld [tilespmem:s20+$0xFFFFFFA0]  }
0x57d: {  	v17 =	vld [tilespmem:s20+$0xFFFFFFB0]  }
0x57e: {  	v18 =	vld [tilespmem:s20+$0xFFFFFFC0]  }
0x57f: {  	v19 =	vld [tilespmem:s20+$0xFFFFFFD0]  }
0x580: {  	v20 =	vld [tilespmem:s20+$0xFFFFFFE0]  }
0x581: {  	v21 =	vld [tilespmem:s20+$0xFFFFFFF0]  }
0x582: {  	v22 =	vld [tilespmem:s20+$0xFFFFFF10]  }
0x583: {  	v7 =	vld.idx.msk [tilespmem:v7+s1+$0x0], $0xffff  }
0x584: {  	v8 =	vld.idx.msk [tilespmem:v8+s1+$0x0], $0xffff  }
0x585: {  	v9 =	vld.idx.msk [tilespmem:v9+s1+$0x0], $0xffff  }
0x586: {  	v10 =	vld.idx.msk [tilespmem:v10+s1+$0x0], $0xffff  }
0x587: {  	v11 =	vld.idx.msk [tilespmem:v11+s1+$0x0], $0xffff  }
0x588: {  	v12 =	vld.idx.msk [tilespmem:v12+s1+$0x0], $0xffff  }
0x589: {  	v13 =	vld.idx.msk [tilespmem:v13+s1+$0x0], $0xffff;
	v7 =	vadd.f32 v7, v6  }
0x58a: {  	s16 =	simm.s32 $0x1D8F0;
	v14 =	vld.idx.msk [tilespmem:v14+s1+$0x0], $0xffff;
	v8 =	vadd.f32 v8, v6  }
0x58b: {  	v22 =	vld.idx.msk [tilespmem:v22+s1+$0x0], $0xffff;
	[tilespmem:s16+$0x0] =	vst v7;
	v7 =	vadd.f32 v9, v6  }
0x58c: {  	v15 =	vld.idx.msk [tilespmem:v15+s1+$0x0], $0xffff;
	[tilespmem:s16+$0xFFFFFF20] =	vst v8;
	v8 =	vadd.f32 v10, v6  }
0x58d: {  	v9 =	vadd.f32 v11, v6;
	[tilespmem:s16+$0xFFFFFF30] =	vst v7;
	v7 =	vld.idx.msk [tilespmem:v16+s1+$0x0], $0xffff  }
0x58e: {  	v10 =	vadd.f32 v12, v6;
	[tilespmem:s16+$0xFFFFFF40] =	vst v8;
	v8 =	vld.idx.msk [tilespmem:v17+s1+$0x0], $0xffff  }
0x58f: {  	v11 =	vadd.f32 v13, v6;
	[tilespmem:s16+$0xFFFFFF50] =	vst v9;
	v9 =	vld.idx.msk [tilespmem:v18+s1+$0x0], $0xffff  }
0x590: {  	v12 =	vadd.f32 v14, v6;
	[tilespmem:s16+$0xFFFFFF60] =	vst v10;
	v10 =	vld.idx.msk [tilespmem:v19+s1+$0x0], $0xffff  }
0x591: {  	v13 =	vadd.f32 v22, v6;
	[tilespmem:s16+$0xFFFFFF70] =	vst v11;
	v11 =	vld.idx.msk [tilespmem:v20+s1+$0x0], $0xffff  }
0x592: {  	s18 =	simm.s32 $0x0;
	s20 =	simm.s32 $0x198F0;
	v14 =	vadd.f32 v15, v6;
	[tilespmem:s16+$0xFFFFFF80] =	vst v12;
	v12 =	vld.idx.msk [tilespmem:v21+s1+$0x0], $0xffff  }
.LBB2_36:
0x593: {  	v15 =	vld [tilespmem:s20+$0x0];
	s18 =	sadd.s32 $0x10, s18;
	[tilespmem:s16+$0xFFFFFF10] =	vst v13;
	v7 =	vadd.f32 v7, v6  }
0x594: {  	v8 =	vadd.f32 v8, v6;
	v13 =	vld [tilespmem:s20+$0xFFFFFF20];
	p0 =	slt.u32 s18, $0xF0;
	[tilespmem:s16+$0xFFFFFF90] =	vst v14  }
0x595: {  	v14 =	vld [tilespmem:s20+$0xFFFFFF30];
	[tilespmem:s16+$0xFFFFFFA0] =	vst v7;
	v7 =	vadd.f32 v9, v6  }
0x596: {  	v9 =	vld [tilespmem:s20+$0xFFFFFF40];
	[tilespmem:s16+$0xFFFFFFB0] =	vst v8;
	v8 =	vadd.f32 v10, v6  }
0x597: {  	v10 =	vld [tilespmem:s20+$0xFFFFFF50];
	[tilespmem:s16+$0xFFFFFFC0] =	vst v7;
	v7 =	vadd.f32 v11, v6  }
0x598: {  	v11 =	vld [tilespmem:s20+$0xFFFFFF60];
	[tilespmem:s16+$0xFFFFFFD0] =	vst v8;
	v8 =	vadd.f32 v12, v6  }
0x599: {  	v12 =	vld [tilespmem:s20+$0xFFFFFF70];
	[tilespmem:s16+$0xFFFFFFE0] =	vst v7  }
0x59a: {  	v7 =	vld [tilespmem:s20+$0xFFFFFF80];
	[tilespmem:s16+$0xFFFFFFF0] =	vst v8  }
0x59b: {  	v8 =	vld.idx.msk [tilespmem:v15+s1+$0x0], $0xffff  }
0x59c: {  	v15 =	vld [tilespmem:s20+$0xFFFFFF90]  }
0x59d: {  	v16 =	vld [tilespmem:s20+$0xFFFFFFA0]  }
0x59e: {  	v17 =	vld [tilespmem:s20+$0xFFFFFFB0]  }
0x59f: {  	v18 =	vld [tilespmem:s20+$0xFFFFFFC0]  }
0x5a0: {  	v19 =	vld [tilespmem:s20+$0xFFFFFFD0]  }
0x5a1: {  	v8 =	vadd.f32 v8, v6;
	v20 =	vld [tilespmem:s20+$0xFFFFFFE0]  }
0x5a2: {  	s16 =	sadd.s32 $0x100, s16;
	v21 =	vld [tilespmem:s20+$0xFFFFFFF0]  }
0x5a3: {  	v22 =	vld [tilespmem:s20+$0xFFFFFF10];
	[tilespmem:s16+$0x0] =	vst v8  }
0x5a4: {  	v8 =	vld.idx.msk [tilespmem:v13+s1+$0x0], $0xffff  }
0x5a5: {  	v13 =	vld.idx.msk [tilespmem:v14+s1+$0x0], $0xffff  }
0x5a6: {  	v9 =	vld.idx.msk [tilespmem:v9+s1+$0x0], $0xffff  }
0x5a7: {  	v10 =	vld.idx.msk [tilespmem:v10+s1+$0x0], $0xffff  }
0x5a8: {  	v11 =	vld.idx.msk [tilespmem:v11+s1+$0x0], $0xffff  }
0x5a9: {  	v12 =	vld.idx.msk [tilespmem:v12+s1+$0x0], $0xffff  }
0x5aa: {  	v8 =	vadd.f32 v8, v6;
	v14 =	vld.idx.msk [tilespmem:v7+s1+$0x0], $0xffff  }
0x5ab: {  	v7 =	vadd.f32 v13, v6;
	v22 =	vld.idx.msk [tilespmem:v22+s1+$0x0], $0xffff  }
0x5ac: {  	[tilespmem:s16+$0xFFFFFF20] =	vst v8;
	v8 =	vadd.f32 v9, v6;
	v15 =	vld.idx.msk [tilespmem:v15+s1+$0x0], $0xffff  }
0x5ad: {  	v9 =	vadd.f32 v10, v6;
	[tilespmem:s16+$0xFFFFFF30] =	vst v7;
	v7 =	vld.idx.msk [tilespmem:v16+s1+$0x0], $0xffff  }
.Ltmp17:
0x5ae: {  	v10 =	vadd.f32 v11, v6;
	[tilespmem:s16+$0xFFFFFF40] =	vst v8;
	v8 =	vld.idx.msk [tilespmem:v17+s1+$0x0], $0xffff;
	(pc) =	sbr.rel @p0 .LBB2_36-.Ltmp17, $4  }
0x5af: {  	v11 =	vadd.f32 v12, v6;
	[tilespmem:s16+$0xFFFFFF50] =	vst v9;
	v9 =	vld.idx.msk [tilespmem:v18+s1+$0x0], $0xffff  }
0x5b0: {  	v12 =	vadd.f32 v14, v6;
	[tilespmem:s16+$0xFFFFFF60] =	vst v10;
	v10 =	vld.idx.msk [tilespmem:v19+s1+$0x0], $0xffff  }
0x5b1: {  	v13 =	vadd.f32 v22, v6;
	[tilespmem:s16+$0xFFFFFF70] =	vst v11;
	v11 =	vld.idx.msk [tilespmem:v20+s1+$0x0], $0xffff  }
0x5b2: {  	s20 =	sadd.s32 $0x100, s20;
	v14 =	vadd.f32 v15, v6;
	[tilespmem:s16+$0xFFFFFF80] =	vst v12;
	v12 =	vld.idx.msk [tilespmem:v21+s1+$0x0], $0xffff  }
0x5b3: {  	[tilespmem:s16+$0xFFFFFF10] =	vst v13;
	v7 =	vadd.f32 v7, v6  }
0x5b4: {  	v8 =	vadd.f32 v8, v6;
	[tilespmem:s16+$0xFFFFFF90] =	vst v14  }
0x5b5: {  	[tilespmem:s16+$0xFFFFFFA0] =	vst v7;
	v7 =	vadd.f32 v9, v6  }
0x5b6: {  	[tilespmem:s16+$0xFFFFFFB0] =	vst v8;
	v8 =	vadd.f32 v10, v6  }
0x5b7: {  	[tilespmem:s16+$0xFFFFFFC0] =	vst v7;
	v7 =	vadd.f32 v11, v6  }
0x5b8: {  	[tilespmem:s16+$0xFFFFFFD0] =	vst v8;
	v8 =	vadd.f32 v12, v6  }
0x5b9: {  	[tilespmem:s16+$0xFFFFFFE0] =	vst v7  }
0x5ba: {  	[tilespmem:s16+$0xFFFFFFF0] =	vst v8  }
0x5bb: {  	[hbm4b:s0+s5] =	stream.strided.scatter [tilespmem:s10], [sflag:$0x4], $0x1000, s6, s5, $0x38;
	[tilespmem:$0x1F800] =	vst v63  }
0x5bc: {  	_ =	swait.ge [sflag:s14], $0x1000  }
0x5bd: {  	[sflag:s14] =	ssyncset.done $0x0  }
0x5be: {  	s20 =	simm.s32 $0x1A7F0;
	[sflag:s14] =	ssyncadd.s32 $0xFFFFF000  }
0x5bf: {  	v7 =	vld [tilespmem:s20+$0x0]  }
0x5c0: {  	v8 =	vld [tilespmem:s20+$0xFFFFFF20]  }
0x5c1: {  	v9 =	vld [tilespmem:s20+$0xFFFFFF30]  }
0x5c2: {  	v10 =	vld [tilespmem:s20+$0xFFFFFF40]  }
0x5c3: {  	v11 =	vld [tilespmem:s20+$0xFFFFFF50]  }
0x5c4: {  	v12 =	vld [tilespmem:s20+$0xFFFFFF60]  }
0x5c5: {  	v13 =	vld [tilespmem:s20+$0xFFFFFF70]  }
0x5c6: {  	v14 =	vld [tilespmem:s20+$0xFFFFFF80]  }
0x5c7: {  	v15 =	vld [tilespmem:s20+$0xFFFFFF90]  }
0x5c8: {  	v16 =	vld [tilespmem:s20+$0xFFFFFFA0]  }
0x5c9: {  	v17 =	vld [tilespmem:s20+$0xFFFFFFB0]  }
0x5ca: {  	v18 =	vld [tilespmem:s20+$0xFFFFFFC0]  }
0x5cb: {  	v19 =	vld [tilespmem:s20+$0xFFFFFFD0]  }
0x5cc: {  	v20 =	vld [tilespmem:s20+$0xFFFFFFE0]  }
0x5cd: {  	v21 =	vld [tilespmem:s20+$0xFFFFFFF0]  }
0x5ce: {  	v22 =	vld [tilespmem:s20+$0xFFFFFF10]  }
0x5cf: {  	v7 =	vld.idx.msk [tilespmem:v7+s1+$0x0], $0xffff  }
0x5d0: {  	v8 =	vld.idx.msk [tilespmem:v8+s1+$0x0], $0xffff  }
0x5d1: {  	v9 =	vld.idx.msk [tilespmem:v9+s1+$0x0], $0xffff  }
0x5d2: {  	v10 =	vld.idx.msk [tilespmem:v10+s1+$0x0], $0xffff  }
0x5d3: {  	v11 =	vld.idx.msk [tilespmem:v11+s1+$0x0], $0xffff  }
0x5d4: {  	v12 =	vld.idx.msk [tilespmem:v12+s1+$0x0], $0xffff  }
0x5d5: {  	v13 =	vld.idx.msk [tilespmem:v13+s1+$0x0], $0xffff;
	v7 =	vadd.f32 v7, v6  }
0x5d6: {  	s16 =	simm.s32 $0x1E8F0;
	v14 =	vld.idx.msk [tilespmem:v14+s1+$0x0], $0xffff;
	v8 =	vadd.f32 v8, v6  }
0x5d7: {  	v22 =	vld.idx.msk [tilespmem:v22+s1+$0x0], $0xffff;
	[tilespmem:s16+$0x0] =	vst v7;
	v7 =	vadd.f32 v9, v6  }
0x5d8: {  	v15 =	vld.idx.msk [tilespmem:v15+s1+$0x0], $0xffff;
	[tilespmem:s16+$0xFFFFFF20] =	vst v8;
	v8 =	vadd.f32 v10, v6  }
0x5d9: {  	v9 =	vadd.f32 v11, v6;
	[tilespmem:s16+$0xFFFFFF30] =	vst v7;
	v7 =	vld.idx.msk [tilespmem:v16+s1+$0x0], $0xffff  }
0x5da: {  	v10 =	vadd.f32 v12, v6;
	[tilespmem:s16+$0xFFFFFF40] =	vst v8;
	v8 =	vld.idx.msk [tilespmem:v17+s1+$0x0], $0xffff  }
0x5db: {  	v11 =	vadd.f32 v13, v6;
	[tilespmem:s16+$0xFFFFFF50] =	vst v9;
	v9 =	vld.idx.msk [tilespmem:v18+s1+$0x0], $0xffff  }
0x5dc: {  	v12 =	vadd.f32 v14, v6;
	[tilespmem:s16+$0xFFFFFF60] =	vst v10;
	v10 =	vld.idx.msk [tilespmem:v19+s1+$0x0], $0xffff  }
0x5dd: {  	v13 =	vadd.f32 v22, v6;
	[tilespmem:s16+$0xFFFFFF70] =	vst v11;
	v11 =	vld.idx.msk [tilespmem:v20+s1+$0x0], $0xffff  }
0x5de: {  	s18 =	simm.s32 $0x0;
	s20 =	simm.s32 $0x1A8F0;
	v14 =	vadd.f32 v15, v6;
	[tilespmem:s16+$0xFFFFFF80] =	vst v12;
	v12 =	vld.idx.msk [tilespmem:v21+s1+$0x0], $0xffff  }
.LBB2_38:
0x5df: {  	v15 =	vld [tilespmem:s20+$0x0];
	s18 =	sadd.s32 $0x10, s18;
	[tilespmem:s16+$0xFFFFFF10] =	vst v13;
	v7 =	vadd.f32 v7, v6  }
0x5e0: {  	v8 =	vadd.f32 v8, v6;
	v13 =	vld [tilespmem:s20+$0xFFFFFF20];
	p0 =	slt.u32 s18, $0xF0;
	[tilespmem:s16+$0xFFFFFF90] =	vst v14  }
0x5e1: {  	v14 =	vld [tilespmem:s20+$0xFFFFFF30];
	[tilespmem:s16+$0xFFFFFFA0] =	vst v7;
	v7 =	vadd.f32 v9, v6  }
0x5e2: {  	v9 =	vld [tilespmem:s20+$0xFFFFFF40];
	[tilespmem:s16+$0xFFFFFFB0] =	vst v8;
	v8 =	vadd.f32 v10, v6  }
0x5e3: {  	v10 =	vld [tilespmem:s20+$0xFFFFFF50];
	[tilespmem:s16+$0xFFFFFFC0] =	vst v7;
	v7 =	vadd.f32 v11, v6  }
0x5e4: {  	v11 =	vld [tilespmem:s20+$0xFFFFFF60];
	[tilespmem:s16+$0xFFFFFFD0] =	vst v8;
	v8 =	vadd.f32 v12, v6  }
0x5e5: {  	v12 =	vld [tilespmem:s20+$0xFFFFFF70];
	[tilespmem:s16+$0xFFFFFFE0] =	vst v7  }
0x5e6: {  	v7 =	vld [tilespmem:s20+$0xFFFFFF80];
	[tilespmem:s16+$0xFFFFFFF0] =	vst v8  }
0x5e7: {  	v8 =	vld.idx.msk [tilespmem:v15+s1+$0x0], $0xffff  }
0x5e8: {  	v15 =	vld [tilespmem:s20+$0xFFFFFF90]  }
0x5e9: {  	v16 =	vld [tilespmem:s20+$0xFFFFFFA0]  }
0x5ea: {  	v17 =	vld [tilespmem:s20+$0xFFFFFFB0]  }
0x5eb: {  	v18 =	vld [tilespmem:s20+$0xFFFFFFC0]  }
0x5ec: {  	v19 =	vld [tilespmem:s20+$0xFFFFFFD0]  }
0x5ed: {  	v8 =	vadd.f32 v8, v6;
	v20 =	vld [tilespmem:s20+$0xFFFFFFE0]  }
0x5ee: {  	s16 =	sadd.s32 $0x100, s16;
	v21 =	vld [tilespmem:s20+$0xFFFFFFF0]  }
0x5ef: {  	v22 =	vld [tilespmem:s20+$0xFFFFFF10];
	[tilespmem:s16+$0x0] =	vst v8  }
0x5f0: {  	v8 =	vld.idx.msk [tilespmem:v13+s1+$0x0], $0xffff  }
0x5f1: {  	v13 =	vld.idx.msk [tilespmem:v14+s1+$0x0], $0xffff  }
0x5f2: {  	v9 =	vld.idx.msk [tilespmem:v9+s1+$0x0], $0xffff  }
0x5f3: {  	v10 =	vld.idx.msk [tilespmem:v10+s1+$0x0], $0xffff  }
0x5f4: {  	v11 =	vld.idx.msk [tilespmem:v11+s1+$0x0], $0xffff  }
0x5f5: {  	v12 =	vld.idx.msk [tilespmem:v12+s1+$0x0], $0xffff  }
0x5f6: {  	v8 =	vadd.f32 v8, v6;
	v14 =	vld.idx.msk [tilespmem:v7+s1+$0x0], $0xffff  }
0x5f7: {  	v7 =	vadd.f32 v13, v6;
	v22 =	vld.idx.msk [tilespmem:v22+s1+$0x0], $0xffff  }
0x5f8: {  	[tilespmem:s16+$0xFFFFFF20] =	vst v8;
	v8 =	vadd.f32 v9, v6;
	v15 =	vld.idx.msk [tilespmem:v15+s1+$0x0], $0xffff  }
0x5f9: {  	v9 =	vadd.f32 v10, v6;
	[tilespmem:s16+$0xFFFFFF30] =	vst v7;
	v7 =	vld.idx.msk [tilespmem:v16+s1+$0x0], $0xffff  }
.Ltmp18:
0x5fa: {  	v10 =	vadd.f32 v11, v6;
	[tilespmem:s16+$0xFFFFFF40] =	vst v8;
	v8 =	vld.idx.msk [tilespmem:v17+s1+$0x0], $0xffff;
	(pc) =	sbr.rel @p0 .LBB2_38-.Ltmp18, $4  }
0x5fb: {  	v11 =	vadd.f32 v12, v6;
	[tilespmem:s16+$0xFFFFFF50] =	vst v9;
	v9 =	vld.idx.msk [tilespmem:v18+s1+$0x0], $0xffff  }
0x5fc: {  	v12 =	vadd.f32 v14, v6;
	[tilespmem:s16+$0xFFFFFF60] =	vst v10;
	v10 =	vld.idx.msk [tilespmem:v19+s1+$0x0], $0xffff  }
0x5fd: {  	v13 =	vadd.f32 v22, v6;
	[tilespmem:s16+$0xFFFFFF70] =	vst v11;
	v11 =	vld.idx.msk [tilespmem:v20+s1+$0x0], $0xffff  }
0x5fe: {  	s20 =	sadd.s32 $0x100, s20;
	v14 =	vadd.f32 v15, v6;
	[tilespmem:s16+$0xFFFFFF80] =	vst v12;
	v12 =	vld.idx.msk [tilespmem:v21+s1+$0x0], $0xffff  }
0x5ff: {  	[tilespmem:s16+$0xFFFFFF10] =	vst v13;
	v7 =	vadd.f32 v7, v6  }
0x600: {  	v8 =	vadd.f32 v8, v6;
	[tilespmem:s16+$0xFFFFFF90] =	vst v14  }
0x601: {  	[tilespmem:s16+$0xFFFFFFA0] =	vst v7;
	v7 =	vadd.f32 v9, v6  }
0x602: {  	[tilespmem:s16+$0xFFFFFFB0] =	vst v8;
	v8 =	vadd.f32 v10, v6  }
0x603: {  	[tilespmem:s16+$0xFFFFFFC0] =	vst v7;
	v7 =	vadd.f32 v11, v6  }
0x604: {  	[tilespmem:s16+$0xFFFFFFD0] =	vst v8;
	v8 =	vadd.f32 v12, v6  }
0x605: {  	[tilespmem:s16+$0xFFFFFFE0] =	vst v7  }
0x606: {  	[tilespmem:s16+$0xFFFFFFF0] =	vst v8  }
0x607: {  	[hbm4b:s25+s5] =	stream.strided.scatter [tilespmem:s11], [sflag:$0x5], $0x1000, s6, s5, $0x38;
	[tilespmem:$0x1F800] =	vst v63  }
0x608: {  	_ =	swait.ge [sflag:s12], $0x1000  }
0x609: {  	[sflag:s12] =	ssyncset.done $0x0  }
0x60a: {  	s20 =	simm.s32 $0x1B7F0;
	[sflag:s12] =	ssyncadd.s32 $0xFFFFF000  }
0x60b: {  	v7 =	vld [tilespmem:s20+$0x0]  }
0x60c: {  	v8 =	vld [tilespmem:s20+$0xFFFFFF20]  }
0x60d: {  	v9 =	vld [tilespmem:s20+$0xFFFFFF30]  }
0x60e: {  	v10 =	vld [tilespmem:s20+$0xFFFFFF40]  }
0x60f: {  	v11 =	vld [tilespmem:s20+$0xFFFFFF50]  }
0x610: {  	v12 =	vld [tilespmem:s20+$0xFFFFFF60]  }
0x611: {  	v13 =	vld [tilespmem:s20+$0xFFFFFF70]  }
0x612: {  	v14 =	vld [tilespmem:s20+$0xFFFFFF80]  }
0x613: {  	v15 =	vld [tilespmem:s20+$0xFFFFFF90]  }
0x614: {  	v16 =	vld [tilespmem:s20+$0xFFFFFFA0]  }
0x615: {  	v17 =	vld [tilespmem:s20+$0xFFFFFFB0]  }
0x616: {  	v18 =	vld [tilespmem:s20+$0xFFFFFFC0]  }
0x617: {  	v19 =	vld [tilespmem:s20+$0xFFFFFFD0]  }
0x618: {  	v20 =	vld [tilespmem:s20+$0xFFFFFFE0]  }
0x619: {  	v21 =	vld [tilespmem:s20+$0xFFFFFFF0]  }
0x61a: {  	v22 =	vld [tilespmem:s20+$0xFFFFFF10]  }
0x61b: {  	v7 =	vld.idx.msk [tilespmem:v7+s1+$0x0], $0xffff  }
0x61c: {  	v8 =	vld.idx.msk [tilespmem:v8+s1+$0x0], $0xffff  }
0x61d: {  	v9 =	vld.idx.msk [tilespmem:v9+s1+$0x0], $0xffff  }
0x61e: {  	v10 =	vld.idx.msk [tilespmem:v10+s1+$0x0], $0xffff  }
0x61f: {  	v11 =	vld.idx.msk [tilespmem:v11+s1+$0x0], $0xffff  }
0x620: {  	v12 =	vld.idx.msk [tilespmem:v12+s1+$0x0], $0xffff  }
0x621: {  	v13 =	vld.idx.msk [tilespmem:v13+s1+$0x0], $0xffff;
	v7 =	vadd.f32 v7, v6  }
0x622: {  	s16 =	simm.s32 $0x1C880;
	v14 =	vld.idx.msk [tilespmem:v14+s1+$0x0], $0xffff;
	v8 =	vadd.f32 v8, v6  }
0x623: {  	v22 =	vld.idx.msk [tilespmem:v22+s1+$0x0], $0xffff;
	[tilespmem:s16+$0x70] =	vst v7;
	v7 =	vadd.f32 v9, v6  }
0x624: {  	v15 =	vld.idx.msk [tilespmem:v15+s1+$0x0], $0xffff;
	[tilespmem:s16+$0xFFFFFF90] =	vst v8;
	v8 =	vadd.f32 v10, v6  }
0x625: {  	v9 =	vadd.f32 v11, v6;
	[tilespmem:s16+$0xFFFFFFA0] =	vst v7;
	v7 =	vld.idx.msk [tilespmem:v16+s1+$0x0], $0xffff  }
0x626: {  	v10 =	vadd.f32 v12, v6;
	[tilespmem:s16+$0xFFFFFFB0] =	vst v8;
	v8 =	vld.idx.msk [tilespmem:v17+s1+$0x0], $0xffff  }
0x627: {  	v11 =	vadd.f32 v13, v6;
	[tilespmem:s16+$0xFFFFFFC0] =	vst v9;
	v9 =	vld.idx.msk [tilespmem:v18+s1+$0x0], $0xffff  }
0x628: {  	v12 =	vadd.f32 v14, v6;
	[tilespmem:s16+$0xFFFFFFD0] =	vst v10;
	v10 =	vld.idx.msk [tilespmem:v19+s1+$0x0], $0xffff  }
0x629: {  	v13 =	vadd.f32 v22, v6;
	[tilespmem:s16+$0xFFFFFFE0] =	vst v11;
	v11 =	vld.idx.msk [tilespmem:v20+s1+$0x0], $0xffff  }
0x62a: {  	s18 =	simm.s32 $0x0;
	s20 =	simm.s32 $0x1B8F0;
	v14 =	vadd.f32 v15, v6;
	[tilespmem:s16+$0xFFFFFFF0] =	vst v12;
	v12 =	vld.idx.msk [tilespmem:v21+s1+$0x0], $0xffff  }
.LBB2_40:
0x62b: {  	v15 =	vld [tilespmem:s20+$0x0];
	s18 =	sadd.s32 $0x10, s18;
	[tilespmem:s16+$0xFFFFFF80] =	vst v13;
	v7 =	vadd.f32 v7, v6  }
0x62c: {  	v8 =	vadd.f32 v8, v6;
	v13 =	vld [tilespmem:s20+$0xFFFFFF20];
	p0 =	slt.u32 s18, $0xF0;
	[tilespmem:s16+$0x0] =	vst v14  }
0x62d: {  	v14 =	vld [tilespmem:s20+$0xFFFFFF30];
	[tilespmem:s16+$0x10] =	vst v7;
	v7 =	vadd.f32 v9, v6  }
0x62e: {  	v9 =	vld [tilespmem:s20+$0xFFFFFF40];
	[tilespmem:s16+$0x20] =	vst v8;
	v8 =	vadd.f32 v10, v6  }
0x62f: {  	v10 =	vld [tilespmem:s20+$0xFFFFFF50];
	[tilespmem:s16+$0x30] =	vst v7;
	v7 =	vadd.f32 v11, v6  }
0x630: {  	v11 =	vld [tilespmem:s20+$0xFFFFFF60];
	[tilespmem:s16+$0x40] =	vst v8;
	v8 =	vadd.f32 v12, v6  }
0x631: {  	v12 =	vld [tilespmem:s20+$0xFFFFFF70];
	[tilespmem:s16+$0x50] =	vst v7  }
0x632: {  	v7 =	vld [tilespmem:s20+$0xFFFFFF80];
	[tilespmem:s16+$0x60] =	vst v8  }
0x633: {  	v8 =	vld.idx.msk [tilespmem:v15+s1+$0x0], $0xffff  }
0x634: {  	v15 =	vld [tilespmem:s20+$0xFFFFFF90]  }
0x635: {  	v16 =	vld [tilespmem:s20+$0xFFFFFFA0]  }
0x636: {  	v17 =	vld [tilespmem:s20+$0xFFFFFFB0]  }
0x637: {  	v18 =	vld [tilespmem:s20+$0xFFFFFFC0]  }
0x638: {  	v19 =	vld [tilespmem:s20+$0xFFFFFFD0]  }
0x639: {  	v8 =	vadd.f32 v8, v6;
	v20 =	vld [tilespmem:s20+$0xFFFFFFE0]  }
0x63a: {  	s16 =	sadd.s32 $0x100, s16;
	v21 =	vld [tilespmem:s20+$0xFFFFFFF0]  }
0x63b: {  	v22 =	vld [tilespmem:s20+$0xFFFFFF10];
	[tilespmem:s16+$0x70] =	vst v8  }
0x63c: {  	v8 =	vld.idx.msk [tilespmem:v13+s1+$0x0], $0xffff  }
0x63d: {  	v13 =	vld.idx.msk [tilespmem:v14+s1+$0x0], $0xffff  }
0x63e: {  	v9 =	vld.idx.msk [tilespmem:v9+s1+$0x0], $0xffff  }
0x63f: {  	v10 =	vld.idx.msk [tilespmem:v10+s1+$0x0], $0xffff  }
0x640: {  	v11 =	vld.idx.msk [tilespmem:v11+s1+$0x0], $0xffff  }
0x641: {  	v12 =	vld.idx.msk [tilespmem:v12+s1+$0x0], $0xffff  }
0x642: {  	v8 =	vadd.f32 v8, v6;
	v14 =	vld.idx.msk [tilespmem:v7+s1+$0x0], $0xffff  }
0x643: {  	v7 =	vadd.f32 v13, v6;
	v22 =	vld.idx.msk [tilespmem:v22+s1+$0x0], $0xffff  }
0x644: {  	[tilespmem:s16+$0xFFFFFF90] =	vst v8;
	v8 =	vadd.f32 v9, v6;
	v15 =	vld.idx.msk [tilespmem:v15+s1+$0x0], $0xffff  }
0x645: {  	v9 =	vadd.f32 v10, v6;
	[tilespmem:s16+$0xFFFFFFA0] =	vst v7;
	v7 =	vld.idx.msk [tilespmem:v16+s1+$0x0], $0xffff  }
.Ltmp19:
0x646: {  	v10 =	vadd.f32 v11, v6;
	[tilespmem:s16+$0xFFFFFFB0] =	vst v8;
	v8 =	vld.idx.msk [tilespmem:v17+s1+$0x0], $0xffff;
	(pc) =	sbr.rel @p0 .LBB2_40-.Ltmp19, $4  }
0x647: {  	v11 =	vadd.f32 v12, v6;
	[tilespmem:s16+$0xFFFFFFC0] =	vst v9;
	v9 =	vld.idx.msk [tilespmem:v18+s1+$0x0], $0xffff  }
0x648: {  	v12 =	vadd.f32 v14, v6;
	[tilespmem:s16+$0xFFFFFFD0] =	vst v10;
	v10 =	vld.idx.msk [tilespmem:v19+s1+$0x0], $0xffff  }
0x649: {  	v13 =	vadd.f32 v22, v6;
	[tilespmem:s16+$0xFFFFFFE0] =	vst v11;
	v11 =	vld.idx.msk [tilespmem:v20+s1+$0x0], $0xffff  }
0x64a: {  	s20 =	sadd.s32 $0x100, s20;
	v14 =	vadd.f32 v15, v6;
	[tilespmem:s16+$0xFFFFFFF0] =	vst v12;
	v12 =	vld.idx.msk [tilespmem:v21+s1+$0x0], $0xffff  }
0x64b: {  	[tilespmem:s16+$0xFFFFFF80] =	vst v13;
	v7 =	vadd.f32 v7, v6  }
0x64c: {  	v8 =	vadd.f32 v8, v6;
	[tilespmem:s16+$0x0] =	vst v14  }
0x64d: {  	[tilespmem:s16+$0x10] =	vst v7;
	v7 =	vadd.f32 v9, v6  }
0x64e: {  	[tilespmem:s16+$0x20] =	vst v8;
	v8 =	vadd.f32 v10, v6  }
0x64f: {  	[tilespmem:s16+$0x30] =	vst v7;
	v7 =	vadd.f32 v11, v6  }
0x650: {  	[tilespmem:s16+$0x40] =	vst v8;
	v6 =	vadd.f32 v12, v6  }
0x651: {  	[tilespmem:s16+$0x50] =	vst v7  }
0x652: {  	[tilespmem:s16+$0x60] =	vst v6  }
0x653: {  	[hbm4b:s28+s5] =	stream.strided.scatter [tilespmem:s9], [sflag:$0x3], $0x1000, s6, s5, $0x38;
	[tilespmem:$0x1F800] =	vst v63  }
0x654: {  	s16 =	rddreg [dreg:$0x15]  }
0x655: {  	[tilespmem:s1], [sflag:$0x1] =	stream.strided.gather [hbm4b:s16+s5], $0x18700, s6, s5, $0x38;
	[tilespmem:$0x1F800] =	vst v63  }
0x656: {  	_ =	swait.ge [sflag:s8], $0x18700  }
0x657: {  	[sflag:s8] =	ssyncset.done $0x0  }
0x658: {  	[sflag:s8] =	ssyncadd.s32 $0xFFFE7900  }
0x659: {  	v6 =	vld.idx.msk [tilespmem:v5+s3+$0x0], $0xffff;
	_ =	swait.ge [sflag:s12], $0x1000  }
0x65a: {  	[sflag:s12] =	ssyncset.done $0x0  }
0x65b: {  	s20 =	simm.s32 $0x18780;
	[sflag:s12] =	ssyncadd.s32 $0xFFFFF000  }
0x65c: {  	v7 =	vld [tilespmem:s20+$0x70]  }
0x65d: {  	v8 =	vld [tilespmem:s20+$0xFFFFFF90]  }
0x65e: {  	v9 =	vld [tilespmem:s20+$0xFFFFFFA0]  }
0x65f: {  	v10 =	vld [tilespmem:s20+$0xFFFFFFB0]  }
0x660: {  	v11 =	vld [tilespmem:s20+$0xFFFFFFC0]  }
0x661: {  	v12 =	vld [tilespmem:s20+$0xFFFFFFD0]  }
0x662: {  	v13 =	vld [tilespmem:s20+$0xFFFFFFE0]  }
0x663: {  	v14 =	vld [tilespmem:s20+$0xFFFFFFF0]  }
0x664: {  	v15 =	vld [tilespmem:s20+$0x0]  }
0x665: {  	v16 =	vld [tilespmem:s20+$0x10]  }
0x666: {  	v17 =	vld [tilespmem:s20+$0x20]  }
0x667: {  	v18 =	vld [tilespmem:s20+$0x30]  }
0x668: {  	v19 =	vld [tilespmem:s20+$0x40]  }
0x669: {  	v20 =	vld [tilespmem:s20+$0x50]  }
0x66a: {  	v21 =	vld [tilespmem:s20+$0x60]  }
0x66b: {  	v22 =	vld [tilespmem:s20+$0xFFFFFF80]  }
0x66c: {  	v7 =	vld.idx.msk [tilespmem:v7+s1+$0x0], $0xffff  }
0x66d: {  	v8 =	vld.idx.msk [tilespmem:v8+s1+$0x0], $0xffff  }
0x66e: {  	v9 =	vld.idx.msk [tilespmem:v9+s1+$0x0], $0xffff  }
0x66f: {  	v10 =	vld.idx.msk [tilespmem:v10+s1+$0x0], $0xffff  }
0x670: {  	v11 =	vld.idx.msk [tilespmem:v11+s1+$0x0], $0xffff  }
0x671: {  	v12 =	vld.idx.msk [tilespmem:v12+s1+$0x0], $0xffff  }
0x672: {  	v13 =	vld.idx.msk [tilespmem:v13+s1+$0x0], $0xffff;
	v7 =	vadd.f32 v7, v6  }
0x673: {  	s16 =	simm.s32 $0x1C880;
	v14 =	vld.idx.msk [tilespmem:v14+s1+$0x0], $0xffff;
	v8 =	vadd.f32 v8, v6  }
0x674: {  	v22 =	vld.idx.msk [tilespmem:v22+s1+$0x0], $0xffff;
	[tilespmem:s16+$0x70] =	vst v7;
	v7 =	vadd.f32 v9, v6  }
0x675: {  	v15 =	vld.idx.msk [tilespmem:v15+s1+$0x0], $0xffff;
	[tilespmem:s16+$0xFFFFFF90] =	vst v8;
	v8 =	vadd.f32 v10, v6  }
0x676: {  	v9 =	vadd.f32 v11, v6;
	[tilespmem:s16+$0xFFFFFFA0] =	vst v7;
	v7 =	vld.idx.msk [tilespmem:v16+s1+$0x0], $0xffff  }
0x677: {  	v10 =	vadd.f32 v12, v6;
	[tilespmem:s16+$0xFFFFFFB0] =	vst v8;
	v8 =	vld.idx.msk [tilespmem:v17+s1+$0x0], $0xffff  }
0x678: {  	v11 =	vadd.f32 v13, v6;
	[tilespmem:s16+$0xFFFFFFC0] =	vst v9;
	v9 =	vld.idx.msk [tilespmem:v18+s1+$0x0], $0xffff  }
0x679: {  	v12 =	vadd.f32 v14, v6;
	[tilespmem:s16+$0xFFFFFFD0] =	vst v10;
	v10 =	vld.idx.msk [tilespmem:v19+s1+$0x0], $0xffff  }
0x67a: {  	v13 =	vadd.f32 v22, v6;
	[tilespmem:s16+$0xFFFFFFE0] =	vst v11;
	v11 =	vld.idx.msk [tilespmem:v20+s1+$0x0], $0xffff  }
0x67b: {  	s18 =	simm.s32 $0x0;
	s20 =	simm.s32 $0x18880;
	v14 =	vadd.f32 v15, v6;
	[tilespmem:s16+$0xFFFFFFF0] =	vst v12;
	v12 =	vld.idx.msk [tilespmem:v21+s1+$0x0], $0xffff  }
.LBB2_42:
0x67c: {  	v15 =	vld [tilespmem:s20+$0x70];
	s18 =	sadd.s32 $0x10, s18;
	[tilespmem:s16+$0xFFFFFF80] =	vst v13;
	v7 =	vadd.f32 v7, v6  }
0x67d: {  	v8 =	vadd.f32 v8, v6;
	v13 =	vld [tilespmem:s20+$0xFFFFFF90];
	p0 =	slt.u32 s18, $0xF0;
	[tilespmem:s16+$0x0] =	vst v14  }
0x67e: {  	v14 =	vld [tilespmem:s20+$0xFFFFFFA0];
	[tilespmem:s16+$0x10] =	vst v7;
	v7 =	vadd.f32 v9, v6  }
0x67f: {  	v9 =	vld [tilespmem:s20+$0xFFFFFFB0];
	[tilespmem:s16+$0x20] =	vst v8;
	v8 =	vadd.f32 v10, v6  }
0x680: {  	v10 =	vld [tilespmem:s20+$0xFFFFFFC0];
	[tilespmem:s16+$0x30] =	vst v7;
	v7 =	vadd.f32 v11, v6  }
0x681: {  	v11 =	vld [tilespmem:s20+$0xFFFFFFD0];
	[tilespmem:s16+$0x40] =	vst v8;
	v8 =	vadd.f32 v12, v6  }
0x682: {  	v12 =	vld [tilespmem:s20+$0xFFFFFFE0];
	[tilespmem:s16+$0x50] =	vst v7  }
0x683: {  	v7 =	vld [tilespmem:s20+$0xFFFFFFF0];
	[tilespmem:s16+$0x60] =	vst v8  }
0x684: {  	v8 =	vld.idx.msk [tilespmem:v15+s1+$0x0], $0xffff  }
0x685: {  	v15 =	vld [tilespmem:s20+$0x0]  }
0x686: {  	v16 =	vld [tilespmem:s20+$0x10]  }
0x687: {  	v17 =	vld [tilespmem:s20+$0x20]  }
0x688: {  	v18 =	vld [tilespmem:s20+$0x30]  }
0x689: {  	v19 =	vld [tilespmem:s20+$0x40]  }
0x68a: {  	v8 =	vadd.f32 v8, v6;
	v20 =	vld [tilespmem:s20+$0x50]  }
0x68b: {  	s16 =	sadd.s32 $0x100, s16;
	v21 =	vld [tilespmem:s20+$0x60]  }
0x68c: {  	v22 =	vld [tilespmem:s20+$0xFFFFFF80];
	[tilespmem:s16+$0x70] =	vst v8  }
0x68d: {  	v8 =	vld.idx.msk [tilespmem:v13+s1+$0x0], $0xffff  }
0x68e: {  	v13 =	vld.idx.msk [tilespmem:v14+s1+$0x0], $0xffff  }
0x68f: {  	v9 =	vld.idx.msk [tilespmem:v9+s1+$0x0], $0xffff  }
0x690: {  	v10 =	vld.idx.msk [tilespmem:v10+s1+$0x0], $0xffff  }
0x691: {  	v11 =	vld.idx.msk [tilespmem:v11+s1+$0x0], $0xffff  }
0x692: {  	v12 =	vld.idx.msk [tilespmem:v12+s1+$0x0], $0xffff  }
0x693: {  	v8 =	vadd.f32 v8, v6;
	v14 =	vld.idx.msk [tilespmem:v7+s1+$0x0], $0xffff  }
0x694: {  	v7 =	vadd.f32 v13, v6;
	v22 =	vld.idx.msk [tilespmem:v22+s1+$0x0], $0xffff  }
0x695: {  	[tilespmem:s16+$0xFFFFFF90] =	vst v8;
	v8 =	vadd.f32 v9, v6;
	v15 =	vld.idx.msk [tilespmem:v15+s1+$0x0], $0xffff  }
0x696: {  	v9 =	vadd.f32 v10, v6;
	[tilespmem:s16+$0xFFFFFFA0] =	vst v7;
	v7 =	vld.idx.msk [tilespmem:v16+s1+$0x0], $0xffff  }
.Ltmp20:
0x697: {  	v10 =	vadd.f32 v11, v6;
	[tilespmem:s16+$0xFFFFFFB0] =	vst v8;
	v8 =	vld.idx.msk [tilespmem:v17+s1+$0x0], $0xffff;
	(pc) =	sbr.rel @p0 .LBB2_42-.Ltmp20, $4  }
0x698: {  	v11 =	vadd.f32 v12, v6;
	[tilespmem:s16+$0xFFFFFFC0] =	vst v9;
	v9 =	vld.idx.msk [tilespmem:v18+s1+$0x0], $0xffff  }
0x699: {  	v12 =	vadd.f32 v14, v6;
	[tilespmem:s16+$0xFFFFFFD0] =	vst v10;
	v10 =	vld.idx.msk [tilespmem:v19+s1+$0x0], $0xffff  }
0x69a: {  	v13 =	vadd.f32 v22, v6;
	[tilespmem:s16+$0xFFFFFFE0] =	vst v11;
	v11 =	vld.idx.msk [tilespmem:v20+s1+$0x0], $0xffff  }
0x69b: {  	s20 =	sadd.s32 $0x100, s20;
	v14 =	vadd.f32 v15, v6;
	[tilespmem:s16+$0xFFFFFFF0] =	vst v12;
	v12 =	vld.idx.msk [tilespmem:v21+s1+$0x0], $0xffff  }
0x69c: {  	[tilespmem:s16+$0xFFFFFF80] =	vst v13;
	v7 =	vadd.f32 v7, v6  }
0x69d: {  	v8 =	vadd.f32 v8, v6;
	[tilespmem:s16+$0x0] =	vst v14  }
0x69e: {  	[tilespmem:s16+$0x10] =	vst v7;
	v7 =	vadd.f32 v9, v6  }
0x69f: {  	[tilespmem:s16+$0x20] =	vst v8;
	v8 =	vadd.f32 v10, v6  }
0x6a0: {  	[tilespmem:s16+$0x30] =	vst v7;
	v7 =	vadd.f32 v11, v6  }
0x6a1: {  	[tilespmem:s16+$0x40] =	vst v8;
	v8 =	vadd.f32 v12, v6  }
0x6a2: {  	[tilespmem:s16+$0x50] =	vst v7  }
0x6a3: {  	[tilespmem:s16+$0x60] =	vst v8  }
0x6a4: {  	[hbm4b:s31+s5] =	stream.strided.scatter [tilespmem:s9], [sflag:$0x3], $0x1000, s6, s5, $0x38;
	[tilespmem:$0x1F800] =	vst v63  }
0x6a5: {  	_ =	swait.ge [sflag:s13], $0x1000  }
0x6a6: {  	[sflag:s13] =	ssyncset.done $0x0  }
0x6a7: {  	s20 =	simm.s32 $0x197F0;
	[sflag:s13] =	ssyncadd.s32 $0xFFFFF000  }
0x6a8: {  	v7 =	vld [tilespmem:s20+$0x0]  }
0x6a9: {  	v8 =	vld [tilespmem:s20+$0xFFFFFF20]  }
0x6aa: {  	v9 =	vld [tilespmem:s20+$0xFFFFFF30]  }
0x6ab: {  	v10 =	vld [tilespmem:s20+$0xFFFFFF40]  }
0x6ac: {  	v11 =	vld [tilespmem:s20+$0xFFFFFF50]  }
0x6ad: {  	v12 =	vld [tilespmem:s20+$0xFFFFFF60]  }
0x6ae: {  	v13 =	vld [tilespmem:s20+$0xFFFFFF70]  }
0x6af: {  	v14 =	vld [tilespmem:s20+$0xFFFFFF80]  }
0x6b0: {  	v15 =	vld [tilespmem:s20+$0xFFFFFF90]  }
0x6b1: {  	v16 =	vld [tilespmem:s20+$0xFFFFFFA0]  }
0x6b2: {  	v17 =	vld [tilespmem:s20+$0xFFFFFFB0]  }
0x6b3: {  	v18 =	vld [tilespmem:s20+$0xFFFFFFC0]  }
0x6b4: {  	v19 =	vld [tilespmem:s20+$0xFFFFFFD0]  }
0x6b5: {  	v20 =	vld [tilespmem:s20+$0xFFFFFFE0]  }
0x6b6: {  	v21 =	vld [tilespmem:s20+$0xFFFFFFF0]  }
0x6b7: {  	v22 =	vld [tilespmem:s20+$0xFFFFFF10]  }
0x6b8: {  	v7 =	vld.idx.msk [tilespmem:v7+s1+$0x0], $0xffff  }
0x6b9: {  	v8 =	vld.idx.msk [tilespmem:v8+s1+$0x0], $0xffff  }
0x6ba: {  	v9 =	vld.idx.msk [tilespmem:v9+s1+$0x0], $0xffff  }
0x6bb: {  	v10 =	vld.idx.msk [tilespmem:v10+s1+$0x0], $0xffff  }
0x6bc: {  	v11 =	vld.idx.msk [tilespmem:v11+s1+$0x0], $0xffff  }
0x6bd: {  	v12 =	vld.idx.msk [tilespmem:v12+s1+$0x0], $0xffff  }
0x6be: {  	v13 =	vld.idx.msk [tilespmem:v13+s1+$0x0], $0xffff;
	v7 =	vadd.f32 v7, v6  }
0x6bf: {  	s16 =	simm.s32 $0x1D8F0;
	v14 =	vld.idx.msk [tilespmem:v14+s1+$0x0], $0xffff;
	v8 =	vadd.f32 v8, v6  }
0x6c0: {  	v22 =	vld.idx.msk [tilespmem:v22+s1+$0x0], $0xffff;
	[tilespmem:s16+$0x0] =	vst v7;
	v7 =	vadd.f32 v9, v6  }
0x6c1: {  	v15 =	vld.idx.msk [tilespmem:v15+s1+$0x0], $0xffff;
	[tilespmem:s16+$0xFFFFFF20] =	vst v8;
	v8 =	vadd.f32 v10, v6  }
0x6c2: {  	v9 =	vadd.f32 v11, v6;
	[tilespmem:s16+$0xFFFFFF30] =	vst v7;
	v7 =	vld.idx.msk [tilespmem:v16+s1+$0x0], $0xffff  }
0x6c3: {  	v10 =	vadd.f32 v12, v6;
	[tilespmem:s16+$0xFFFFFF40] =	vst v8;
	v8 =	vld.idx.msk [tilespmem:v17+s1+$0x0], $0xffff  }
0x6c4: {  	v11 =	vadd.f32 v13, v6;
	[tilespmem:s16+$0xFFFFFF50] =	vst v9;
	v9 =	vld.idx.msk [tilespmem:v18+s1+$0x0], $0xffff  }
0x6c5: {  	v12 =	vadd.f32 v14, v6;
	[tilespmem:s16+$0xFFFFFF60] =	vst v10;
	v10 =	vld.idx.msk [tilespmem:v19+s1+$0x0], $0xffff  }
0x6c6: {  	v13 =	vadd.f32 v22, v6;
	[tilespmem:s16+$0xFFFFFF70] =	vst v11;
	v11 =	vld.idx.msk [tilespmem:v20+s1+$0x0], $0xffff  }
0x6c7: {  	s18 =	simm.s32 $0x0;
	s20 =	simm.s32 $0x198F0;
	v14 =	vadd.f32 v15, v6;
	[tilespmem:s16+$0xFFFFFF80] =	vst v12;
	v12 =	vld.idx.msk [tilespmem:v21+s1+$0x0], $0xffff  }
.LBB2_44:
0x6c8: {  	v15 =	vld [tilespmem:s20+$0x0];
	s18 =	sadd.s32 $0x10, s18;
	[tilespmem:s16+$0xFFFFFF10] =	vst v13;
	v7 =	vadd.f32 v7, v6  }
0x6c9: {  	v8 =	vadd.f32 v8, v6;
	v13 =	vld [tilespmem:s20+$0xFFFFFF20];
	p0 =	slt.u32 s18, $0xF0;
	[tilespmem:s16+$0xFFFFFF90] =	vst v14  }
0x6ca: {  	v14 =	vld [tilespmem:s20+$0xFFFFFF30];
	[tilespmem:s16+$0xFFFFFFA0] =	vst v7;
	v7 =	vadd.f32 v9, v6  }
0x6cb: {  	v9 =	vld [tilespmem:s20+$0xFFFFFF40];
	[tilespmem:s16+$0xFFFFFFB0] =	vst v8;
	v8 =	vadd.f32 v10, v6  }
0x6cc: {  	v10 =	vld [tilespmem:s20+$0xFFFFFF50];
	[tilespmem:s16+$0xFFFFFFC0] =	vst v7;
	v7 =	vadd.f32 v11, v6  }
0x6cd: {  	v11 =	vld [tilespmem:s20+$0xFFFFFF60];
	[tilespmem:s16+$0xFFFFFFD0] =	vst v8;
	v8 =	vadd.f32 v12, v6  }
0x6ce: {  	v12 =	vld [tilespmem:s20+$0xFFFFFF70];
	[tilespmem:s16+$0xFFFFFFE0] =	vst v7  }
0x6cf: {  	v7 =	vld [tilespmem:s20+$0xFFFFFF80];
	[tilespmem:s16+$0xFFFFFFF0] =	vst v8  }
0x6d0: {  	v8 =	vld.idx.msk [tilespmem:v15+s1+$0x0], $0xffff  }
0x6d1: {  	v15 =	vld [tilespmem:s20+$0xFFFFFF90]  }
0x6d2: {  	v16 =	vld [tilespmem:s20+$0xFFFFFFA0]  }
0x6d3: {  	v17 =	vld [tilespmem:s20+$0xFFFFFFB0]  }
0x6d4: {  	v18 =	vld [tilespmem:s20+$0xFFFFFFC0]  }
0x6d5: {  	v19 =	vld [tilespmem:s20+$0xFFFFFFD0]  }
0x6d6: {  	v8 =	vadd.f32 v8, v6;
	v20 =	vld [tilespmem:s20+$0xFFFFFFE0]  }
0x6d7: {  	s16 =	sadd.s32 $0x100, s16;
	v21 =	vld [tilespmem:s20+$0xFFFFFFF0]  }
0x6d8: {  	v22 =	vld [tilespmem:s20+$0xFFFFFF10];
	[tilespmem:s16+$0x0] =	vst v8  }
0x6d9: {  	v8 =	vld.idx.msk [tilespmem:v13+s1+$0x0], $0xffff  }
0x6da: {  	v13 =	vld.idx.msk [tilespmem:v14+s1+$0x0], $0xffff  }
0x6db: {  	v9 =	vld.idx.msk [tilespmem:v9+s1+$0x0], $0xffff  }
0x6dc: {  	v10 =	vld.idx.msk [tilespmem:v10+s1+$0x0], $0xffff  }
0x6dd: {  	v11 =	vld.idx.msk [tilespmem:v11+s1+$0x0], $0xffff  }
0x6de: {  	v12 =	vld.idx.msk [tilespmem:v12+s1+$0x0], $0xffff  }
0x6df: {  	v8 =	vadd.f32 v8, v6;
	v14 =	vld.idx.msk [tilespmem:v7+s1+$0x0], $0xffff  }
0x6e0: {  	v7 =	vadd.f32 v13, v6;
	v22 =	vld.idx.msk [tilespmem:v22+s1+$0x0], $0xffff  }
0x6e1: {  	[tilespmem:s16+$0xFFFFFF20] =	vst v8;
	v8 =	vadd.f32 v9, v6;
	v15 =	vld.idx.msk [tilespmem:v15+s1+$0x0], $0xffff  }
0x6e2: {  	v9 =	vadd.f32 v10, v6;
	[tilespmem:s16+$0xFFFFFF30] =	vst v7;
	v7 =	vld.idx.msk [tilespmem:v16+s1+$0x0], $0xffff  }
.Ltmp21:
0x6e3: {  	v10 =	vadd.f32 v11, v6;
	[tilespmem:s16+$0xFFFFFF40] =	vst v8;
	v8 =	vld.idx.msk [tilespmem:v17+s1+$0x0], $0xffff;
	(pc) =	sbr.rel @p0 .LBB2_44-.Ltmp21, $4  }
0x6e4: {  	v11 =	vadd.f32 v12, v6;
	[tilespmem:s16+$0xFFFFFF50] =	vst v9;
	v9 =	vld.idx.msk [tilespmem:v18+s1+$0x0], $0xffff  }
0x6e5: {  	v12 =	vadd.f32 v14, v6;
	[tilespmem:s16+$0xFFFFFF60] =	vst v10;
	v10 =	vld.idx.msk [tilespmem:v19+s1+$0x0], $0xffff  }
0x6e6: {  	v13 =	vadd.f32 v22, v6;
	[tilespmem:s16+$0xFFFFFF70] =	vst v11;
	v11 =	vld.idx.msk [tilespmem:v20+s1+$0x0], $0xffff  }
0x6e7: {  	s20 =	sadd.s32 $0x100, s20;
	v14 =	vadd.f32 v15, v6;
	[tilespmem:s16+$0xFFFFFF80] =	vst v12;
	v12 =	vld.idx.msk [tilespmem:v21+s1+$0x0], $0xffff  }
0x6e8: {  	[tilespmem:s16+$0xFFFFFF10] =	vst v13;
	v7 =	vadd.f32 v7, v6  }
0x6e9: {  	v8 =	vadd.f32 v8, v6;
	[tilespmem:s16+$0xFFFFFF90] =	vst v14  }
0x6ea: {  	[tilespmem:s16+$0xFFFFFFA0] =	vst v7;
	v7 =	vadd.f32 v9, v6  }
0x6eb: {  	[tilespmem:s16+$0xFFFFFFB0] =	vst v8;
	v8 =	vadd.f32 v10, v6  }
0x6ec: {  	[tilespmem:s16+$0xFFFFFFC0] =	vst v7;
	v7 =	vadd.f32 v11, v6  }
0x6ed: {  	[tilespmem:s16+$0xFFFFFFD0] =	vst v8;
	v8 =	vadd.f32 v12, v6  }
0x6ee: {  	[tilespmem:s16+$0xFFFFFFE0] =	vst v7  }
0x6ef: {  	[tilespmem:s16+$0xFFFFFFF0] =	vst v8  }
0x6f0: {  	[hbm4b:s29+s5] =	stream.strided.scatter [tilespmem:s10], [sflag:$0x4], $0x1000, s6, s5, $0x38;
	[tilespmem:$0x1F800] =	vst v63  }
0x6f1: {  	_ =	swait.ge [sflag:s14], $0x1000  }
0x6f2: {  	[sflag:s14] =	ssyncset.done $0x0  }
0x6f3: {  	s20 =	simm.s32 $0x1A7F0;
	[sflag:s14] =	ssyncadd.s32 $0xFFFFF000  }
0x6f4: {  	v7 =	vld [tilespmem:s20+$0x0]  }
0x6f5: {  	v8 =	vld [tilespmem:s20+$0xFFFFFF20]  }
0x6f6: {  	v9 =	vld [tilespmem:s20+$0xFFFFFF30]  }
0x6f7: {  	v10 =	vld [tilespmem:s20+$0xFFFFFF40]  }
0x6f8: {  	v11 =	vld [tilespmem:s20+$0xFFFFFF50]  }
0x6f9: {  	v12 =	vld [tilespmem:s20+$0xFFFFFF60]  }
0x6fa: {  	v13 =	vld [tilespmem:s20+$0xFFFFFF70]  }
0x6fb: {  	v14 =	vld [tilespmem:s20+$0xFFFFFF80]  }
0x6fc: {  	v15 =	vld [tilespmem:s20+$0xFFFFFF90]  }
0x6fd: {  	v16 =	vld [tilespmem:s20+$0xFFFFFFA0]  }
0x6fe: {  	v17 =	vld [tilespmem:s20+$0xFFFFFFB0]  }
0x6ff: {  	v18 =	vld [tilespmem:s20+$0xFFFFFFC0]  }
0x700: {  	v19 =	vld [tilespmem:s20+$0xFFFFFFD0]  }
0x701: {  	v20 =	vld [tilespmem:s20+$0xFFFFFFE0]  }
0x702: {  	v21 =	vld [tilespmem:s20+$0xFFFFFFF0]  }
0x703: {  	v22 =	vld [tilespmem:s20+$0xFFFFFF10]  }
0x704: {  	v7 =	vld.idx.msk [tilespmem:v7+s1+$0x0], $0xffff  }
0x705: {  	v8 =	vld.idx.msk [tilespmem:v8+s1+$0x0], $0xffff  }
0x706: {  	v9 =	vld.idx.msk [tilespmem:v9+s1+$0x0], $0xffff  }
0x707: {  	v10 =	vld.idx.msk [tilespmem:v10+s1+$0x0], $0xffff  }
0x708: {  	v11 =	vld.idx.msk [tilespmem:v11+s1+$0x0], $0xffff  }
0x709: {  	v12 =	vld.idx.msk [tilespmem:v12+s1+$0x0], $0xffff  }
0x70a: {  	v13 =	vld.idx.msk [tilespmem:v13+s1+$0x0], $0xffff;
	v7 =	vadd.f32 v7, v6  }
0x70b: {  	s16 =	simm.s32 $0x1E8F0;
	v14 =	vld.idx.msk [tilespmem:v14+s1+$0x0], $0xffff;
	v8 =	vadd.f32 v8, v6  }
0x70c: {  	v22 =	vld.idx.msk [tilespmem:v22+s1+$0x0], $0xffff;
	[tilespmem:s16+$0x0] =	vst v7;
	v7 =	vadd.f32 v9, v6  }
0x70d: {  	v15 =	vld.idx.msk [tilespmem:v15+s1+$0x0], $0xffff;
	[tilespmem:s16+$0xFFFFFF20] =	vst v8;
	v8 =	vadd.f32 v10, v6  }
0x70e: {  	v9 =	vadd.f32 v11, v6;
	[tilespmem:s16+$0xFFFFFF30] =	vst v7;
	v7 =	vld.idx.msk [tilespmem:v16+s1+$0x0], $0xffff  }
0x70f: {  	v10 =	vadd.f32 v12, v6;
	[tilespmem:s16+$0xFFFFFF40] =	vst v8;
	v8 =	vld.idx.msk [tilespmem:v17+s1+$0x0], $0xffff  }
0x710: {  	v11 =	vadd.f32 v13, v6;
	[tilespmem:s16+$0xFFFFFF50] =	vst v9;
	v9 =	vld.idx.msk [tilespmem:v18+s1+$0x0], $0xffff  }
0x711: {  	v12 =	vadd.f32 v14, v6;
	[tilespmem:s16+$0xFFFFFF60] =	vst v10;
	v10 =	vld.idx.msk [tilespmem:v19+s1+$0x0], $0xffff  }
0x712: {  	v13 =	vadd.f32 v22, v6;
	[tilespmem:s16+$0xFFFFFF70] =	vst v11;
	v11 =	vld.idx.msk [tilespmem:v20+s1+$0x0], $0xffff  }
0x713: {  	s18 =	simm.s32 $0x0;
	s20 =	simm.s32 $0x1A8F0;
	v14 =	vadd.f32 v15, v6;
	[tilespmem:s16+$0xFFFFFF80] =	vst v12;
	v12 =	vld.idx.msk [tilespmem:v21+s1+$0x0], $0xffff  }
.LBB2_46:
0x714: {  	v15 =	vld [tilespmem:s20+$0x0];
	s18 =	sadd.s32 $0x10, s18;
	[tilespmem:s16+$0xFFFFFF10] =	vst v13;
	v7 =	vadd.f32 v7, v6  }
0x715: {  	v8 =	vadd.f32 v8, v6;
	v13 =	vld [tilespmem:s20+$0xFFFFFF20];
	p0 =	slt.u32 s18, $0xF0;
	[tilespmem:s16+$0xFFFFFF90] =	vst v14  }
0x716: {  	v14 =	vld [tilespmem:s20+$0xFFFFFF30];
	[tilespmem:s16+$0xFFFFFFA0] =	vst v7;
	v7 =	vadd.f32 v9, v6  }
0x717: {  	v9 =	vld [tilespmem:s20+$0xFFFFFF40];
	[tilespmem:s16+$0xFFFFFFB0] =	vst v8;
	v8 =	vadd.f32 v10, v6  }
0x718: {  	v10 =	vld [tilespmem:s20+$0xFFFFFF50];
	[tilespmem:s16+$0xFFFFFFC0] =	vst v7;
	v7 =	vadd.f32 v11, v6  }
0x719: {  	v11 =	vld [tilespmem:s20+$0xFFFFFF60];
	[tilespmem:s16+$0xFFFFFFD0] =	vst v8;
	v8 =	vadd.f32 v12, v6  }
0x71a: {  	v12 =	vld [tilespmem:s20+$0xFFFFFF70];
	[tilespmem:s16+$0xFFFFFFE0] =	vst v7  }
0x71b: {  	v7 =	vld [tilespmem:s20+$0xFFFFFF80];
	[tilespmem:s16+$0xFFFFFFF0] =	vst v8  }
0x71c: {  	v8 =	vld.idx.msk [tilespmem:v15+s1+$0x0], $0xffff  }
0x71d: {  	v15 =	vld [tilespmem:s20+$0xFFFFFF90]  }
0x71e: {  	v16 =	vld [tilespmem:s20+$0xFFFFFFA0]  }
0x71f: {  	v17 =	vld [tilespmem:s20+$0xFFFFFFB0]  }
0x720: {  	v18 =	vld [tilespmem:s20+$0xFFFFFFC0]  }
0x721: {  	v19 =	vld [tilespmem:s20+$0xFFFFFFD0]  }
0x722: {  	v8 =	vadd.f32 v8, v6;
	v20 =	vld [tilespmem:s20+$0xFFFFFFE0]  }
0x723: {  	s16 =	sadd.s32 $0x100, s16;
	v21 =	vld [tilespmem:s20+$0xFFFFFFF0]  }
0x724: {  	v22 =	vld [tilespmem:s20+$0xFFFFFF10];
	[tilespmem:s16+$0x0] =	vst v8  }
0x725: {  	v8 =	vld.idx.msk [tilespmem:v13+s1+$0x0], $0xffff  }
0x726: {  	v13 =	vld.idx.msk [tilespmem:v14+s1+$0x0], $0xffff  }
0x727: {  	v9 =	vld.idx.msk [tilespmem:v9+s1+$0x0], $0xffff  }
0x728: {  	v10 =	vld.idx.msk [tilespmem:v10+s1+$0x0], $0xffff  }
0x729: {  	v11 =	vld.idx.msk [tilespmem:v11+s1+$0x0], $0xffff  }
0x72a: {  	v12 =	vld.idx.msk [tilespmem:v12+s1+$0x0], $0xffff  }
0x72b: {  	v8 =	vadd.f32 v8, v6;
	v14 =	vld.idx.msk [tilespmem:v7+s1+$0x0], $0xffff  }
0x72c: {  	v7 =	vadd.f32 v13, v6;
	v22 =	vld.idx.msk [tilespmem:v22+s1+$0x0], $0xffff  }
0x72d: {  	[tilespmem:s16+$0xFFFFFF20] =	vst v8;
	v8 =	vadd.f32 v9, v6;
	v15 =	vld.idx.msk [tilespmem:v15+s1+$0x0], $0xffff  }
0x72e: {  	v9 =	vadd.f32 v10, v6;
	[tilespmem:s16+$0xFFFFFF30] =	vst v7;
	v7 =	vld.idx.msk [tilespmem:v16+s1+$0x0], $0xffff  }
.Ltmp22:
0x72f: {  	v10 =	vadd.f32 v11, v6;
	[tilespmem:s16+$0xFFFFFF40] =	vst v8;
	v8 =	vld.idx.msk [tilespmem:v17+s1+$0x0], $0xffff;
	(pc) =	sbr.rel @p0 .LBB2_46-.Ltmp22, $4  }
0x730: {  	v11 =	vadd.f32 v12, v6;
	[tilespmem:s16+$0xFFFFFF50] =	vst v9;
	v9 =	vld.idx.msk [tilespmem:v18+s1+$0x0], $0xffff  }
0x731: {  	v12 =	vadd.f32 v14, v6;
	[tilespmem:s16+$0xFFFFFF60] =	vst v10;
	v10 =	vld.idx.msk [tilespmem:v19+s1+$0x0], $0xffff  }
0x732: {  	v13 =	vadd.f32 v22, v6;
	[tilespmem:s16+$0xFFFFFF70] =	vst v11;
	v11 =	vld.idx.msk [tilespmem:v20+s1+$0x0], $0xffff  }
0x733: {  	s20 =	sadd.s32 $0x100, s20;
	v14 =	vadd.f32 v15, v6;
	[tilespmem:s16+$0xFFFFFF80] =	vst v12;
	v12 =	vld.idx.msk [tilespmem:v21+s1+$0x0], $0xffff  }
0x734: {  	[tilespmem:s16+$0xFFFFFF10] =	vst v13;
	v7 =	vadd.f32 v7, v6  }
0x735: {  	v8 =	vadd.f32 v8, v6;
	[tilespmem:s16+$0xFFFFFF90] =	vst v14  }
0x736: {  	[tilespmem:s16+$0xFFFFFFA0] =	vst v7;
	v7 =	vadd.f32 v9, v6  }
0x737: {  	[tilespmem:s16+$0xFFFFFFB0] =	vst v8;
	v8 =	vadd.f32 v10, v6  }
0x738: {  	[tilespmem:s16+$0xFFFFFFC0] =	vst v7;
	v7 =	vadd.f32 v11, v6  }
0x739: {  	[tilespmem:s16+$0xFFFFFFD0] =	vst v8;
	v8 =	vadd.f32 v12, v6  }
0x73a: {  	[tilespmem:s16+$0xFFFFFFE0] =	vst v7  }
0x73b: {  	[tilespmem:s16+$0xFFFFFFF0] =	vst v8  }
0x73c: {  	[hbm4b:s17+s5] =	stream.strided.scatter [tilespmem:s11], [sflag:$0x5], $0x1000, s6, s5, $0x38;
	[tilespmem:$0x1F800] =	vst v63  }
0x73d: {  	_ =	swait.ge [sflag:s12], $0x1000  }
0x73e: {  	[sflag:s12] =	ssyncset.done $0x0  }
0x73f: {  	s20 =	simm.s32 $0x1B7F0;
	[sflag:s12] =	ssyncadd.s32 $0xFFFFF000  }
0x740: {  	v7 =	vld [tilespmem:s20+$0x0]  }
0x741: {  	v8 =	vld [tilespmem:s20+$0xFFFFFF20]  }
0x742: {  	v9 =	vld [tilespmem:s20+$0xFFFFFF30]  }
0x743: {  	v10 =	vld [tilespmem:s20+$0xFFFFFF40]  }
0x744: {  	v11 =	vld [tilespmem:s20+$0xFFFFFF50]  }
0x745: {  	v12 =	vld [tilespmem:s20+$0xFFFFFF60]  }
0x746: {  	v13 =	vld [tilespmem:s20+$0xFFFFFF70]  }
0x747: {  	v14 =	vld [tilespmem:s20+$0xFFFFFF80]  }
0x748: {  	v15 =	vld [tilespmem:s20+$0xFFFFFF90]  }
0x749: {  	v16 =	vld [tilespmem:s20+$0xFFFFFFA0]  }
0x74a: {  	v17 =	vld [tilespmem:s20+$0xFFFFFFB0]  }
0x74b: {  	v18 =	vld [tilespmem:s20+$0xFFFFFFC0]  }
0x74c: {  	v19 =	vld [tilespmem:s20+$0xFFFFFFD0]  }
0x74d: {  	v20 =	vld [tilespmem:s20+$0xFFFFFFE0]  }
0x74e: {  	v21 =	vld [tilespmem:s20+$0xFFFFFFF0]  }
0x74f: {  	v22 =	vld [tilespmem:s20+$0xFFFFFF10]  }
0x750: {  	v7 =	vld.idx.msk [tilespmem:v7+s1+$0x0], $0xffff  }
0x751: {  	v8 =	vld.idx.msk [tilespmem:v8+s1+$0x0], $0xffff  }
0x752: {  	v9 =	vld.idx.msk [tilespmem:v9+s1+$0x0], $0xffff  }
0x753: {  	v10 =	vld.idx.msk [tilespmem:v10+s1+$0x0], $0xffff  }
0x754: {  	v11 =	vld.idx.msk [tilespmem:v11+s1+$0x0], $0xffff  }
0x755: {  	v12 =	vld.idx.msk [tilespmem:v12+s1+$0x0], $0xffff  }
0x756: {  	v13 =	vld.idx.msk [tilespmem:v13+s1+$0x0], $0xffff;
	v7 =	vadd.f32 v7, v6  }
0x757: {  	s16 =	simm.s32 $0x1C880;
	v14 =	vld.idx.msk [tilespmem:v14+s1+$0x0], $0xffff;
	v8 =	vadd.f32 v8, v6  }
0x758: {  	v22 =	vld.idx.msk [tilespmem:v22+s1+$0x0], $0xffff;
	[tilespmem:s16+$0x70] =	vst v7;
	v7 =	vadd.f32 v9, v6  }
0x759: {  	v15 =	vld.idx.msk [tilespmem:v15+s1+$0x0], $0xffff;
	[tilespmem:s16+$0xFFFFFF90] =	vst v8;
	v8 =	vadd.f32 v10, v6  }
0x75a: {  	v9 =	vadd.f32 v11, v6;
	[tilespmem:s16+$0xFFFFFFA0] =	vst v7;
	v7 =	vld.idx.msk [tilespmem:v16+s1+$0x0], $0xffff  }
0x75b: {  	v10 =	vadd.f32 v12, v6;
	[tilespmem:s16+$0xFFFFFFB0] =	vst v8;
	v8 =	vld.idx.msk [tilespmem:v17+s1+$0x0], $0xffff  }
0x75c: {  	v11 =	vadd.f32 v13, v6;
	[tilespmem:s16+$0xFFFFFFC0] =	vst v9;
	v9 =	vld.idx.msk [tilespmem:v18+s1+$0x0], $0xffff  }
0x75d: {  	v12 =	vadd.f32 v14, v6;
	[tilespmem:s16+$0xFFFFFFD0] =	vst v10;
	v10 =	vld.idx.msk [tilespmem:v19+s1+$0x0], $0xffff  }
0x75e: {  	v13 =	vadd.f32 v22, v6;
	[tilespmem:s16+$0xFFFFFFE0] =	vst v11;
	v11 =	vld.idx.msk [tilespmem:v20+s1+$0x0], $0xffff  }
0x75f: {  	s18 =	simm.s32 $0x0;
	s20 =	simm.s32 $0x1B8F0;
	v14 =	vadd.f32 v15, v6;
	[tilespmem:s16+$0xFFFFFFF0] =	vst v12;
	v12 =	vld.idx.msk [tilespmem:v21+s1+$0x0], $0xffff  }
.LBB2_48:
0x760: {  	v15 =	vld [tilespmem:s20+$0x0];
	s18 =	sadd.s32 $0x10, s18;
	[tilespmem:s16+$0xFFFFFF80] =	vst v13;
	v7 =	vadd.f32 v7, v6  }
0x761: {  	v8 =	vadd.f32 v8, v6;
	v13 =	vld [tilespmem:s20+$0xFFFFFF20];
	p0 =	slt.u32 s18, $0xF0;
	[tilespmem:s16+$0x0] =	vst v14  }
0x762: {  	v14 =	vld [tilespmem:s20+$0xFFFFFF30];
	[tilespmem:s16+$0x10] =	vst v7;
	v7 =	vadd.f32 v9, v6  }
0x763: {  	v9 =	vld [tilespmem:s20+$0xFFFFFF40];
	[tilespmem:s16+$0x20] =	vst v8;
	v8 =	vadd.f32 v10, v6  }
0x764: {  	v10 =	vld [tilespmem:s20+$0xFFFFFF50];
	[tilespmem:s16+$0x30] =	vst v7;
	v7 =	vadd.f32 v11, v6  }
0x765: {  	v11 =	vld [tilespmem:s20+$0xFFFFFF60];
	[tilespmem:s16+$0x40] =	vst v8;
	v8 =	vadd.f32 v12, v6  }
0x766: {  	v12 =	vld [tilespmem:s20+$0xFFFFFF70];
	[tilespmem:s16+$0x50] =	vst v7  }
0x767: {  	v7 =	vld [tilespmem:s20+$0xFFFFFF80];
	[tilespmem:s16+$0x60] =	vst v8  }
0x768: {  	v8 =	vld.idx.msk [tilespmem:v15+s1+$0x0], $0xffff  }
0x769: {  	v15 =	vld [tilespmem:s20+$0xFFFFFF90]  }
0x76a: {  	v16 =	vld [tilespmem:s20+$0xFFFFFFA0]  }
0x76b: {  	v17 =	vld [tilespmem:s20+$0xFFFFFFB0]  }
0x76c: {  	v18 =	vld [tilespmem:s20+$0xFFFFFFC0]  }
0x76d: {  	v19 =	vld [tilespmem:s20+$0xFFFFFFD0]  }
0x76e: {  	v8 =	vadd.f32 v8, v6;
	v20 =	vld [tilespmem:s20+$0xFFFFFFE0]  }
0x76f: {  	s16 =	sadd.s32 $0x100, s16;
	v21 =	vld [tilespmem:s20+$0xFFFFFFF0]  }
0x770: {  	v22 =	vld [tilespmem:s20+$0xFFFFFF10];
	[tilespmem:s16+$0x70] =	vst v8  }
0x771: {  	v8 =	vld.idx.msk [tilespmem:v13+s1+$0x0], $0xffff  }
0x772: {  	v13 =	vld.idx.msk [tilespmem:v14+s1+$0x0], $0xffff  }
0x773: {  	v9 =	vld.idx.msk [tilespmem:v9+s1+$0x0], $0xffff  }
0x774: {  	v10 =	vld.idx.msk [tilespmem:v10+s1+$0x0], $0xffff  }
0x775: {  	v11 =	vld.idx.msk [tilespmem:v11+s1+$0x0], $0xffff  }
0x776: {  	v12 =	vld.idx.msk [tilespmem:v12+s1+$0x0], $0xffff  }
0x777: {  	v8 =	vadd.f32 v8, v6;
	v14 =	vld.idx.msk [tilespmem:v7+s1+$0x0], $0xffff  }
0x778: {  	v7 =	vadd.f32 v13, v6;
	v22 =	vld.idx.msk [tilespmem:v22+s1+$0x0], $0xffff  }
0x779: {  	[tilespmem:s16+$0xFFFFFF90] =	vst v8;
	v8 =	vadd.f32 v9, v6;
	v15 =	vld.idx.msk [tilespmem:v15+s1+$0x0], $0xffff  }
0x77a: {  	v9 =	vadd.f32 v10, v6;
	[tilespmem:s16+$0xFFFFFFA0] =	vst v7;
	v7 =	vld.idx.msk [tilespmem:v16+s1+$0x0], $0xffff  }
.Ltmp23:
0x77b: {  	v10 =	vadd.f32 v11, v6;
	[tilespmem:s16+$0xFFFFFFB0] =	vst v8;
	v8 =	vld.idx.msk [tilespmem:v17+s1+$0x0], $0xffff;
	(pc) =	sbr.rel @p0 .LBB2_48-.Ltmp23, $4  }
0x77c: {  	v11 =	vadd.f32 v12, v6;
	[tilespmem:s16+$0xFFFFFFC0] =	vst v9;
	v9 =	vld.idx.msk [tilespmem:v18+s1+$0x0], $0xffff  }
0x77d: {  	v12 =	vadd.f32 v14, v6;
	[tilespmem:s16+$0xFFFFFFD0] =	vst v10;
	v10 =	vld.idx.msk [tilespmem:v19+s1+$0x0], $0xffff  }
0x77e: {  	v13 =	vadd.f32 v22, v6;
	[tilespmem:s16+$0xFFFFFFE0] =	vst v11;
	v11 =	vld.idx.msk [tilespmem:v20+s1+$0x0], $0xffff  }
0x77f: {  	s20 =	sadd.s32 $0x100, s20;
	v14 =	vadd.f32 v15, v6;
	[tilespmem:s16+$0xFFFFFFF0] =	vst v12;
	v12 =	vld.idx.msk [tilespmem:v21+s1+$0x0], $0xffff  }
0x780: {  	[tilespmem:s16+$0xFFFFFF80] =	vst v13;
	v7 =	vadd.f32 v7, v6  }
0x781: {  	v8 =	vadd.f32 v8, v6;
	[tilespmem:s16+$0x0] =	vst v14  }
0x782: {  	[tilespmem:s16+$0x10] =	vst v7;
	v7 =	vadd.f32 v9, v6  }
0x783: {  	[tilespmem:s16+$0x20] =	vst v8;
	v63 =	vadd.f32 v10, v6  }
0x784: {  	[tilespmem:s16+$0x30] =	vst v7;
	v7 =	vadd.f32 v11, v6  }
0x785: {  	[tilespmem:s16+$0x40] =	vst v63;
	v6 =	vadd.f32 v12, v6  }
0x786: {  	[tilespmem:s16+$0x50] =	vst v7  }
0x787: {  	[tilespmem:s16+$0x60] =	vst v6  }
0x788: {  	[hbm4b:s19+s5] =	stream.strided.scatter [tilespmem:s9], [sflag:$0x3], $0x1000, s6, s5, $0x38;
	[tilespmem:$0x1F800] =	vst v63  }
0x789: {  	_ =	swait.ge [sflag:s13], $0x1000  }
0x78a: {  	[sflag:s13] =	ssyncset.done $0x0  }
0x78b: {  	s15 =	sadd.s32 $0x1, s15;
	[sflag:s13] =	ssyncadd.s32 $0xFFFFF000  }
0x78c: {  	p0 =	sne.s32 s15, s2;
	_ =	swait.ge [sflag:s14], $0x1000  }
.Ltmp24:
0x78d: {  	[sflag:s14] =	ssyncset.done $0x0;
	(pc) =	sbr.rel @p0 .LBB2_1-.Ltmp24, $4  }
0x78e: {  	[sflag:s14] =	ssyncadd.s32 $0xFFFFF000  }
0x78f: {  	_ =	swait.ge [sflag:s12], $0x1000  }
0x790: {  	[sflag:s12] =	ssyncset.done $0x0  }
0x791: {  	[sflag:s12] =	ssyncadd.s32 $0xFFFFF000  }
0x792: {  	_ =	sfence.sel $0x180000  }
0x793: {  	[bflag:$0x0] =	sbarrier.arrive $0xFFFF  }
0x794: {  	_ =	strace $0x90000047  }
0x795: {  	s0 =	stileid.u32;
	[bflag:$0x2] =	sbarrier.arrive $0xFFFF  }
0x796: {  	p0 =	sne.s32 s0, $0x0;
	s0 =	rddreg [dreg:$0xa]  }
0x797: {  	s0 =	sadd.s32 @!p0 $0x100000, s0  }
0x798: {  	[sflag:s0] =	ssyncadd.tile.s32 @!p0 $0x1;
	_ =	shalt  }
.Lfunc_end2:
_tile_overlayer_lowered:
.L_overlay_start_2:
0x799: {  	(tag) =	ssettag $0x2  }
0x79a: {  	s0 =	rddreg [dreg:$0x0];
	s2 =	stileid.u32  }
0x79b: {  	s1 =	rddreg [dreg:$0x1];
	p0 =	sne.s32 s2, $0x0  }
0x79c: {  	s3 =	rddreg [dreg:$0x2];
	[bflag:$0x3] =	sbarrier.arrive $0xFFFF;
	s2 =	simm.s32 @!p0 $0x1C06  }
0x79d: {  	[timem:s3], [sflag:s2] =	dma.local @!p0 [hbm:s0], s1  }
0x79e: {  	s0 =	simm.s32 @!p0 $0x6  }
0x79f: {  	_ =	swait.ge @!p0 [sflag:s0], s1  }
0x7a0: {  	s1 =	ssub.s32 @!p0 $0x0, s1;
	[sflag:s0] =	ssyncset.done @!p0 $0x0  }
0x7a1: {  	[sflag:s0] =	ssyncadd.s32 @!p0 s1  }
0x7a2: {  	[bflag:$0x3] =	sbarrier.arrive $0xFFFF  }
0x7a3: {  	_ =	shalt  }

</sc_bundles>
